<compile_context>
chip_gen: v7x
topology: tpu7x:2x2x1
jax: 0.10.2.dev20260603
libtpu: 0.0.44.dev20260713+nightly
codegen_flags: <defaults>
</compile_context>

<pallas_src>
import jax
import jax.numpy as jnp
from jax import lax
from jax.experimental import pallas as pl
from jax.experimental.pallas import tpu as pltpu
from jax.experimental.pallas import tpu_sc as plsc

N = 10000
E = 160000
R = 3
C = 256
NP = 10240
H = 128
NT = 16
NCORE = 2
CH = 128
NCHT = 80
EPT = NCHT * CH
EPAD = NT * EPT
NCHUNKS = EPAD // CH
BN = 1280
GRID = NP // BN
STRIPE = NP // NT

_scmesh = plsc.VectorSubcoreMesh(core_axis_name="c", subcore_axis_name="s")


def _fill(buf, val, nrows):
    v = jnp.full((16,), val, jnp.float32)

    def row(i, carry):
        for j in range(H // 16):
            buf[i, pl.ds(j * 16, 16)] = v
        return carry
    lax.fori_loop(0, nrows, row, None)


def _deg_body(dst_hbm, out_hbm, idx_v, ones_v, zero_v, acc):
    c = lax.axis_index("c")
    s = lax.axis_index("s")
    _fill(ones_v, 1.0, CH)
    _fill(zero_v, 0.0, CH)
    sl = pl.ds(s * STRIPE, STRIPE)
    w = s * NCORE + c
    for r in range(R):
        for k in range(STRIPE // CH):
            pltpu.sync_copy(zero_v, acc.at[pl.ds(s * STRIPE + k * CH, CH)])
        plsc.subcore_barrier()

        def chunk(j, carry, _r=r):
            k = j * (NT * NCORE) + w
            pltpu.sync_copy(dst_hbm.at[pl.ds(_r * EPAD + k * CH, CH)],
                            idx_v)
            pltpu.sync_copy(ones_v, acc.at[idx_v], add=True)
            return carry
        lax.fori_loop(0, NCHUNKS // (NT * NCORE), chunk, None)
        plsc.subcore_barrier()
        pltpu.sync_copy(acc.at[sl], out_hbm.at[c, r, sl])
        plsc.subcore_barrier()


_deg_kernel = pl.kernel(
    _deg_body,
    out_type=jax.ShapeDtypeStruct((NCORE, R, NP, H), jnp.float32),
    mesh=_scmesh,
    scratch_types=[
        pltpu.VMEM((CH,), jnp.int32),
        pltpu.VMEM((CH, H), jnp.float32),
        pltpu.VMEM((CH, H), jnp.float32),
        pltpu.VMEM_SHARED((NP, H), jnp.float32),
    ],
)


def _agg_body(gflat_hbm, comb_hbm, out_hbm,
              idx_v, rows0_v, rows1_v, sem0, sem1, accsp):
    c = lax.axis_index("c")
    s = lax.axis_index("s")
    sl = pl.ds(s * STRIPE, STRIPE)
    rows = (rows0_v, rows1_v)
    sems = (sem0, sem1)
    HCH = NCHT // 2
    for r in range(R):
        pltpu.sync_copy(
            gflat_hbm.at[pl.ds((2 * r + c) * NP + s * STRIPE, STRIPE)],
            accsp.at[sl])
        blk = (c * R + r) * NT + s
        first = True
        for hh in (0, 1):
            pltpu.sync_copy(comb_hbm.at[blk, pl.ds(hh * 2 * HCH, 2 * HCH)],
                            idx_v)
            pltpu.async_copy(gflat_hbm.at[idx_v.at[0]], rows0_v, sem0)
            if first:
                plsc.subcore_barrier()
                first = False

            def pair(i, carry):
                for b in (0, 1):
                    j = 2 * i + b

                    @pl.when(j < HCH - 1)
                    def _():
                        pltpu.async_copy(gflat_hbm.at[idx_v.at[2 * (j + 1)]],
                                         rows[1 - b], sems[1 - b])
                    pltpu.make_async_copy(gflat_hbm.at[pl.ds(0, CH)],
                                          rows[b], sems[b]).wait()
                    pltpu.sync_copy(rows[b], accsp.at[idx_v.at[2 * j + 1]],
                                    add=True)
                return carry
            lax.fori_loop(0, HCH // 2, pair, None)
        plsc.subcore_barrier()
        pltpu.sync_copy(accsp.at[sl], out_hbm.at[r, c, sl])
        plsc.subcore_barrier()


_agg_kernel = pl.kernel(
    _agg_body,
    out_type=jax.ShapeDtypeStruct((R, NCORE, NP, H), jnp.float32),
    mesh=_scmesh,
    scratch_types=[
        pltpu.VMEM((NCHT, CH), jnp.int32),
        pltpu.VMEM((CH, H), jnp.float32),
        pltpu.VMEM((CH, H), jnp.float32),
        pltpu.SemaphoreType.DMA,
        pltpu.SemaphoreType.DMA,
        pltpu.VMEM_SHARED((NP, H), jnp.float32),
    ],
)


def _dinv_from(degs):
    deg = 1.0 + degs[0, :, :, 0] + degs[1, :, :, 0]
    return lax.rsqrt(deg)


def _pre_body(x_ref, wg_ref, degs_ref, g_ref):
    dinv = _dinv_from(degs_ref[...])
    xb = x_ref[...]
    for r in range(R):
        h = jnp.dot(xb, wg_ref[r], preferred_element_type=jnp.float32)
        g = h * dinv[r][:, None]
        g_ref[r, 0, :, :] = g[:, :H]
        g_ref[r, 1, :, :] = g[:, H:]


_pre = pl.pallas_call(
    _pre_body,
    grid=(GRID,),
    in_specs=[
        pl.BlockSpec((BN, C), lambda i: (i, 0)),
        pl.BlockSpec((R, C, C), lambda i: (0, 0, 0)),
        pl.BlockSpec((NCORE, R, BN, H), lambda i: (0, 0, i, 0)),
    ],
    out_specs=pl.BlockSpec((R, NCORE, BN, H), lambda i: (0, 0, i, 0)),
    out_shape=jax.ShapeDtypeStruct((R, NCORE, NP, H), jnp.float32),
)


def _attention(acc, dinv, bg, w1, w2):
    hs = []
    logits = []
    for r in range(R):
        hr = jnp.concatenate([acc[r, 0], acc[r, 1]], axis=-1)
        hr = jnp.maximum(hr * dinv[r][:, None] + bg[r][None, :], 0.0)
        t = jnp.tanh(jnp.dot(hr, w1[r], preferred_element_type=jnp.float32))
        logits.append(jnp.sum(t * w2[r][None, :], axis=-1))
        hs.append(hr)
    m = jnp.maximum(jnp.maximum(logits[0], logits[1]), logits[2])
    es = [jnp.exp(a - m) for a in logits]
    ssum = es[0] + es[1] + es[2]
    y = hs[0] * (es[0] / ssum)[:, None]
    y += hs[1] * (es[1] / ssum)[:, None]
    y += hs[2] * (es[2] / ssum)[:, None]
    return y


def _mid_body(acc_ref, degs_ref, bg_ref, w1_ref, w2_ref, wgn_ref, g_ref):
    dinv = _dinv_from(degs_ref[...])
    y = _attention(acc_ref[...], dinv, bg_ref[...], w1_ref[...], w2_ref[...])
    for r in range(R):
        g2 = jnp.dot(y, wgn_ref[r], preferred_element_type=jnp.float32)
        g2 = g2 * dinv[r][:, None]
        g_ref[r, 0, :, :] = g2[:, :H]
        g_ref[r, 1, :, :] = g2[:, H:]


_mid = pl.pallas_call(
    _mid_body,
    grid=(GRID,),
    in_specs=[
        pl.BlockSpec((R, NCORE, BN, H), lambda i: (0, 0, i, 0)),
        pl.BlockSpec((NCORE, R, BN, H), lambda i: (0, 0, i, 0)),
        pl.BlockSpec((R, C), lambda i: (0, 0)),
        pl.BlockSpec((R, C, 64), lambda i: (0, 0, 0)),
        pl.BlockSpec((R, 64), lambda i: (0, 0)),
        pl.BlockSpec((R, C, C), lambda i: (0, 0, 0)),
    ],
    out_specs=pl.BlockSpec((R, NCORE, BN, H), lambda i: (0, 0, i, 0)),
    out_shape=jax.ShapeDtypeStruct((R, NCORE, NP, H), jnp.float32),
)


def _post_body(acc_ref, degs_ref, bg_ref, w1_ref, w2_ref, pw_ref, pb_ref,
               o_ref):
    dinv = _dinv_from(degs_ref[...])
    y = _attention(acc_ref[...], dinv, bg_ref[...], w1_ref[...], w2_ref[...])
    o_ref[...] = (jnp.sum(y * pw_ref[...][None, :], axis=-1)
                  + pb_ref[0])[:, None]


_post = pl.pallas_call(
    _post_body,
    grid=(GRID,),
    in_specs=[
        pl.BlockSpec((R, NCORE, BN, H), lambda i: (0, 0, i, 0)),
        pl.BlockSpec((NCORE, R, BN, H), lambda i: (0, 0, i, 0)),
        pl.BlockSpec((R, C), lambda i: (0, 0)),
        pl.BlockSpec((R, C, 64), lambda i: (0, 0, 0)),
        pl.BlockSpec((R, 64), lambda i: (0, 0)),
        pl.BlockSpec((C,), lambda i: (0,)),
        pl.BlockSpec((1,), lambda i: (0,)),
    ],
    out_specs=pl.BlockSpec((BN, 1), lambda i: (i, 0)),
    out_shape=jax.ShapeDtypeStruct((NP, 1), jnp.float32),
)


def kernel(x, edge_index_list, Wg0, bg0, Wg1, bg1, W1_0, W2_0, W1_1, W2_1,
           pred_W, pred_b):
    ei = edge_index_list.astype(jnp.int32)
    src = ei[:, 0, :]
    dst = ei[:, 1, :]
    npad = EPAD - E
    srcp = jnp.pad(src, ((0, 0), (0, npad)))
    dstp = jnp.pad(dst, ((0, 0), (0, npad)), constant_values=NP - 1)
    offs = (jnp.arange(R, dtype=jnp.int32)[None, :, None] * 2
            + jnp.arange(NCORE, dtype=jnp.int32)[:, None, None]) * NP
    srcg = offs + srcp[None]

    xpad = jnp.pad(x, ((0, NP - N), (0, 0)))
    dstp_flat = dstp.reshape(R * EPAD)
    sg = srcg.reshape(NCORE, R, NT, NCHT, CH)
    dp = jnp.broadcast_to(dstp.reshape(1, R, NT, NCHT, CH), sg.shape)
    comb = jnp.stack([sg, dp], axis=4).reshape(NCORE * R * NT, 2 * NCHT, CH)

    degs = _deg_kernel(dstp_flat)
    g0 = _pre(xpad, Wg0, degs)
    acc0 = _agg_kernel(g0.reshape(R * NCORE * NP, H), comb)
    g1 = _mid(acc0, degs, bg0, W1_0, W2_0[:, :, 0], Wg1)
    acc1 = _agg_kernel(g1.reshape(R * NCORE * NP, H), comb)
    out = _post(acc1, degs, bg1, W1_1, W2_1[:, :, 0], pred_W[:, 0], pred_b)
    return out[:N, 0]

# --- scband reference (transcript-rebuilt; emitter-appended) ---
"""Pipeline reference for scband-mux-gnnregression-13597866459803 (READ-ONLY COPY).

The authoritative reference and input builder live on the scoring server;
editing this copy changes nothing except your own understanding.
"""

import jax, jax.numpy as jnp
import numpy as np

N = 10000
E = 160000
R = 3
C_IN = 256
C_OUT = 256
DIM_A = 64


def gcn_conv(x, src, dst, W, b):
    n = x.shape[0]
    loop = jnp.arange(n)
    s = jnp.concatenate([src, loop])
    d = jnp.concatenate([dst, loop])
    deg = jnp.zeros((n,), x.dtype).at[d].add(1.0)
    dinv = jnp.where(deg > 0, 1.0 / jnp.sqrt(deg), 0.0)
    norm = (dinv[s] * dinv[d])[:, None]
    h = x @ W
    msg = h[s] * norm
    out = jnp.zeros((n, W.shape[1]), x.dtype).at[d].add(msg)
    return out + b


def mux_layer(x, ei, Wg, bg, W1, W2):
    hs = []
    for r in range(R):
        h = gcn_conv(x, ei[r, 0], ei[r, 1], Wg[r], bg[r])
        hs.append(jax.nn.relu(h))
    H = jnp.stack(hs, axis=1)  # [N, R, C]
    attn = []
    for r in range(R):
        a_r = jnp.tanh(H[:, r, :] @ W1[r]) @ W2[r]  # [N, 1]
        attn.append(a_r)
    attn = jnp.stack(attn, axis=1)  # [N, R, 1]
    attn = jax.nn.softmax(attn, axis=1)
    return (H * attn).sum(axis=1)


def setup_inputs(seed: int = 0) -> dict:
    key = jax.random.key(seed)
    ks = [jax.random.fold_in(key, i) for i in range(16)]
    x = jax.random.normal(ks[0], (N, C_IN), dtype=jnp.float32)
    edge_index_list = jax.random.randint(ks[1], (R, 2, E), 0, N, dtype=jnp.int64)
    Wg0 = jax.random.normal(ks[2], (R, C_IN, C_OUT), dtype=jnp.float32) * 0.05
    bg0 = jnp.zeros((R, C_OUT), dtype=jnp.float32)
    Wg1 = jax.random.normal(ks[3], (R, C_OUT, C_OUT), dtype=jnp.float32) * 0.05
    bg1 = jnp.zeros((R, C_OUT), dtype=jnp.float32)
    W1_0 = jax.random.normal(ks[4], (R, C_OUT, DIM_A), dtype=jnp.float32)
    W2_0 = jax.random.normal(ks[5], (R, DIM_A, 1), dtype=jnp.float32)
    W1_1 = jax.random.normal(ks[6], (R, C_OUT, DIM_A), dtype=jnp.float32)
    W2_1 = jax.random.normal(ks[7], (R, DIM_A, 1), dtype=jnp.float32)
    pred_W = jax.random.normal(ks[8], (C_OUT, 1), dtype=jnp.float32) * 0.05
    pred_b = jnp.zeros((1,), dtype=jnp.float32)
    return {"x": x, "edge_index_list": edge_index_list, "Wg0": Wg0, "bg0": bg0,
            "Wg1": Wg1, "bg1": bg1, "W1_0": W1_0, "W2_0": W2_0,
            "W1_1": W1_1, "W2_1": W2_1, "pred_W": pred_W, "pred_b": pred_b}


def reference(x, edge_index_list, Wg0, bg0, Wg1, bg1, W1_0, W2_0, W1_1, W2_1, pred_W, pred_b):
    # layer 0 (dropout is identity in eval mode)
    h = mux_layer(x, edge_index_list, Wg0, bg0, W1_0, W2_0)
    # layer 1
    h = mux_layer(h, edge_index_list, Wg1, bg1, W1_1, W2_1)
    return (h @ pred_W + pred_b).squeeze(-1)

if __name__ == "__main__":
    import jax
    _d = setup_inputs()
    print(jax.jit(kernel)(*tuple(_d.values())))

</pallas_src>

<mosaic_0001>
#map = affine_map<(d0, d1) -> (0)>
#map1 = affine_map<(d0, d1) -> (0, 0, 0, 0)>
module attributes {stable_mosaic.version = 14 : i64} {
  func.func @_deg_body(%arg0: i32, %arg1: i32, %arg2: memref<491520xi32, #tpu.memory_space<hbm>>, %arg3: memref<2x3x10240x128xf32, #tpu.memory_space<hbm>>, %arg4: memref<128xi32, #tpu.memory_space<vmem>>, %arg5: memref<128x128xf32, #tpu.memory_space<vmem>>, %arg6: memref<128x128xf32, #tpu.memory_space<vmem>>, %arg7: memref<10240x128xf32, #tpu.memory_space<vmem_shared>>) attributes {dimension_semantics = [#tpu.dimension_semantics<core_parallel>, #tpu.dimension_semantics<subcore_parallel>], iteration_bounds = array<i64: 2, 16>, scalar_prefetch = 0 : i64, scratch_operands = 4 : i64, tpu.core_type = #tpu.core_type<sc_vector_subcore>, window_params = [{transform_indices = #map}, {transform_indices = #map1}]} {
    %broadcast_in_dim3A = arith.constant 1.000000e+00 : f32
    %broadcast_in_dim3A_0 = vector.broadcast %broadcast_in_dim3A : f32 to vector<16xf32>
    %scan3A = arith.constant 0 : i32
    %scan3A_1 = arith.constant 128 : i32
    %scan3A_2 = arith.addi %scan3A, %scan3A_1 : i32
    %scan3A_3 = arith.constant 1 : i32
    scf.for %scan3A_100 = %scan3A to %scan3A_2 step %scan3A_3  : i32 {
      %swap3A = arith.index_cast %scan3A_100 : i32 to index
      %swap3A_101 = arith.constant 0 : index
      %swap3A_102 = tpu.vector_load %arg5[%swap3A, %swap3A_101] {strides = array<i32>} : memref<128x128xf32, #tpu.memory_space<vmem>>, vector<1x16xf32>,
      %swap3A_103 = vector.shape_cast %swap3A_102 : vector<1x16xf32> to vector<16xf32>
      %swap3A_104 = vector.shape_cast %broadcast_in_dim3A_0 : vector<16xf32> to vector<1x16xf32>
      tpu.vector_store %arg5[%swap3A, %swap3A_101], %swap3A_104 {strides = array<i32>} : memref<128x128xf32, #tpu.memory_space<vmem>>, vector<1x16xf32>,
      %swap3A_105 = arith.index_cast %scan3A_100 : i32 to index
      %swap3A_106 = arith.constant 16 : index
      %swap3A_107 = tpu.vector_load %arg5[%swap3A_105, %swap3A_106] {strides = array<i32>} : memref<128x128xf32, #tpu.memory_space<vmem>>, vector<1x16xf32>,
      %swap3A_108 = vector.shape_cast %swap3A_107 : vector<1x16xf32> to vector<16xf32>
      %swap3A_109 = vector.shape_cast %broadcast_in_dim3A_0 : vector<16xf32> to vector<1x16xf32>
      tpu.vector_store %arg5[%swap3A_105, %swap3A_106], %swap3A_109 {strides = array<i32>} : memref<128x128xf32, #tpu.memory_space<vmem>>, vector<1x16xf32>,
      %swap3A_110 = arith.index_cast %scan3A_100 : i32 to index
      %swap3A_111 = arith.constant 32 : index
      %swap3A_112 = tpu.vector_load %arg5[%swap3A_110, %swap3A_111] {strides = array<i32>} : memref<128x128xf32, #tpu.memory_space<vmem>>, vector<1x16xf32>,
      %swap3A_113 = vector.shape_cast %swap3A_112 : vector<1x16xf32> to vector<16xf32>
      %swap3A_114 = vector.shape_cast %broadcast_in_dim3A_0 : vector<16xf32> to vector<1x16xf32>
      tpu.vector_store %arg5[%swap3A_110, %swap3A_111], %swap3A_114 {strides = array<i32>} : memref<128x128xf32, #tpu.memory_space<vmem>>, vector<1x16xf32>,
      %swap3A_115 = arith.index_cast %scan3A_100 : i32 to index
      %swap3A_116 = arith.constant 48 : index
      %swap3A_117 = tpu.vector_load %arg5[%swap3A_115, %swap3A_116] {strides = array<i32>} : memref<128x128xf32, #tpu.memory_space<vmem>>, vector<1x16xf32>,
      %swap3A_118 = vector.shape_cast %swap3A_117 : vector<1x16xf32> to vector<16xf32>
      %swap3A_119 = vector.shape_cast %broadcast_in_dim3A_0 : vector<16xf32> to vector<1x16xf32>
      tpu.vector_store %arg5[%swap3A_115, %swap3A_116], %swap3A_119 {strides = array<i32>} : memref<128x128xf32, #tpu.memory_space<vmem>>, vector<1x16xf32>,
      %swap3A_120 = arith.index_cast %scan3A_100 : i32 to index
      %swap3A_121 = arith.constant 64 : index
      %swap3A_122 = tpu.vector_load %arg5[%swap3A_120, %swap3A_121] {strides = array<i32>} : memref<128x128xf32, #tpu.memory_space<vmem>>, vector<1x16xf32>,
      %swap3A_123 = vector.shape_cast %swap3A_122 : vector<1x16xf32> to vector<16xf32>
      %swap3A_124 = vector.shape_cast %broadcast_in_dim3A_0 : vector<16xf32> to vector<1x16xf32>
      tpu.vector_store %arg5[%swap3A_120, %swap3A_121], %swap3A_124 {strides = array<i32>} : memref<128x128xf32, #tpu.memory_space<vmem>>, vector<1x16xf32>,
      %swap3A_125 = arith.index_cast %scan3A_100 : i32 to index
      %swap3A_126 = arith.constant 80 : index
      %swap3A_127 = tpu.vector_load %arg5[%swap3A_125, %swap3A_126] {strides = array<i32>} : memref<128x128xf32, #tpu.memory_space<vmem>>, vector<1x16xf32>,
      %swap3A_128 = vector.shape_cast %swap3A_127 : vector<1x16xf32> to vector<16xf32>
      %swap3A_129 = vector.shape_cast %broadcast_in_dim3A_0 : vector<16xf32> to vector<1x16xf32>
      tpu.vector_store %arg5[%swap3A_125, %swap3A_126], %swap3A_129 {strides = array<i32>} : memref<128x128xf32, #tpu.memory_space<vmem>>, vector<1x16xf32>,
      %swap3A_130 = arith.index_cast %scan3A_100 : i32 to index
      %swap3A_131 = arith.constant 96 : index
      %swap3A_132 = tpu.vector_load %arg5[%swap3A_130, %swap3A_131] {strides = array<i32>} : memref<128x128xf32, #tpu.memory_space<vmem>>, vector<1x16xf32>,
      %swap3A_133 = vector.shape_cast %swap3A_132 : vector<1x16xf32> to vector<16xf32>
      %swap3A_134 = vector.shape_cast %broadcast_in_dim3A_0 : vector<16xf32> to vector<1x16xf32>
      tpu.vector_store %arg5[%swap3A_130, %swap3A_131], %swap3A_134 {strides = array<i32>} : memref<128x128xf32, #tpu.memory_space<vmem>>, vector<1x16xf32>,
      %swap3A_135 = arith.index_cast %scan3A_100 : i32 to index
      %swap3A_136 = arith.constant 112 : index
      %swap3A_137 = tpu.vector_load %arg5[%swap3A_135, %swap3A_136] {strides = array<i32>} : memref<128x128xf32, #tpu.memory_space<vmem>>, vector<1x16xf32>,
      %swap3A_138 = vector.shape_cast %swap3A_137 : vector<1x16xf32> to vector<16xf32>
      %swap3A_139 = vector.shape_cast %broadcast_in_dim3A_0 : vector<16xf32> to vector<1x16xf32>
      tpu.vector_store %arg5[%swap3A_135, %swap3A_136], %swap3A_139 {strides = array<i32>} : memref<128x128xf32, #tpu.memory_space<vmem>>, vector<1x16xf32>,
    }
    %scan3A_4 = arith.constant 128 : i32
    %broadcast_in_dim3A_5 = arith.constant 0.000000e+00 : f32
    %broadcast_in_dim3A_6 = vector.broadcast %broadcast_in_dim3A_5 : f32 to vector<16xf32>
    %scan3A_7 = arith.constant 0 : i32
    %scan3A_8 = arith.constant 128 : i32
    %scan3A_9 = arith.addi %scan3A_7, %scan3A_8 : i32
    %scan3A_10 = arith.constant 1 : i32
    scf.for %scan3A_100 = %scan3A_7 to %scan3A_9 step %scan3A_10  : i32 {
      %swap3A = arith.index_cast %scan3A_100 : i32 to index
      %swap3A_101 = arith.constant 0 : index
      %swap3A_102 = tpu.vector_load %arg6[%swap3A, %swap3A_101] {strides = array<i32>} : memref<128x128xf32, #tpu.memory_space<vmem>>, vector<1x16xf32>,
      %swap3A_103 = vector.shape_cast %swap3A_102 : vector<1x16xf32> to vector<16xf32>
      %swap3A_104 = vector.shape_cast %broadcast_in_dim3A_6 : vector<16xf32> to vector<1x16xf32>
      tpu.vector_store %arg6[%swap3A, %swap3A_101], %swap3A_104 {strides = array<i32>} : memref<128x128xf32, #tpu.memory_space<vmem>>, vector<1x16xf32>,
      %swap3A_105 = arith.index_cast %scan3A_100 : i32 to index
      %swap3A_106 = arith.constant 16 : index
      %swap3A_107 = tpu.vector_load %arg6[%swap3A_105, %swap3A_106] {strides = array<i32>} : memref<128x128xf32, #tpu.memory_space<vmem>>, vector<1x16xf32>,
      %swap3A_108 = vector.shape_cast %swap3A_107 : vector<1x16xf32> to vector<16xf32>
      %swap3A_109 = vector.shape_cast %broadcast_in_dim3A_6 : vector<16xf32> to vector<1x16xf32>
      tpu.vector_store %arg6[%swap3A_105, %swap3A_106], %swap3A_109 {strides = array<i32>} : memref<128x128xf32, #tpu.memory_space<vmem>>, vector<1x16xf32>,
      %swap3A_110 = arith.index_cast %scan3A_100 : i32 to index
      %swap3A_111 = arith.constant 32 : index
      %swap3A_112 = tpu.vector_load %arg6[%swap3A_110, %swap3A_111] {strides = array<i32>} : memref<128x128xf32, #tpu.memory_space<vmem>>, vector<1x16xf32>,
      %swap3A_113 = vector.shape_cast %swap3A_112 : vector<1x16xf32> to vector<16xf32>
      %swap3A_114 = vector.shape_cast %broadcast_in_dim3A_6 : vector<16xf32> to vector<1x16xf32>
      tpu.vector_store %arg6[%swap3A_110, %swap3A_111], %swap3A_114 {strides = array<i32>} : memref<128x128xf32, #tpu.memory_space<vmem>>, vector<1x16xf32>,
      %swap3A_115 = arith.index_cast %scan3A_100 : i32 to index
      %swap3A_116 = arith.constant 48 : index
      %swap3A_117 = tpu.vector_load %arg6[%swap3A_115, %swap3A_116] {strides = array<i32>} : memref<128x128xf32, #tpu.memory_space<vmem>>, vector<1x16xf32>,
      %swap3A_118 = vector.shape_cast %swap3A_117 : vector<1x16xf32> to vector<16xf32>
      %swap3A_119 = vector.shape_cast %broadcast_in_dim3A_6 : vector<16xf32> to vector<1x16xf32>
      tpu.vector_store %arg6[%swap3A_115, %swap3A_116], %swap3A_119 {strides = array<i32>} : memref<128x128xf32, #tpu.memory_space<vmem>>, vector<1x16xf32>,
      %swap3A_120 = arith.index_cast %scan3A_100 : i32 to index
      %swap3A_121 = arith.constant 64 : index
      %swap3A_122 = tpu.vector_load %arg6[%swap3A_120, %swap3A_121] {strides = array<i32>} : memref<128x128xf32, #tpu.memory_space<vmem>>, vector<1x16xf32>,
      %swap3A_123 = vector.shape_cast %swap3A_122 : vector<1x16xf32> to vector<16xf32>
      %swap3A_124 = vector.shape_cast %broadcast_in_dim3A_6 : vector<16xf32> to vector<1x16xf32>
      tpu.vector_store %arg6[%swap3A_120, %swap3A_121], %swap3A_124 {strides = array<i32>} : memref<128x128xf32, #tpu.memory_space<vmem>>, vector<1x16xf32>,
      %swap3A_125 = arith.index_cast %scan3A_100 : i32 to index
      %swap3A_126 = arith.constant 80 : index
      %swap3A_127 = tpu.vector_load %arg6[%swap3A_125, %swap3A_126] {strides = array<i32>} : memref<128x128xf32, #tpu.memory_space<vmem>>, vector<1x16xf32>,
      %swap3A_128 = vector.shape_cast %swap3A_127 : vector<1x16xf32> to vector<16xf32>
      %swap3A_129 = vector.shape_cast %broadcast_in_dim3A_6 : vector<16xf32> to vector<1x16xf32>
      tpu.vector_store %arg6[%swap3A_125, %swap3A_126], %swap3A_129 {strides = array<i32>} : memref<128x128xf32, #tpu.memory_space<vmem>>, vector<1x16xf32>,
      %swap3A_130 = arith.index_cast %scan3A_100 : i32 to index
      %swap3A_131 = arith.constant 96 : index
      %swap3A_132 = tpu.vector_load %arg6[%swap3A_130, %swap3A_131] {strides = array<i32>} : memref<128x128xf32, #tpu.memory_space<vmem>>, vector<1x16xf32>,
      %swap3A_133 = vector.shape_cast %swap3A_132 : vector<1x16xf32> to vector<16xf32>
      %swap3A_134 = vector.shape_cast %broadcast_in_dim3A_6 : vector<16xf32> to vector<1x16xf32>
      tpu.vector_store %arg6[%swap3A_130, %swap3A_131], %swap3A_134 {strides = array<i32>} : memref<128x128xf32, #tpu.memory_space<vmem>>, vector<1x16xf32>,
      %swap3A_135 = arith.index_cast %scan3A_100 : i32 to index
      %swap3A_136 = arith.constant 112 : index
      %swap3A_137 = tpu.vector_load %arg6[%swap3A_135, %swap3A_136] {strides = array<i32>} : memref<128x128xf32, #tpu.memory_space<vmem>>, vector<1x16xf32>,
      %swap3A_138 = vector.shape_cast %swap3A_137 : vector<1x16xf32> to vector<16xf32>
      %swap3A_139 = vector.shape_cast %broadcast_in_dim3A_6 : vector<16xf32> to vector<1x16xf32>
      tpu.vector_store %arg6[%swap3A_135, %swap3A_136], %swap3A_139 {strides = array<i32>} : memref<128x128xf32, #tpu.memory_space<vmem>>, vector<1x16xf32>,
    }
    %scan3A_11 = arith.constant 128 : i32
    %mul3A = arith.constant 640 : i32
    %mul3A_12 = arith.muli %arg1, %mul3A : i32
    %mul3A_13 = arith.constant 2 : i32
    %mul3A_14 = arith.muli %arg1, %mul3A_13 : i32
    %add3A = arith.addi %mul3A_14, %arg0 : i32
    %mul3A_15 = arith.constant 640 : i32
    %mul3A_16 = arith.muli %arg1, %mul3A_15 : i32
    %add3A_17 = arith.constant 0 : i32
    %add3A_18 = arith.addi %mul3A_16, %add3A_17 : i32
    "tpu.region"() ({
      %run_scoped3A_100 = tpu.sem_alloc : memref<!tpu.dma_semaphore, #tpu.memory_space<semaphore_mem>>
      %dma_start3A = arith.constant 0 : i32
      %dma_start3A_101 = tpu.memref_slice %arg7[%add3A_18, %dma_start3A] : memref<10240x128xf32, #tpu.memory_space<vmem_shared>> -> memref<128x128xf32, #tpu.memory_space<vmem_shared>>
      %dma_start3A_102 = arith.constant 0 : i32
      %dma_start3A_103 = tpu.memref_slice %arg7[%add3A_18, %dma_start3A_102] : memref<10240x128xf32, #tpu.memory_space<vmem_shared>> -> memref<128x128xf32, #tpu.memory_space<vmem_shared>>
      tpu.enqueue_dma source(%arg6 : memref<128x128xf32, #tpu.memory_space<vmem>>) target(%dma_start3A_103 : memref<128x128xf32, #tpu.memory_space<vmem_shared>>) target_semaphore(%run_scoped3A_100 : memref<!tpu.dma_semaphore, #tpu.memory_space<semaphore_mem>>)
      %dma_wait3A = arith.constant 0 : i32
      %dma_wait3A_104 = tpu.memref_slice %arg7[%add3A_18, %dma_wait3A] : memref<10240x128xf32, #tpu.memory_space<vmem_shared>> -> memref<128x128xf32, #tpu.memory_space<vmem_shared>>
      %dma_wait3A_105 = arith.constant 0 : i32
      %dma_wait3A_106 = tpu.memref_slice %arg7[%add3A_18, %dma_wait3A_105] : memref<10240x128xf32, #tpu.memory_space<vmem_shared>> -> memref<128x128xf32, #tpu.memory_space<vmem_shared>>
      tpu.wait_dma2 semaphore(%run_scoped3A_100 : memref<!tpu.dma_semaphore, #tpu.memory_space<semaphore_mem>>) src(%arg6 : memref<128x128xf32, #tpu.memory_space<vmem>>) dst(%dma_wait3A_106 : memref<128x128xf32, #tpu.memory_space<vmem_shared>>)
      tpu.yield
    }) : () -> ()
    %mul3A_19 = arith.constant 640 : i32
    %mul3A_20 = arith.muli %arg1, %mul3A_19 : i32
    %add3A_21 = arith.constant 128 : i32
    %add3A_22 = arith.addi %mul3A_20, %add3A_21 : i32
    "tpu.region"() ({
      %run_scoped3A_100 = tpu.sem_alloc : memref<!tpu.dma_semaphore, #tpu.memory_space<semaphore_mem>>
      %dma_start3A = arith.constant 0 : i32
      %dma_start3A_101 = tpu.memref_slice %arg7[%add3A_22, %dma_start3A] : memref<10240x128xf32, #tpu.memory_space<vmem_shared>> -> memref<128x128xf32, #tpu.memory_space<vmem_shared>>
      %dma_start3A_102 = arith.constant 0 : i32
      %dma_start3A_103 = tpu.memref_slice %arg7[%add3A_22, %dma_start3A_102] : memref<10240x128xf32, #tpu.memory_space<vmem_shared>> -> memref<128x128xf32, #tpu.memory_space<vmem_shared>>
      tpu.enqueue_dma source(%arg6 : memref<128x128xf32, #tpu.memory_space<vmem>>) target(%dma_start3A_103 : memref<128x128xf32, #tpu.memory_space<vmem_shared>>) target_semaphore(%run_scoped3A_100 : memref<!tpu.dma_semaphore, #tpu.memory_space<semaphore_mem>>)
      %dma_wait3A = arith.constant 0 : i32
      %dma_wait3A_104 = tpu.memref_slice %arg7[%add3A_22, %dma_wait3A] : memref<10240x128xf32, #tpu.memory_space<vmem_shared>> -> memref<128x128xf32, #tpu.memory_space<vmem_shared>>
      %dma_wait3A_105 = arith.constant 0 : i32
      %dma_wait3A_106 = tpu.memref_slice %arg7[%add3A_22, %dma_wait3A_105] : memref<10240x128xf32, #tpu.memory_space<vmem_shared>> -> memref<128x128xf32, #tpu.memory_space<vmem_shared>>
      tpu.wait_dma2 semaphore(%run_scoped3A_100 : memref<!tpu.dma_semaphore, #tpu.memory_space<semaphore_mem>>) src(%arg6 : memref<128x128xf32, #tpu.memory_space<vmem>>) dst(%dma_wait3A_106 : memref<128x128xf32, #tpu.memory_space<vmem_shared>>)
      tpu.yield
    }) : () -> ()
    %mul3A_23 = arith.constant 640 : i32
    %mul3A_24 = arith.muli %arg1, %mul3A_23 : i32
    %add3A_25 = arith.constant 256 : i32
    %add3A_26 = arith.addi %mul3A_24, %add3A_25 : i32
    "tpu.region"() ({
      %run_scoped3A_100 = tpu.sem_alloc : memref<!tpu.dma_semaphore, #tpu.memory_space<semaphore_mem>>
      %dma_start3A = arith.constant 0 : i32
      %dma_start3A_101 = tpu.memref_slice %arg7[%add3A_26, %dma_start3A] : memref<10240x128xf32, #tpu.memory_space<vmem_shared>> -> memref<128x128xf32, #tpu.memory_space<vmem_shared>>
      %dma_start3A_102 = arith.constant 0 : i32
      %dma_start3A_103 = tpu.memref_slice %arg7[%add3A_26, %dma_start3A_102] : memref<10240x128xf32, #tpu.memory_space<vmem_shared>> -> memref<128x128xf32, #tpu.memory_space<vmem_shared>>
      tpu.enqueue_dma source(%arg6 : memref<128x128xf32, #tpu.memory_space<vmem>>) target(%dma_start3A_103 : memref<128x128xf32, #tpu.memory_space<vmem_shared>>) target_semaphore(%run_scoped3A_100 : memref<!tpu.dma_semaphore, #tpu.memory_space<semaphore_mem>>)
      %dma_wait3A = arith.constant 0 : i32
      %dma_wait3A_104 = tpu.memref_slice %arg7[%add3A_26, %dma_wait3A] : memref<10240x128xf32, #tpu.memory_space<vmem_shared>> -> memref<128x128xf32, #tpu.memory_space<vmem_shared>>
      %dma_wait3A_105 = arith.constant 0 : i32
      %dma_wait3A_106 = tpu.memref_slice %arg7[%add3A_26, %dma_wait3A_105] : memref<10240x128xf32, #tpu.memory_space<vmem_shared>> -> memref<128x128xf32, #tpu.memory_space<vmem_shared>>
      tpu.wait_dma2 semaphore(%run_scoped3A_100 : memref<!tpu.dma_semaphore, #tpu.memory_space<semaphore_mem>>) src(%arg6 : memref<128x128xf32, #tpu.memory_space<vmem>>) dst(%dma_wait3A_106 : memref<128x128xf32, #tpu.memory_space<vmem_shared>>)
      tpu.yield
    }) : () -> ()
    %mul3A_27 = arith.constant 640 : i32
    %mul3A_28 = arith.muli %arg1, %mul3A_27 : i32
    %add3A_29 = arith.constant 384 : i32
    %add3A_30 = arith.addi %mul3A_28, %add3A_29 : i32
    "tpu.region"() ({
      %run_scoped3A_100 = tpu.sem_alloc : memref<!tpu.dma_semaphore, #tpu.memory_space<semaphore_mem>>
      %dma_start3A = arith.constant 0 : i32
      %dma_start3A_101 = tpu.memref_slice %arg7[%add3A_30, %dma_start3A] : memref<10240x128xf32, #tpu.memory_space<vmem_shared>> -> memref<128x128xf32, #tpu.memory_space<vmem_shared>>
      %dma_start3A_102 = arith.constant 0 : i32
      %dma_start3A_103 = tpu.memref_slice %arg7[%add3A_30, %dma_start3A_102] : memref<10240x128xf32, #tpu.memory_space<vmem_shared>> -> memref<128x128xf32, #tpu.memory_space<vmem_shared>>
      tpu.enqueue_dma source(%arg6 : memref<128x128xf32, #tpu.memory_space<vmem>>) target(%dma_start3A_103 : memref<128x128xf32, #tpu.memory_space<vmem_shared>>) target_semaphore(%run_scoped3A_100 : memref<!tpu.dma_semaphore, #tpu.memory_space<semaphore_mem>>)
      %dma_wait3A = arith.constant 0 : i32
      %dma_wait3A_104 = tpu.memref_slice %arg7[%add3A_30, %dma_wait3A] : memref<10240x128xf32, #tpu.memory_space<vmem_shared>> -> memref<128x128xf32, #tpu.memory_space<vmem_shared>>
      %dma_wait3A_105 = arith.constant 0 : i32
      %dma_wait3A_106 = tpu.memref_slice %arg7[%add3A_30, %dma_wait3A_105] : memref<10240x128xf32, #tpu.memory_space<vmem_shared>> -> memref<128x128xf32, #tpu.memory_space<vmem_shared>>
      tpu.wait_dma2 semaphore(%run_scoped3A_100 : memref<!tpu.dma_semaphore, #tpu.memory_space<semaphore_mem>>) src(%arg6 : memref<128x128xf32, #tpu.memory_space<vmem>>) dst(%dma_wait3A_106 : memref<128x128xf32, #tpu.memory_space<vmem_shared>>)
      tpu.yield
    }) : () -> ()
    %mul3A_31 = arith.constant 640 : i32
    %mul3A_32 = arith.muli %arg1, %mul3A_31 : i32
    %add3A_33 = arith.constant 512 : i32
    %add3A_34 = arith.addi %mul3A_32, %add3A_33 : i32
    "tpu.region"() ({
      %run_scoped3A_100 = tpu.sem_alloc : memref<!tpu.dma_semaphore, #tpu.memory_space<semaphore_mem>>
      %dma_start3A = arith.constant 0 : i32
      %dma_start3A_101 = tpu.memref_slice %arg7[%add3A_34, %dma_start3A] : memref<10240x128xf32, #tpu.memory_space<vmem_shared>> -> memref<128x128xf32, #tpu.memory_space<vmem_shared>>
      %dma_start3A_102 = arith.constant 0 : i32
      %dma_start3A_103 = tpu.memref_slice %arg7[%add3A_34, %dma_start3A_102] : memref<10240x128xf32, #tpu.memory_space<vmem_shared>> -> memref<128x128xf32, #tpu.memory_space<vmem_shared>>
      tpu.enqueue_dma source(%arg6 : memref<128x128xf32, #tpu.memory_space<vmem>>) target(%dma_start3A_103 : memref<128x128xf32, #tpu.memory_space<vmem_shared>>) target_semaphore(%run_scoped3A_100 : memref<!tpu.dma_semaphore, #tpu.memory_space<semaphore_mem>>)
      %dma_wait3A = arith.constant 0 : i32
      %dma_wait3A_104 = tpu.memref_slice %arg7[%add3A_34, %dma_wait3A] : memref<10240x128xf32, #tpu.memory_space<vmem_shared>> -> memref<128x128xf32, #tpu.memory_space<vmem_shared>>
      %dma_wait3A_105 = arith.constant 0 : i32
      %dma_wait3A_106 = tpu.memref_slice %arg7[%add3A_34, %dma_wait3A_105] : memref<10240x128xf32, #tpu.memory_space<vmem_shared>> -> memref<128x128xf32, #tpu.memory_space<vmem_shared>>
      tpu.wait_dma2 semaphore(%run_scoped3A_100 : memref<!tpu.dma_semaphore, #tpu.memory_space<semaphore_mem>>) src(%arg6 : memref<128x128xf32, #tpu.memory_space<vmem>>) dst(%dma_wait3A_106 : memref<128x128xf32, #tpu.memory_space<vmem_shared>>)
      tpu.yield
    }) : () -> ()
    %barrier3A = arith.constant 0 : index
    tpu.barrier barrier_id(%barrier3A)
    %scan3A_35 = arith.constant 0 : i32
    %scan3A_36 = arith.constant 40 : i32
    %scan3A_37 = arith.addi %scan3A_35, %scan3A_36 : i32
    %scan3A_38 = arith.constant 1 : i32
    scf.for %scan3A_100 = %scan3A_35 to %scan3A_37 step %scan3A_38  : i32 {
      %mul3A_101 = arith.constant 32 : i32
      %mul3A_102 = arith.muli %scan3A_100, %mul3A_101 : i32
      %add3A_103 = arith.addi %mul3A_102, %add3A : i32
      %mul3A_104 = arith.constant 128 : i32
      %mul3A_105 = arith.muli %add3A_103, %mul3A_104 : i32
      %add3A_106 = arith.constant 0 : i32
      %add3A_107 = arith.addi %add3A_106, %mul3A_105 : i32
      "tpu.region"() ({
        %run_scoped3A_108 = tpu.sem_alloc : memref<!tpu.dma_semaphore, #tpu.memory_space<semaphore_mem>>
        %dma_start3A = tpu.memref_slice %arg2[%add3A_107] : memref<491520xi32, #tpu.memory_space<hbm>> -> memref<128xi32, #tpu.memory_space<hbm>>
        %dma_start3A_109 = tpu.memref_slice %arg2[%add3A_107] : memref<491520xi32, #tpu.memory_space<hbm>> -> memref<128xi32, #tpu.memory_space<hbm>>
        tpu.enqueue_dma source(%dma_start3A_109 : memref<128xi32, #tpu.memory_space<hbm>>) target(%arg4 : memref<128xi32, #tpu.memory_space<vmem>>) target_semaphore(%run_scoped3A_108 : memref<!tpu.dma_semaphore, #tpu.memory_space<semaphore_mem>>)
        %dma_wait3A = tpu.memref_slice %arg2[%add3A_107] : memref<491520xi32, #tpu.memory_space<hbm>> -> memref<128xi32, #tpu.memory_space<hbm>>
        %dma_wait3A_110 = tpu.memref_slice %arg2[%add3A_107] : memref<491520xi32, #tpu.memory_space<hbm>> -> memref<128xi32, #tpu.memory_space<hbm>>
        tpu.wait_dma2 semaphore(%run_scoped3A_108 : memref<!tpu.dma_semaphore, #tpu.memory_space<semaphore_mem>>) src(%dma_wait3A_110 : memref<128xi32, #tpu.memory_space<hbm>>) dst(%arg4 : memref<128xi32, #tpu.memory_space<vmem>>)
        tpu.yield
      }) : () -> ()
      "tpu.region"() ({
        %run_scoped3A_108 = tpu.sem_alloc : memref<!tpu.dma_semaphore, #tpu.memory_space<semaphore_mem>>
        %dma_start3A = arith.constant 0 : i32
        %dma_start3A_109 = arith.constant 0 : i32
        %dma_start3A_110 = tpu.memref_slice %arg7[%dma_start3A, %dma_start3A_109] : memref<10240x128xf32, #tpu.memory_space<vmem_shared>> -> memref<10240x128xf32, #tpu.memory_space<vmem_shared>>
        tpu.enqueue_indirect_dma source(%arg5 : memref<128x128xf32, #tpu.memory_space<vmem>>) target(%dma_start3A_110 : memref<10240x128xf32, #tpu.memory_space<vmem_shared>>) offsets(%arg4 : memref<128xi32, #tpu.memory_space<vmem>>) semaphore(%run_scoped3A_108 : memref<!tpu.dma_semaphore, #tpu.memory_space<semaphore_mem>>) {add = true}
        %dma_wait3A = arith.constant 0 : i32
        %dma_wait3A_111 = arith.constant 0 : i32
        %dma_wait3A_112 = tpu.memref_slice %arg7[%dma_wait3A, %dma_wait3A_111] : memref<10240x128xf32, #tpu.memory_space<vmem_shared>> -> memref<10240x128xf32, #tpu.memory_space<vmem_shared>>
        tpu.wait_indirect_dma semaphore(%run_scoped3A_108 : memref<!tpu.dma_semaphore, #tpu.memory_space<semaphore_mem>>) src(%arg5 : memref<128x128xf32, #tpu.memory_space<vmem>>) dst(%dma_wait3A_112 : memref<10240x128xf32, #tpu.memory_space<vmem_shared>>)
        tpu.yield
      }) : () -> ()
    }
    %scan3A_39 = arith.constant 40 : i32
    %barrier3A_40 = arith.constant 0 : index
    tpu.barrier barrier_id(%barrier3A_40)
    %run_scoped3A = arith.constant 0 : i32
    "tpu.region"() ({
      %run_scoped3A_100 = tpu.sem_alloc : memref<!tpu.dma_semaphore, #tpu.memory_space<semaphore_mem>>
      %dma_start3A = arith.constant 0 : i32
      %dma_start3A_101 = tpu.memref_slice %arg3[%arg0, %run_scoped3A, %mul3A_12, %dma_start3A] : memref<2x3x10240x128xf32, #tpu.memory_space<hbm>> -> memref<1x1x640x128xf32, #tpu.memory_space<hbm>>
      %dma_start3A_102 = tpu.memref_squeeze %dma_start3A_101 : memref<1x1x640x128xf32, #tpu.memory_space<hbm>> -> memref<640x128xf32, #tpu.memory_space<hbm>>
      %dma_start3A_103 = arith.constant 0 : i32
      %dma_start3A_104 = tpu.memref_slice %arg7[%mul3A_12, %dma_start3A_103] : memref<10240x128xf32, #tpu.memory_space<vmem_shared>> -> memref<640x128xf32, #tpu.memory_space<vmem_shared>>
      tpu.enqueue_dma source(%dma_start3A_104 : memref<640x128xf32, #tpu.memory_space<vmem_shared>>) target(%dma_start3A_102 : memref<640x128xf32, #tpu.memory_space<hbm>>) target_semaphore(%run_scoped3A_100 : memref<!tpu.dma_semaphore, #tpu.memory_space<semaphore_mem>>)
      %dma_wait3A = arith.constant 0 : i32
      %dma_wait3A_105 = tpu.memref_slice %arg3[%arg0, %run_scoped3A, %mul3A_12, %dma_wait3A] : memref<2x3x10240x128xf32, #tpu.memory_space<hbm>> -> memref<1x1x640x128xf32, #tpu.memory_space<hbm>>
      %dma_wait3A_106 = tpu.memref_squeeze %dma_wait3A_105 : memref<1x1x640x128xf32, #tpu.memory_space<hbm>> -> memref<640x128xf32, #tpu.memory_space<hbm>>
      %dma_wait3A_107 = arith.constant 0 : i32
      %dma_wait3A_108 = tpu.memref_slice %arg7[%mul3A_12, %dma_wait3A_107] : memref<10240x128xf32, #tpu.memory_space<vmem_shared>> -> memref<640x128xf32, #tpu.memory_space<vmem_shared>>
      tpu.wait_dma2 semaphore(%run_scoped3A_100 : memref<!tpu.dma_semaphore, #tpu.memory_space<semaphore_mem>>) src(%dma_wait3A_108 : memref<640x128xf32, #tpu.memory_space<vmem_shared>>) dst(%dma_wait3A_106 : memref<640x128xf32, #tpu.memory_space<hbm>>)
      tpu.yield
    }) : () -> ()
    %barrier3A_41 = arith.constant 0 : index
    tpu.barrier barrier_id(%barrier3A_41)
    %mul3A_42 = arith.constant 640 : i32
    %mul3A_43 = arith.muli %arg1, %mul3A_42 : i32
    %add3A_44 = arith.constant 0 : i32
    %add3A_45 = arith.addi %mul3A_43, %add3A_44 : i32
    "tpu.region"() ({
      %run_scoped3A_100 = tpu.sem_alloc : memref<!tpu.dma_semaphore, #tpu.memory_space<semaphore_mem>>
      %dma_start3A = arith.constant 0 : i32
      %dma_start3A_101 = tpu.memref_slice %arg7[%add3A_45, %dma_start3A] : memref<10240x128xf32, #tpu.memory_space<vmem_shared>> -> memref<128x128xf32, #tpu.memory_space<vmem_shared>>
      %dma_start3A_102 = arith.constant 0 : i32
      %dma_start3A_103 = tpu.memref_slice %arg7[%add3A_45, %dma_start3A_102] : memref<10240x128xf32, #tpu.memory_space<vmem_shared>> -> memref<128x128xf32, #tpu.memory_space<vmem_shared>>
      tpu.enqueue_dma source(%arg6 : memref<128x128xf32, #tpu.memory_space<vmem>>) target(%dma_start3A_103 : memref<128x128xf32, #tpu.memory_space<vmem_shared>>) target_semaphore(%run_scoped3A_100 : memref<!tpu.dma_semaphore, #tpu.memory_space<semaphore_mem>>)
      %dma_wait3A = arith.constant 0 : i32
      %dma_wait3A_104 = tpu.memref_slice %arg7[%add3A_45, %dma_wait3A] : memref<10240x128xf32, #tpu.memory_space<vmem_shared>> -> memref<128x128xf32, #tpu.memory_space<vmem_shared>>
      %dma_wait3A_105 = arith.constant 0 : i32
      %dma_wait3A_106 = tpu.memref_slice %arg7[%add3A_45, %dma_wait3A_105] : memref<10240x128xf32, #tpu.memory_space<vmem_shared>> -> memref<128x128xf32, #tpu.memory_space<vmem_shared>>
      tpu.wait_dma2 semaphore(%run_scoped3A_100 : memref<!tpu.dma_semaphore, #tpu.memory_space<semaphore_mem>>) src(%arg6 : memref<128x128xf32, #tpu.memory_space<vmem>>) dst(%dma_wait3A_106 : memref<128x128xf32, #tpu.memory_space<vmem_shared>>)
      tpu.yield
    }) : () -> ()
    %mul3A_46 = arith.constant 640 : i32
    %mul3A_47 = arith.muli %arg1, %mul3A_46 : i32
    %add3A_48 = arith.constant 128 : i32
    %add3A_49 = arith.addi %mul3A_47, %add3A_48 : i32
    "tpu.region"() ({
      %run_scoped3A_100 = tpu.sem_alloc : memref<!tpu.dma_semaphore, #tpu.memory_space<semaphore_mem>>
      %dma_start3A = arith.constant 0 : i32
      %dma_start3A_101 = tpu.memref_slice %arg7[%add3A_49, %dma_start3A] : memref<10240x128xf32, #tpu.memory_space<vmem_shared>> -> memref<128x128xf32, #tpu.memory_space<vmem_shared>>
      %dma_start3A_102 = arith.constant 0 : i32
      %dma_start3A_103 = tpu.memref_slice %arg7[%add3A_49, %dma_start3A_102] : memref<10240x128xf32, #tpu.memory_space<vmem_shared>> -> memref<128x128xf32, #tpu.memory_space<vmem_shared>>
      tpu.enqueue_dma source(%arg6 : memref<128x128xf32, #tpu.memory_space<vmem>>) target(%dma_start3A_103 : memref<128x128xf32, #tpu.memory_space<vmem_shared>>) target_semaphore(%run_scoped3A_100 : memref<!tpu.dma_semaphore, #tpu.memory_space<semaphore_mem>>)
      %dma_wait3A = arith.constant 0 : i32
      %dma_wait3A_104 = tpu.memref_slice %arg7[%add3A_49, %dma_wait3A] : memref<10240x128xf32, #tpu.memory_space<vmem_shared>> -> memref<128x128xf32, #tpu.memory_space<vmem_shared>>
      %dma_wait3A_105 = arith.constant 0 : i32
      %dma_wait3A_106 = tpu.memref_slice %arg7[%add3A_49, %dma_wait3A_105] : memref<10240x128xf32, #tpu.memory_space<vmem_shared>> -> memref<128x128xf32, #tpu.memory_space<vmem_shared>>
      tpu.wait_dma2 semaphore(%run_scoped3A_100 : memref<!tpu.dma_semaphore, #tpu.memory_space<semaphore_mem>>) src(%arg6 : memref<128x128xf32, #tpu.memory_space<vmem>>) dst(%dma_wait3A_106 : memref<128x128xf32, #tpu.memory_space<vmem_shared>>)
      tpu.yield
    }) : () -> ()
    %mul3A_50 = arith.constant 640 : i32
    %mul3A_51 = arith.muli %arg1, %mul3A_50 : i32
    %add3A_52 = arith.constant 256 : i32
    %add3A_53 = arith.addi %mul3A_51, %add3A_52 : i32
    "tpu.region"() ({
      %run_scoped3A_100 = tpu.sem_alloc : memref<!tpu.dma_semaphore, #tpu.memory_space<semaphore_mem>>
      %dma_start3A = arith.constant 0 : i32
      %dma_start3A_101 = tpu.memref_slice %arg7[%add3A_53, %dma_start3A] : memref<10240x128xf32, #tpu.memory_space<vmem_shared>> -> memref<128x128xf32, #tpu.memory_space<vmem_shared>>
      %dma_start3A_102 = arith.constant 0 : i32
      %dma_start3A_103 = tpu.memref_slice %arg7[%add3A_53, %dma_start3A_102] : memref<10240x128xf32, #tpu.memory_space<vmem_shared>> -> memref<128x128xf32, #tpu.memory_space<vmem_shared>>
      tpu.enqueue_dma source(%arg6 : memref<128x128xf32, #tpu.memory_space<vmem>>) target(%dma_start3A_103 : memref<128x128xf32, #tpu.memory_space<vmem_shared>>) target_semaphore(%run_scoped3A_100 : memref<!tpu.dma_semaphore, #tpu.memory_space<semaphore_mem>>)
      %dma_wait3A = arith.constant 0 : i32
      %dma_wait3A_104 = tpu.memref_slice %arg7[%add3A_53, %dma_wait3A] : memref<10240x128xf32, #tpu.memory_space<vmem_shared>> -> memref<128x128xf32, #tpu.memory_space<vmem_shared>>
      %dma_wait3A_105 = arith.constant 0 : i32
      %dma_wait3A_106 = tpu.memref_slice %arg7[%add3A_53, %dma_wait3A_105] : memref<10240x128xf32, #tpu.memory_space<vmem_shared>> -> memref<128x128xf32, #tpu.memory_space<vmem_shared>>
      tpu.wait_dma2 semaphore(%run_scoped3A_100 : memref<!tpu.dma_semaphore, #tpu.memory_space<semaphore_mem>>) src(%arg6 : memref<128x128xf32, #tpu.memory_space<vmem>>) dst(%dma_wait3A_106 : memref<128x128xf32, #tpu.memory_space<vmem_shared>>)
      tpu.yield
    }) : () -> ()
    %mul3A_54 = arith.constant 640 : i32
    %mul3A_55 = arith.muli %arg1, %mul3A_54 : i32
    %add3A_56 = arith.constant 384 : i32
    %add3A_57 = arith.addi %mul3A_55, %add3A_56 : i32
    "tpu.region"() ({
      %run_scoped3A_100 = tpu.sem_alloc : memref<!tpu.dma_semaphore, #tpu.memory_space<semaphore_mem>>
      %dma_start3A = arith.constant 0 : i32
      %dma_start3A_101 = tpu.memref_slice %arg7[%add3A_57, %dma_start3A] : memref<10240x128xf32, #tpu.memory_space<vmem_shared>> -> memref<128x128xf32, #tpu.memory_space<vmem_shared>>
      %dma_start3A_102 = arith.constant 0 : i32
      %dma_start3A_103 = tpu.memref_slice %arg7[%add3A_57, %dma_start3A_102] : memref<10240x128xf32, #tpu.memory_space<vmem_shared>> -> memref<128x128xf32, #tpu.memory_space<vmem_shared>>
      tpu.enqueue_dma source(%arg6 : memref<128x128xf32, #tpu.memory_space<vmem>>) target(%dma_start3A_103 : memref<128x128xf32, #tpu.memory_space<vmem_shared>>) target_semaphore(%run_scoped3A_100 : memref<!tpu.dma_semaphore, #tpu.memory_space<semaphore_mem>>)
      %dma_wait3A = arith.constant 0 : i32
      %dma_wait3A_104 = tpu.memref_slice %arg7[%add3A_57, %dma_wait3A] : memref<10240x128xf32, #tpu.memory_space<vmem_shared>> -> memref<128x128xf32, #tpu.memory_space<vmem_shared>>
      %dma_wait3A_105 = arith.constant 0 : i32
      %dma_wait3A_106 = tpu.memref_slice %arg7[%add3A_57, %dma_wait3A_105] : memref<10240x128xf32, #tpu.memory_space<vmem_shared>> -> memref<128x128xf32, #tpu.memory_space<vmem_shared>>
      tpu.wait_dma2 semaphore(%run_scoped3A_100 : memref<!tpu.dma_semaphore, #tpu.memory_space<semaphore_mem>>) src(%arg6 : memref<128x128xf32, #tpu.memory_space<vmem>>) dst(%dma_wait3A_106 : memref<128x128xf32, #tpu.memory_space<vmem_shared>>)
      tpu.yield
    }) : () -> ()
    %mul3A_58 = arith.constant 640 : i32
    %mul3A_59 = arith.muli %arg1, %mul3A_58 : i32
    %add3A_60 = arith.constant 512 : i32
    %add3A_61 = arith.addi %mul3A_59, %add3A_60 : i32
    "tpu.region"() ({
      %run_scoped3A_100 = tpu.sem_alloc : memref<!tpu.dma_semaphore, #tpu.memory_space<semaphore_mem>>
      %dma_start3A = arith.constant 0 : i32
      %dma_start3A_101 = tpu.memref_slice %arg7[%add3A_61, %dma_start3A] : memref<10240x128xf32, #tpu.memory_space<vmem_shared>> -> memref<128x128xf32, #tpu.memory_space<vmem_shared>>
      %dma_start3A_102 = arith.constant 0 : i32
      %dma_start3A_103 = tpu.memref_slice %arg7[%add3A_61, %dma_start3A_102] : memref<10240x128xf32, #tpu.memory_space<vmem_shared>> -> memref<128x128xf32, #tpu.memory_space<vmem_shared>>
      tpu.enqueue_dma source(%arg6 : memref<128x128xf32, #tpu.memory_space<vmem>>) target(%dma_start3A_103 : memref<128x128xf32, #tpu.memory_space<vmem_shared>>) target_semaphore(%run_scoped3A_100 : memref<!tpu.dma_semaphore, #tpu.memory_space<semaphore_mem>>)
      %dma_wait3A = arith.constant 0 : i32
      %dma_wait3A_104 = tpu.memref_slice %arg7[%add3A_61, %dma_wait3A] : memref<10240x128xf32, #tpu.memory_space<vmem_shared>> -> memref<128x128xf32, #tpu.memory_space<vmem_shared>>
      %dma_wait3A_105 = arith.constant 0 : i32
      %dma_wait3A_106 = tpu.memref_slice %arg7[%add3A_61, %dma_wait3A_105] : memref<10240x128xf32, #tpu.memory_space<vmem_shared>> -> memref<128x128xf32, #tpu.memory_space<vmem_shared>>
      tpu.wait_dma2 semaphore(%run_scoped3A_100 : memref<!tpu.dma_semaphore, #tpu.memory_space<semaphore_mem>>) src(%arg6 : memref<128x128xf32, #tpu.memory_space<vmem>>) dst(%dma_wait3A_106 : memref<128x128xf32, #tpu.memory_space<vmem_shared>>)
      tpu.yield
    }) : () -> ()
    %barrier3A_62 = arith.constant 0 : index
    tpu.barrier barrier_id(%barrier3A_62)
    %scan3A_63 = arith.constant 0 : i32
    %scan3A_64 = arith.constant 40 : i32
    %scan3A_65 = arith.addi %scan3A_63, %scan3A_64 : i32
    %scan3A_66 = arith.constant 1 : i32
    scf.for %scan3A_100 = %scan3A_63 to %scan3A_65 step %scan3A_66  : i32 {
      %mul3A_101 = arith.constant 32 : i32
      %mul3A_102 = arith.muli %scan3A_100, %mul3A_101 : i32
      %add3A_103 = arith.addi %mul3A_102, %add3A : i32
      %mul3A_104 = arith.constant 128 : i32
      %mul3A_105 = arith.muli %add3A_103, %mul3A_104 : i32
      %add3A_106 = arith.constant 163840 : i32
      %add3A_107 = arith.addi %add3A_106, %mul3A_105 : i32
      "tpu.region"() ({
        %run_scoped3A_108 = tpu.sem_alloc : memref<!tpu.dma_semaphore, #tpu.memory_space<semaphore_mem>>
        %dma_start3A = tpu.memref_slice %arg2[%add3A_107] : memref<491520xi32, #tpu.memory_space<hbm>> -> memref<128xi32, #tpu.memory_space<hbm>>
        %dma_start3A_109 = tpu.memref_slice %arg2[%add3A_107] : memref<491520xi32, #tpu.memory_space<hbm>> -> memref<128xi32, #tpu.memory_space<hbm>>
        tpu.enqueue_dma source(%dma_start3A_109 : memref<128xi32, #tpu.memory_space<hbm>>) target(%arg4 : memref<128xi32, #tpu.memory_space<vmem>>) target_semaphore(%run_scoped3A_108 : memref<!tpu.dma_semaphore, #tpu.memory_space<semaphore_mem>>)
        %dma_wait3A = tpu.memref_slice %arg2[%add3A_107] : memref<491520xi32, #tpu.memory_space<hbm>> -> memref<128xi32, #tpu.memory_space<hbm>>
        %dma_wait3A_110 = tpu.memref_slice %arg2[%add3A_107] : memref<491520xi32, #tpu.memory_space<hbm>> -> memref<128xi32, #tpu.memory_space<hbm>>
        tpu.wait_dma2 semaphore(%run_scoped3A_108 : memref<!tpu.dma_semaphore, #tpu.memory_space<semaphore_mem>>) src(%dma_wait3A_110 : memref<128xi32, #tpu.memory_space<hbm>>) dst(%arg4 : memref<128xi32, #tpu.memory_space<vmem>>)
        tpu.yield
      }) : () -> ()
      "tpu.region"() ({
        %run_scoped3A_108 = tpu.sem_alloc : memref<!tpu.dma_semaphore, #tpu.memory_space<semaphore_mem>>
        %dma_start3A = arith.constant 0 : i32
        %dma_start3A_109 = arith.constant 0 : i32
        %dma_start3A_110 = tpu.memref_slice %arg7[%dma_start3A, %dma_start3A_109] : memref<10240x128xf32, #tpu.memory_space<vmem_shared>> -> memref<10240x128xf32, #tpu.memory_space<vmem_shared>>
        tpu.enqueue_indirect_dma source(%arg5 : memref<128x128xf32, #tpu.memory_space<vmem>>) target(%dma_start3A_110 : memref<10240x128xf32, #tpu.memory_space<vmem_shared>>) offsets(%arg4 : memref<128xi32, #tpu.memory_space<vmem>>) semaphore(%run_scoped3A_108 : memref<!tpu.dma_semaphore, #tpu.memory_space<semaphore_mem>>) {add = true}
        %dma_wait3A = arith.constant 0 : i32
        %dma_wait3A_111 = arith.constant 0 : i32
        %dma_wait3A_112 = tpu.memref_slice %arg7[%dma_wait3A, %dma_wait3A_111] : memref<10240x128xf32, #tpu.memory_space<vmem_shared>> -> memref<10240x128xf32, #tpu.memory_space<vmem_shared>>
        tpu.wait_indirect_dma semaphore(%run_scoped3A_108 : memref<!tpu.dma_semaphore, #tpu.memory_space<semaphore_mem>>) src(%arg5 : memref<128x128xf32, #tpu.memory_space<vmem>>) dst(%dma_wait3A_112 : memref<10240x128xf32, #tpu.memory_space<vmem_shared>>)
        tpu.yield
      }) : () -> ()
    }
    %scan3A_67 = arith.constant 40 : i32
    %barrier3A_68 = arith.constant 0 : index
    tpu.barrier barrier_id(%barrier3A_68)
    %run_scoped3A_69 = arith.constant 1 : i32
    "tpu.region"() ({
      %run_scoped3A_100 = tpu.sem_alloc : memref<!tpu.dma_semaphore, #tpu.memory_space<semaphore_mem>>
      %dma_start3A = arith.constant 0 : i32
      %dma_start3A_101 = tpu.memref_slice %arg3[%arg0, %run_scoped3A_69, %mul3A_12, %dma_start3A] : memref<2x3x10240x128xf32, #tpu.memory_space<hbm>> -> memref<1x1x640x128xf32, #tpu.memory_space<hbm>>
      %dma_start3A_102 = tpu.memref_squeeze %dma_start3A_101 : memref<1x1x640x128xf32, #tpu.memory_space<hbm>> -> memref<640x128xf32, #tpu.memory_space<hbm>>
      %dma_start3A_103 = arith.constant 0 : i32
      %dma_start3A_104 = tpu.memref_slice %arg7[%mul3A_12, %dma_start3A_103] : memref<10240x128xf32, #tpu.memory_space<vmem_shared>> -> memref<640x128xf32, #tpu.memory_space<vmem_shared>>
      tpu.enqueue_dma source(%dma_start3A_104 : memref<640x128xf32, #tpu.memory_space<vmem_shared>>) target(%dma_start3A_102 : memref<640x128xf32, #tpu.memory_space<hbm>>) target_semaphore(%run_scoped3A_100 : memref<!tpu.dma_semaphore, #tpu.memory_space<semaphore_mem>>)
      %dma_wait3A = arith.constant 0 : i32
      %dma_wait3A_105 = tpu.memref_slice %arg3[%arg0, %run_scoped3A_69, %mul3A_12, %dma_wait3A] : memref<2x3x10240x128xf32, #tpu.memory_space<hbm>> -> memref<1x1x640x128xf32, #tpu.memory_space<hbm>>
      %dma_wait3A_106 = tpu.memref_squeeze %dma_wait3A_105 : memref<1x1x640x128xf32, #tpu.memory_space<hbm>> -> memref<640x128xf32, #tpu.memory_space<hbm>>
      %dma_wait3A_107 = arith.constant 0 : i32
      %dma_wait3A_108 = tpu.memref_slice %arg7[%mul3A_12, %dma_wait3A_107] : memref<10240x128xf32, #tpu.memory_space<vmem_shared>> -> memref<640x128xf32, #tpu.memory_space<vmem_shared>>
      tpu.wait_dma2 semaphore(%run_scoped3A_100 : memref<!tpu.dma_semaphore, #tpu.memory_space<semaphore_mem>>) src(%dma_wait3A_108 : memref<640x128xf32, #tpu.memory_space<vmem_shared>>) dst(%dma_wait3A_106 : memref<640x128xf32, #tpu.memory_space<hbm>>)
      tpu.yield
    }) : () -> ()
    %barrier3A_70 = arith.constant 0 : index
    tpu.barrier barrier_id(%barrier3A_70)
    %mul3A_71 = arith.constant 640 : i32
    %mul3A_72 = arith.muli %arg1, %mul3A_71 : i32
    %add3A_73 = arith.constant 0 : i32
    %add3A_74 = arith.addi %mul3A_72, %add3A_73 : i32
    "tpu.region"() ({
      %run_scoped3A_100 = tpu.sem_alloc : memref<!tpu.dma_semaphore, #tpu.memory_space<semaphore_mem>>
      %dma_start3A = arith.constant 0 : i32
      %dma_start3A_101 = tpu.memref_slice %arg7[%add3A_74, %dma_start3A] : memref<10240x128xf32, #tpu.memory_space<vmem_shared>> -> memref<128x128xf32, #tpu.memory_space<vmem_shared>>
      %dma_start3A_102 = arith.constant 0 : i32
      %dma_start3A_103 = tpu.memref_slice %arg7[%add3A_74, %dma_start3A_102] : memref<10240x128xf32, #tpu.memory_space<vmem_shared>> -> memref<128x128xf32, #tpu.memory_space<vmem_shared>>
      tpu.enqueue_dma source(%arg6 : memref<128x128xf32, #tpu.memory_space<vmem>>) target(%dma_start3A_103 : memref<128x128xf32, #tpu.memory_space<vmem_shared>>) target_semaphore(%run_scoped3A_100 : memref<!tpu.dma_semaphore, #tpu.memory_space<semaphore_mem>>)
      %dma_wait3A = arith.constant 0 : i32
      %dma_wait3A_104 = tpu.memref_slice %arg7[%add3A_74, %dma_wait3A] : memref<10240x128xf32, #tpu.memory_space<vmem_shared>> -> memref<128x128xf32, #tpu.memory_space<vmem_shared>>
      %dma_wait3A_105 = arith.constant 0 : i32
      %dma_wait3A_106 = tpu.memref_slice %arg7[%add3A_74, %dma_wait3A_105] : memref<10240x128xf32, #tpu.memory_space<vmem_shared>> -> memref<128x128xf32, #tpu.memory_space<vmem_shared>>
      tpu.wait_dma2 semaphore(%run_scoped3A_100 : memref<!tpu.dma_semaphore, #tpu.memory_space<semaphore_mem>>) src(%arg6 : memref<128x128xf32, #tpu.memory_space<vmem>>) dst(%dma_wait3A_106 : memref<128x128xf32, #tpu.memory_space<vmem_shared>>)
      tpu.yield
    }) : () -> ()
    %mul3A_75 = arith.constant 640 : i32
    %mul3A_76 = arith.muli %arg1, %mul3A_75 : i32
    %add3A_77 = arith.constant 128 : i32
    %add3A_78 = arith.addi %mul3A_76, %add3A_77 : i32
    "tpu.region"() ({
      %run_scoped3A_100 = tpu.sem_alloc : memref<!tpu.dma_semaphore, #tpu.memory_space<semaphore_mem>>
      %dma_start3A = arith.constant 0 : i32
      %dma_start3A_101 = tpu.memref_slice %arg7[%add3A_78, %dma_start3A] : memref<10240x128xf32, #tpu.memory_space<vmem_shared>> -> memref<128x128xf32, #tpu.memory_space<vmem_shared>>
      %dma_start3A_102 = arith.constant 0 : i32
      %dma_start3A_103 = tpu.memref_slice %arg7[%add3A_78, %dma_start3A_102] : memref<10240x128xf32, #tpu.memory_space<vmem_shared>> -> memref<128x128xf32, #tpu.memory_space<vmem_shared>>
      tpu.enqueue_dma source(%arg6 : memref<128x128xf32, #tpu.memory_space<vmem>>) target(%dma_start3A_103 : memref<128x128xf32, #tpu.memory_space<vmem_shared>>) target_semaphore(%run_scoped3A_100 : memref<!tpu.dma_semaphore, #tpu.memory_space<semaphore_mem>>)
      %dma_wait3A = arith.constant 0 : i32
      %dma_wait3A_104 = tpu.memref_slice %arg7[%add3A_78, %dma_wait3A] : memref<10240x128xf32, #tpu.memory_space<vmem_shared>> -> memref<128x128xf32, #tpu.memory_space<vmem_shared>>
      %dma_wait3A_105 = arith.constant 0 : i32
      %dma_wait3A_106 = tpu.memref_slice %arg7[%add3A_78, %dma_wait3A_105] : memref<10240x128xf32, #tpu.memory_space<vmem_shared>> -> memref<128x128xf32, #tpu.memory_space<vmem_shared>>
      tpu.wait_dma2 semaphore(%run_scoped3A_100 : memref<!tpu.dma_semaphore, #tpu.memory_space<semaphore_mem>>) src(%arg6 : memref<128x128xf32, #tpu.memory_space<vmem>>) dst(%dma_wait3A_106 : memref<128x128xf32, #tpu.memory_space<vmem_shared>>)
      tpu.yield
    }) : () -> ()
    %mul3A_79 = arith.constant 640 : i32
    %mul3A_80 = arith.muli %arg1, %mul3A_79 : i32
    %add3A_81 = arith.constant 256 : i32
    %add3A_82 = arith.addi %mul3A_80, %add3A_81 : i32
    "tpu.region"() ({
      %run_scoped3A_100 = tpu.sem_alloc : memref<!tpu.dma_semaphore, #tpu.memory_space<semaphore_mem>>
      %dma_start3A = arith.constant 0 : i32
      %dma_start3A_101 = tpu.memref_slice %arg7[%add3A_82, %dma_start3A] : memref<10240x128xf32, #tpu.memory_space<vmem_shared>> -> memref<128x128xf32, #tpu.memory_space<vmem_shared>>
      %dma_start3A_102 = arith.constant 0 : i32
      %dma_start3A_103 = tpu.memref_slice %arg7[%add3A_82, %dma_start3A_102] : memref<10240x128xf32, #tpu.memory_space<vmem_shared>> -> memref<128x128xf32, #tpu.memory_space<vmem_shared>>
      tpu.enqueue_dma source(%arg6 : memref<128x128xf32, #tpu.memory_space<vmem>>) target(%dma_start3A_103 : memref<128x128xf32, #tpu.memory_space<vmem_shared>>) target_semaphore(%run_scoped3A_100 : memref<!tpu.dma_semaphore, #tpu.memory_space<semaphore_mem>>)
      %dma_wait3A = arith.constant 0 : i32
      %dma_wait3A_104 = tpu.memref_slice %arg7[%add3A_82, %dma_wait3A] : memref<10240x128xf32, #tpu.memory_space<vmem_shared>> -> memref<128x128xf32, #tpu.memory_space<vmem_shared>>
      %dma_wait3A_105 = arith.constant 0 : i32
      %dma_wait3A_106 = tpu.memref_slice %arg7[%add3A_82, %dma_wait3A_105] : memref<10240x128xf32, #tpu.memory_space<vmem_shared>> -> memref<128x128xf32, #tpu.memory_space<vmem_shared>>
      tpu.wait_dma2 semaphore(%run_scoped3A_100 : memref<!tpu.dma_semaphore, #tpu.memory_space<semaphore_mem>>) src(%arg6 : memref<128x128xf32, #tpu.memory_space<vmem>>) dst(%dma_wait3A_106 : memref<128x128xf32, #tpu.memory_space<vmem_shared>>)
      tpu.yield
    }) : () -> ()
    %mul3A_83 = arith.constant 640 : i32
    %mul3A_84 = arith.muli %arg1, %mul3A_83 : i32
    %add3A_85 = arith.constant 384 : i32
    %add3A_86 = arith.addi %mul3A_84, %add3A_85 : i32
    "tpu.region"() ({
      %run_scoped3A_100 = tpu.sem_alloc : memref<!tpu.dma_semaphore, #tpu.memory_space<semaphore_mem>>
      %dma_start3A = arith.constant 0 : i32
      %dma_start3A_101 = tpu.memref_slice %arg7[%add3A_86, %dma_start3A] : memref<10240x128xf32, #tpu.memory_space<vmem_shared>> -> memref<128x128xf32, #tpu.memory_space<vmem_shared>>
      %dma_start3A_102 = arith.constant 0 : i32
      %dma_start3A_103 = tpu.memref_slice %arg7[%add3A_86, %dma_start3A_102] : memref<10240x128xf32, #tpu.memory_space<vmem_shared>> -> memref<128x128xf32, #tpu.memory_space<vmem_shared>>
      tpu.enqueue_dma source(%arg6 : memref<128x128xf32, #tpu.memory_space<vmem>>) target(%dma_start3A_103 : memref<128x128xf32, #tpu.memory_space<vmem_shared>>) target_semaphore(%run_scoped3A_100 : memref<!tpu.dma_semaphore, #tpu.memory_space<semaphore_mem>>)
      %dma_wait3A = arith.constant 0 : i32
      %dma_wait3A_104 = tpu.memref_slice %arg7[%add3A_86, %dma_wait3A] : memref<10240x128xf32, #tpu.memory_space<vmem_shared>> -> memref<128x128xf32, #tpu.memory_space<vmem_shared>>
      %dma_wait3A_105 = arith.constant 0 : i32
      %dma_wait3A_106 = tpu.memref_slice %arg7[%add3A_86, %dma_wait3A_105] : memref<10240x128xf32, #tpu.memory_space<vmem_shared>> -> memref<128x128xf32, #tpu.memory_space<vmem_shared>>
      tpu.wait_dma2 semaphore(%run_scoped3A_100 : memref<!tpu.dma_semaphore, #tpu.memory_space<semaphore_mem>>) src(%arg6 : memref<128x128xf32, #tpu.memory_space<vmem>>) dst(%dma_wait3A_106 : memref<128x128xf32, #tpu.memory_space<vmem_shared>>)
      tpu.yield
    }) : () -> ()
    %mul3A_87 = arith.constant 640 : i32
    %mul3A_88 = arith.muli %arg1, %mul3A_87 : i32
    %add3A_89 = arith.constant 512 : i32
    %add3A_90 = arith.addi %mul3A_88, %add3A_89 : i32
    "tpu.region"() ({
      %run_scoped3A_100 = tpu.sem_alloc : memref<!tpu.dma_semaphore, #tpu.memory_space<semaphore_mem>>
      %dma_start3A = arith.constant 0 : i32
      %dma_start3A_101 = tpu.memref_slice %arg7[%add3A_90, %dma_start3A] : memref<10240x128xf32, #tpu.memory_space<vmem_shared>> -> memref<128x128xf32, #tpu.memory_space<vmem_shared>>
      %dma_start3A_102 = arith.constant 0 : i32
      %dma_start3A_103 = tpu.memref_slice %arg7[%add3A_90, %dma_start3A_102] : memref<10240x128xf32, #tpu.memory_space<vmem_shared>> -> memref<128x128xf32, #tpu.memory_space<vmem_shared>>
      tpu.enqueue_dma source(%arg6 : memref<128x128xf32, #tpu.memory_space<vmem>>) target(%dma_start3A_103 : memref<128x128xf32, #tpu.memory_space<vmem_shared>>) target_semaphore(%run_scoped3A_100 : memref<!tpu.dma_semaphore, #tpu.memory_space<semaphore_mem>>)
      %dma_wait3A = arith.constant 0 : i32
      %dma_wait3A_104 = tpu.memref_slice %arg7[%add3A_90, %dma_wait3A] : memref<10240x128xf32, #tpu.memory_space<vmem_shared>> -> memref<128x128xf32, #tpu.memory_space<vmem_shared>>
      %dma_wait3A_105 = arith.constant 0 : i32
      %dma_wait3A_106 = tpu.memref_slice %arg7[%add3A_90, %dma_wait3A_105] : memref<10240x128xf32, #tpu.memory_space<vmem_shared>> -> memref<128x128xf32, #tpu.memory_space<vmem_shared>>
      tpu.wait_dma2 semaphore(%run_scoped3A_100 : memref<!tpu.dma_semaphore, #tpu.memory_space<semaphore_mem>>) src(%arg6 : memref<128x128xf32, #tpu.memory_space<vmem>>) dst(%dma_wait3A_106 : memref<128x128xf32, #tpu.memory_space<vmem_shared>>)
      tpu.yield
    }) : () -> ()
    %barrier3A_91 = arith.constant 0 : index
    tpu.barrier barrier_id(%barrier3A_91)
    %scan3A_92 = arith.constant 0 : i32
    %scan3A_93 = arith.constant 40 : i32
    %scan3A_94 = arith.addi %scan3A_92, %scan3A_93 : i32
    %scan3A_95 = arith.constant 1 : i32
    scf.for %scan3A_100 = %scan3A_92 to %scan3A_94 step %scan3A_95  : i32 {
      %mul3A_101 = arith.constant 32 : i32
      %mul3A_102 = arith.muli %scan3A_100, %mul3A_101 : i32
      %add3A_103 = arith.addi %mul3A_102, %add3A : i32
      %mul3A_104 = arith.constant 128 : i32
      %mul3A_105 = arith.muli %add3A_103, %mul3A_104 : i32
      %add3A_106 = arith.constant 327680 : i32
      %add3A_107 = arith.addi %add3A_106, %mul3A_105 : i32
      "tpu.region"() ({
        %run_scoped3A_108 = tpu.sem_alloc : memref<!tpu.dma_semaphore, #tpu.memory_space<semaphore_mem>>
        %dma_start3A = tpu.memref_slice %arg2[%add3A_107] : memref<491520xi32, #tpu.memory_space<hbm>> -> memref<128xi32, #tpu.memory_space<hbm>>
        %dma_start3A_109 = tpu.memref_slice %arg2[%add3A_107] : memref<491520xi32, #tpu.memory_space<hbm>> -> memref<128xi32, #tpu.memory_space<hbm>>
        tpu.enqueue_dma source(%dma_start3A_109 : memref<128xi32, #tpu.memory_space<hbm>>) target(%arg4 : memref<128xi32, #tpu.memory_space<vmem>>) target_semaphore(%run_scoped3A_108 : memref<!tpu.dma_semaphore, #tpu.memory_space<semaphore_mem>>)
        %dma_wait3A = tpu.memref_slice %arg2[%add3A_107] : memref<491520xi32, #tpu.memory_space<hbm>> -> memref<128xi32, #tpu.memory_space<hbm>>
        %dma_wait3A_110 = tpu.memref_slice %arg2[%add3A_107] : memref<491520xi32, #tpu.memory_space<hbm>> -> memref<128xi32, #tpu.memory_space<hbm>>
        tpu.wait_dma2 semaphore(%run_scoped3A_108 : memref<!tpu.dma_semaphore, #tpu.memory_space<semaphore_mem>>) src(%dma_wait3A_110 : memref<128xi32, #tpu.memory_space<hbm>>) dst(%arg4 : memref<128xi32, #tpu.memory_space<vmem>>)
        tpu.yield
      }) : () -> ()
      "tpu.region"() ({
        %run_scoped3A_108 = tpu.sem_alloc : memref<!tpu.dma_semaphore, #tpu.memory_space<semaphore_mem>>
        %dma_start3A = arith.constant 0 : i32
        %dma_start3A_109 = arith.constant 0 : i32
        %dma_start3A_110 = tpu.memref_slice %arg7[%dma_start3A, %dma_start3A_109] : memref<10240x128xf32, #tpu.memory_space<vmem_shared>> -> memref<10240x128xf32, #tpu.memory_space<vmem_shared>>
        tpu.enqueue_indirect_dma source(%arg5 : memref<128x128xf32, #tpu.memory_space<vmem>>) target(%dma_start3A_110 : memref<10240x128xf32, #tpu.memory_space<vmem_shared>>) offsets(%arg4 : memref<128xi32, #tpu.memory_space<vmem>>) semaphore(%run_scoped3A_108 : memref<!tpu.dma_semaphore, #tpu.memory_space<semaphore_mem>>) {add = true}
        %dma_wait3A = arith.constant 0 : i32
        %dma_wait3A_111 = arith.constant 0 : i32
        %dma_wait3A_112 = tpu.memref_slice %arg7[%dma_wait3A, %dma_wait3A_111] : memref<10240x128xf32, #tpu.memory_space<vmem_shared>> -> memref<10240x128xf32, #tpu.memory_space<vmem_shared>>
        tpu.wait_indirect_dma semaphore(%run_scoped3A_108 : memref<!tpu.dma_semaphore, #tpu.memory_space<semaphore_mem>>) src(%arg5 : memref<128x128xf32, #tpu.memory_space<vmem>>) dst(%dma_wait3A_112 : memref<10240x128xf32, #tpu.memory_space<vmem_shared>>)
        tpu.yield
      }) : () -> ()
    }
    %scan3A_96 = arith.constant 40 : i32
    %barrier3A_97 = arith.constant 0 : index
    tpu.barrier barrier_id(%barrier3A_97)
    %run_scoped3A_98 = arith.constant 2 : i32
    "tpu.region"() ({
      %run_scoped3A_100 = tpu.sem_alloc : memref<!tpu.dma_semaphore, #tpu.memory_space<semaphore_mem>>
      %dma_start3A = arith.constant 0 : i32
      %dma_start3A_101 = tpu.memref_slice %arg3[%arg0, %run_scoped3A_98, %mul3A_12, %dma_start3A] : memref<2x3x10240x128xf32, #tpu.memory_space<hbm>> -> memref<1x1x640x128xf32, #tpu.memory_space<hbm>>
      %dma_start3A_102 = tpu.memref_squeeze %dma_start3A_101 : memref<1x1x640x128xf32, #tpu.memory_space<hbm>> -> memref<640x128xf32, #tpu.memory_space<hbm>>
      %dma_start3A_103 = arith.constant 0 : i32
      %dma_start3A_104 = tpu.memref_slice %arg7[%mul3A_12, %dma_start3A_103] : memref<10240x128xf32, #tpu.memory_space<vmem_shared>> -> memref<640x128xf32, #tpu.memory_space<vmem_shared>>
      tpu.enqueue_dma source(%dma_start3A_104 : memref<640x128xf32, #tpu.memory_space<vmem_shared>>) target(%dma_start3A_102 : memref<640x128xf32, #tpu.memory_space<hbm>>) target_semaphore(%run_scoped3A_100 : memref<!tpu.dma_semaphore, #tpu.memory_space<semaphore_mem>>)
      %dma_wait3A = arith.constant 0 : i32
      %dma_wait3A_105 = tpu.memref_slice %arg3[%arg0, %run_scoped3A_98, %mul3A_12, %dma_wait3A] : memref<2x3x10240x128xf32, #tpu.memory_space<hbm>> -> memref<1x1x640x128xf32, #tpu.memory_space<hbm>>
      %dma_wait3A_106 = tpu.memref_squeeze %dma_wait3A_105 : memref<1x1x640x128xf32, #tpu.memory_space<hbm>> -> memref<640x128xf32, #tpu.memory_space<hbm>>
      %dma_wait3A_107 = arith.constant 0 : i32
      %dma_wait3A_108 = tpu.memref_slice %arg7[%mul3A_12, %dma_wait3A_107] : memref<10240x128xf32, #tpu.memory_space<vmem_shared>> -> memref<640x128xf32, #tpu.memory_space<vmem_shared>>
      tpu.wait_dma2 semaphore(%run_scoped3A_100 : memref<!tpu.dma_semaphore, #tpu.memory_space<semaphore_mem>>) src(%dma_wait3A_108 : memref<640x128xf32, #tpu.memory_space<vmem_shared>>) dst(%dma_wait3A_106 : memref<640x128xf32, #tpu.memory_space<hbm>>)
      tpu.yield
    }) : () -> ()
    %barrier3A_99 = arith.constant 0 : index
    tpu.barrier barrier_id(%barrier3A_99)
    return
  }
}

#map = affine_map<(d0, d1) -> (0, 0)>
#map1 = affine_map<(d0, d1) -> (0, 0, 0)>
#map2 = affine_map<(d0, d1) -> (0, 0, 0, 0)>
module attributes {stable_mosaic.version = 14 : i64} {
  func.func @_agg_body(%arg0: i32, %arg1: i32, %arg2: memref<61440x128xf32, #tpu.memory_space<hbm>>, %arg3: memref<96x160x128xi32, #tpu.memory_space<hbm>>, %arg4: memref<3x2x10240x128xf32, #tpu.memory_space<hbm>>, %arg5: memref<80x128xi32, #tpu.memory_space<vmem>>, %arg6: memref<128x128xf32, #tpu.memory_space<vmem>>, %arg7: memref<128x128xf32, #tpu.memory_space<vmem>>, %arg8: memref<!tpu.dma_semaphore, #tpu.memory_space<semaphore_mem>>, %arg9: memref<!tpu.dma_semaphore, #tpu.memory_space<semaphore_mem>>, %arg10: memref<10240x128xf32, #tpu.memory_space<vmem_shared>>) attributes {dimension_semantics = [#tpu.dimension_semantics<core_parallel>, #tpu.dimension_semantics<subcore_parallel>], iteration_bounds = array<i64: 2, 16>, scalar_prefetch = 0 : i64, scratch_operands = 6 : i64, tpu.core_type = #tpu.core_type<sc_vector_subcore>, window_params = [{transform_indices = #map}, {transform_indices = #map1}, {transform_indices = #map2}]} {
    %mul3A = arith.constant 640 : i32
    %mul3A_0 = arith.muli %arg1, %mul3A : i32
    %add3A = arith.constant 0 : i32
    %add3A_1 = arith.addi %add3A, %arg0 : i32
    %mul3A_2 = arith.constant 10240 : i32
    %mul3A_3 = arith.muli %add3A_1, %mul3A_2 : i32
    %mul3A_4 = arith.constant 640 : i32
    %mul3A_5 = arith.muli %arg1, %mul3A_4 : i32
    %add3A_6 = arith.addi %mul3A_3, %mul3A_5 : i32
    "tpu.region"() ({
      %run_scoped3A_122 = tpu.sem_alloc : memref<!tpu.dma_semaphore, #tpu.memory_space<semaphore_mem>>
      %dma_start3A_123 = arith.constant 0 : i32
      %dma_start3A_124 = tpu.memref_slice %arg10[%mul3A_0, %dma_start3A_123] : memref<10240x128xf32, #tpu.memory_space<vmem_shared>> -> memref<640x128xf32, #tpu.memory_space<vmem_shared>>
      %dma_start3A_125 = arith.constant 0 : i32
      %dma_start3A_126 = tpu.memref_slice %arg2[%add3A_6, %dma_start3A_125] : memref<61440x128xf32, #tpu.memory_space<hbm>> -> memref<640x128xf32, #tpu.memory_space<hbm>>
      tpu.enqueue_dma source(%dma_start3A_126 : memref<640x128xf32, #tpu.memory_space<hbm>>) target(%dma_start3A_124 : memref<640x128xf32, #tpu.memory_space<vmem_shared>>) target_semaphore(%run_scoped3A_122 : memref<!tpu.dma_semaphore, #tpu.memory_space<semaphore_mem>>)
      %dma_wait3A = arith.constant 0 : i32
      %dma_wait3A_127 = tpu.memref_slice %arg10[%mul3A_0, %dma_wait3A] : memref<10240x128xf32, #tpu.memory_space<vmem_shared>> -> memref<640x128xf32, #tpu.memory_space<vmem_shared>>
      %dma_wait3A_128 = arith.constant 0 : i32
      %dma_wait3A_129 = tpu.memref_slice %arg2[%add3A_6, %dma_wait3A_128] : memref<61440x128xf32, #tpu.memory_space<hbm>> -> memref<640x128xf32, #tpu.memory_space<hbm>>
      tpu.wait_dma2 semaphore(%run_scoped3A_122 : memref<!tpu.dma_semaphore, #tpu.memory_space<semaphore_mem>>) src(%dma_wait3A_129 : memref<640x128xf32, #tpu.memory_space<hbm>>) dst(%dma_wait3A_127 : memref<640x128xf32, #tpu.memory_space<vmem_shared>>)
      tpu.yield
    }) : () -> ()
    %mul3A_7 = arith.constant 3 : i32
    %mul3A_8 = arith.muli %arg0, %mul3A_7 : i32
    %add3A_9 = arith.constant 0 : i32
    %add3A_10 = arith.addi %mul3A_8, %add3A_9 : i32
    %mul3A_11 = arith.constant 16 : i32
    %mul3A_12 = arith.muli %add3A_10, %mul3A_11 : i32
    %add3A_13 = arith.addi %mul3A_12, %arg1 : i32
    "tpu.region"() ({
      %run_scoped3A_122 = tpu.sem_alloc : memref<!tpu.dma_semaphore, #tpu.memory_space<semaphore_mem>>
      %dma_start3A_123 = arith.constant 0 : i32
      %dma_start3A_124 = arith.constant 0 : i32
      %dma_start3A_125 = tpu.memref_slice %arg3[%add3A_13, %dma_start3A_123, %dma_start3A_124] : memref<96x160x128xi32, #tpu.memory_space<hbm>> -> memref<1x80x128xi32, #tpu.memory_space<hbm>>
      %dma_start3A_126 = tpu.memref_squeeze %dma_start3A_125 : memref<1x80x128xi32, #tpu.memory_space<hbm>> -> memref<80x128xi32, #tpu.memory_space<hbm>>
      %dma_start3A_127 = arith.constant 0 : i32
      %dma_start3A_128 = arith.constant 0 : i32
      %dma_start3A_129 = tpu.memref_slice %arg3[%add3A_13, %dma_start3A_127, %dma_start3A_128] : memref<96x160x128xi32, #tpu.memory_space<hbm>> -> memref<1x80x128xi32, #tpu.memory_space<hbm>>
      %dma_start3A_130 = tpu.memref_squeeze %dma_start3A_129 : memref<1x80x128xi32, #tpu.memory_space<hbm>> -> memref<80x128xi32, #tpu.memory_space<hbm>>
      tpu.enqueue_dma source(%dma_start3A_130 : memref<80x128xi32, #tpu.memory_space<hbm>>) target(%arg5 : memref<80x128xi32, #tpu.memory_space<vmem>>) target_semaphore(%run_scoped3A_122 : memref<!tpu.dma_semaphore, #tpu.memory_space<semaphore_mem>>)
      %dma_wait3A = arith.constant 0 : i32
      %dma_wait3A_131 = arith.constant 0 : i32
      %dma_wait3A_132 = tpu.memref_slice %arg3[%add3A_13, %dma_wait3A, %dma_wait3A_131] : memref<96x160x128xi32, #tpu.memory_space<hbm>> -> memref<1x80x128xi32, #tpu.memory_space<hbm>>
      %dma_wait3A_133 = tpu.memref_squeeze %dma_wait3A_132 : memref<1x80x128xi32, #tpu.memory_space<hbm>> -> memref<80x128xi32, #tpu.memory_space<hbm>>
      %dma_wait3A_134 = arith.constant 0 : i32
      %dma_wait3A_135 = arith.constant 0 : i32
      %dma_wait3A_136 = tpu.memref_slice %arg3[%add3A_13, %dma_wait3A_134, %dma_wait3A_135] : memref<96x160x128xi32, #tpu.memory_space<hbm>> -> memref<1x80x128xi32, #tpu.memory_space<hbm>>
      %dma_wait3A_137 = tpu.memref_squeeze %dma_wait3A_136 : memref<1x80x128xi32, #tpu.memory_space<hbm>> -> memref<80x128xi32, #tpu.memory_space<hbm>>
      tpu.wait_dma2 semaphore(%run_scoped3A_122 : memref<!tpu.dma_semaphore, #tpu.memory_space<semaphore_mem>>) src(%dma_wait3A_137 : memref<80x128xi32, #tpu.memory_space<hbm>>) dst(%arg5 : memref<80x128xi32, #tpu.memory_space<vmem>>)
      tpu.yield
    }) : () -> ()
    %dma_start3A = arith.constant 0 : i32
    %dma_start3A_14 = arith.constant 0 : i32
    %dma_start3A_15 = tpu.memref_slice %arg5[%dma_start3A, %dma_start3A_14] : memref<80x128xi32, #tpu.memory_space<vmem>> -> memref<1x128xi32, #tpu.memory_space<vmem>>
    %dma_start3A_16 = tpu.memref_squeeze %dma_start3A_15 : memref<1x128xi32, #tpu.memory_space<vmem>> -> memref<128xi32, #tpu.memory_space<vmem>>
    %dma_start3A_17 = arith.constant 0 : i32
    %dma_start3A_18 = arith.constant 0 : i32
    %dma_start3A_19 = tpu.memref_slice %arg2[%dma_start3A_17, %dma_start3A_18] : memref<61440x128xf32, #tpu.memory_space<hbm>> -> memref<61440x128xf32, #tpu.memory_space<hbm>>
    tpu.enqueue_indirect_dma source(%dma_start3A_19 : memref<61440x128xf32, #tpu.memory_space<hbm>>) target(%arg6 : memref<128x128xf32, #tpu.memory_space<vmem>>) offsets(%dma_start3A_16 : memref<128xi32, #tpu.memory_space<vmem>>) semaphore(%arg8 : memref<!tpu.dma_semaphore, #tpu.memory_space<semaphore_mem>>)
    %barrier3A = arith.constant 0 : index
    tpu.barrier barrier_id(%barrier3A)
    %scan3A = arith.constant 0 : i32
    %scan3A_20 = arith.constant 20 : i32
    %scan3A_21 = arith.addi %scan3A, %scan3A_20 : i32
    %scan3A_22 = arith.constant 1 : i32
    scf.for %scan3A_122 = %scan3A to %scan3A_21 step %scan3A_22  : i32 {
      %mul3A_123 = arith.constant 2 : i32
      %mul3A_124 = arith.muli %mul3A_123, %scan3A_122 : i32
      %add3A_125 = arith.constant 0 : i32
      %add3A_126 = arith.addi %mul3A_124, %add3A_125 : i32
      %lt3A = arith.constant 39 : i32
      %lt3A_127 = arith.cmpi slt, %add3A_126, %lt3A : i32
      %convert_element_type3A = arith.extui %lt3A_127 : i1 to i32
      %cond3A = arith.constant 0 : i32
      %cond3A_128 = arith.cmpi ne, %convert_element_type3A, %cond3A : i32
      scf.if %cond3A_128 {
        %add3A_157 = arith.constant 1 : i32
        %add3A_158 = arith.addi %add3A_126, %add3A_157 : i32
        %mul3A_159 = arith.constant 2 : i32
        %mul3A_160 = arith.muli %mul3A_159, %add3A_158 : i32
        %dma_start3A_161 = arith.constant 0 : i32
        %dma_start3A_162 = tpu.memref_slice %arg5[%mul3A_160, %dma_start3A_161] : memref<80x128xi32, #tpu.memory_space<vmem>> -> memref<1x128xi32, #tpu.memory_space<vmem>>
        %dma_start3A_163 = tpu.memref_squeeze %dma_start3A_162 : memref<1x128xi32, #tpu.memory_space<vmem>> -> memref<128xi32, #tpu.memory_space<vmem>>
        %dma_start3A_164 = arith.constant 0 : i32
        %dma_start3A_165 = arith.constant 0 : i32
        %dma_start3A_166 = tpu.memref_slice %arg2[%dma_start3A_164, %dma_start3A_165] : memref<61440x128xf32, #tpu.memory_space<hbm>> -> memref<61440x128xf32, #tpu.memory_space<hbm>>
        tpu.enqueue_indirect_dma source(%dma_start3A_166 : memref<61440x128xf32, #tpu.memory_space<hbm>>) target(%arg7 : memref<128x128xf32, #tpu.memory_space<vmem>>) offsets(%dma_start3A_163 : memref<128xi32, #tpu.memory_space<vmem>>) semaphore(%arg9 : memref<!tpu.dma_semaphore, #tpu.memory_space<semaphore_mem>>)
      } else {
      }
      %dma_wait3A = arith.constant 0 : i32
      %dma_wait3A_129 = arith.constant 0 : i32
      %dma_wait3A_130 = tpu.memref_slice %arg2[%dma_wait3A, %dma_wait3A_129] : memref<61440x128xf32, #tpu.memory_space<hbm>> -> memref<128x128xf32, #tpu.memory_space<hbm>>
      %dma_wait3A_131 = arith.constant 0 : i32
      %dma_wait3A_132 = arith.constant 0 : i32
      %dma_wait3A_133 = tpu.memref_slice %arg2[%dma_wait3A_131, %dma_wait3A_132] : memref<61440x128xf32, #tpu.memory_space<hbm>> -> memref<128x128xf32, #tpu.memory_space<hbm>>
      tpu.wait_dma2 semaphore(%arg8 : memref<!tpu.dma_semaphore, #tpu.memory_space<semaphore_mem>>) src(%dma_wait3A_133 : memref<128x128xf32, #tpu.memory_space<hbm>>) dst(%arg6 : memref<128x128xf32, #tpu.memory_space<vmem>>)
      %mul3A_134 = arith.constant 2 : i32
      %mul3A_135 = arith.muli %mul3A_134, %add3A_126 : i32
      %add3A_136 = arith.constant 1 : i32
      %add3A_137 = arith.addi %mul3A_135, %add3A_136 : i32
      "tpu.region"() ({
        %run_scoped3A_157 = tpu.sem_alloc : memref<!tpu.dma_semaphore, #tpu.memory_space<semaphore_mem>>
        %dma_start3A_158 = arith.constant 0 : i32
        %dma_start3A_159 = tpu.memref_slice %arg5[%add3A_137, %dma_start3A_158] : memref<80x128xi32, #tpu.memory_space<vmem>> -> memref<1x128xi32, #tpu.memory_space<vmem>>
        %dma_start3A_160 = tpu.memref_squeeze %dma_start3A_159 : memref<1x128xi32, #tpu.memory_space<vmem>> -> memref<128xi32, #tpu.memory_space<vmem>>
        %dma_start3A_161 = arith.constant 0 : i32
        %dma_start3A_162 = arith.constant 0 : i32
        %dma_start3A_163 = tpu.memref_slice %arg10[%dma_start3A_161, %dma_start3A_162] : memref<10240x128xf32, #tpu.memory_space<vmem_shared>> -> memref<10240x128xf32, #tpu.memory_space<vmem_shared>>
        tpu.enqueue_indirect_dma source(%arg6 : memref<128x128xf32, #tpu.memory_space<vmem>>) target(%dma_start3A_163 : memref<10240x128xf32, #tpu.memory_space<vmem_shared>>) offsets(%dma_start3A_160 : memref<128xi32, #tpu.memory_space<vmem>>) semaphore(%run_scoped3A_157 : memref<!tpu.dma_semaphore, #tpu.memory_space<semaphore_mem>>) {add = true}
        %dma_wait3A_164 = arith.constant 0 : i32
        %dma_wait3A_165 = tpu.memref_slice %arg5[%add3A_137, %dma_wait3A_164] : memref<80x128xi32, #tpu.memory_space<vmem>> -> memref<1x128xi32, #tpu.memory_space<vmem>>
        %dma_wait3A_166 = tpu.memref_squeeze %dma_wait3A_165 : memref<1x128xi32, #tpu.memory_space<vmem>> -> memref<128xi32, #tpu.memory_space<vmem>>
        %dma_wait3A_167 = arith.constant 0 : i32
        %dma_wait3A_168 = arith.constant 0 : i32
        %dma_wait3A_169 = tpu.memref_slice %arg10[%dma_wait3A_167, %dma_wait3A_168] : memref<10240x128xf32, #tpu.memory_space<vmem_shared>> -> memref<10240x128xf32, #tpu.memory_space<vmem_shared>>
        tpu.wait_indirect_dma semaphore(%run_scoped3A_157 : memref<!tpu.dma_semaphore, #tpu.memory_space<semaphore_mem>>) src(%arg6 : memref<128x128xf32, #tpu.memory_space<vmem>>) dst(%dma_wait3A_169 : memref<10240x128xf32, #tpu.memory_space<vmem_shared>>)
        tpu.yield
      }) : () -> ()
      %mul3A_138 = arith.constant 2 : i32
      %mul3A_139 = arith.muli %mul3A_138, %scan3A_122 : i32
      %add3A_140 = arith.constant 1 : i32
      %add3A_141 = arith.addi %mul3A_139, %add3A_140 : i32
      %lt3A_142 = arith.constant 39 : i32
      %lt3A_143 = arith.cmpi slt, %add3A_141, %lt3A_142 : i32
      %convert_element_type3A_144 = arith.extui %lt3A_143 : i1 to i32
      %cond3A_145 = arith.constant 0 : i32
      %cond3A_146 = arith.cmpi ne, %convert_element_type3A_144, %cond3A_145 : i32
      scf.if %cond3A_146 {
        %add3A_157 = arith.constant 1 : i32
        %add3A_158 = arith.addi %add3A_141, %add3A_157 : i32
        %mul3A_159 = arith.constant 2 : i32
        %mul3A_160 = arith.muli %mul3A_159, %add3A_158 : i32
        %dma_start3A_161 = arith.constant 0 : i32
        %dma_start3A_162 = tpu.memref_slice %arg5[%mul3A_160, %dma_start3A_161] : memref<80x128xi32, #tpu.memory_space<vmem>> -> memref<1x128xi32, #tpu.memory_space<vmem>>
        %dma_start3A_163 = tpu.memref_squeeze %dma_start3A_162 : memref<1x128xi32, #tpu.memory_space<vmem>> -> memref<128xi32, #tpu.memory_space<vmem>>
        %dma_start3A_164 = arith.constant 0 : i32
        %dma_start3A_165 = arith.constant 0 : i32
        %dma_start3A_166 = tpu.memref_slice %arg2[%dma_start3A_164, %dma_start3A_165] : memref<61440x128xf32, #tpu.memory_space<hbm>> -> memref<61440x128xf32, #tpu.memory_space<hbm>>
        tpu.enqueue_indirect_dma source(%dma_start3A_166 : memref<61440x128xf32, #tpu.memory_space<hbm>>) target(%arg6 : memref<128x128xf32, #tpu.memory_space<vmem>>) offsets(%dma_start3A_163 : memref<128xi32, #tpu.memory_space<vmem>>) semaphore(%arg8 : memref<!tpu.dma_semaphore, #tpu.memory_space<semaphore_mem>>)
      } else {
      }
      %dma_wait3A_147 = arith.constant 0 : i32
      %dma_wait3A_148 = arith.constant 0 : i32
      %dma_wait3A_149 = tpu.memref_slice %arg2[%dma_wait3A_147, %dma_wait3A_148] : memref<61440x128xf32, #tpu.memory_space<hbm>> -> memref<128x128xf32, #tpu.memory_space<hbm>>
      %dma_wait3A_150 = arith.constant 0 : i32
      %dma_wait3A_151 = arith.constant 0 : i32
      %dma_wait3A_152 = tpu.memref_slice %arg2[%dma_wait3A_150, %dma_wait3A_151] : memref<61440x128xf32, #tpu.memory_space<hbm>> -> memref<128x128xf32, #tpu.memory_space<hbm>>
      tpu.wait_dma2 semaphore(%arg9 : memref<!tpu.dma_semaphore, #tpu.memory_space<semaphore_mem>>) src(%dma_wait3A_152 : memref<128x128xf32, #tpu.memory_space<hbm>>) dst(%arg7 : memref<128x128xf32, #tpu.memory_space<vmem>>)
      %mul3A_153 = arith.constant 2 : i32
      %mul3A_154 = arith.muli %mul3A_153, %add3A_141 : i32
      %add3A_155 = arith.constant 1 : i32
      %add3A_156 = arith.addi %mul3A_154, %add3A_155 : i32
      "tpu.region"() ({
        %run_scoped3A_157 = tpu.sem_alloc : memref<!tpu.dma_semaphore, #tpu.memory_space<semaphore_mem>>
        %dma_start3A_158 = arith.constant 0 : i32
        %dma_start3A_159 = tpu.memref_slice %arg5[%add3A_156, %dma_start3A_158] : memref<80x128xi32, #tpu.memory_space<vmem>> -> memref<1x128xi32, #tpu.memory_space<vmem>>
        %dma_start3A_160 = tpu.memref_squeeze %dma_start3A_159 : memref<1x128xi32, #tpu.memory_space<vmem>> -> memref<128xi32, #tpu.memory_space<vmem>>
        %dma_start3A_161 = arith.constant 0 : i32
        %dma_start3A_162 = arith.constant 0 : i32
        %dma_start3A_163 = tpu.memref_slice %arg10[%dma_start3A_161, %dma_start3A_162] : memref<10240x128xf32, #tpu.memory_space<vmem_shared>> -> memref<10240x128xf32, #tpu.memory_space<vmem_shared>>
        tpu.enqueue_indirect_dma source(%arg7 : memref<128x128xf32, #tpu.memory_space<vmem>>) target(%dma_start3A_163 : memref<10240x128xf32, #tpu.memory_space<vmem_shared>>) offsets(%dma_start3A_160 : memref<128xi32, #tpu.memory_space<vmem>>) semaphore(%run_scoped3A_157 : memref<!tpu.dma_semaphore, #tpu.memory_space<semaphore_mem>>) {add = true}
        %dma_wait3A_164 = arith.constant 0 : i32
        %dma_wait3A_165 = tpu.memref_slice %arg5[%add3A_156, %dma_wait3A_164] : memref<80x128xi32, #tpu.memory_space<vmem>> -> memref<1x128xi32, #tpu.memory_space<vmem>>
        %dma_wait3A_166 = tpu.memref_squeeze %dma_wait3A_165 : memref<1x128xi32, #tpu.memory_space<vmem>> -> memref<128xi32, #tpu.memory_space<vmem>>
        %dma_wait3A_167 = arith.constant 0 : i32
        %dma_wait3A_168 = arith.constant 0 : i32
        %dma_wait3A_169 = tpu.memref_slice %arg10[%dma_wait3A_167, %dma_wait3A_168] : memref<10240x128xf32, #tpu.memory_space<vmem_shared>> -> memref<10240x128xf32, #tpu.memory_space<vmem_shared>>
        tpu.wait_indirect_dma semaphore(%run_scoped3A_157 : memref<!tpu.dma_semaphore, #tpu.memory_space<semaphore_mem>>) src(%arg7 : memref<128x128xf32, #tpu.memory_space<vmem>>) dst(%dma_wait3A_169 : memref<10240x128xf32, #tpu.memory_space<vmem_shared>>)
        tpu.yield
      }) : () -> ()
    }
    %scan3A_23 = arith.constant 20 : i32
    "tpu.region"() ({
      %run_scoped3A_122 = tpu.sem_alloc : memref<!tpu.dma_semaphore, #tpu.memory_space<semaphore_mem>>
      %dma_start3A_123 = arith.constant 80 : i32
      %dma_start3A_124 = arith.constant 0 : i32
      %dma_start3A_125 = tpu.memref_slice %arg3[%add3A_13, %dma_start3A_123, %dma_start3A_124] : memref<96x160x128xi32, #tpu.memory_space<hbm>> -> memref<1x80x128xi32, #tpu.memory_space<hbm>>
      %dma_start3A_126 = tpu.memref_squeeze %dma_start3A_125 : memref<1x80x128xi32, #tpu.memory_space<hbm>> -> memref<80x128xi32, #tpu.memory_space<hbm>>
      %dma_start3A_127 = arith.constant 80 : i32
      %dma_start3A_128 = arith.constant 0 : i32
      %dma_start3A_129 = tpu.memref_slice %arg3[%add3A_13, %dma_start3A_127, %dma_start3A_128] : memref<96x160x128xi32, #tpu.memory_space<hbm>> -> memref<1x80x128xi32, #tpu.memory_space<hbm>>
      %dma_start3A_130 = tpu.memref_squeeze %dma_start3A_129 : memref<1x80x128xi32, #tpu.memory_space<hbm>> -> memref<80x128xi32, #tpu.memory_space<hbm>>
      tpu.enqueue_dma source(%dma_start3A_130 : memref<80x128xi32, #tpu.memory_space<hbm>>) target(%arg5 : memref<80x128xi32, #tpu.memory_space<vmem>>) target_semaphore(%run_scoped3A_122 : memref<!tpu.dma_semaphore, #tpu.memory_space<semaphore_mem>>)
      %dma_wait3A = arith.constant 80 : i32
      %dma_wait3A_131 = arith.constant 0 : i32
      %dma_wait3A_132 = tpu.memref_slice %arg3[%add3A_13, %dma_wait3A, %dma_wait3A_131] : memref<96x160x128xi32, #tpu.memory_space<hbm>> -> memref<1x80x128xi32, #tpu.memory_space<hbm>>
      %dma_wait3A_133 = tpu.memref_squeeze %dma_wait3A_132 : memref<1x80x128xi32, #tpu.memory_space<hbm>> -> memref<80x128xi32, #tpu.memory_space<hbm>>
      %dma_wait3A_134 = arith.constant 80 : i32
      %dma_wait3A_135 = arith.constant 0 : i32
      %dma_wait3A_136 = tpu.memref_slice %arg3[%add3A_13, %dma_wait3A_134, %dma_wait3A_135] : memref<96x160x128xi32, #tpu.memory_space<hbm>> -> memref<1x80x128xi32, #tpu.memory_space<hbm>>
      %dma_wait3A_137 = tpu.memref_squeeze %dma_wait3A_136 : memref<1x80x128xi32, #tpu.memory_space<hbm>> -> memref<80x128xi32, #tpu.memory_space<hbm>>
      tpu.wait_dma2 semaphore(%run_scoped3A_122 : memref<!tpu.dma_semaphore, #tpu.memory_space<semaphore_mem>>) src(%dma_wait3A_137 : memref<80x128xi32, #tpu.memory_space<hbm>>) dst(%arg5 : memref<80x128xi32, #tpu.memory_space<vmem>>)
      tpu.yield
    }) : () -> ()
    %dma_start3A_24 = arith.constant 0 : i32
    %dma_start3A_25 = arith.constant 0 : i32
    %dma_start3A_26 = tpu.memref_slice %arg5[%dma_start3A_24, %dma_start3A_25] : memref<80x128xi32, #tpu.memory_space<vmem>> -> memref<1x128xi32, #tpu.memory_space<vmem>>
    %dma_start3A_27 = tpu.memref_squeeze %dma_start3A_26 : memref<1x128xi32, #tpu.memory_space<vmem>> -> memref<128xi32, #tpu.memory_space<vmem>>
    %dma_start3A_28 = arith.constant 0 : i32
    %dma_start3A_29 = arith.constant 0 : i32
    %dma_start3A_30 = tpu.memref_slice %arg2[%dma_start3A_28, %dma_start3A_29] : memref<61440x128xf32, #tpu.memory_space<hbm>> -> memref<61440x128xf32, #tpu.memory_space<hbm>>
    tpu.enqueue_indirect_dma source(%dma_start3A_30 : memref<61440x128xf32, #tpu.memory_space<hbm>>) target(%arg6 : memref<128x128xf32, #tpu.memory_space<vmem>>) offsets(%dma_start3A_27 : memref<128xi32, #tpu.memory_space<vmem>>) semaphore(%arg8 : memref<!tpu.dma_semaphore, #tpu.memory_space<semaphore_mem>>)
    %scan3A_31 = arith.constant 0 : i32
    %scan3A_32 = arith.constant 20 : i32
    %scan3A_33 = arith.addi %scan3A_31, %scan3A_32 : i32
    %scan3A_34 = arith.constant 1 : i32
    scf.for %scan3A_122 = %scan3A_31 to %scan3A_33 step %scan3A_34  : i32 {
      %mul3A_123 = arith.constant 2 : i32
      %mul3A_124 = arith.muli %mul3A_123, %scan3A_122 : i32
      %add3A_125 = arith.constant 0 : i32
      %add3A_126 = arith.addi %mul3A_124, %add3A_125 : i32
      %lt3A = arith.constant 39 : i32
      %lt3A_127 = arith.cmpi slt, %add3A_126, %lt3A : i32
      %convert_element_type3A = arith.extui %lt3A_127 : i1 to i32
      %cond3A = arith.constant 0 : i32
      %cond3A_128 = arith.cmpi ne, %convert_element_type3A, %cond3A : i32
      scf.if %cond3A_128 {
        %add3A_157 = arith.constant 1 : i32
        %add3A_158 = arith.addi %add3A_126, %add3A_157 : i32
        %mul3A_159 = arith.constant 2 : i32
        %mul3A_160 = arith.muli %mul3A_159, %add3A_158 : i32
        %dma_start3A_161 = arith.constant 0 : i32
        %dma_start3A_162 = tpu.memref_slice %arg5[%mul3A_160, %dma_start3A_161] : memref<80x128xi32, #tpu.memory_space<vmem>> -> memref<1x128xi32, #tpu.memory_space<vmem>>
        %dma_start3A_163 = tpu.memref_squeeze %dma_start3A_162 : memref<1x128xi32, #tpu.memory_space<vmem>> -> memref<128xi32, #tpu.memory_space<vmem>>
        %dma_start3A_164 = arith.constant 0 : i32
        %dma_start3A_165 = arith.constant 0 : i32
        %dma_start3A_166 = tpu.memref_slice %arg2[%dma_start3A_164, %dma_start3A_165] : memref<61440x128xf32, #tpu.memory_space<hbm>> -> memref<61440x128xf32, #tpu.memory_space<hbm>>
        tpu.enqueue_indirect_dma source(%dma_start3A_166 : memref<61440x128xf32, #tpu.memory_space<hbm>>) target(%arg7 : memref<128x128xf32, #tpu.memory_space<vmem>>) offsets(%dma_start3A_163 : memref<128xi32, #tpu.memory_space<vmem>>) semaphore(%arg9 : memref<!tpu.dma_semaphore, #tpu.memory_space<semaphore_mem>>)
      } else {
      }
      %dma_wait3A = arith.constant 0 : i32
      %dma_wait3A_129 = arith.constant 0 : i32
      %dma_wait3A_130 = tpu.memref_slice %arg2[%dma_wait3A, %dma_wait3A_129] : memref<61440x128xf32, #tpu.memory_space<hbm>> -> memref<128x128xf32, #tpu.memory_space<hbm>>
      %dma_wait3A_131 = arith.constant 0 : i32
      %dma_wait3A_132 = arith.constant 0 : i32
      %dma_wait3A_133 = tpu.memref_slice %arg2[%dma_wait3A_131, %dma_wait3A_132] : memref<61440x128xf32, #tpu.memory_space<hbm>> -> memref<128x128xf32, #tpu.memory_space<hbm>>
      tpu.wait_dma2 semaphore(%arg8 : memref<!tpu.dma_semaphore, #tpu.memory_space<semaphore_mem>>) src(%dma_wait3A_133 : memref<128x128xf32, #tpu.memory_space<hbm>>) dst(%arg6 : memref<128x128xf32, #tpu.memory_space<vmem>>)
      %mul3A_134 = arith.constant 2 : i32
      %mul3A_135 = arith.muli %mul3A_134, %add3A_126 : i32
      %add3A_136 = arith.constant 1 : i32
      %add3A_137 = arith.addi %mul3A_135, %add3A_136 : i32
      "tpu.region"() ({
        %run_scoped3A_157 = tpu.sem_alloc : memref<!tpu.dma_semaphore, #tpu.memory_space<semaphore_mem>>
        %dma_start3A_158 = arith.constant 0 : i32
        %dma_start3A_159 = tpu.memref_slice %arg5[%add3A_137, %dma_start3A_158] : memref<80x128xi32, #tpu.memory_space<vmem>> -> memref<1x128xi32, #tpu.memory_space<vmem>>
        %dma_start3A_160 = tpu.memref_squeeze %dma_start3A_159 : memref<1x128xi32, #tpu.memory_space<vmem>> -> memref<128xi32, #tpu.memory_space<vmem>>
        %dma_start3A_161 = arith.constant 0 : i32
        %dma_start3A_162 = arith.constant 0 : i32
        %dma_start3A_163 = tpu.memref_slice %arg10[%dma_start3A_161, %dma_start3A_162] : memref<10240x128xf32, #tpu.memory_space<vmem_shared>> -> memref<10240x128xf32, #tpu.memory_space<vmem_shared>>
        tpu.enqueue_indirect_dma source(%arg6 : memref<128x128xf32, #tpu.memory_space<vmem>>) target(%dma_start3A_163 : memref<10240x128xf32, #tpu.memory_space<vmem_shared>>) offsets(%dma_start3A_160 : memref<128xi32, #tpu.memory_space<vmem>>) semaphore(%run_scoped3A_157 : memref<!tpu.dma_semaphore, #tpu.memory_space<semaphore_mem>>) {add = true}
        %dma_wait3A_164 = arith.constant 0 : i32
        %dma_wait3A_165 = tpu.memref_slice %arg5[%add3A_137, %dma_wait3A_164] : memref<80x128xi32, #tpu.memory_space<vmem>> -> memref<1x128xi32, #tpu.memory_space<vmem>>
        %dma_wait3A_166 = tpu.memref_squeeze %dma_wait3A_165 : memref<1x128xi32, #tpu.memory_space<vmem>> -> memref<128xi32, #tpu.memory_space<vmem>>
        %dma_wait3A_167 = arith.constant 0 : i32
        %dma_wait3A_168 = arith.constant 0 : i32
        %dma_wait3A_169 = tpu.memref_slice %arg10[%dma_wait3A_167, %dma_wait3A_168] : memref<10240x128xf32, #tpu.memory_space<vmem_shared>> -> memref<10240x128xf32, #tpu.memory_space<vmem_shared>>
        tpu.wait_indirect_dma semaphore(%run_scoped3A_157 : memref<!tpu.dma_semaphore, #tpu.memory_space<semaphore_mem>>) src(%arg6 : memref<128x128xf32, #tpu.memory_space<vmem>>) dst(%dma_wait3A_169 : memref<10240x128xf32, #tpu.memory_space<vmem_shared>>)
        tpu.yield
      }) : () -> ()
      %mul3A_138 = arith.constant 2 : i32
      %mul3A_139 = arith.muli %mul3A_138, %scan3A_122 : i32
      %add3A_140 = arith.constant 1 : i32
      %add3A_141 = arith.addi %mul3A_139, %add3A_140 : i32
      %lt3A_142 = arith.constant 39 : i32
      %lt3A_143 = arith.cmpi slt, %add3A_141, %lt3A_142 : i32
      %convert_element_type3A_144 = arith.extui %lt3A_143 : i1 to i32
      %cond3A_145 = arith.constant 0 : i32
      %cond3A_146 = arith.cmpi ne, %convert_element_type3A_144, %cond3A_145 : i32
      scf.if %cond3A_146 {
        %add3A_157 = arith.constant 1 : i32
        %add3A_158 = arith.addi %add3A_141, %add3A_157 : i32
        %mul3A_159 = arith.constant 2 : i32
        %mul3A_160 = arith.muli %mul3A_159, %add3A_158 : i32
        %dma_start3A_161 = arith.constant 0 : i32
        %dma_start3A_162 = tpu.memref_slice %arg5[%mul3A_160, %dma_start3A_161] : memref<80x128xi32, #tpu.memory_space<vmem>> -> memref<1x128xi32, #tpu.memory_space<vmem>>
        %dma_start3A_163 = tpu.memref_squeeze %dma_start3A_162 : memref<1x128xi32, #tpu.memory_space<vmem>> -> memref<128xi32, #tpu.memory_space<vmem>>
        %dma_start3A_164 = arith.constant 0 : i32
        %dma_start3A_165 = arith.constant 0 : i32
        %dma_start3A_166 = tpu.memref_slice %arg2[%dma_start3A_164, %dma_start3A_165] : memref<61440x128xf32, #tpu.memory_space<hbm>> -> memref<61440x128xf32, #tpu.memory_space<hbm>>
        tpu.enqueue_indirect_dma source(%dma_start3A_166 : memref<61440x128xf32, #tpu.memory_space<hbm>>) target(%arg6 : memref<128x128xf32, #tpu.memory_space<vmem>>) offsets(%dma_start3A_163 : memref<128xi32, #tpu.memory_space<vmem>>) semaphore(%arg8 : memref<!tpu.dma_semaphore, #tpu.memory_space<semaphore_mem>>)
      } else {
      }
      %dma_wait3A_147 = arith.constant 0 : i32
      %dma_wait3A_148 = arith.constant 0 : i32
      %dma_wait3A_149 = tpu.memref_slice %arg2[%dma_wait3A_147, %dma_wait3A_148] : memref<61440x128xf32, #tpu.memory_space<hbm>> -> memref<128x128xf32, #tpu.memory_space<hbm>>
      %dma_wait3A_150 = arith.constant 0 : i32
      %dma_wait3A_151 = arith.constant 0 : i32
      %dma_wait3A_152 = tpu.memref_slice %arg2[%dma_wait3A_150, %dma_wait3A_151] : memref<61440x128xf32, #tpu.memory_space<hbm>> -> memref<128x128xf32, #tpu.memory_space<hbm>>
      tpu.wait_dma2 semaphore(%arg9 : memref<!tpu.dma_semaphore, #tpu.memory_space<semaphore_mem>>) src(%dma_wait3A_152 : memref<128x128xf32, #tpu.memory_space<hbm>>) dst(%arg7 : memref<128x128xf32, #tpu.memory_space<vmem>>)
      %mul3A_153 = arith.constant 2 : i32
      %mul3A_154 = arith.muli %mul3A_153, %add3A_141 : i32
      %add3A_155 = arith.constant 1 : i32
      %add3A_156 = arith.addi %mul3A_154, %add3A_155 : i32
      "tpu.region"() ({
        %run_scoped3A_157 = tpu.sem_alloc : memref<!tpu.dma_semaphore, #tpu.memory_space<semaphore_mem>>
        %dma_start3A_158 = arith.constant 0 : i32
        %dma_start3A_159 = tpu.memref_slice %arg5[%add3A_156, %dma_start3A_158] : memref<80x128xi32, #tpu.memory_space<vmem>> -> memref<1x128xi32, #tpu.memory_space<vmem>>
        %dma_start3A_160 = tpu.memref_squeeze %dma_start3A_159 : memref<1x128xi32, #tpu.memory_space<vmem>> -> memref<128xi32, #tpu.memory_space<vmem>>
        %dma_start3A_161 = arith.constant 0 : i32
        %dma_start3A_162 = arith.constant 0 : i32
        %dma_start3A_163 = tpu.memref_slice %arg10[%dma_start3A_161, %dma_start3A_162] : memref<10240x128xf32, #tpu.memory_space<vmem_shared>> -> memref<10240x128xf32, #tpu.memory_space<vmem_shared>>
        tpu.enqueue_indirect_dma source(%arg7 : memref<128x128xf32, #tpu.memory_space<vmem>>) target(%dma_start3A_163 : memref<10240x128xf32, #tpu.memory_space<vmem_shared>>) offsets(%dma_start3A_160 : memref<128xi32, #tpu.memory_space<vmem>>) semaphore(%run_scoped3A_157 : memref<!tpu.dma_semaphore, #tpu.memory_space<semaphore_mem>>) {add = true}
        %dma_wait3A_164 = arith.constant 0 : i32
        %dma_wait3A_165 = tpu.memref_slice %arg5[%add3A_156, %dma_wait3A_164] : memref<80x128xi32, #tpu.memory_space<vmem>> -> memref<1x128xi32, #tpu.memory_space<vmem>>
        %dma_wait3A_166 = tpu.memref_squeeze %dma_wait3A_165 : memref<1x128xi32, #tpu.memory_space<vmem>> -> memref<128xi32, #tpu.memory_space<vmem>>
        %dma_wait3A_167 = arith.constant 0 : i32
        %dma_wait3A_168 = arith.constant 0 : i32
        %dma_wait3A_169 = tpu.memref_slice %arg10[%dma_wait3A_167, %dma_wait3A_168] : memref<10240x128xf32, #tpu.memory_space<vmem_shared>> -> memref<10240x128xf32, #tpu.memory_space<vmem_shared>>
        tpu.wait_indirect_dma semaphore(%run_scoped3A_157 : memref<!tpu.dma_semaphore, #tpu.memory_space<semaphore_mem>>) src(%arg7 : memref<128x128xf32, #tpu.memory_space<vmem>>) dst(%dma_wait3A_169 : memref<10240x128xf32, #tpu.memory_space<vmem_shared>>)
        tpu.yield
      }) : () -> ()
    }
    %scan3A_35 = arith.constant 20 : i32
    %barrier3A_36 = arith.constant 0 : index
    tpu.barrier barrier_id(%barrier3A_36)
    %run_scoped3A = arith.constant 0 : i32
    "tpu.region"() ({
      %run_scoped3A_122 = tpu.sem_alloc : memref<!tpu.dma_semaphore, #tpu.memory_space<semaphore_mem>>
      %dma_start3A_123 = arith.constant 0 : i32
      %dma_start3A_124 = tpu.memref_slice %arg4[%run_scoped3A, %arg0, %mul3A_0, %dma_start3A_123] : memref<3x2x10240x128xf32, #tpu.memory_space<hbm>> -> memref<1x1x640x128xf32, #tpu.memory_space<hbm>>
      %dma_start3A_125 = tpu.memref_squeeze %dma_start3A_124 : memref<1x1x640x128xf32, #tpu.memory_space<hbm>> -> memref<640x128xf32, #tpu.memory_space<hbm>>
      %dma_start3A_126 = arith.constant 0 : i32
      %dma_start3A_127 = tpu.memref_slice %arg10[%mul3A_0, %dma_start3A_126] : memref<10240x128xf32, #tpu.memory_space<vmem_shared>> -> memref<640x128xf32, #tpu.memory_space<vmem_shared>>
      tpu.enqueue_dma source(%dma_start3A_127 : memref<640x128xf32, #tpu.memory_space<vmem_shared>>) target(%dma_start3A_125 : memref<640x128xf32, #tpu.memory_space<hbm>>) target_semaphore(%run_scoped3A_122 : memref<!tpu.dma_semaphore, #tpu.memory_space<semaphore_mem>>)
      %dma_wait3A = arith.constant 0 : i32
      %dma_wait3A_128 = tpu.memref_slice %arg4[%run_scoped3A, %arg0, %mul3A_0, %dma_wait3A] : memref<3x2x10240x128xf32, #tpu.memory_space<hbm>> -> memref<1x1x640x128xf32, #tpu.memory_space<hbm>>
      %dma_wait3A_129 = tpu.memref_squeeze %dma_wait3A_128 : memref<1x1x640x128xf32, #tpu.memory_space<hbm>> -> memref<640x128xf32, #tpu.memory_space<hbm>>
      %dma_wait3A_130 = arith.constant 0 : i32
      %dma_wait3A_131 = tpu.memref_slice %arg10[%mul3A_0, %dma_wait3A_130] : memref<10240x128xf32, #tpu.memory_space<vmem_shared>> -> memref<640x128xf32, #tpu.memory_space<vmem_shared>>
      tpu.wait_dma2 semaphore(%run_scoped3A_122 : memref<!tpu.dma_semaphore, #tpu.memory_space<semaphore_mem>>) src(%dma_wait3A_131 : memref<640x128xf32, #tpu.memory_space<vmem_shared>>) dst(%dma_wait3A_129 : memref<640x128xf32, #tpu.memory_space<hbm>>)
      tpu.yield
    }) : () -> ()
    %barrier3A_37 = arith.constant 0 : index
    tpu.barrier barrier_id(%barrier3A_37)
    %add3A_38 = arith.constant 2 : i32
    %add3A_39 = arith.addi %add3A_38, %arg0 : i32
    %mul3A_40 = arith.constant 10240 : i32
    %mul3A_41 = arith.muli %add3A_39, %mul3A_40 : i32
    %mul3A_42 = arith.constant 640 : i32
    %mul3A_43 = arith.muli %arg1, %mul3A_42 : i32
    %add3A_44 = arith.addi %mul3A_41, %mul3A_43 : i32
    "tpu.region"() ({
      %run_scoped3A_122 = tpu.sem_alloc : memref<!tpu.dma_semaphore, #tpu.memory_space<semaphore_mem>>
      %dma_start3A_123 = arith.constant 0 : i32
      %dma_start3A_124 = tpu.memref_slice %arg10[%mul3A_0, %dma_start3A_123] : memref<10240x128xf32, #tpu.memory_space<vmem_shared>> -> memref<640x128xf32, #tpu.memory_space<vmem_shared>>
      %dma_start3A_125 = arith.constant 0 : i32
      %dma_start3A_126 = tpu.memref_slice %arg2[%add3A_44, %dma_start3A_125] : memref<61440x128xf32, #tpu.memory_space<hbm>> -> memref<640x128xf32, #tpu.memory_space<hbm>>
      tpu.enqueue_dma source(%dma_start3A_126 : memref<640x128xf32, #tpu.memory_space<hbm>>) target(%dma_start3A_124 : memref<640x128xf32, #tpu.memory_space<vmem_shared>>) target_semaphore(%run_scoped3A_122 : memref<!tpu.dma_semaphore, #tpu.memory_space<semaphore_mem>>)
      %dma_wait3A = arith.constant 0 : i32
      %dma_wait3A_127 = tpu.memref_slice %arg10[%mul3A_0, %dma_wait3A] : memref<10240x128xf32, #tpu.memory_space<vmem_shared>> -> memref<640x128xf32, #tpu.memory_space<vmem_shared>>
      %dma_wait3A_128 = arith.constant 0 : i32
      %dma_wait3A_129 = tpu.memref_slice %arg2[%add3A_44, %dma_wait3A_128] : memref<61440x128xf32, #tpu.memory_space<hbm>> -> memref<640x128xf32, #tpu.memory_space<hbm>>
      tpu.wait_dma2 semaphore(%run_scoped3A_122 : memref<!tpu.dma_semaphore, #tpu.memory_space<semaphore_mem>>) src(%dma_wait3A_129 : memref<640x128xf32, #tpu.memory_space<hbm>>) dst(%dma_wait3A_127 : memref<640x128xf32, #tpu.memory_space<vmem_shared>>)
      tpu.yield
    }) : () -> ()
    %mul3A_45 = arith.constant 3 : i32
    %mul3A_46 = arith.muli %arg0, %mul3A_45 : i32
    %add3A_47 = arith.constant 1 : i32
    %add3A_48 = arith.addi %mul3A_46, %add3A_47 : i32
    %mul3A_49 = arith.constant 16 : i32
    %mul3A_50 = arith.muli %add3A_48, %mul3A_49 : i32
    %add3A_51 = arith.addi %mul3A_50, %arg1 : i32
    "tpu.region"() ({
      %run_scoped3A_122 = tpu.sem_alloc : memref<!tpu.dma_semaphore, #tpu.memory_space<semaphore_mem>>
      %dma_start3A_123 = arith.constant 0 : i32
      %dma_start3A_124 = arith.constant 0 : i32
      %dma_start3A_125 = tpu.memref_slice %arg3[%add3A_51, %dma_start3A_123, %dma_start3A_124] : memref<96x160x128xi32, #tpu.memory_space<hbm>> -> memref<1x80x128xi32, #tpu.memory_space<hbm>>
      %dma_start3A_126 = tpu.memref_squeeze %dma_start3A_125 : memref<1x80x128xi32, #tpu.memory_space<hbm>> -> memref<80x128xi32, #tpu.memory_space<hbm>>
      %dma_start3A_127 = arith.constant 0 : i32
      %dma_start3A_128 = arith.constant 0 : i32
      %dma_start3A_129 = tpu.memref_slice %arg3[%add3A_51, %dma_start3A_127, %dma_start3A_128] : memref<96x160x128xi32, #tpu.memory_space<hbm>> -> memref<1x80x128xi32, #tpu.memory_space<hbm>>
      %dma_start3A_130 = tpu.memref_squeeze %dma_start3A_129 : memref<1x80x128xi32, #tpu.memory_space<hbm>> -> memref<80x128xi32, #tpu.memory_space<hbm>>
      tpu.enqueue_dma source(%dma_start3A_130 : memref<80x128xi32, #tpu.memory_space<hbm>>) target(%arg5 : memref<80x128xi32, #tpu.memory_space<vmem>>) target_semaphore(%run_scoped3A_122 : memref<!tpu.dma_semaphore, #tpu.memory_space<semaphore_mem>>)
      %dma_wait3A = arith.constant 0 : i32
      %dma_wait3A_131 = arith.constant 0 : i32
      %dma_wait3A_132 = tpu.memref_slice %arg3[%add3A_51, %dma_wait3A, %dma_wait3A_131] : memref<96x160x128xi32, #tpu.memory_space<hbm>> -> memref<1x80x128xi32, #tpu.memory_space<hbm>>
      %dma_wait3A_133 = tpu.memref_squeeze %dma_wait3A_132 : memref<1x80x128xi32, #tpu.memory_space<hbm>> -> memref<80x128xi32, #tpu.memory_space<hbm>>
      %dma_wait3A_134 = arith.constant 0 : i32
      %dma_wait3A_135 = arith.constant 0 : i32
      %dma_wait3A_136 = tpu.memref_slice %arg3[%add3A_51, %dma_wait3A_134, %dma_wait3A_135] : memref<96x160x128xi32, #tpu.memory_space<hbm>> -> memref<1x80x128xi32, #tpu.memory_space<hbm>>
      %dma_wait3A_137 = tpu.memref_squeeze %dma_wait3A_136 : memref<1x80x128xi32, #tpu.memory_space<hbm>> -> memref<80x128xi32, #tpu.memory_space<hbm>>
      tpu.wait_dma2 semaphore(%run_scoped3A_122 : memref<!tpu.dma_semaphore, #tpu.memory_space<semaphore_mem>>) src(%dma_wait3A_137 : memref<80x128xi32, #tpu.memory_space<hbm>>) dst(%arg5 : memref<80x128xi32, #tpu.memory_space<vmem>>)
      tpu.yield
    }) : () -> ()
    %dma_start3A_52 = arith.constant 0 : i32
    %dma_start3A_53 = arith.constant 0 : i32
    %dma_start3A_54 = tpu.memref_slice %arg5[%dma_start3A_52, %dma_start3A_53] : memref<80x128xi32, #tpu.memory_space<vmem>> -> memref<1x128xi32, #tpu.memory_space<vmem>>
    %dma_start3A_55 = tpu.memref_squeeze %dma_start3A_54 : memref<1x128xi32, #tpu.memory_space<vmem>> -> memref<128xi32, #tpu.memory_space<vmem>>
    %dma_start3A_56 = arith.constant 0 : i32
    %dma_start3A_57 = arith.constant 0 : i32
    %dma_start3A_58 = tpu.memref_slice %arg2[%dma_start3A_56, %dma_start3A_57] : memref<61440x128xf32, #tpu.memory_space<hbm>> -> memref<61440x128xf32, #tpu.memory_space<hbm>>
    tpu.enqueue_indirect_dma source(%dma_start3A_58 : memref<61440x128xf32, #tpu.memory_space<hbm>>) target(%arg6 : memref<128x128xf32, #tpu.memory_space<vmem>>) offsets(%dma_start3A_55 : memref<128xi32, #tpu.memory_space<vmem>>) semaphore(%arg8 : memref<!tpu.dma_semaphore, #tpu.memory_space<semaphore_mem>>)
    %barrier3A_59 = arith.constant 0 : index
    tpu.barrier barrier_id(%barrier3A_59)
    %scan3A_60 = arith.constant 0 : i32
    %scan3A_61 = arith.constant 20 : i32
    %scan3A_62 = arith.addi %scan3A_60, %scan3A_61 : i32
    %scan3A_63 = arith.constant 1 : i32
    scf.for %scan3A_122 = %scan3A_60 to %scan3A_62 step %scan3A_63  : i32 {
      %mul3A_123 = arith.constant 2 : i32
      %mul3A_124 = arith.muli %mul3A_123, %scan3A_122 : i32
      %add3A_125 = arith.constant 0 : i32
      %add3A_126 = arith.addi %mul3A_124, %add3A_125 : i32
      %lt3A = arith.constant 39 : i32
      %lt3A_127 = arith.cmpi slt, %add3A_126, %lt3A : i32
      %convert_element_type3A = arith.extui %lt3A_127 : i1 to i32
      %cond3A = arith.constant 0 : i32
      %cond3A_128 = arith.cmpi ne, %convert_element_type3A, %cond3A : i32
      scf.if %cond3A_128 {
        %add3A_157 = arith.constant 1 : i32
        %add3A_158 = arith.addi %add3A_126, %add3A_157 : i32
        %mul3A_159 = arith.constant 2 : i32
        %mul3A_160 = arith.muli %mul3A_159, %add3A_158 : i32
        %dma_start3A_161 = arith.constant 0 : i32
        %dma_start3A_162 = tpu.memref_slice %arg5[%mul3A_160, %dma_start3A_161] : memref<80x128xi32, #tpu.memory_space<vmem>> -> memref<1x128xi32, #tpu.memory_space<vmem>>
        %dma_start3A_163 = tpu.memref_squeeze %dma_start3A_162 : memref<1x128xi32, #tpu.memory_space<vmem>> -> memref<128xi32, #tpu.memory_space<vmem>>
        %dma_start3A_164 = arith.constant 0 : i32
        %dma_start3A_165 = arith.constant 0 : i32
        %dma_start3A_166 = tpu.memref_slice %arg2[%dma_start3A_164, %dma_start3A_165] : memref<61440x128xf32, #tpu.memory_space<hbm>> -> memref<61440x128xf32, #tpu.memory_space<hbm>>
        tpu.enqueue_indirect_dma source(%dma_start3A_166 : memref<61440x128xf32, #tpu.memory_space<hbm>>) target(%arg7 : memref<128x128xf32, #tpu.memory_space<vmem>>) offsets(%dma_start3A_163 : memref<128xi32, #tpu.memory_space<vmem>>) semaphore(%arg9 : memref<!tpu.dma_semaphore, #tpu.memory_space<semaphore_mem>>)
      } else {
      }
      %dma_wait3A = arith.constant 0 : i32
      %dma_wait3A_129 = arith.constant 0 : i32
      %dma_wait3A_130 = tpu.memref_slice %arg2[%dma_wait3A, %dma_wait3A_129] : memref<61440x128xf32, #tpu.memory_space<hbm>> -> memref<128x128xf32, #tpu.memory_space<hbm>>
      %dma_wait3A_131 = arith.constant 0 : i32
      %dma_wait3A_132 = arith.constant 0 : i32
      %dma_wait3A_133 = tpu.memref_slice %arg2[%dma_wait3A_131, %dma_wait3A_132] : memref<61440x128xf32, #tpu.memory_space<hbm>> -> memref<128x128xf32, #tpu.memory_space<hbm>>
      tpu.wait_dma2 semaphore(%arg8 : memref<!tpu.dma_semaphore, #tpu.memory_space<semaphore_mem>>) src(%dma_wait3A_133 : memref<128x128xf32, #tpu.memory_space<hbm>>) dst(%arg6 : memref<128x128xf32, #tpu.memory_space<vmem>>)
      %mul3A_134 = arith.constant 2 : i32
      %mul3A_135 = arith.muli %mul3A_134, %add3A_126 : i32
      %add3A_136 = arith.constant 1 : i32
      %add3A_137 = arith.addi %mul3A_135, %add3A_136 : i32
      "tpu.region"() ({
        %run_scoped3A_157 = tpu.sem_alloc : memref<!tpu.dma_semaphore, #tpu.memory_space<semaphore_mem>>
        %dma_start3A_158 = arith.constant 0 : i32
        %dma_start3A_159 = tpu.memref_slice %arg5[%add3A_137, %dma_start3A_158] : memref<80x128xi32, #tpu.memory_space<vmem>> -> memref<1x128xi32, #tpu.memory_space<vmem>>
        %dma_start3A_160 = tpu.memref_squeeze %dma_start3A_159 : memref<1x128xi32, #tpu.memory_space<vmem>> -> memref<128xi32, #tpu.memory_space<vmem>>
        %dma_start3A_161 = arith.constant 0 : i32
        %dma_start3A_162 = arith.constant 0 : i32
        %dma_start3A_163 = tpu.memref_slice %arg10[%dma_start3A_161, %dma_start3A_162] : memref<10240x128xf32, #tpu.memory_space<vmem_shared>> -> memref<10240x128xf32, #tpu.memory_space<vmem_shared>>
        tpu.enqueue_indirect_dma source(%arg6 : memref<128x128xf32, #tpu.memory_space<vmem>>) target(%dma_start3A_163 : memref<10240x128xf32, #tpu.memory_space<vmem_shared>>) offsets(%dma_start3A_160 : memref<128xi32, #tpu.memory_space<vmem>>) semaphore(%run_scoped3A_157 : memref<!tpu.dma_semaphore, #tpu.memory_space<semaphore_mem>>) {add = true}
        %dma_wait3A_164 = arith.constant 0 : i32
        %dma_wait3A_165 = tpu.memref_slice %arg5[%add3A_137, %dma_wait3A_164] : memref<80x128xi32, #tpu.memory_space<vmem>> -> memref<1x128xi32, #tpu.memory_space<vmem>>
        %dma_wait3A_166 = tpu.memref_squeeze %dma_wait3A_165 : memref<1x128xi32, #tpu.memory_space<vmem>> -> memref<128xi32, #tpu.memory_space<vmem>>
        %dma_wait3A_167 = arith.constant 0 : i32
        %dma_wait3A_168 = arith.constant 0 : i32
        %dma_wait3A_169 = tpu.memref_slice %arg10[%dma_wait3A_167, %dma_wait3A_168] : memref<10240x128xf32, #tpu.memory_space<vmem_shared>> -> memref<10240x128xf32, #tpu.memory_space<vmem_shared>>
        tpu.wait_indirect_dma semaphore(%run_scoped3A_157 : memref<!tpu.dma_semaphore, #tpu.memory_space<semaphore_mem>>) src(%arg6 : memref<128x128xf32, #tpu.memory_space<vmem>>) dst(%dma_wait3A_169 : memref<10240x128xf32, #tpu.memory_space<vmem_shared>>)
        tpu.yield
      }) : () -> ()
      %mul3A_138 = arith.constant 2 : i32
      %mul3A_139 = arith.muli %mul3A_138, %scan3A_122 : i32
      %add3A_140 = arith.constant 1 : i32
      %add3A_141 = arith.addi %mul3A_139, %add3A_140 : i32
      %lt3A_142 = arith.constant 39 : i32
      %lt3A_143 = arith.cmpi slt, %add3A_141, %lt3A_142 : i32
      %convert_element_type3A_144 = arith.extui %lt3A_143 : i1 to i32
      %cond3A_145 = arith.constant 0 : i32
      %cond3A_146 = arith.cmpi ne, %convert_element_type3A_144, %cond3A_145 : i32
      scf.if %cond3A_146 {
        %add3A_157 = arith.constant 1 : i32
        %add3A_158 = arith.addi %add3A_141, %add3A_157 : i32
        %mul3A_159 = arith.constant 2 : i32
        %mul3A_160 = arith.muli %mul3A_159, %add3A_158 : i32
        %dma_start3A_161 = arith.constant 0 : i32
        %dma_start3A_162 = tpu.memref_slice %arg5[%mul3A_160, %dma_start3A_161] : memref<80x128xi32, #tpu.memory_space<vmem>> -> memref<1x128xi32, #tpu.memory_space<vmem>>
        %dma_start3A_163 = tpu.memref_squeeze %dma_start3A_162 : memref<1x128xi32, #tpu.memory_space<vmem>> -> memref<128xi32, #tpu.memory_space<vmem>>
        %dma_start3A_164 = arith.constant 0 : i32
        %dma_start3A_165 = arith.constant 0 : i32
        %dma_start3A_166 = tpu.memref_slice %arg2[%dma_start3A_164, %dma_start3A_165] : memref<61440x128xf32, #tpu.memory_space<hbm>> -> memref<61440x128xf32, #tpu.memory_space<hbm>>
        tpu.enqueue_indirect_dma source(%dma_start3A_166 : memref<61440x128xf32, #tpu.memory_space<hbm>>) target(%arg6 : memref<128x128xf32, #tpu.memory_space<vmem>>) offsets(%dma_start3A_163 : memref<128xi32, #tpu.memory_space<vmem>>) semaphore(%arg8 : memref<!tpu.dma_semaphore, #tpu.memory_space<semaphore_mem>>)
      } else {
      }
      %dma_wait3A_147 = arith.constant 0 : i32
      %dma_wait3A_148 = arith.constant 0 : i32
      %dma_wait3A_149 = tpu.memref_slice %arg2[%dma_wait3A_147, %dma_wait3A_148] : memref<61440x128xf32, #tpu.memory_space<hbm>> -> memref<128x128xf32, #tpu.memory_space<hbm>>
      %dma_wait3A_150 = arith.constant 0 : i32
      %dma_wait3A_151 = arith.constant 0 : i32
      %dma_wait3A_152 = tpu.memref_slice %arg2[%dma_wait3A_150, %dma_wait3A_151] : memref<61440x128xf32, #tpu.memory_space<hbm>> -> memref<128x128xf32, #tpu.memory_space<hbm>>
      tpu.wait_dma2 semaphore(%arg9 : memref<!tpu.dma_semaphore, #tpu.memory_space<semaphore_mem>>) src(%dma_wait3A_152 : memref<128x128xf32, #tpu.memory_space<hbm>>) dst(%arg7 : memref<128x128xf32, #tpu.memory_space<vmem>>)
      %mul3A_153 = arith.constant 2 : i32
      %mul3A_154 = arith.muli %mul3A_153, %add3A_141 : i32
      %add3A_155 = arith.constant 1 : i32
      %add3A_156 = arith.addi %mul3A_154, %add3A_155 : i32
      "tpu.region"() ({
        %run_scoped3A_157 = tpu.sem_alloc : memref<!tpu.dma_semaphore, #tpu.memory_space<semaphore_mem>>
        %dma_start3A_158 = arith.constant 0 : i32
        %dma_start3A_159 = tpu.memref_slice %arg5[%add3A_156, %dma_start3A_158] : memref<80x128xi32, #tpu.memory_space<vmem>> -> memref<1x128xi32, #tpu.memory_space<vmem>>
        %dma_start3A_160 = tpu.memref_squeeze %dma_start3A_159 : memref<1x128xi32, #tpu.memory_space<vmem>> -> memref<128xi32, #tpu.memory_space<vmem>>
        %dma_start3A_161 = arith.constant 0 : i32
        %dma_start3A_162 = arith.constant 0 : i32
        %dma_start3A_163 = tpu.memref_slice %arg10[%dma_start3A_161, %dma_start3A_162] : memref<10240x128xf32, #tpu.memory_space<vmem_shared>> -> memref<10240x128xf32, #tpu.memory_space<vmem_shared>>
        tpu.enqueue_indirect_dma source(%arg7 : memref<128x128xf32, #tpu.memory_space<vmem>>) target(%dma_start3A_163 : memref<10240x128xf32, #tpu.memory_space<vmem_shared>>) offsets(%dma_start3A_160 : memref<128xi32, #tpu.memory_space<vmem>>) semaphore(%run_scoped3A_157 : memref<!tpu.dma_semaphore, #tpu.memory_space<semaphore_mem>>) {add = true}
        %dma_wait3A_164 = arith.constant 0 : i32
        %dma_wait3A_165 = tpu.memref_slice %arg5[%add3A_156, %dma_wait3A_164] : memref<80x128xi32, #tpu.memory_space<vmem>> -> memref<1x128xi32, #tpu.memory_space<vmem>>
        %dma_wait3A_166 = tpu.memref_squeeze %dma_wait3A_165 : memref<1x128xi32, #tpu.memory_space<vmem>> -> memref<128xi32, #tpu.memory_space<vmem>>
        %dma_wait3A_167 = arith.constant 0 : i32
        %dma_wait3A_168 = arith.constant 0 : i32
        %dma_wait3A_169 = tpu.memref_slice %arg10[%dma_wait3A_167, %dma_wait3A_168] : memref<10240x128xf32, #tpu.memory_space<vmem_shared>> -> memref<10240x128xf32, #tpu.memory_space<vmem_shared>>
        tpu.wait_indirect_dma semaphore(%run_scoped3A_157 : memref<!tpu.dma_semaphore, #tpu.memory_space<semaphore_mem>>) src(%arg7 : memref<128x128xf32, #tpu.memory_space<vmem>>) dst(%dma_wait3A_169 : memref<10240x128xf32, #tpu.memory_space<vmem_shared>>)
        tpu.yield
      }) : () -> ()
    }
    %scan3A_64 = arith.constant 20 : i32
    "tpu.region"() ({
      %run_scoped3A_122 = tpu.sem_alloc : memref<!tpu.dma_semaphore, #tpu.memory_space<semaphore_mem>>
      %dma_start3A_123 = arith.constant 80 : i32
      %dma_start3A_124 = arith.constant 0 : i32
      %dma_start3A_125 = tpu.memref_slice %arg3[%add3A_51, %dma_start3A_123, %dma_start3A_124] : memref<96x160x128xi32, #tpu.memory_space<hbm>> -> memref<1x80x128xi32, #tpu.memory_space<hbm>>
      %dma_start3A_126 = tpu.memref_squeeze %dma_start3A_125 : memref<1x80x128xi32, #tpu.memory_space<hbm>> -> memref<80x128xi32, #tpu.memory_space<hbm>>
      %dma_start3A_127 = arith.constant 80 : i32
      %dma_start3A_128 = arith.constant 0 : i32
      %dma_start3A_129 = tpu.memref_slice %arg3[%add3A_51, %dma_start3A_127, %dma_start3A_128] : memref<96x160x128xi32, #tpu.memory_space<hbm>> -> memref<1x80x128xi32, #tpu.memory_space<hbm>>
      %dma_start3A_130 = tpu.memref_squeeze %dma_start3A_129 : memref<1x80x128xi32, #tpu.memory_space<hbm>> -> memref<80x128xi32, #tpu.memory_space<hbm>>
      tpu.enqueue_dma source(%dma_start3A_130 : memref<80x128xi32, #tpu.memory_space<hbm>>) target(%arg5 : memref<80x128xi32, #tpu.memory_space<vmem>>) target_semaphore(%run_scoped3A_122 : memref<!tpu.dma_semaphore, #tpu.memory_space<semaphore_mem>>)
      %dma_wait3A = arith.constant 80 : i32
      %dma_wait3A_131 = arith.constant 0 : i32
      %dma_wait3A_132 = tpu.memref_slice %arg3[%add3A_51, %dma_wait3A, %dma_wait3A_131] : memref<96x160x128xi32, #tpu.memory_space<hbm>> -> memref<1x80x128xi32, #tpu.memory_space<hbm>>
      %dma_wait3A_133 = tpu.memref_squeeze %dma_wait3A_132 : memref<1x80x128xi32, #tpu.memory_space<hbm>> -> memref<80x128xi32, #tpu.memory_space<hbm>>
      %dma_wait3A_134 = arith.constant 80 : i32
      %dma_wait3A_135 = arith.constant 0 : i32
      %dma_wait3A_136 = tpu.memref_slice %arg3[%add3A_51, %dma_wait3A_134, %dma_wait3A_135] : memref<96x160x128xi32, #tpu.memory_space<hbm>> -> memref<1x80x128xi32, #tpu.memory_space<hbm>>
      %dma_wait3A_137 = tpu.memref_squeeze %dma_wait3A_136 : memref<1x80x128xi32, #tpu.memory_space<hbm>> -> memref<80x128xi32, #tpu.memory_space<hbm>>
      tpu.wait_dma2 semaphore(%run_scoped3A_122 : memref<!tpu.dma_semaphore, #tpu.memory_space<semaphore_mem>>) src(%dma_wait3A_137 : memref<80x128xi32, #tpu.memory_space<hbm>>) dst(%arg5 : memref<80x128xi32, #tpu.memory_space<vmem>>)
      tpu.yield
    }) : () -> ()
    %dma_start3A_65 = arith.constant 0 : i32
    %dma_start3A_66 = arith.constant 0 : i32
    %dma_start3A_67 = tpu.memref_slice %arg5[%dma_start3A_65, %dma_start3A_66] : memref<80x128xi32, #tpu.memory_space<vmem>> -> memref<1x128xi32, #tpu.memory_space<vmem>>
    %dma_start3A_68 = tpu.memref_squeeze %dma_start3A_67 : memref<1x128xi32, #tpu.memory_space<vmem>> -> memref<128xi32, #tpu.memory_space<vmem>>
    %dma_start3A_69 = arith.constant 0 : i32
    %dma_start3A_70 = arith.constant 0 : i32
    %dma_start3A_71 = tpu.memref_slice %arg2[%dma_start3A_69, %dma_start3A_70] : memref<61440x128xf32, #tpu.memory_space<hbm>> -> memref<61440x128xf32, #tpu.memory_space<hbm>>
    tpu.enqueue_indirect_dma source(%dma_start3A_71 : memref<61440x128xf32, #tpu.memory_space<hbm>>) target(%arg6 : memref<128x128xf32, #tpu.memory_space<vmem>>) offsets(%dma_start3A_68 : memref<128xi32, #tpu.memory_space<vmem>>) semaphore(%arg8 : memref<!tpu.dma_semaphore, #tpu.memory_space<semaphore_mem>>)
    %scan3A_72 = arith.constant 0 : i32
    %scan3A_73 = arith.constant 20 : i32
    %scan3A_74 = arith.addi %scan3A_72, %scan3A_73 : i32
    %scan3A_75 = arith.constant 1 : i32
    scf.for %scan3A_122 = %scan3A_72 to %scan3A_74 step %scan3A_75  : i32 {
      %mul3A_123 = arith.constant 2 : i32
      %mul3A_124 = arith.muli %mul3A_123, %scan3A_122 : i32
      %add3A_125 = arith.constant 0 : i32
      %add3A_126 = arith.addi %mul3A_124, %add3A_125 : i32
      %lt3A = arith.constant 39 : i32
      %lt3A_127 = arith.cmpi slt, %add3A_126, %lt3A : i32
      %convert_element_type3A = arith.extui %lt3A_127 : i1 to i32
      %cond3A = arith.constant 0 : i32
      %cond3A_128 = arith.cmpi ne, %convert_element_type3A, %cond3A : i32
      scf.if %cond3A_128 {
        %add3A_157 = arith.constant 1 : i32
        %add3A_158 = arith.addi %add3A_126, %add3A_157 : i32
        %mul3A_159 = arith.constant 2 : i32
        %mul3A_160 = arith.muli %mul3A_159, %add3A_158 : i32
        %dma_start3A_161 = arith.constant 0 : i32
        %dma_start3A_162 = tpu.memref_slice %arg5[%mul3A_160, %dma_start3A_161] : memref<80x128xi32, #tpu.memory_space<vmem>> -> memref<1x128xi32, #tpu.memory_space<vmem>>
        %dma_start3A_163 = tpu.memref_squeeze %dma_start3A_162 : memref<1x128xi32, #tpu.memory_space<vmem>> -> memref<128xi32, #tpu.memory_space<vmem>>
        %dma_start3A_164 = arith.constant 0 : i32
        %dma_start3A_165 = arith.constant 0 : i32
        %dma_start3A_166 = tpu.memref_slice %arg2[%dma_start3A_164, %dma_start3A_165] : memref<61440x128xf32, #tpu.memory_space<hbm>> -> memref<61440x128xf32, #tpu.memory_space<hbm>>
        tpu.enqueue_indirect_dma source(%dma_start3A_166 : memref<61440x128xf32, #tpu.memory_space<hbm>>) target(%arg7 : memref<128x128xf32, #tpu.memory_space<vmem>>) offsets(%dma_start3A_163 : memref<128xi32, #tpu.memory_space<vmem>>) semaphore(%arg9 : memref<!tpu.dma_semaphore, #tpu.memory_space<semaphore_mem>>)
      } else {
      }
      %dma_wait3A = arith.constant 0 : i32
      %dma_wait3A_129 = arith.constant 0 : i32
      %dma_wait3A_130 = tpu.memref_slice %arg2[%dma_wait3A, %dma_wait3A_129] : memref<61440x128xf32, #tpu.memory_space<hbm>> -> memref<128x128xf32, #tpu.memory_space<hbm>>
      %dma_wait3A_131 = arith.constant 0 : i32
      %dma_wait3A_132 = arith.constant 0 : i32
      %dma_wait3A_133 = tpu.memref_slice %arg2[%dma_wait3A_131, %dma_wait3A_132] : memref<61440x128xf32, #tpu.memory_space<hbm>> -> memref<128x128xf32, #tpu.memory_space<hbm>>
      tpu.wait_dma2 semaphore(%arg8 : memref<!tpu.dma_semaphore, #tpu.memory_space<semaphore_mem>>) src(%dma_wait3A_133 : memref<128x128xf32, #tpu.memory_space<hbm>>) dst(%arg6 : memref<128x128xf32, #tpu.memory_space<vmem>>)
      %mul3A_134 = arith.constant 2 : i32
      %mul3A_135 = arith.muli %mul3A_134, %add3A_126 : i32
      %add3A_136 = arith.constant 1 : i32
      %add3A_137 = arith.addi %mul3A_135, %add3A_136 : i32
      "tpu.region"() ({
        %run_scoped3A_157 = tpu.sem_alloc : memref<!tpu.dma_semaphore, #tpu.memory_space<semaphore_mem>>
        %dma_start3A_158 = arith.constant 0 : i32
        %dma_start3A_159 = tpu.memref_slice %arg5[%add3A_137, %dma_start3A_158] : memref<80x128xi32, #tpu.memory_space<vmem>> -> memref<1x128xi32, #tpu.memory_space<vmem>>
        %dma_start3A_160 = tpu.memref_squeeze %dma_start3A_159 : memref<1x128xi32, #tpu.memory_space<vmem>> -> memref<128xi32, #tpu.memory_space<vmem>>
        %dma_start3A_161 = arith.constant 0 : i32
        %dma_start3A_162 = arith.constant 0 : i32
        %dma_start3A_163 = tpu.memref_slice %arg10[%dma_start3A_161, %dma_start3A_162] : memref<10240x128xf32, #tpu.memory_space<vmem_shared>> -> memref<10240x128xf32, #tpu.memory_space<vmem_shared>>
        tpu.enqueue_indirect_dma source(%arg6 : memref<128x128xf32, #tpu.memory_space<vmem>>) target(%dma_start3A_163 : memref<10240x128xf32, #tpu.memory_space<vmem_shared>>) offsets(%dma_start3A_160 : memref<128xi32, #tpu.memory_space<vmem>>) semaphore(%run_scoped3A_157 : memref<!tpu.dma_semaphore, #tpu.memory_space<semaphore_mem>>) {add = true}
        %dma_wait3A_164 = arith.constant 0 : i32
        %dma_wait3A_165 = tpu.memref_slice %arg5[%add3A_137, %dma_wait3A_164] : memref<80x128xi32, #tpu.memory_space<vmem>> -> memref<1x128xi32, #tpu.memory_space<vmem>>
        %dma_wait3A_166 = tpu.memref_squeeze %dma_wait3A_165 : memref<1x128xi32, #tpu.memory_space<vmem>> -> memref<128xi32, #tpu.memory_space<vmem>>
        %dma_wait3A_167 = arith.constant 0 : i32
        %dma_wait3A_168 = arith.constant 0 : i32
        %dma_wait3A_169 = tpu.memref_slice %arg10[%dma_wait3A_167, %dma_wait3A_168] : memref<10240x128xf32, #tpu.memory_space<vmem_shared>> -> memref<10240x128xf32, #tpu.memory_space<vmem_shared>>
        tpu.wait_indirect_dma semaphore(%run_scoped3A_157 : memref<!tpu.dma_semaphore, #tpu.memory_space<semaphore_mem>>) src(%arg6 : memref<128x128xf32, #tpu.memory_space<vmem>>) dst(%dma_wait3A_169 : memref<10240x128xf32, #tpu.memory_space<vmem_shared>>)
        tpu.yield
      }) : () -> ()
      %mul3A_138 = arith.constant 2 : i32
      %mul3A_139 = arith.muli %mul3A_138, %scan3A_122 : i32
      %add3A_140 = arith.constant 1 : i32
      %add3A_141 = arith.addi %mul3A_139, %add3A_140 : i32
      %lt3A_142 = arith.constant 39 : i32
      %lt3A_143 = arith.cmpi slt, %add3A_141, %lt3A_142 : i32
      %convert_element_type3A_144 = arith.extui %lt3A_143 : i1 to i32
      %cond3A_145 = arith.constant 0 : i32
      %cond3A_146 = arith.cmpi ne, %convert_element_type3A_144, %cond3A_145 : i32
      scf.if %cond3A_146 {
        %add3A_157 = arith.constant 1 : i32
        %add3A_158 = arith.addi %add3A_141, %add3A_157 : i32
        %mul3A_159 = arith.constant 2 : i32
        %mul3A_160 = arith.muli %mul3A_159, %add3A_158 : i32
        %dma_start3A_161 = arith.constant 0 : i32
        %dma_start3A_162 = tpu.memref_slice %arg5[%mul3A_160, %dma_start3A_161] : memref<80x128xi32, #tpu.memory_space<vmem>> -> memref<1x128xi32, #tpu.memory_space<vmem>>
        %dma_start3A_163 = tpu.memref_squeeze %dma_start3A_162 : memref<1x128xi32, #tpu.memory_space<vmem>> -> memref<128xi32, #tpu.memory_space<vmem>>
        %dma_start3A_164 = arith.constant 0 : i32
        %dma_start3A_165 = arith.constant 0 : i32
        %dma_start3A_166 = tpu.memref_slice %arg2[%dma_start3A_164, %dma_start3A_165] : memref<61440x128xf32, #tpu.memory_space<hbm>> -> memref<61440x128xf32, #tpu.memory_space<hbm>>
        tpu.enqueue_indirect_dma source(%dma_start3A_166 : memref<61440x128xf32, #tpu.memory_space<hbm>>) target(%arg6 : memref<128x128xf32, #tpu.memory_space<vmem>>) offsets(%dma_start3A_163 : memref<128xi32, #tpu.memory_space<vmem>>) semaphore(%arg8 : memref<!tpu.dma_semaphore, #tpu.memory_space<semaphore_mem>>)
      } else {
      }
      %dma_wait3A_147 = arith.constant 0 : i32
      %dma_wait3A_148 = arith.constant 0 : i32
      %dma_wait3A_149 = tpu.memref_slice %arg2[%dma_wait3A_147, %dma_wait3A_148] : memref<61440x128xf32, #tpu.memory_space<hbm>> -> memref<128x128xf32, #tpu.memory_space<hbm>>
      %dma_wait3A_150 = arith.constant 0 : i32
      %dma_wait3A_151 = arith.constant 0 : i32
      %dma_wait3A_152 = tpu.memref_slice %arg2[%dma_wait3A_150, %dma_wait3A_151] : memref<61440x128xf32, #tpu.memory_space<hbm>> -> memref<128x128xf32, #tpu.memory_space<hbm>>
      tpu.wait_dma2 semaphore(%arg9 : memref<!tpu.dma_semaphore, #tpu.memory_space<semaphore_mem>>) src(%dma_wait3A_152 : memref<128x128xf32, #tpu.memory_space<hbm>>) dst(%arg7 : memref<128x128xf32, #tpu.memory_space<vmem>>)
      %mul3A_153 = arith.constant 2 : i32
      %mul3A_154 = arith.muli %mul3A_153, %add3A_141 : i32
      %add3A_155 = arith.constant 1 : i32
      %add3A_156 = arith.addi %mul3A_154, %add3A_155 : i32
      "tpu.region"() ({
        %run_scoped3A_157 = tpu.sem_alloc : memref<!tpu.dma_semaphore, #tpu.memory_space<semaphore_mem>>
        %dma_start3A_158 = arith.constant 0 : i32
        %dma_start3A_159 = tpu.memref_slice %arg5[%add3A_156, %dma_start3A_158] : memref<80x128xi32, #tpu.memory_space<vmem>> -> memref<1x128xi32, #tpu.memory_space<vmem>>
        %dma_start3A_160 = tpu.memref_squeeze %dma_start3A_159 : memref<1x128xi32, #tpu.memory_space<vmem>> -> memref<128xi32, #tpu.memory_space<vmem>>
        %dma_start3A_161 = arith.constant 0 : i32
        %dma_start3A_162 = arith.constant 0 : i32
        %dma_start3A_163 = tpu.memref_slice %arg10[%dma_start3A_161, %dma_start3A_162] : memref<10240x128xf32, #tpu.memory_space<vmem_shared>> -> memref<10240x128xf32, #tpu.memory_space<vmem_shared>>
        tpu.enqueue_indirect_dma source(%arg7 : memref<128x128xf32, #tpu.memory_space<vmem>>) target(%dma_start3A_163 : memref<10240x128xf32, #tpu.memory_space<vmem_shared>>) offsets(%dma_start3A_160 : memref<128xi32, #tpu.memory_space<vmem>>) semaphore(%run_scoped3A_157 : memref<!tpu.dma_semaphore, #tpu.memory_space<semaphore_mem>>) {add = true}
        %dma_wait3A_164 = arith.constant 0 : i32
        %dma_wait3A_165 = tpu.memref_slice %arg5[%add3A_156, %dma_wait3A_164] : memref<80x128xi32, #tpu.memory_space<vmem>> -> memref<1x128xi32, #tpu.memory_space<vmem>>
        %dma_wait3A_166 = tpu.memref_squeeze %dma_wait3A_165 : memref<1x128xi32, #tpu.memory_space<vmem>> -> memref<128xi32, #tpu.memory_space<vmem>>
        %dma_wait3A_167 = arith.constant 0 : i32
        %dma_wait3A_168 = arith.constant 0 : i32
        %dma_wait3A_169 = tpu.memref_slice %arg10[%dma_wait3A_167, %dma_wait3A_168] : memref<10240x128xf32, #tpu.memory_space<vmem_shared>> -> memref<10240x128xf32, #tpu.memory_space<vmem_shared>>
        tpu.wait_indirect_dma semaphore(%run_scoped3A_157 : memref<!tpu.dma_semaphore, #tpu.memory_space<semaphore_mem>>) src(%arg7 : memref<128x128xf32, #tpu.memory_space<vmem>>) dst(%dma_wait3A_169 : memref<10240x128xf32, #tpu.memory_space<vmem_shared>>)
        tpu.yield
      }) : () -> ()
    }
    %scan3A_76 = arith.constant 20 : i32
    %barrier3A_77 = arith.constant 0 : index
    tpu.barrier barrier_id(%barrier3A_77)
    %run_scoped3A_78 = arith.constant 1 : i32
    "tpu.region"() ({
      %run_scoped3A_122 = tpu.sem_alloc : memref<!tpu.dma_semaphore, #tpu.memory_space<semaphore_mem>>
      %dma_start3A_123 = arith.constant 0 : i32
      %dma_start3A_124 = tpu.memref_slice %arg4[%run_scoped3A_78, %arg0, %mul3A_0, %dma_start3A_123] : memref<3x2x10240x128xf32, #tpu.memory_space<hbm>> -> memref<1x1x640x128xf32, #tpu.memory_space<hbm>>
      %dma_start3A_125 = tpu.memref_squeeze %dma_start3A_124 : memref<1x1x640x128xf32, #tpu.memory_space<hbm>> -> memref<640x128xf32, #tpu.memory_space<hbm>>
      %dma_start3A_126 = arith.constant 0 : i32
      %dma_start3A_127 = tpu.memref_slice %arg10[%mul3A_0, %dma_start3A_126] : memref<10240x128xf32, #tpu.memory_space<vmem_shared>> -> memref<640x128xf32, #tpu.memory_space<vmem_shared>>
      tpu.enqueue_dma source(%dma_start3A_127 : memref<640x128xf32, #tpu.memory_space<vmem_shared>>) target(%dma_start3A_125 : memref<640x128xf32, #tpu.memory_space<hbm>>) target_semaphore(%run_scoped3A_122 : memref<!tpu.dma_semaphore, #tpu.memory_space<semaphore_mem>>)
      %dma_wait3A = arith.constant 0 : i32
      %dma_wait3A_128 = tpu.memref_slice %arg4[%run_scoped3A_78, %arg0, %mul3A_0, %dma_wait3A] : memref<3x2x10240x128xf32, #tpu.memory_space<hbm>> -> memref<1x1x640x128xf32, #tpu.memory_space<hbm>>
      %dma_wait3A_129 = tpu.memref_squeeze %dma_wait3A_128 : memref<1x1x640x128xf32, #tpu.memory_space<hbm>> -> memref<640x128xf32, #tpu.memory_space<hbm>>
      %dma_wait3A_130 = arith.constant 0 : i32
      %dma_wait3A_131 = tpu.memref_slice %arg10[%mul3A_0, %dma_wait3A_130] : memref<10240x128xf32, #tpu.memory_space<vmem_shared>> -> memref<640x128xf32, #tpu.memory_space<vmem_shared>>
      tpu.wait_dma2 semaphore(%run_scoped3A_122 : memref<!tpu.dma_semaphore, #tpu.memory_space<semaphore_mem>>) src(%dma_wait3A_131 : memref<640x128xf32, #tpu.memory_space<vmem_shared>>) dst(%dma_wait3A_129 : memref<640x128xf32, #tpu.memory_space<hbm>>)
      tpu.yield
    }) : () -> ()
    %barrier3A_79 = arith.constant 0 : index
    tpu.barrier barrier_id(%barrier3A_79)
    %add3A_80 = arith.constant 4 : i32
    %add3A_81 = arith.addi %add3A_80, %arg0 : i32
    %mul3A_82 = arith.constant 10240 : i32
    %mul3A_83 = arith.muli %add3A_81, %mul3A_82 : i32
    %mul3A_84 = arith.constant 640 : i32
    %mul3A_85 = arith.muli %arg1, %mul3A_84 : i32
    %add3A_86 = arith.addi %mul3A_83, %mul3A_85 : i32
    "tpu.region"() ({
      %run_scoped3A_122 = tpu.sem_alloc : memref<!tpu.dma_semaphore, #tpu.memory_space<semaphore_mem>>
      %dma_start3A_123 = arith.constant 0 : i32
      %dma_start3A_124 = tpu.memref_slice %arg10[%mul3A_0, %dma_start3A_123] : memref<10240x128xf32, #tpu.memory_space<vmem_shared>> -> memref<640x128xf32, #tpu.memory_space<vmem_shared>>
      %dma_start3A_125 = arith.constant 0 : i32
      %dma_start3A_126 = tpu.memref_slice %arg2[%add3A_86, %dma_start3A_125] : memref<61440x128xf32, #tpu.memory_space<hbm>> -> memref<640x128xf32, #tpu.memory_space<hbm>>
      tpu.enqueue_dma source(%dma_start3A_126 : memref<640x128xf32, #tpu.memory_space<hbm>>) target(%dma_start3A_124 : memref<640x128xf32, #tpu.memory_space<vmem_shared>>) target_semaphore(%run_scoped3A_122 : memref<!tpu.dma_semaphore, #tpu.memory_space<semaphore_mem>>)
      %dma_wait3A = arith.constant 0 : i32
      %dma_wait3A_127 = tpu.memref_slice %arg10[%mul3A_0, %dma_wait3A] : memref<10240x128xf32, #tpu.memory_space<vmem_shared>> -> memref<640x128xf32, #tpu.memory_space<vmem_shared>>
      %dma_wait3A_128 = arith.constant 0 : i32
      %dma_wait3A_129 = tpu.memref_slice %arg2[%add3A_86, %dma_wait3A_128] : memref<61440x128xf32, #tpu.memory_space<hbm>> -> memref<640x128xf32, #tpu.memory_space<hbm>>
      tpu.wait_dma2 semaphore(%run_scoped3A_122 : memref<!tpu.dma_semaphore, #tpu.memory_space<semaphore_mem>>) src(%dma_wait3A_129 : memref<640x128xf32, #tpu.memory_space<hbm>>) dst(%dma_wait3A_127 : memref<640x128xf32, #tpu.memory_space<vmem_shared>>)
      tpu.yield
    }) : () -> ()
    %mul3A_87 = arith.constant 3 : i32
    %mul3A_88 = arith.muli %arg0, %mul3A_87 : i32
    %add3A_89 = arith.constant 2 : i32
    %add3A_90 = arith.addi %mul3A_88, %add3A_89 : i32
    %mul3A_91 = arith.constant 16 : i32
    %mul3A_92 = arith.muli %add3A_90, %mul3A_91 : i32
    %add3A_93 = arith.addi %mul3A_92, %arg1 : i32
    "tpu.region"() ({
      %run_scoped3A_122 = tpu.sem_alloc : memref<!tpu.dma_semaphore, #tpu.memory_space<semaphore_mem>>
      %dma_start3A_123 = arith.constant 0 : i32
      %dma_start3A_124 = arith.constant 0 : i32
      %dma_start3A_125 = tpu.memref_slice %arg3[%add3A_93, %dma_start3A_123, %dma_start3A_124] : memref<96x160x128xi32, #tpu.memory_space<hbm>> -> memref<1x80x128xi32, #tpu.memory_space<hbm>>
      %dma_start3A_126 = tpu.memref_squeeze %dma_start3A_125 : memref<1x80x128xi32, #tpu.memory_space<hbm>> -> memref<80x128xi32, #tpu.memory_space<hbm>>
      %dma_start3A_127 = arith.constant 0 : i32
      %dma_start3A_128 = arith.constant 0 : i32
      %dma_start3A_129 = tpu.memref_slice %arg3[%add3A_93, %dma_start3A_127, %dma_start3A_128] : memref<96x160x128xi32, #tpu.memory_space<hbm>> -> memref<1x80x128xi32, #tpu.memory_space<hbm>>
      %dma_start3A_130 = tpu.memref_squeeze %dma_start3A_129 : memref<1x80x128xi32, #tpu.memory_space<hbm>> -> memref<80x128xi32, #tpu.memory_space<hbm>>
      tpu.enqueue_dma source(%dma_start3A_130 : memref<80x128xi32, #tpu.memory_space<hbm>>) target(%arg5 : memref<80x128xi32, #tpu.memory_space<vmem>>) target_semaphore(%run_scoped3A_122 : memref<!tpu.dma_semaphore, #tpu.memory_space<semaphore_mem>>)
      %dma_wait3A = arith.constant 0 : i32
      %dma_wait3A_131 = arith.constant 0 : i32
      %dma_wait3A_132 = tpu.memref_slice %arg3[%add3A_93, %dma_wait3A, %dma_wait3A_131] : memref<96x160x128xi32, #tpu.memory_space<hbm>> -> memref<1x80x128xi32, #tpu.memory_space<hbm>>
      %dma_wait3A_133 = tpu.memref_squeeze %dma_wait3A_132 : memref<1x80x128xi32, #tpu.memory_space<hbm>> -> memref<80x128xi32, #tpu.memory_space<hbm>>
      %dma_wait3A_134 = arith.constant 0 : i32
      %dma_wait3A_135 = arith.constant 0 : i32
      %dma_wait3A_136 = tpu.memref_slice %arg3[%add3A_93, %dma_wait3A_134, %dma_wait3A_135] : memref<96x160x128xi32, #tpu.memory_space<hbm>> -> memref<1x80x128xi32, #tpu.memory_space<hbm>>
      %dma_wait3A_137 = tpu.memref_squeeze %dma_wait3A_136 : memref<1x80x128xi32, #tpu.memory_space<hbm>> -> memref<80x128xi32, #tpu.memory_space<hbm>>
      tpu.wait_dma2 semaphore(%run_scoped3A_122 : memref<!tpu.dma_semaphore, #tpu.memory_space<semaphore_mem>>) src(%dma_wait3A_137 : memref<80x128xi32, #tpu.memory_space<hbm>>) dst(%arg5 : memref<80x128xi32, #tpu.memory_space<vmem>>)
      tpu.yield
    }) : () -> ()
    %dma_start3A_94 = arith.constant 0 : i32
    %dma_start3A_95 = arith.constant 0 : i32
    %dma_start3A_96 = tpu.memref_slice %arg5[%dma_start3A_94, %dma_start3A_95] : memref<80x128xi32, #tpu.memory_space<vmem>> -> memref<1x128xi32, #tpu.memory_space<vmem>>
    %dma_start3A_97 = tpu.memref_squeeze %dma_start3A_96 : memref<1x128xi32, #tpu.memory_space<vmem>> -> memref<128xi32, #tpu.memory_space<vmem>>
    %dma_start3A_98 = arith.constant 0 : i32
    %dma_start3A_99 = arith.constant 0 : i32
    %dma_start3A_100 = tpu.memref_slice %arg2[%dma_start3A_98, %dma_start3A_99] : memref<61440x128xf32, #tpu.memory_space<hbm>> -> memref<61440x128xf32, #tpu.memory_space<hbm>>
    tpu.enqueue_indirect_dma source(%dma_start3A_100 : memref<61440x128xf32, #tpu.memory_space<hbm>>) target(%arg6 : memref<128x128xf32, #tpu.memory_space<vmem>>) offsets(%dma_start3A_97 : memref<128xi32, #tpu.memory_space<vmem>>) semaphore(%arg8 : memref<!tpu.dma_semaphore, #tpu.memory_space<semaphore_mem>>)
    %barrier3A_101 = arith.constant 0 : index
    tpu.barrier barrier_id(%barrier3A_101)
    %scan3A_102 = arith.constant 0 : i32
    %scan3A_103 = arith.constant 20 : i32
    %scan3A_104 = arith.addi %scan3A_102, %scan3A_103 : i32
    %scan3A_105 = arith.constant 1 : i32
    scf.for %scan3A_122 = %scan3A_102 to %scan3A_104 step %scan3A_105  : i32 {
      %mul3A_123 = arith.constant 2 : i32
      %mul3A_124 = arith.muli %mul3A_123, %scan3A_122 : i32
      %add3A_125 = arith.constant 0 : i32
      %add3A_126 = arith.addi %mul3A_124, %add3A_125 : i32
      %lt3A = arith.constant 39 : i32
      %lt3A_127 = arith.cmpi slt, %add3A_126, %lt3A : i32
      %convert_element_type3A = arith.extui %lt3A_127 : i1 to i32
      %cond3A = arith.constant 0 : i32
      %cond3A_128 = arith.cmpi ne, %convert_element_type3A, %cond3A : i32
      scf.if %cond3A_128 {
        %add3A_157 = arith.constant 1 : i32
        %add3A_158 = arith.addi %add3A_126, %add3A_157 : i32
        %mul3A_159 = arith.constant 2 : i32
        %mul3A_160 = arith.muli %mul3A_159, %add3A_158 : i32
        %dma_start3A_161 = arith.constant 0 : i32
        %dma_start3A_162 = tpu.memref_slice %arg5[%mul3A_160, %dma_start3A_161] : memref<80x128xi32, #tpu.memory_space<vmem>> -> memref<1x128xi32, #tpu.memory_space<vmem>>
        %dma_start3A_163 = tpu.memref_squeeze %dma_start3A_162 : memref<1x128xi32, #tpu.memory_space<vmem>> -> memref<128xi32, #tpu.memory_space<vmem>>
        %dma_start3A_164 = arith.constant 0 : i32
        %dma_start3A_165 = arith.constant 0 : i32
        %dma_start3A_166 = tpu.memref_slice %arg2[%dma_start3A_164, %dma_start3A_165] : memref<61440x128xf32, #tpu.memory_space<hbm>> -> memref<61440x128xf32, #tpu.memory_space<hbm>>
        tpu.enqueue_indirect_dma source(%dma_start3A_166 : memref<61440x128xf32, #tpu.memory_space<hbm>>) target(%arg7 : memref<128x128xf32, #tpu.memory_space<vmem>>) offsets(%dma_start3A_163 : memref<128xi32, #tpu.memory_space<vmem>>) semaphore(%arg9 : memref<!tpu.dma_semaphore, #tpu.memory_space<semaphore_mem>>)
      } else {
      }
      %dma_wait3A = arith.constant 0 : i32
      %dma_wait3A_129 = arith.constant 0 : i32
      %dma_wait3A_130 = tpu.memref_slice %arg2[%dma_wait3A, %dma_wait3A_129] : memref<61440x128xf32, #tpu.memory_space<hbm>> -> memref<128x128xf32, #tpu.memory_space<hbm>>
      %dma_wait3A_131 = arith.constant 0 : i32
      %dma_wait3A_132 = arith.constant 0 : i32
      %dma_wait3A_133 = tpu.memref_slice %arg2[%dma_wait3A_131, %dma_wait3A_132] : memref<61440x128xf32, #tpu.memory_space<hbm>> -> memref<128x128xf32, #tpu.memory_space<hbm>>
      tpu.wait_dma2 semaphore(%arg8 : memref<!tpu.dma_semaphore, #tpu.memory_space<semaphore_mem>>) src(%dma_wait3A_133 : memref<128x128xf32, #tpu.memory_space<hbm>>) dst(%arg6 : memref<128x128xf32, #tpu.memory_space<vmem>>)
      %mul3A_134 = arith.constant 2 : i32
      %mul3A_135 = arith.muli %mul3A_134, %add3A_126 : i32
      %add3A_136 = arith.constant 1 : i32
      %add3A_137 = arith.addi %mul3A_135, %add3A_136 : i32
      "tpu.region"() ({
        %run_scoped3A_157 = tpu.sem_alloc : memref<!tpu.dma_semaphore, #tpu.memory_space<semaphore_mem>>
        %dma_start3A_158 = arith.constant 0 : i32
        %dma_start3A_159 = tpu.memref_slice %arg5[%add3A_137, %dma_start3A_158] : memref<80x128xi32, #tpu.memory_space<vmem>> -> memref<1x128xi32, #tpu.memory_space<vmem>>
        %dma_start3A_160 = tpu.memref_squeeze %dma_start3A_159 : memref<1x128xi32, #tpu.memory_space<vmem>> -> memref<128xi32, #tpu.memory_space<vmem>>
        %dma_start3A_161 = arith.constant 0 : i32
        %dma_start3A_162 = arith.constant 0 : i32
        %dma_start3A_163 = tpu.memref_slice %arg10[%dma_start3A_161, %dma_start3A_162] : memref<10240x128xf32, #tpu.memory_space<vmem_shared>> -> memref<10240x128xf32, #tpu.memory_space<vmem_shared>>
        tpu.enqueue_indirect_dma source(%arg6 : memref<128x128xf32, #tpu.memory_space<vmem>>) target(%dma_start3A_163 : memref<10240x128xf32, #tpu.memory_space<vmem_shared>>) offsets(%dma_start3A_160 : memref<128xi32, #tpu.memory_space<vmem>>) semaphore(%run_scoped3A_157 : memref<!tpu.dma_semaphore, #tpu.memory_space<semaphore_mem>>) {add = true}
        %dma_wait3A_164 = arith.constant 0 : i32
        %dma_wait3A_165 = tpu.memref_slice %arg5[%add3A_137, %dma_wait3A_164] : memref<80x128xi32, #tpu.memory_space<vmem>> -> memref<1x128xi32, #tpu.memory_space<vmem>>
        %dma_wait3A_166 = tpu.memref_squeeze %dma_wait3A_165 : memref<1x128xi32, #tpu.memory_space<vmem>> -> memref<128xi32, #tpu.memory_space<vmem>>
        %dma_wait3A_167 = arith.constant 0 : i32
        %dma_wait3A_168 = arith.constant 0 : i32
        %dma_wait3A_169 = tpu.memref_slice %arg10[%dma_wait3A_167, %dma_wait3A_168] : memref<10240x128xf32, #tpu.memory_space<vmem_shared>> -> memref<10240x128xf32, #tpu.memory_space<vmem_shared>>
        tpu.wait_indirect_dma semaphore(%run_scoped3A_157 : memref<!tpu.dma_semaphore, #tpu.memory_space<semaphore_mem>>) src(%arg6 : memref<128x128xf32, #tpu.memory_space<vmem>>) dst(%dma_wait3A_169 : memref<10240x128xf32, #tpu.memory_space<vmem_shared>>)
        tpu.yield
      }) : () -> ()
      %mul3A_138 = arith.constant 2 : i32
      %mul3A_139 = arith.muli %mul3A_138, %scan3A_122 : i32
      %add3A_140 = arith.constant 1 : i32
      %add3A_141 = arith.addi %mul3A_139, %add3A_140 : i32
      %lt3A_142 = arith.constant 39 : i32
      %lt3A_143 = arith.cmpi slt, %add3A_141, %lt3A_142 : i32
      %convert_element_type3A_144 = arith.extui %lt3A_143 : i1 to i32
      %cond3A_145 = arith.constant 0 : i32
      %cond3A_146 = arith.cmpi ne, %convert_element_type3A_144, %cond3A_145 : i32
      scf.if %cond3A_146 {
        %add3A_157 = arith.constant 1 : i32
        %add3A_158 = arith.addi %add3A_141, %add3A_157 : i32
        %mul3A_159 = arith.constant 2 : i32
        %mul3A_160 = arith.muli %mul3A_159, %add3A_158 : i32
        %dma_start3A_161 = arith.constant 0 : i32
        %dma_start3A_162 = tpu.memref_slice %arg5[%mul3A_160, %dma_start3A_161] : memref<80x128xi32, #tpu.memory_space<vmem>> -> memref<1x128xi32, #tpu.memory_space<vmem>>
        %dma_start3A_163 = tpu.memref_squeeze %dma_start3A_162 : memref<1x128xi32, #tpu.memory_space<vmem>> -> memref<128xi32, #tpu.memory_space<vmem>>
        %dma_start3A_164 = arith.constant 0 : i32
        %dma_start3A_165 = arith.constant 0 : i32
        %dma_start3A_166 = tpu.memref_slice %arg2[%dma_start3A_164, %dma_start3A_165] : memref<61440x128xf32, #tpu.memory_space<hbm>> -> memref<61440x128xf32, #tpu.memory_space<hbm>>
        tpu.enqueue_indirect_dma source(%dma_start3A_166 : memref<61440x128xf32, #tpu.memory_space<hbm>>) target(%arg6 : memref<128x128xf32, #tpu.memory_space<vmem>>) offsets(%dma_start3A_163 : memref<128xi32, #tpu.memory_space<vmem>>) semaphore(%arg8 : memref<!tpu.dma_semaphore, #tpu.memory_space<semaphore_mem>>)
      } else {
      }
      %dma_wait3A_147 = arith.constant 0 : i32
      %dma_wait3A_148 = arith.constant 0 : i32
      %dma_wait3A_149 = tpu.memref_slice %arg2[%dma_wait3A_147, %dma_wait3A_148] : memref<61440x128xf32, #tpu.memory_space<hbm>> -> memref<128x128xf32, #tpu.memory_space<hbm>>
      %dma_wait3A_150 = arith.constant 0 : i32
      %dma_wait3A_151 = arith.constant 0 : i32
      %dma_wait3A_152 = tpu.memref_slice %arg2[%dma_wait3A_150, %dma_wait3A_151] : memref<61440x128xf32, #tpu.memory_space<hbm>> -> memref<128x128xf32, #tpu.memory_space<hbm>>
      tpu.wait_dma2 semaphore(%arg9 : memref<!tpu.dma_semaphore, #tpu.memory_space<semaphore_mem>>) src(%dma_wait3A_152 : memref<128x128xf32, #tpu.memory_space<hbm>>) dst(%arg7 : memref<128x128xf32, #tpu.memory_space<vmem>>)
      %mul3A_153 = arith.constant 2 : i32
      %mul3A_154 = arith.muli %mul3A_153, %add3A_141 : i32
      %add3A_155 = arith.constant 1 : i32
      %add3A_156 = arith.addi %mul3A_154, %add3A_155 : i32
      "tpu.region"() ({
        %run_scoped3A_157 = tpu.sem_alloc : memref<!tpu.dma_semaphore, #tpu.memory_space<semaphore_mem>>
        %dma_start3A_158 = arith.constant 0 : i32
        %dma_start3A_159 = tpu.memref_slice %arg5[%add3A_156, %dma_start3A_158] : memref<80x128xi32, #tpu.memory_space<vmem>> -> memref<1x128xi32, #tpu.memory_space<vmem>>
        %dma_start3A_160 = tpu.memref_squeeze %dma_start3A_159 : memref<1x128xi32, #tpu.memory_space<vmem>> -> memref<128xi32, #tpu.memory_space<vmem>>
        %dma_start3A_161 = arith.constant 0 : i32
        %dma_start3A_162 = arith.constant 0 : i32
        %dma_start3A_163 = tpu.memref_slice %arg10[%dma_start3A_161, %dma_start3A_162] : memref<10240x128xf32, #tpu.memory_space<vmem_shared>> -> memref<10240x128xf32, #tpu.memory_space<vmem_shared>>
        tpu.enqueue_indirect_dma source(%arg7 : memref<128x128xf32, #tpu.memory_space<vmem>>) target(%dma_start3A_163 : memref<10240x128xf32, #tpu.memory_space<vmem_shared>>) offsets(%dma_start3A_160 : memref<128xi32, #tpu.memory_space<vmem>>) semaphore(%run_scoped3A_157 : memref<!tpu.dma_semaphore, #tpu.memory_space<semaphore_mem>>) {add = true}
        %dma_wait3A_164 = arith.constant 0 : i32
        %dma_wait3A_165 = tpu.memref_slice %arg5[%add3A_156, %dma_wait3A_164] : memref<80x128xi32, #tpu.memory_space<vmem>> -> memref<1x128xi32, #tpu.memory_space<vmem>>
        %dma_wait3A_166 = tpu.memref_squeeze %dma_wait3A_165 : memref<1x128xi32, #tpu.memory_space<vmem>> -> memref<128xi32, #tpu.memory_space<vmem>>
        %dma_wait3A_167 = arith.constant 0 : i32
        %dma_wait3A_168 = arith.constant 0 : i32
        %dma_wait3A_169 = tpu.memref_slice %arg10[%dma_wait3A_167, %dma_wait3A_168] : memref<10240x128xf32, #tpu.memory_space<vmem_shared>> -> memref<10240x128xf32, #tpu.memory_space<vmem_shared>>
        tpu.wait_indirect_dma semaphore(%run_scoped3A_157 : memref<!tpu.dma_semaphore, #tpu.memory_space<semaphore_mem>>) src(%arg7 : memref<128x128xf32, #tpu.memory_space<vmem>>) dst(%dma_wait3A_169 : memref<10240x128xf32, #tpu.memory_space<vmem_shared>>)
        tpu.yield
      }) : () -> ()
    }
    %scan3A_106 = arith.constant 20 : i32
    "tpu.region"() ({
      %run_scoped3A_122 = tpu.sem_alloc : memref<!tpu.dma_semaphore, #tpu.memory_space<semaphore_mem>>
      %dma_start3A_123 = arith.constant 80 : i32
      %dma_start3A_124 = arith.constant 0 : i32
      %dma_start3A_125 = tpu.memref_slice %arg3[%add3A_93, %dma_start3A_123, %dma_start3A_124] : memref<96x160x128xi32, #tpu.memory_space<hbm>> -> memref<1x80x128xi32, #tpu.memory_space<hbm>>
      %dma_start3A_126 = tpu.memref_squeeze %dma_start3A_125 : memref<1x80x128xi32, #tpu.memory_space<hbm>> -> memref<80x128xi32, #tpu.memory_space<hbm>>
      %dma_start3A_127 = arith.constant 80 : i32
      %dma_start3A_128 = arith.constant 0 : i32
      %dma_start3A_129 = tpu.memref_slice %arg3[%add3A_93, %dma_start3A_127, %dma_start3A_128] : memref<96x160x128xi32, #tpu.memory_space<hbm>> -> memref<1x80x128xi32, #tpu.memory_space<hbm>>
      %dma_start3A_130 = tpu.memref_squeeze %dma_start3A_129 : memref<1x80x128xi32, #tpu.memory_space<hbm>> -> memref<80x128xi32, #tpu.memory_space<hbm>>
      tpu.enqueue_dma source(%dma_start3A_130 : memref<80x128xi32, #tpu.memory_space<hbm>>) target(%arg5 : memref<80x128xi32, #tpu.memory_space<vmem>>) target_semaphore(%run_scoped3A_122 : memref<!tpu.dma_semaphore, #tpu.memory_space<semaphore_mem>>)
      %dma_wait3A = arith.constant 80 : i32
      %dma_wait3A_131 = arith.constant 0 : i32
      %dma_wait3A_132 = tpu.memref_slice %arg3[%add3A_93, %dma_wait3A, %dma_wait3A_131] : memref<96x160x128xi32, #tpu.memory_space<hbm>> -> memref<1x80x128xi32, #tpu.memory_space<hbm>>
      %dma_wait3A_133 = tpu.memref_squeeze %dma_wait3A_132 : memref<1x80x128xi32, #tpu.memory_space<hbm>> -> memref<80x128xi32, #tpu.memory_space<hbm>>
      %dma_wait3A_134 = arith.constant 80 : i32
      %dma_wait3A_135 = arith.constant 0 : i32
      %dma_wait3A_136 = tpu.memref_slice %arg3[%add3A_93, %dma_wait3A_134, %dma_wait3A_135] : memref<96x160x128xi32, #tpu.memory_space<hbm>> -> memref<1x80x128xi32, #tpu.memory_space<hbm>>
      %dma_wait3A_137 = tpu.memref_squeeze %dma_wait3A_136 : memref<1x80x128xi32, #tpu.memory_space<hbm>> -> memref<80x128xi32, #tpu.memory_space<hbm>>
      tpu.wait_dma2 semaphore(%run_scoped3A_122 : memref<!tpu.dma_semaphore, #tpu.memory_space<semaphore_mem>>) src(%dma_wait3A_137 : memref<80x128xi32, #tpu.memory_space<hbm>>) dst(%arg5 : memref<80x128xi32, #tpu.memory_space<vmem>>)
      tpu.yield
    }) : () -> ()
    %dma_start3A_107 = arith.constant 0 : i32
    %dma_start3A_108 = arith.constant 0 : i32
    %dma_start3A_109 = tpu.memref_slice %arg5[%dma_start3A_107, %dma_start3A_108] : memref<80x128xi32, #tpu.memory_space<vmem>> -> memref<1x128xi32, #tpu.memory_space<vmem>>
    %dma_start3A_110 = tpu.memref_squeeze %dma_start3A_109 : memref<1x128xi32, #tpu.memory_space<vmem>> -> memref<128xi32, #tpu.memory_space<vmem>>
    %dma_start3A_111 = arith.constant 0 : i32
    %dma_start3A_112 = arith.constant 0 : i32
    %dma_start3A_113 = tpu.memref_slice %arg2[%dma_start3A_111, %dma_start3A_112] : memref<61440x128xf32, #tpu.memory_space<hbm>> -> memref<61440x128xf32, #tpu.memory_space<hbm>>
    tpu.enqueue_indirect_dma source(%dma_start3A_113 : memref<61440x128xf32, #tpu.memory_space<hbm>>) target(%arg6 : memref<128x128xf32, #tpu.memory_space<vmem>>) offsets(%dma_start3A_110 : memref<128xi32, #tpu.memory_space<vmem>>) semaphore(%arg8 : memref<!tpu.dma_semaphore, #tpu.memory_space<semaphore_mem>>)
    %scan3A_114 = arith.constant 0 : i32
    %scan3A_115 = arith.constant 20 : i32
    %scan3A_116 = arith.addi %scan3A_114, %scan3A_115 : i32
    %scan3A_117 = arith.constant 1 : i32
    scf.for %scan3A_122 = %scan3A_114 to %scan3A_116 step %scan3A_117  : i32 {
      %mul3A_123 = arith.constant 2 : i32
      %mul3A_124 = arith.muli %mul3A_123, %scan3A_122 : i32
      %add3A_125 = arith.constant 0 : i32
      %add3A_126 = arith.addi %mul3A_124, %add3A_125 : i32
      %lt3A = arith.constant 39 : i32
      %lt3A_127 = arith.cmpi slt, %add3A_126, %lt3A : i32
      %convert_element_type3A = arith.extui %lt3A_127 : i1 to i32
      %cond3A = arith.constant 0 : i32
      %cond3A_128 = arith.cmpi ne, %convert_element_type3A, %cond3A : i32
      scf.if %cond3A_128 {
        %add3A_157 = arith.constant 1 : i32
        %add3A_158 = arith.addi %add3A_126, %add3A_157 : i32
        %mul3A_159 = arith.constant 2 : i32
        %mul3A_160 = arith.muli %mul3A_159, %add3A_158 : i32
        %dma_start3A_161 = arith.constant 0 : i32
        %dma_start3A_162 = tpu.memref_slice %arg5[%mul3A_160, %dma_start3A_161] : memref<80x128xi32, #tpu.memory_space<vmem>> -> memref<1x128xi32, #tpu.memory_space<vmem>>
        %dma_start3A_163 = tpu.memref_squeeze %dma_start3A_162 : memref<1x128xi32, #tpu.memory_space<vmem>> -> memref<128xi32, #tpu.memory_space<vmem>>
        %dma_start3A_164 = arith.constant 0 : i32
        %dma_start3A_165 = arith.constant 0 : i32
        %dma_start3A_166 = tpu.memref_slice %arg2[%dma_start3A_164, %dma_start3A_165] : memref<61440x128xf32, #tpu.memory_space<hbm>> -> memref<61440x128xf32, #tpu.memory_space<hbm>>
        tpu.enqueue_indirect_dma source(%dma_start3A_166 : memref<61440x128xf32, #tpu.memory_space<hbm>>) target(%arg7 : memref<128x128xf32, #tpu.memory_space<vmem>>) offsets(%dma_start3A_163 : memref<128xi32, #tpu.memory_space<vmem>>) semaphore(%arg9 : memref<!tpu.dma_semaphore, #tpu.memory_space<semaphore_mem>>)
      } else {
      }
      %dma_wait3A = arith.constant 0 : i32
      %dma_wait3A_129 = arith.constant 0 : i32
      %dma_wait3A_130 = tpu.memref_slice %arg2[%dma_wait3A, %dma_wait3A_129] : memref<61440x128xf32, #tpu.memory_space<hbm>> -> memref<128x128xf32, #tpu.memory_space<hbm>>
      %dma_wait3A_131 = arith.constant 0 : i32
      %dma_wait3A_132 = arith.constant 0 : i32
      %dma_wait3A_133 = tpu.memref_slice %arg2[%dma_wait3A_131, %dma_wait3A_132] : memref<61440x128xf32, #tpu.memory_space<hbm>> -> memref<128x128xf32, #tpu.memory_space<hbm>>
      tpu.wait_dma2 semaphore(%arg8 : memref<!tpu.dma_semaphore, #tpu.memory_space<semaphore_mem>>) src(%dma_wait3A_133 : memref<128x128xf32, #tpu.memory_space<hbm>>) dst(%arg6 : memref<128x128xf32, #tpu.memory_space<vmem>>)
      %mul3A_134 = arith.constant 2 : i32
      %mul3A_135 = arith.muli %mul3A_134, %add3A_126 : i32
      %add3A_136 = arith.constant 1 : i32
      %add3A_137 = arith.addi %mul3A_135, %add3A_136 : i32
      "tpu.region"() ({
        %run_scoped3A_157 = tpu.sem_alloc : memref<!tpu.dma_semaphore, #tpu.memory_space<semaphore_mem>>
        %dma_start3A_158 = arith.constant 0 : i32
        %dma_start3A_159 = tpu.memref_slice %arg5[%add3A_137, %dma_start3A_158] : memref<80x128xi32, #tpu.memory_space<vmem>> -> memref<1x128xi32, #tpu.memory_space<vmem>>
        %dma_start3A_160 = tpu.memref_squeeze %dma_start3A_159 : memref<1x128xi32, #tpu.memory_space<vmem>> -> memref<128xi32, #tpu.memory_space<vmem>>
        %dma_start3A_161 = arith.constant 0 : i32
        %dma_start3A_162 = arith.constant 0 : i32
        %dma_start3A_163 = tpu.memref_slice %arg10[%dma_start3A_161, %dma_start3A_162] : memref<10240x128xf32, #tpu.memory_space<vmem_shared>> -> memref<10240x128xf32, #tpu.memory_space<vmem_shared>>
        tpu.enqueue_indirect_dma source(%arg6 : memref<128x128xf32, #tpu.memory_space<vmem>>) target(%dma_start3A_163 : memref<10240x128xf32, #tpu.memory_space<vmem_shared>>) offsets(%dma_start3A_160 : memref<128xi32, #tpu.memory_space<vmem>>) semaphore(%run_scoped3A_157 : memref<!tpu.dma_semaphore, #tpu.memory_space<semaphore_mem>>) {add = true}
        %dma_wait3A_164 = arith.constant 0 : i32
        %dma_wait3A_165 = tpu.memref_slice %arg5[%add3A_137, %dma_wait3A_164] : memref<80x128xi32, #tpu.memory_space<vmem>> -> memref<1x128xi32, #tpu.memory_space<vmem>>
        %dma_wait3A_166 = tpu.memref_squeeze %dma_wait3A_165 : memref<1x128xi32, #tpu.memory_space<vmem>> -> memref<128xi32, #tpu.memory_space<vmem>>
        %dma_wait3A_167 = arith.constant 0 : i32
        %dma_wait3A_168 = arith.constant 0 : i32
        %dma_wait3A_169 = tpu.memref_slice %arg10[%dma_wait3A_167, %dma_wait3A_168] : memref<10240x128xf32, #tpu.memory_space<vmem_shared>> -> memref<10240x128xf32, #tpu.memory_space<vmem_shared>>
        tpu.wait_indirect_dma semaphore(%run_scoped3A_157 : memref<!tpu.dma_semaphore, #tpu.memory_space<semaphore_mem>>) src(%arg6 : memref<128x128xf32, #tpu.memory_space<vmem>>) dst(%dma_wait3A_169 : memref<10240x128xf32, #tpu.memory_space<vmem_shared>>)
        tpu.yield
      }) : () -> ()
      %mul3A_138 = arith.constant 2 : i32
      %mul3A_139 = arith.muli %mul3A_138, %scan3A_122 : i32
      %add3A_140 = arith.constant 1 : i32
      %add3A_141 = arith.addi %mul3A_139, %add3A_140 : i32
      %lt3A_142 = arith.constant 39 : i32
      %lt3A_143 = arith.cmpi slt, %add3A_141, %lt3A_142 : i32
      %convert_element_type3A_144 = arith.extui %lt3A_143 : i1 to i32
      %cond3A_145 = arith.constant 0 : i32
      %cond3A_146 = arith.cmpi ne, %convert_element_type3A_144, %cond3A_145 : i32
      scf.if %cond3A_146 {
        %add3A_157 = arith.constant 1 : i32
        %add3A_158 = arith.addi %add3A_141, %add3A_157 : i32
        %mul3A_159 = arith.constant 2 : i32
        %mul3A_160 = arith.muli %mul3A_159, %add3A_158 : i32
        %dma_start3A_161 = arith.constant 0 : i32
        %dma_start3A_162 = tpu.memref_slice %arg5[%mul3A_160, %dma_start3A_161] : memref<80x128xi32, #tpu.memory_space<vmem>> -> memref<1x128xi32, #tpu.memory_space<vmem>>
        %dma_start3A_163 = tpu.memref_squeeze %dma_start3A_162 : memref<1x128xi32, #tpu.memory_space<vmem>> -> memref<128xi32, #tpu.memory_space<vmem>>
        %dma_start3A_164 = arith.constant 0 : i32
        %dma_start3A_165 = arith.constant 0 : i32
        %dma_start3A_166 = tpu.memref_slice %arg2[%dma_start3A_164, %dma_start3A_165] : memref<61440x128xf32, #tpu.memory_space<hbm>> -> memref<61440x128xf32, #tpu.memory_space<hbm>>
        tpu.enqueue_indirect_dma source(%dma_start3A_166 : memref<61440x128xf32, #tpu.memory_space<hbm>>) target(%arg6 : memref<128x128xf32, #tpu.memory_space<vmem>>) offsets(%dma_start3A_163 : memref<128xi32, #tpu.memory_space<vmem>>) semaphore(%arg8 : memref<!tpu.dma_semaphore, #tpu.memory_space<semaphore_mem>>)
      } else {
      }
      %dma_wait3A_147 = arith.constant 0 : i32
      %dma_wait3A_148 = arith.constant 0 : i32
      %dma_wait3A_149 = tpu.memref_slice %arg2[%dma_wait3A_147, %dma_wait3A_148] : memref<61440x128xf32, #tpu.memory_space<hbm>> -> memref<128x128xf32, #tpu.memory_space<hbm>>
      %dma_wait3A_150 = arith.constant 0 : i32
      %dma_wait3A_151 = arith.constant 0 : i32
      %dma_wait3A_152 = tpu.memref_slice %arg2[%dma_wait3A_150, %dma_wait3A_151] : memref<61440x128xf32, #tpu.memory_space<hbm>> -> memref<128x128xf32, #tpu.memory_space<hbm>>
      tpu.wait_dma2 semaphore(%arg9 : memref<!tpu.dma_semaphore, #tpu.memory_space<semaphore_mem>>) src(%dma_wait3A_152 : memref<128x128xf32, #tpu.memory_space<hbm>>) dst(%arg7 : memref<128x128xf32, #tpu.memory_space<vmem>>)
      %mul3A_153 = arith.constant 2 : i32
      %mul3A_154 = arith.muli %mul3A_153, %add3A_141 : i32
      %add3A_155 = arith.constant 1 : i32
      %add3A_156 = arith.addi %mul3A_154, %add3A_155 : i32
      "tpu.region"() ({
        %run_scoped3A_157 = tpu.sem_alloc : memref<!tpu.dma_semaphore, #tpu.memory_space<semaphore_mem>>
        %dma_start3A_158 = arith.constant 0 : i32
        %dma_start3A_159 = tpu.memref_slice %arg5[%add3A_156, %dma_start3A_158] : memref<80x128xi32, #tpu.memory_space<vmem>> -> memref<1x128xi32, #tpu.memory_space<vmem>>
        %dma_start3A_160 = tpu.memref_squeeze %dma_start3A_159 : memref<1x128xi32, #tpu.memory_space<vmem>> -> memref<128xi32, #tpu.memory_space<vmem>>
        %dma_start3A_161 = arith.constant 0 : i32
        %dma_start3A_162 = arith.constant 0 : i32
        %dma_start3A_163 = tpu.memref_slice %arg10[%dma_start3A_161, %dma_start3A_162] : memref<10240x128xf32, #tpu.memory_space<vmem_shared>> -> memref<10240x128xf32, #tpu.memory_space<vmem_shared>>
        tpu.enqueue_indirect_dma source(%arg7 : memref<128x128xf32, #tpu.memory_space<vmem>>) target(%dma_start3A_163 : memref<10240x128xf32, #tpu.memory_space<vmem_shared>>) offsets(%dma_start3A_160 : memref<128xi32, #tpu.memory_space<vmem>>) semaphore(%run_scoped3A_157 : memref<!tpu.dma_semaphore, #tpu.memory_space<semaphore_mem>>) {add = true}
        %dma_wait3A_164 = arith.constant 0 : i32
        %dma_wait3A_165 = tpu.memref_slice %arg5[%add3A_156, %dma_wait3A_164] : memref<80x128xi32, #tpu.memory_space<vmem>> -> memref<1x128xi32, #tpu.memory_space<vmem>>
        %dma_wait3A_166 = tpu.memref_squeeze %dma_wait3A_165 : memref<1x128xi32, #tpu.memory_space<vmem>> -> memref<128xi32, #tpu.memory_space<vmem>>
        %dma_wait3A_167 = arith.constant 0 : i32
        %dma_wait3A_168 = arith.constant 0 : i32
        %dma_wait3A_169 = tpu.memref_slice %arg10[%dma_wait3A_167, %dma_wait3A_168] : memref<10240x128xf32, #tpu.memory_space<vmem_shared>> -> memref<10240x128xf32, #tpu.memory_space<vmem_shared>>
        tpu.wait_indirect_dma semaphore(%run_scoped3A_157 : memref<!tpu.dma_semaphore, #tpu.memory_space<semaphore_mem>>) src(%arg7 : memref<128x128xf32, #tpu.memory_space<vmem>>) dst(%dma_wait3A_169 : memref<10240x128xf32, #tpu.memory_space<vmem_shared>>)
        tpu.yield
      }) : () -> ()
    }
    %scan3A_118 = arith.constant 20 : i32
    %barrier3A_119 = arith.constant 0 : index
    tpu.barrier barrier_id(%barrier3A_119)
    %run_scoped3A_120 = arith.constant 2 : i32
    "tpu.region"() ({
      %run_scoped3A_122 = tpu.sem_alloc : memref<!tpu.dma_semaphore, #tpu.memory_space<semaphore_mem>>
      %dma_start3A_123 = arith.constant 0 : i32
      %dma_start3A_124 = tpu.memref_slice %arg4[%run_scoped3A_120, %arg0, %mul3A_0, %dma_start3A_123] : memref<3x2x10240x128xf32, #tpu.memory_space<hbm>> -> memref<1x1x640x128xf32, #tpu.memory_space<hbm>>
      %dma_start3A_125 = tpu.memref_squeeze %dma_start3A_124 : memref<1x1x640x128xf32, #tpu.memory_space<hbm>> -> memref<640x128xf32, #tpu.memory_space<hbm>>
      %dma_start3A_126 = arith.constant 0 : i32
      %dma_start3A_127 = tpu.memref_slice %arg10[%mul3A_0, %dma_start3A_126] : memref<10240x128xf32, #tpu.memory_space<vmem_shared>> -> memref<640x128xf32, #tpu.memory_space<vmem_shared>>
      tpu.enqueue_dma source(%dma_start3A_127 : memref<640x128xf32, #tpu.memory_space<vmem_shared>>) target(%dma_start3A_125 : memref<640x128xf32, #tpu.memory_space<hbm>>) target_semaphore(%run_scoped3A_122 : memref<!tpu.dma_semaphore, #tpu.memory_space<semaphore_mem>>)
      %dma_wait3A = arith.constant 0 : i32
      %dma_wait3A_128 = tpu.memref_slice %arg4[%run_scoped3A_120, %arg0, %mul3A_0, %dma_wait3A] : memref<3x2x10240x128xf32, #tpu.memory_space<hbm>> -> memref<1x1x640x128xf32, #tpu.memory_space<hbm>>
      %dma_wait3A_129 = tpu.memref_squeeze %dma_wait3A_128 : memref<1x1x640x128xf32, #tpu.memory_space<hbm>> -> memref<640x128xf32, #tpu.memory_space<hbm>>
      %dma_wait3A_130 = arith.constant 0 : i32
      %dma_wait3A_131 = tpu.memref_slice %arg10[%mul3A_0, %dma_wait3A_130] : memref<10240x128xf32, #tpu.memory_space<vmem_shared>> -> memref<640x128xf32, #tpu.memory_space<vmem_shared>>
      tpu.wait_dma2 semaphore(%run_scoped3A_122 : memref<!tpu.dma_semaphore, #tpu.memory_space<semaphore_mem>>) src(%dma_wait3A_131 : memref<640x128xf32, #tpu.memory_space<vmem_shared>>) dst(%dma_wait3A_129 : memref<640x128xf32, #tpu.memory_space<hbm>>)
      tpu.yield
    }) : () -> ()
    %barrier3A_121 = arith.constant 0 : index
    tpu.barrier barrier_id(%barrier3A_121)
    return
  }
}

#map = affine_map<(d0, d1) -> (0, 0)>
#map1 = affine_map<(d0, d1) -> (0, 0, 0)>
#map2 = affine_map<(d0, d1) -> (0, 0, 0, 0)>
module attributes {stable_mosaic.version = 14 : i64} {
  func.func @_agg_body(%arg0: i32, %arg1: i32, %arg2: memref<61440x128xf32, #tpu.memory_space<hbm>>, %arg3: memref<96x160x128xi32, #tpu.memory_space<hbm>>, %arg4: memref<3x2x10240x128xf32, #tpu.memory_space<hbm>>, %arg5: memref<80x128xi32, #tpu.memory_space<vmem>>, %arg6: memref<128x128xf32, #tpu.memory_space<vmem>>, %arg7: memref<128x128xf32, #tpu.memory_space<vmem>>, %arg8: memref<!tpu.dma_semaphore, #tpu.memory_space<semaphore_mem>>, %arg9: memref<!tpu.dma_semaphore, #tpu.memory_space<semaphore_mem>>, %arg10: memref<10240x128xf32, #tpu.memory_space<vmem_shared>>) attributes {dimension_semantics = [#tpu.dimension_semantics<core_parallel>, #tpu.dimension_semantics<subcore_parallel>], iteration_bounds = array<i64: 2, 16>, scalar_prefetch = 0 : i64, scratch_operands = 6 : i64, tpu.core_type = #tpu.core_type<sc_vector_subcore>, window_params = [{transform_indices = #map}, {transform_indices = #map1}, {transform_indices = #map2}]} {
    %mul3A = arith.constant 640 : i32
    %mul3A_0 = arith.muli %arg1, %mul3A : i32
    %add3A = arith.constant 0 : i32
    %add3A_1 = arith.addi %add3A, %arg0 : i32
    %mul3A_2 = arith.constant 10240 : i32
    %mul3A_3 = arith.muli %add3A_1, %mul3A_2 : i32
    %mul3A_4 = arith.constant 640 : i32
    %mul3A_5 = arith.muli %arg1, %mul3A_4 : i32
    %add3A_6 = arith.addi %mul3A_3, %mul3A_5 : i32
    "tpu.region"() ({
      %run_scoped3A_122 = tpu.sem_alloc : memref<!tpu.dma_semaphore, #tpu.memory_space<semaphore_mem>>
      %dma_start3A_123 = arith.constant 0 : i32
      %dma_start3A_124 = tpu.memref_slice %arg10[%mul3A_0, %dma_start3A_123] : memref<10240x128xf32, #tpu.memory_space<vmem_shared>> -> memref<640x128xf32, #tpu.memory_space<vmem_shared>>
      %dma_start3A_125 = arith.constant 0 : i32
      %dma_start3A_126 = tpu.memref_slice %arg2[%add3A_6, %dma_start3A_125] : memref<61440x128xf32, #tpu.memory_space<hbm>> -> memref<640x128xf32, #tpu.memory_space<hbm>>
      tpu.enqueue_dma source(%dma_start3A_126 : memref<640x128xf32, #tpu.memory_space<hbm>>) target(%dma_start3A_124 : memref<640x128xf32, #tpu.memory_space<vmem_shared>>) target_semaphore(%run_scoped3A_122 : memref<!tpu.dma_semaphore, #tpu.memory_space<semaphore_mem>>)
      %dma_wait3A = arith.constant 0 : i32
      %dma_wait3A_127 = tpu.memref_slice %arg10[%mul3A_0, %dma_wait3A] : memref<10240x128xf32, #tpu.memory_space<vmem_shared>> -> memref<640x128xf32, #tpu.memory_space<vmem_shared>>
      %dma_wait3A_128 = arith.constant 0 : i32
      %dma_wait3A_129 = tpu.memref_slice %arg2[%add3A_6, %dma_wait3A_128] : memref<61440x128xf32, #tpu.memory_space<hbm>> -> memref<640x128xf32, #tpu.memory_space<hbm>>
      tpu.wait_dma2 semaphore(%run_scoped3A_122 : memref<!tpu.dma_semaphore, #tpu.memory_space<semaphore_mem>>) src(%dma_wait3A_129 : memref<640x128xf32, #tpu.memory_space<hbm>>) dst(%dma_wait3A_127 : memref<640x128xf32, #tpu.memory_space<vmem_shared>>)
      tpu.yield
    }) : () -> ()
    %mul3A_7 = arith.constant 3 : i32
    %mul3A_8 = arith.muli %arg0, %mul3A_7 : i32
    %add3A_9 = arith.constant 0 : i32
    %add3A_10 = arith.addi %mul3A_8, %add3A_9 : i32
    %mul3A_11 = arith.constant 16 : i32
    %mul3A_12 = arith.muli %add3A_10, %mul3A_11 : i32
    %add3A_13 = arith.addi %mul3A_12, %arg1 : i32
    "tpu.region"() ({
      %run_scoped3A_122 = tpu.sem_alloc : memref<!tpu.dma_semaphore, #tpu.memory_space<semaphore_mem>>
      %dma_start3A_123 = arith.constant 0 : i32
      %dma_start3A_124 = arith.constant 0 : i32
      %dma_start3A_125 = tpu.memref_slice %arg3[%add3A_13, %dma_start3A_123, %dma_start3A_124] : memref<96x160x128xi32, #tpu.memory_space<hbm>> -> memref<1x80x128xi32, #tpu.memory_space<hbm>>
      %dma_start3A_126 = tpu.memref_squeeze %dma_start3A_125 : memref<1x80x128xi32, #tpu.memory_space<hbm>> -> memref<80x128xi32, #tpu.memory_space<hbm>>
      %dma_start3A_127 = arith.constant 0 : i32
      %dma_start3A_128 = arith.constant 0 : i32
      %dma_start3A_129 = tpu.memref_slice %arg3[%add3A_13, %dma_start3A_127, %dma_start3A_128] : memref<96x160x128xi32, #tpu.memory_space<hbm>> -> memref<1x80x128xi32, #tpu.memory_space<hbm>>
      %dma_start3A_130 = tpu.memref_squeeze %dma_start3A_129 : memref<1x80x128xi32, #tpu.memory_space<hbm>> -> memref<80x128xi32, #tpu.memory_space<hbm>>
      tpu.enqueue_dma source(%dma_start3A_130 : memref<80x128xi32, #tpu.memory_space<hbm>>) target(%arg5 : memref<80x128xi32, #tpu.memory_space<vmem>>) target_semaphore(%run_scoped3A_122 : memref<!tpu.dma_semaphore, #tpu.memory_space<semaphore_mem>>)
      %dma_wait3A = arith.constant 0 : i32
      %dma_wait3A_131 = arith.constant 0 : i32
      %dma_wait3A_132 = tpu.memref_slice %arg3[%add3A_13, %dma_wait3A, %dma_wait3A_131] : memref<96x160x128xi32, #tpu.memory_space<hbm>> -> memref<1x80x128xi32, #tpu.memory_space<hbm>>
      %dma_wait3A_133 = tpu.memref_squeeze %dma_wait3A_132 : memref<1x80x128xi32, #tpu.memory_space<hbm>> -> memref<80x128xi32, #tpu.memory_space<hbm>>
      %dma_wait3A_134 = arith.constant 0 : i32
      %dma_wait3A_135 = arith.constant 0 : i32
      %dma_wait3A_136 = tpu.memref_slice %arg3[%add3A_13, %dma_wait3A_134, %dma_wait3A_135] : memref<96x160x128xi32, #tpu.memory_space<hbm>> -> memref<1x80x128xi32, #tpu.memory_space<hbm>>
      %dma_wait3A_137 = tpu.memref_squeeze %dma_wait3A_136 : memref<1x80x128xi32, #tpu.memory_space<hbm>> -> memref<80x128xi32, #tpu.memory_space<hbm>>
      tpu.wait_dma2 semaphore(%run_scoped3A_122 : memref<!tpu.dma_semaphore, #tpu.memory_space<semaphore_mem>>) src(%dma_wait3A_137 : memref<80x128xi32, #tpu.memory_space<hbm>>) dst(%arg5 : memref<80x128xi32, #tpu.memory_space<vmem>>)
      tpu.yield
    }) : () -> ()
    %dma_start3A = arith.constant 0 : i32
    %dma_start3A_14 = arith.constant 0 : i32
    %dma_start3A_15 = tpu.memref_slice %arg5[%dma_start3A, %dma_start3A_14] : memref<80x128xi32, #tpu.memory_space<vmem>> -> memref<1x128xi32, #tpu.memory_space<vmem>>
    %dma_start3A_16 = tpu.memref_squeeze %dma_start3A_15 : memref<1x128xi32, #tpu.memory_space<vmem>> -> memref<128xi32, #tpu.memory_space<vmem>>
    %dma_start3A_17 = arith.constant 0 : i32
    %dma_start3A_18 = arith.constant 0 : i32
    %dma_start3A_19 = tpu.memref_slice %arg2[%dma_start3A_17, %dma_start3A_18] : memref<61440x128xf32, #tpu.memory_space<hbm>> -> memref<61440x128xf32, #tpu.memory_space<hbm>>
    tpu.enqueue_indirect_dma source(%dma_start3A_19 : memref<61440x128xf32, #tpu.memory_space<hbm>>) target(%arg6 : memref<128x128xf32, #tpu.memory_space<vmem>>) offsets(%dma_start3A_16 : memref<128xi32, #tpu.memory_space<vmem>>) semaphore(%arg8 : memref<!tpu.dma_semaphore, #tpu.memory_space<semaphore_mem>>)
    %barrier3A = arith.constant 0 : index
    tpu.barrier barrier_id(%barrier3A)
    %scan3A = arith.constant 0 : i32
    %scan3A_20 = arith.constant 20 : i32
    %scan3A_21 = arith.addi %scan3A, %scan3A_20 : i32
    %scan3A_22 = arith.constant 1 : i32
    scf.for %scan3A_122 = %scan3A to %scan3A_21 step %scan3A_22  : i32 {
      %mul3A_123 = arith.constant 2 : i32
      %mul3A_124 = arith.muli %mul3A_123, %scan3A_122 : i32
      %add3A_125 = arith.constant 0 : i32
      %add3A_126 = arith.addi %mul3A_124, %add3A_125 : i32
      %lt3A = arith.constant 39 : i32
      %lt3A_127 = arith.cmpi slt, %add3A_126, %lt3A : i32
      %convert_element_type3A = arith.extui %lt3A_127 : i1 to i32
      %cond3A = arith.constant 0 : i32
      %cond3A_128 = arith.cmpi ne, %convert_element_type3A, %cond3A : i32
      scf.if %cond3A_128 {
        %add3A_157 = arith.constant 1 : i32
        %add3A_158 = arith.addi %add3A_126, %add3A_157 : i32
        %mul3A_159 = arith.constant 2 : i32
        %mul3A_160 = arith.muli %mul3A_159, %add3A_158 : i32
        %dma_start3A_161 = arith.constant 0 : i32
        %dma_start3A_162 = tpu.memref_slice %arg5[%mul3A_160, %dma_start3A_161] : memref<80x128xi32, #tpu.memory_space<vmem>> -> memref<1x128xi32, #tpu.memory_space<vmem>>
        %dma_start3A_163 = tpu.memref_squeeze %dma_start3A_162 : memref<1x128xi32, #tpu.memory_space<vmem>> -> memref<128xi32, #tpu.memory_space<vmem>>
        %dma_start3A_164 = arith.constant 0 : i32
        %dma_start3A_165 = arith.constant 0 : i32
        %dma_start3A_166 = tpu.memref_slice %arg2[%dma_start3A_164, %dma_start3A_165] : memref<61440x128xf32, #tpu.memory_space<hbm>> -> memref<61440x128xf32, #tpu.memory_space<hbm>>
        tpu.enqueue_indirect_dma source(%dma_start3A_166 : memref<61440x128xf32, #tpu.memory_space<hbm>>) target(%arg7 : memref<128x128xf32, #tpu.memory_space<vmem>>) offsets(%dma_start3A_163 : memref<128xi32, #tpu.memory_space<vmem>>) semaphore(%arg9 : memref<!tpu.dma_semaphore, #tpu.memory_space<semaphore_mem>>)
      } else {
      }
      %dma_wait3A = arith.constant 0 : i32
      %dma_wait3A_129 = arith.constant 0 : i32
      %dma_wait3A_130 = tpu.memref_slice %arg2[%dma_wait3A, %dma_wait3A_129] : memref<61440x128xf32, #tpu.memory_space<hbm>> -> memref<128x128xf32, #tpu.memory_space<hbm>>
      %dma_wait3A_131 = arith.constant 0 : i32
      %dma_wait3A_132 = arith.constant 0 : i32
      %dma_wait3A_133 = tpu.memref_slice %arg2[%dma_wait3A_131, %dma_wait3A_132] : memref<61440x128xf32, #tpu.memory_space<hbm>> -> memref<128x128xf32, #tpu.memory_space<hbm>>
      tpu.wait_dma2 semaphore(%arg8 : memref<!tpu.dma_semaphore, #tpu.memory_space<semaphore_mem>>) src(%dma_wait3A_133 : memref<128x128xf32, #tpu.memory_space<hbm>>) dst(%arg6 : memref<128x128xf32, #tpu.memory_space<vmem>>)
      %mul3A_134 = arith.constant 2 : i32
      %mul3A_135 = arith.muli %mul3A_134, %add3A_126 : i32
      %add3A_136 = arith.constant 1 : i32
      %add3A_137 = arith.addi %mul3A_135, %add3A_136 : i32
      "tpu.region"() ({
        %run_scoped3A_157 = tpu.sem_alloc : memref<!tpu.dma_semaphore, #tpu.memory_space<semaphore_mem>>
        %dma_start3A_158 = arith.constant 0 : i32
        %dma_start3A_159 = tpu.memref_slice %arg5[%add3A_137, %dma_start3A_158] : memref<80x128xi32, #tpu.memory_space<vmem>> -> memref<1x128xi32, #tpu.memory_space<vmem>>
        %dma_start3A_160 = tpu.memref_squeeze %dma_start3A_159 : memref<1x128xi32, #tpu.memory_space<vmem>> -> memref<128xi32, #tpu.memory_space<vmem>>
        %dma_start3A_161 = arith.constant 0 : i32
        %dma_start3A_162 = arith.constant 0 : i32
        %dma_start3A_163 = tpu.memref_slice %arg10[%dma_start3A_161, %dma_start3A_162] : memref<10240x128xf32, #tpu.memory_space<vmem_shared>> -> memref<10240x128xf32, #tpu.memory_space<vmem_shared>>
        tpu.enqueue_indirect_dma source(%arg6 : memref<128x128xf32, #tpu.memory_space<vmem>>) target(%dma_start3A_163 : memref<10240x128xf32, #tpu.memory_space<vmem_shared>>) offsets(%dma_start3A_160 : memref<128xi32, #tpu.memory_space<vmem>>) semaphore(%run_scoped3A_157 : memref<!tpu.dma_semaphore, #tpu.memory_space<semaphore_mem>>) {add = true}
        %dma_wait3A_164 = arith.constant 0 : i32
        %dma_wait3A_165 = tpu.memref_slice %arg5[%add3A_137, %dma_wait3A_164] : memref<80x128xi32, #tpu.memory_space<vmem>> -> memref<1x128xi32, #tpu.memory_space<vmem>>
        %dma_wait3A_166 = tpu.memref_squeeze %dma_wait3A_165 : memref<1x128xi32, #tpu.memory_space<vmem>> -> memref<128xi32, #tpu.memory_space<vmem>>
        %dma_wait3A_167 = arith.constant 0 : i32
        %dma_wait3A_168 = arith.constant 0 : i32
        %dma_wait3A_169 = tpu.memref_slice %arg10[%dma_wait3A_167, %dma_wait3A_168] : memref<10240x128xf32, #tpu.memory_space<vmem_shared>> -> memref<10240x128xf32, #tpu.memory_space<vmem_shared>>
        tpu.wait_indirect_dma semaphore(%run_scoped3A_157 : memref<!tpu.dma_semaphore, #tpu.memory_space<semaphore_mem>>) src(%arg6 : memref<128x128xf32, #tpu.memory_space<vmem>>) dst(%dma_wait3A_169 : memref<10240x128xf32, #tpu.memory_space<vmem_shared>>)
        tpu.yield
      }) : () -> ()
      %mul3A_138 = arith.constant 2 : i32
      %mul3A_139 = arith.muli %mul3A_138, %scan3A_122 : i32
      %add3A_140 = arith.constant 1 : i32
      %add3A_141 = arith.addi %mul3A_139, %add3A_140 : i32
      %lt3A_142 = arith.constant 39 : i32
      %lt3A_143 = arith.cmpi slt, %add3A_141, %lt3A_142 : i32
      %convert_element_type3A_144 = arith.extui %lt3A_143 : i1 to i32
      %cond3A_145 = arith.constant 0 : i32
      %cond3A_146 = arith.cmpi ne, %convert_element_type3A_144, %cond3A_145 : i32
      scf.if %cond3A_146 {
        %add3A_157 = arith.constant 1 : i32
        %add3A_158 = arith.addi %add3A_141, %add3A_157 : i32
        %mul3A_159 = arith.constant 2 : i32
        %mul3A_160 = arith.muli %mul3A_159, %add3A_158 : i32
        %dma_start3A_161 = arith.constant 0 : i32
        %dma_start3A_162 = tpu.memref_slice %arg5[%mul3A_160, %dma_start3A_161] : memref<80x128xi32, #tpu.memory_space<vmem>> -> memref<1x128xi32, #tpu.memory_space<vmem>>
        %dma_start3A_163 = tpu.memref_squeeze %dma_start3A_162 : memref<1x128xi32, #tpu.memory_space<vmem>> -> memref<128xi32, #tpu.memory_space<vmem>>
        %dma_start3A_164 = arith.constant 0 : i32
        %dma_start3A_165 = arith.constant 0 : i32
        %dma_start3A_166 = tpu.memref_slice %arg2[%dma_start3A_164, %dma_start3A_165] : memref<61440x128xf32, #tpu.memory_space<hbm>> -> memref<61440x128xf32, #tpu.memory_space<hbm>>
        tpu.enqueue_indirect_dma source(%dma_start3A_166 : memref<61440x128xf32, #tpu.memory_space<hbm>>) target(%arg6 : memref<128x128xf32, #tpu.memory_space<vmem>>) offsets(%dma_start3A_163 : memref<128xi32, #tpu.memory_space<vmem>>) semaphore(%arg8 : memref<!tpu.dma_semaphore, #tpu.memory_space<semaphore_mem>>)
      } else {
      }
      %dma_wait3A_147 = arith.constant 0 : i32
      %dma_wait3A_148 = arith.constant 0 : i32
      %dma_wait3A_149 = tpu.memref_slice %arg2[%dma_wait3A_147, %dma_wait3A_148] : memref<61440x128xf32, #tpu.memory_space<hbm>> -> memref<128x128xf32, #tpu.memory_space<hbm>>
      %dma_wait3A_150 = arith.constant 0 : i32
      %dma_wait3A_151 = arith.constant 0 : i32
      %dma_wait3A_152 = tpu.memref_slice %arg2[%dma_wait3A_150, %dma_wait3A_151] : memref<61440x128xf32, #tpu.memory_space<hbm>> -> memref<128x128xf32, #tpu.memory_space<hbm>>
      tpu.wait_dma2 semaphore(%arg9 : memref<!tpu.dma_semaphore, #tpu.memory_space<semaphore_mem>>) src(%dma_wait3A_152 : memref<128x128xf32, #tpu.memory_space<hbm>>) dst(%arg7 : memref<128x128xf32, #tpu.memory_space<vmem>>)
      %mul3A_153 = arith.constant 2 : i32
      %mul3A_154 = arith.muli %mul3A_153, %add3A_141 : i32
      %add3A_155 = arith.constant 1 : i32
      %add3A_156 = arith.addi %mul3A_154, %add3A_155 : i32
      "tpu.region"() ({
        %run_scoped3A_157 = tpu.sem_alloc : memref<!tpu.dma_semaphore, #tpu.memory_space<semaphore_mem>>
        %dma_start3A_158 = arith.constant 0 : i32
        %dma_start3A_159 = tpu.memref_slice %arg5[%add3A_156, %dma_start3A_158] : memref<80x128xi32, #tpu.memory_space<vmem>> -> memref<1x128xi32, #tpu.memory_space<vmem>>
        %dma_start3A_160 = tpu.memref_squeeze %dma_start3A_159 : memref<1x128xi32, #tpu.memory_space<vmem>> -> memref<128xi32, #tpu.memory_space<vmem>>
        %dma_start3A_161 = arith.constant 0 : i32
        %dma_start3A_162 = arith.constant 0 : i32
        %dma_start3A_163 = tpu.memref_slice %arg10[%dma_start3A_161, %dma_start3A_162] : memref<10240x128xf32, #tpu.memory_space<vmem_shared>> -> memref<10240x128xf32, #tpu.memory_space<vmem_shared>>
        tpu.enqueue_indirect_dma source(%arg7 : memref<128x128xf32, #tpu.memory_space<vmem>>) target(%dma_start3A_163 : memref<10240x128xf32, #tpu.memory_space<vmem_shared>>) offsets(%dma_start3A_160 : memref<128xi32, #tpu.memory_space<vmem>>) semaphore(%run_scoped3A_157 : memref<!tpu.dma_semaphore, #tpu.memory_space<semaphore_mem>>) {add = true}
        %dma_wait3A_164 = arith.constant 0 : i32
        %dma_wait3A_165 = tpu.memref_slice %arg5[%add3A_156, %dma_wait3A_164] : memref<80x128xi32, #tpu.memory_space<vmem>> -> memref<1x128xi32, #tpu.memory_space<vmem>>
        %dma_wait3A_166 = tpu.memref_squeeze %dma_wait3A_165 : memref<1x128xi32, #tpu.memory_space<vmem>> -> memref<128xi32, #tpu.memory_space<vmem>>
        %dma_wait3A_167 = arith.constant 0 : i32
        %dma_wait3A_168 = arith.constant 0 : i32
        %dma_wait3A_169 = tpu.memref_slice %arg10[%dma_wait3A_167, %dma_wait3A_168] : memref<10240x128xf32, #tpu.memory_space<vmem_shared>> -> memref<10240x128xf32, #tpu.memory_space<vmem_shared>>
        tpu.wait_indirect_dma semaphore(%run_scoped3A_157 : memref<!tpu.dma_semaphore, #tpu.memory_space<semaphore_mem>>) src(%arg7 : memref<128x128xf32, #tpu.memory_space<vmem>>) dst(%dma_wait3A_169 : memref<10240x128xf32, #tpu.memory_space<vmem_shared>>)
        tpu.yield
      }) : () -> ()
    }
    %scan3A_23 = arith.constant 20 : i32
    "tpu.region"() ({
      %run_scoped3A_122 = tpu.sem_alloc : memref<!tpu.dma_semaphore, #tpu.memory_space<semaphore_mem>>
      %dma_start3A_123 = arith.constant 80 : i32
      %dma_start3A_124 = arith.constant 0 : i32
      %dma_start3A_125 = tpu.memref_slice %arg3[%add3A_13, %dma_start3A_123, %dma_start3A_124] : memref<96x160x128xi32, #tpu.memory_space<hbm>> -> memref<1x80x128xi32, #tpu.memory_space<hbm>>
      %dma_start3A_126 = tpu.memref_squeeze %dma_start3A_125 : memref<1x80x128xi32, #tpu.memory_space<hbm>> -> memref<80x128xi32, #tpu.memory_space<hbm>>
      %dma_start3A_127 = arith.constant 80 : i32
      %dma_start3A_128 = arith.constant 0 : i32
      %dma_start3A_129 = tpu.memref_slice %arg3[%add3A_13, %dma_start3A_127, %dma_start3A_128] : memref<96x160x128xi32, #tpu.memory_space<hbm>> -> memref<1x80x128xi32, #tpu.memory_space<hbm>>
      %dma_start3A_130 = tpu.memref_squeeze %dma_start3A_129 : memref<1x80x128xi32, #tpu.memory_space<hbm>> -> memref<80x128xi32, #tpu.memory_space<hbm>>
      tpu.enqueue_dma source(%dma_start3A_130 : memref<80x128xi32, #tpu.memory_space<hbm>>) target(%arg5 : memref<80x128xi32, #tpu.memory_space<vmem>>) target_semaphore(%run_scoped3A_122 : memref<!tpu.dma_semaphore, #tpu.memory_space<semaphore_mem>>)
      %dma_wait3A = arith.constant 80 : i32
      %dma_wait3A_131 = arith.constant 0 : i32
      %dma_wait3A_132 = tpu.memref_slice %arg3[%add3A_13, %dma_wait3A, %dma_wait3A_131] : memref<96x160x128xi32, #tpu.memory_space<hbm>> -> memref<1x80x128xi32, #tpu.memory_space<hbm>>
      %dma_wait3A_133 = tpu.memref_squeeze %dma_wait3A_132 : memref<1x80x128xi32, #tpu.memory_space<hbm>> -> memref<80x128xi32, #tpu.memory_space<hbm>>
      %dma_wait3A_134 = arith.constant 80 : i32
      %dma_wait3A_135 = arith.constant 0 : i32
      %dma_wait3A_136 = tpu.memref_slice %arg3[%add3A_13, %dma_wait3A_134, %dma_wait3A_135] : memref<96x160x128xi32, #tpu.memory_space<hbm>> -> memref<1x80x128xi32, #tpu.memory_space<hbm>>
      %dma_wait3A_137 = tpu.memref_squeeze %dma_wait3A_136 : memref<1x80x128xi32, #tpu.memory_space<hbm>> -> memref<80x128xi32, #tpu.memory_space<hbm>>
      tpu.wait_dma2 semaphore(%run_scoped3A_122 : memref<!tpu.dma_semaphore, #tpu.memory_space<semaphore_mem>>) src(%dma_wait3A_137 : memref<80x128xi32, #tpu.memory_space<hbm>>) dst(%arg5 : memref<80x128xi32, #tpu.memory_space<vmem>>)
      tpu.yield
    }) : () -> ()
    %dma_start3A_24 = arith.constant 0 : i32
    %dma_start3A_25 = arith.constant 0 : i32
    %dma_start3A_26 = tpu.memref_slice %arg5[%dma_start3A_24, %dma_start3A_25] : memref<80x128xi32, #tpu.memory_space<vmem>> -> memref<1x128xi32, #tpu.memory_space<vmem>>
    %dma_start3A_27 = tpu.memref_squeeze %dma_start3A_26 : memref<1x128xi32, #tpu.memory_space<vmem>> -> memref<128xi32, #tpu.memory_space<vmem>>
    %dma_start3A_28 = arith.constant 0 : i32
    %dma_start3A_29 = arith.constant 0 : i32
    %dma_start3A_30 = tpu.memref_slice %arg2[%dma_start3A_28, %dma_start3A_29] : memref<61440x128xf32, #tpu.memory_space<hbm>> -> memref<61440x128xf32, #tpu.memory_space<hbm>>
    tpu.enqueue_indirect_dma source(%dma_start3A_30 : memref<61440x128xf32, #tpu.memory_space<hbm>>) target(%arg6 : memref<128x128xf32, #tpu.memory_space<vmem>>) offsets(%dma_start3A_27 : memref<128xi32, #tpu.memory_space<vmem>>) semaphore(%arg8 : memref<!tpu.dma_semaphore, #tpu.memory_space<semaphore_mem>>)
    %scan3A_31 = arith.constant 0 : i32
    %scan3A_32 = arith.constant 20 : i32
    %scan3A_33 = arith.addi %scan3A_31, %scan3A_32 : i32
    %scan3A_34 = arith.constant 1 : i32
    scf.for %scan3A_122 = %scan3A_31 to %scan3A_33 step %scan3A_34  : i32 {
      %mul3A_123 = arith.constant 2 : i32
      %mul3A_124 = arith.muli %mul3A_123, %scan3A_122 : i32
      %add3A_125 = arith.constant 0 : i32
      %add3A_126 = arith.addi %mul3A_124, %add3A_125 : i32
      %lt3A = arith.constant 39 : i32
      %lt3A_127 = arith.cmpi slt, %add3A_126, %lt3A : i32
      %convert_element_type3A = arith.extui %lt3A_127 : i1 to i32
      %cond3A = arith.constant 0 : i32
      %cond3A_128 = arith.cmpi ne, %convert_element_type3A, %cond3A : i32
      scf.if %cond3A_128 {
        %add3A_157 = arith.constant 1 : i32
        %add3A_158 = arith.addi %add3A_126, %add3A_157 : i32
        %mul3A_159 = arith.constant 2 : i32
        %mul3A_160 = arith.muli %mul3A_159, %add3A_158 : i32
        %dma_start3A_161 = arith.constant 0 : i32
        %dma_start3A_162 = tpu.memref_slice %arg5[%mul3A_160, %dma_start3A_161] : memref<80x128xi32, #tpu.memory_space<vmem>> -> memref<1x128xi32, #tpu.memory_space<vmem>>
        %dma_start3A_163 = tpu.memref_squeeze %dma_start3A_162 : memref<1x128xi32, #tpu.memory_space<vmem>> -> memref<128xi32, #tpu.memory_space<vmem>>
        %dma_start3A_164 = arith.constant 0 : i32
        %dma_start3A_165 = arith.constant 0 : i32
        %dma_start3A_166 = tpu.memref_slice %arg2[%dma_start3A_164, %dma_start3A_165] : memref<61440x128xf32, #tpu.memory_space<hbm>> -> memref<61440x128xf32, #tpu.memory_space<hbm>>
        tpu.enqueue_indirect_dma source(%dma_start3A_166 : memref<61440x128xf32, #tpu.memory_space<hbm>>) target(%arg7 : memref<128x128xf32, #tpu.memory_space<vmem>>) offsets(%dma_start3A_163 : memref<128xi32, #tpu.memory_space<vmem>>) semaphore(%arg9 : memref<!tpu.dma_semaphore, #tpu.memory_space<semaphore_mem>>)
      } else {
      }
      %dma_wait3A = arith.constant 0 : i32
      %dma_wait3A_129 = arith.constant 0 : i32
      %dma_wait3A_130 = tpu.memref_slice %arg2[%dma_wait3A, %dma_wait3A_129] : memref<61440x128xf32, #tpu.memory_space<hbm>> -> memref<128x128xf32, #tpu.memory_space<hbm>>
      %dma_wait3A_131 = arith.constant 0 : i32
      %dma_wait3A_132 = arith.constant 0 : i32
      %dma_wait3A_133 = tpu.memref_slice %arg2[%dma_wait3A_131, %dma_wait3A_132] : memref<61440x128xf32, #tpu.memory_space<hbm>> -> memref<128x128xf32, #tpu.memory_space<hbm>>
      tpu.wait_dma2 semaphore(%arg8 : memref<!tpu.dma_semaphore, #tpu.memory_space<semaphore_mem>>) src(%dma_wait3A_133 : memref<128x128xf32, #tpu.memory_space<hbm>>) dst(%arg6 : memref<128x128xf32, #tpu.memory_space<vmem>>)
      %mul3A_134 = arith.constant 2 : i32
      %mul3A_135 = arith.muli %mul3A_134, %add3A_126 : i32
      %add3A_136 = arith.constant 1 : i32
      %add3A_137 = arith.addi %mul3A_135, %add3A_136 : i32
      "tpu.region"() ({
        %run_scoped3A_157 = tpu.sem_alloc : memref<!tpu.dma_semaphore, #tpu.memory_space<semaphore_mem>>
        %dma_start3A_158 = arith.constant 0 : i32
        %dma_start3A_159 = tpu.memref_slice %arg5[%add3A_137, %dma_start3A_158] : memref<80x128xi32, #tpu.memory_space<vmem>> -> memref<1x128xi32, #tpu.memory_space<vmem>>
        %dma_start3A_160 = tpu.memref_squeeze %dma_start3A_159 : memref<1x128xi32, #tpu.memory_space<vmem>> -> memref<128xi32, #tpu.memory_space<vmem>>
        %dma_start3A_161 = arith.constant 0 : i32
        %dma_start3A_162 = arith.constant 0 : i32
        %dma_start3A_163 = tpu.memref_slice %arg10[%dma_start3A_161, %dma_start3A_162] : memref<10240x128xf32, #tpu.memory_space<vmem_shared>> -> memref<10240x128xf32, #tpu.memory_space<vmem_shared>>
        tpu.enqueue_indirect_dma source(%arg6 : memref<128x128xf32, #tpu.memory_space<vmem>>) target(%dma_start3A_163 : memref<10240x128xf32, #tpu.memory_space<vmem_shared>>) offsets(%dma_start3A_160 : memref<128xi32, #tpu.memory_space<vmem>>) semaphore(%run_scoped3A_157 : memref<!tpu.dma_semaphore, #tpu.memory_space<semaphore_mem>>) {add = true}
        %dma_wait3A_164 = arith.constant 0 : i32
        %dma_wait3A_165 = tpu.memref_slice %arg5[%add3A_137, %dma_wait3A_164] : memref<80x128xi32, #tpu.memory_space<vmem>> -> memref<1x128xi32, #tpu.memory_space<vmem>>
        %dma_wait3A_166 = tpu.memref_squeeze %dma_wait3A_165 : memref<1x128xi32, #tpu.memory_space<vmem>> -> memref<128xi32, #tpu.memory_space<vmem>>
        %dma_wait3A_167 = arith.constant 0 : i32
        %dma_wait3A_168 = arith.constant 0 : i32
        %dma_wait3A_169 = tpu.memref_slice %arg10[%dma_wait3A_167, %dma_wait3A_168] : memref<10240x128xf32, #tpu.memory_space<vmem_shared>> -> memref<10240x128xf32, #tpu.memory_space<vmem_shared>>
        tpu.wait_indirect_dma semaphore(%run_scoped3A_157 : memref<!tpu.dma_semaphore, #tpu.memory_space<semaphore_mem>>) src(%arg6 : memref<128x128xf32, #tpu.memory_space<vmem>>) dst(%dma_wait3A_169 : memref<10240x128xf32, #tpu.memory_space<vmem_shared>>)
        tpu.yield
      }) : () -> ()
      %mul3A_138 = arith.constant 2 : i32
      %mul3A_139 = arith.muli %mul3A_138, %scan3A_122 : i32
      %add3A_140 = arith.constant 1 : i32
      %add3A_141 = arith.addi %mul3A_139, %add3A_140 : i32
      %lt3A_142 = arith.constant 39 : i32
      %lt3A_143 = arith.cmpi slt, %add3A_141, %lt3A_142 : i32
      %convert_element_type3A_144 = arith.extui %lt3A_143 : i1 to i32
      %cond3A_145 = arith.constant 0 : i32
      %cond3A_146 = arith.cmpi ne, %convert_element_type3A_144, %cond3A_145 : i32
      scf.if %cond3A_146 {
        %add3A_157 = arith.constant 1 : i32
        %add3A_158 = arith.addi %add3A_141, %add3A_157 : i32
        %mul3A_159 = arith.constant 2 : i32
        %mul3A_160 = arith.muli %mul3A_159, %add3A_158 : i32
        %dma_start3A_161 = arith.constant 0 : i32
        %dma_start3A_162 = tpu.memref_slice %arg5[%mul3A_160, %dma_start3A_161] : memref<80x128xi32, #tpu.memory_space<vmem>> -> memref<1x128xi32, #tpu.memory_space<vmem>>
        %dma_start3A_163 = tpu.memref_squeeze %dma_start3A_162 : memref<1x128xi32, #tpu.memory_space<vmem>> -> memref<128xi32, #tpu.memory_space<vmem>>
        %dma_start3A_164 = arith.constant 0 : i32
        %dma_start3A_165 = arith.constant 0 : i32
        %dma_start3A_166 = tpu.memref_slice %arg2[%dma_start3A_164, %dma_start3A_165] : memref<61440x128xf32, #tpu.memory_space<hbm>> -> memref<61440x128xf32, #tpu.memory_space<hbm>>
        tpu.enqueue_indirect_dma source(%dma_start3A_166 : memref<61440x128xf32, #tpu.memory_space<hbm>>) target(%arg6 : memref<128x128xf32, #tpu.memory_space<vmem>>) offsets(%dma_start3A_163 : memref<128xi32, #tpu.memory_space<vmem>>) semaphore(%arg8 : memref<!tpu.dma_semaphore, #tpu.memory_space<semaphore_mem>>)
      } else {
      }
      %dma_wait3A_147 = arith.constant 0 : i32
      %dma_wait3A_148 = arith.constant 0 : i32
      %dma_wait3A_149 = tpu.memref_slice %arg2[%dma_wait3A_147, %dma_wait3A_148] : memref<61440x128xf32, #tpu.memory_space<hbm>> -> memref<128x128xf32, #tpu.memory_space<hbm>>
      %dma_wait3A_150 = arith.constant 0 : i32
      %dma_wait3A_151 = arith.constant 0 : i32
      %dma_wait3A_152 = tpu.memref_slice %arg2[%dma_wait3A_150, %dma_wait3A_151] : memref<61440x128xf32, #tpu.memory_space<hbm>> -> memref<128x128xf32, #tpu.memory_space<hbm>>
      tpu.wait_dma2 semaphore(%arg9 : memref<!tpu.dma_semaphore, #tpu.memory_space<semaphore_mem>>) src(%dma_wait3A_152 : memref<128x128xf32, #tpu.memory_space<hbm>>) dst(%arg7 : memref<128x128xf32, #tpu.memory_space<vmem>>)
      %mul3A_153 = arith.constant 2 : i32
      %mul3A_154 = arith.muli %mul3A_153, %add3A_141 : i32
      %add3A_155 = arith.constant 1 : i32
      %add3A_156 = arith.addi %mul3A_154, %add3A_155 : i32
      "tpu.region"() ({
        %run_scoped3A_157 = tpu.sem_alloc : memref<!tpu.dma_semaphore, #tpu.memory_space<semaphore_mem>>
        %dma_start3A_158 = arith.constant 0 : i32
        %dma_start3A_159 = tpu.memref_slice %arg5[%add3A_156, %dma_start3A_158] : memref<80x128xi32, #tpu.memory_space<vmem>> -> memref<1x128xi32, #tpu.memory_space<vmem>>
        %dma_start3A_160 = tpu.memref_squeeze %dma_start3A_159 : memref<1x128xi32, #tpu.memory_space<vmem>> -> memref<128xi32, #tpu.memory_space<vmem>>
        %dma_start3A_161 = arith.constant 0 : i32
        %dma_start3A_162 = arith.constant 0 : i32
        %dma_start3A_163 = tpu.memref_slice %arg10[%dma_start3A_161, %dma_start3A_162] : memref<10240x128xf32, #tpu.memory_space<vmem_shared>> -> memref<10240x128xf32, #tpu.memory_space<vmem_shared>>
        tpu.enqueue_indirect_dma source(%arg7 : memref<128x128xf32, #tpu.memory_space<vmem>>) target(%dma_start3A_163 : memref<10240x128xf32, #tpu.memory_space<vmem_shared>>) offsets(%dma_start3A_160 : memref<128xi32, #tpu.memory_space<vmem>>) semaphore(%run_scoped3A_157 : memref<!tpu.dma_semaphore, #tpu.memory_space<semaphore_mem>>) {add = true}
        %dma_wait3A_164 = arith.constant 0 : i32
        %dma_wait3A_165 = tpu.memref_slice %arg5[%add3A_156, %dma_wait3A_164] : memref<80x128xi32, #tpu.memory_space<vmem>> -> memref<1x128xi32, #tpu.memory_space<vmem>>
        %dma_wait3A_166 = tpu.memref_squeeze %dma_wait3A_165 : memref<1x128xi32, #tpu.memory_space<vmem>> -> memref<128xi32, #tpu.memory_space<vmem>>
        %dma_wait3A_167 = arith.constant 0 : i32
        %dma_wait3A_168 = arith.constant 0 : i32
        %dma_wait3A_169 = tpu.memref_slice %arg10[%dma_wait3A_167, %dma_wait3A_168] : memref<10240x128xf32, #tpu.memory_space<vmem_shared>> -> memref<10240x128xf32, #tpu.memory_space<vmem_shared>>
        tpu.wait_indirect_dma semaphore(%run_scoped3A_157 : memref<!tpu.dma_semaphore, #tpu.memory_space<semaphore_mem>>) src(%arg7 : memref<128x128xf32, #tpu.memory_space<vmem>>) dst(%dma_wait3A_169 : memref<10240x128xf32, #tpu.memory_space<vmem_shared>>)
        tpu.yield
      }) : () -> ()
    }
    %scan3A_35 = arith.constant 20 : i32
    %barrier3A_36 = arith.constant 0 : index
    tpu.barrier barrier_id(%barrier3A_36)
    %run_scoped3A = arith.constant 0 : i32
    "tpu.region"() ({
      %run_scoped3A_122 = tpu.sem_alloc : memref<!tpu.dma_semaphore, #tpu.memory_space<semaphore_mem>>
      %dma_start3A_123 = arith.constant 0 : i32
      %dma_start3A_124 = tpu.memref_slice %arg4[%run_scoped3A, %arg0, %mul3A_0, %dma_start3A_123] : memref<3x2x10240x128xf32, #tpu.memory_space<hbm>> -> memref<1x1x640x128xf32, #tpu.memory_space<hbm>>
      %dma_start3A_125 = tpu.memref_squeeze %dma_start3A_124 : memref<1x1x640x128xf32, #tpu.memory_space<hbm>> -> memref<640x128xf32, #tpu.memory_space<hbm>>
      %dma_start3A_126 = arith.constant 0 : i32
      %dma_start3A_127 = tpu.memref_slice %arg10[%mul3A_0, %dma_start3A_126] : memref<10240x128xf32, #tpu.memory_space<vmem_shared>> -> memref<640x128xf32, #tpu.memory_space<vmem_shared>>
      tpu.enqueue_dma source(%dma_start3A_127 : memref<640x128xf32, #tpu.memory_space<vmem_shared>>) target(%dma_start3A_125 : memref<640x128xf32, #tpu.memory_space<hbm>>) target_semaphore(%run_scoped3A_122 : memref<!tpu.dma_semaphore, #tpu.memory_space<semaphore_mem>>)
      %dma_wait3A = arith.constant 0 : i32
      %dma_wait3A_128 = tpu.memref_slice %arg4[%run_scoped3A, %arg0, %mul3A_0, %dma_wait3A] : memref<3x2x10240x128xf32, #tpu.memory_space<hbm>> -> memref<1x1x640x128xf32, #tpu.memory_space<hbm>>
      %dma_wait3A_129 = tpu.memref_squeeze %dma_wait3A_128 : memref<1x1x640x128xf32, #tpu.memory_space<hbm>> -> memref<640x128xf32, #tpu.memory_space<hbm>>
      %dma_wait3A_130 = arith.constant 0 : i32
      %dma_wait3A_131 = tpu.memref_slice %arg10[%mul3A_0, %dma_wait3A_130] : memref<10240x128xf32, #tpu.memory_space<vmem_shared>> -> memref<640x128xf32, #tpu.memory_space<vmem_shared>>
      tpu.wait_dma2 semaphore(%run_scoped3A_122 : memref<!tpu.dma_semaphore, #tpu.memory_space<semaphore_mem>>) src(%dma_wait3A_131 : memref<640x128xf32, #tpu.memory_space<vmem_shared>>) dst(%dma_wait3A_129 : memref<640x128xf32, #tpu.memory_space<hbm>>)
      tpu.yield
    }) : () -> ()
    %barrier3A_37 = arith.constant 0 : index
    tpu.barrier barrier_id(%barrier3A_37)
    %add3A_38 = arith.constant 2 : i32
    %add3A_39 = arith.addi %add3A_38, %arg0 : i32
    %mul3A_40 = arith.constant 10240 : i32
    %mul3A_41 = arith.muli %add3A_39, %mul3A_40 : i32
    %mul3A_42 = arith.constant 640 : i32
    %mul3A_43 = arith.muli %arg1, %mul3A_42 : i32
    %add3A_44 = arith.addi %mul3A_41, %mul3A_43 : i32
    "tpu.region"() ({
      %run_scoped3A_122 = tpu.sem_alloc : memref<!tpu.dma_semaphore, #tpu.memory_space<semaphore_mem>>
      %dma_start3A_123 = arith.constant 0 : i32
      %dma_start3A_124 = tpu.memref_slice %arg10[%mul3A_0, %dma_start3A_123] : memref<10240x128xf32, #tpu.memory_space<vmem_shared>> -> memref<640x128xf32, #tpu.memory_space<vmem_shared>>
      %dma_start3A_125 = arith.constant 0 : i32
      %dma_start3A_126 = tpu.memref_slice %arg2[%add3A_44, %dma_start3A_125] : memref<61440x128xf32, #tpu.memory_space<hbm>> -> memref<640x128xf32, #tpu.memory_space<hbm>>
      tpu.enqueue_dma source(%dma_start3A_126 : memref<640x128xf32, #tpu.memory_space<hbm>>) target(%dma_start3A_124 : memref<640x128xf32, #tpu.memory_space<vmem_shared>>) target_semaphore(%run_scoped3A_122 : memref<!tpu.dma_semaphore, #tpu.memory_space<semaphore_mem>>)
      %dma_wait3A = arith.constant 0 : i32
      %dma_wait3A_127 = tpu.memref_slice %arg10[%mul3A_0, %dma_wait3A] : memref<10240x128xf32, #tpu.memory_space<vmem_shared>> -> memref<640x128xf32, #tpu.memory_space<vmem_shared>>
      %dma_wait3A_128 = arith.constant 0 : i32
      %dma_wait3A_129 = tpu.memref_slice %arg2[%add3A_44, %dma_wait3A_128] : memref<61440x128xf32, #tpu.memory_space<hbm>> -> memref<640x128xf32, #tpu.memory_space<hbm>>
      tpu.wait_dma2 semaphore(%run_scoped3A_122 : memref<!tpu.dma_semaphore, #tpu.memory_space<semaphore_mem>>) src(%dma_wait3A_129 : memref<640x128xf32, #tpu.memory_space<hbm>>) dst(%dma_wait3A_127 : memref<640x128xf32, #tpu.memory_space<vmem_shared>>)
      tpu.yield
    }) : () -> ()
    %mul3A_45 = arith.constant 3 : i32
    %mul3A_46 = arith.muli %arg0, %mul3A_45 : i32
    %add3A_47 = arith.constant 1 : i32
    %add3A_48 = arith.addi %mul3A_46, %add3A_47 : i32
    %mul3A_49 = arith.constant 16 : i32
    %mul3A_50 = arith.muli %add3A_48, %mul3A_49 : i32
    %add3A_51 = arith.addi %mul3A_50, %arg1 : i32
    "tpu.region"() ({
      %run_scoped3A_122 = tpu.sem_alloc : memref<!tpu.dma_semaphore, #tpu.memory_space<semaphore_mem>>
      %dma_start3A_123 = arith.constant 0 : i32
      %dma_start3A_124 = arith.constant 0 : i32
      %dma_start3A_125 = tpu.memref_slice %arg3[%add3A_51, %dma_start3A_123, %dma_start3A_124] : memref<96x160x128xi32, #tpu.memory_space<hbm>> -> memref<1x80x128xi32, #tpu.memory_space<hbm>>
      %dma_start3A_126 = tpu.memref_squeeze %dma_start3A_125 : memref<1x80x128xi32, #tpu.memory_space<hbm>> -> memref<80x128xi32, #tpu.memory_space<hbm>>
      %dma_start3A_127 = arith.constant 0 : i32
      %dma_start3A_128 = arith.constant 0 : i32
      %dma_start3A_129 = tpu.memref_slice %arg3[%add3A_51, %dma_start3A_127, %dma_start3A_128] : memref<96x160x128xi32, #tpu.memory_space<hbm>> -> memref<1x80x128xi32, #tpu.memory_space<hbm>>
      %dma_start3A_130 = tpu.memref_squeeze %dma_start3A_129 : memref<1x80x128xi32, #tpu.memory_space<hbm>> -> memref<80x128xi32, #tpu.memory_space<hbm>>
      tpu.enqueue_dma source(%dma_start3A_130 : memref<80x128xi32, #tpu.memory_space<hbm>>) target(%arg5 : memref<80x128xi32, #tpu.memory_space<vmem>>) target_semaphore(%run_scoped3A_122 : memref<!tpu.dma_semaphore, #tpu.memory_space<semaphore_mem>>)
      %dma_wait3A = arith.constant 0 : i32
      %dma_wait3A_131 = arith.constant 0 : i32
      %dma_wait3A_132 = tpu.memref_slice %arg3[%add3A_51, %dma_wait3A, %dma_wait3A_131] : memref<96x160x128xi32, #tpu.memory_space<hbm>> -> memref<1x80x128xi32, #tpu.memory_space<hbm>>
      %dma_wait3A_133 = tpu.memref_squeeze %dma_wait3A_132 : memref<1x80x128xi32, #tpu.memory_space<hbm>> -> memref<80x128xi32, #tpu.memory_space<hbm>>
      %dma_wait3A_134 = arith.constant 0 : i32
      %dma_wait3A_135 = arith.constant 0 : i32
      %dma_wait3A_136 = tpu.memref_slice %arg3[%add3A_51, %dma_wait3A_134, %dma_wait3A_135] : memref<96x160x128xi32, #tpu.memory_space<hbm>> -> memref<1x80x128xi32, #tpu.memory_space<hbm>>
      %dma_wait3A_137 = tpu.memref_squeeze %dma_wait3A_136 : memref<1x80x128xi32, #tpu.memory_space<hbm>> -> memref<80x128xi32, #tpu.memory_space<hbm>>
      tpu.wait_dma2 semaphore(%run_scoped3A_122 : memref<!tpu.dma_semaphore, #tpu.memory_space<semaphore_mem>>) src(%dma_wait3A_137 : memref<80x128xi32, #tpu.memory_space<hbm>>) dst(%arg5 : memref<80x128xi32, #tpu.memory_space<vmem>>)
      tpu.yield
    }) : () -> ()
    %dma_start3A_52 = arith.constant 0 : i32
    %dma_start3A_53 = arith.constant 0 : i32
    %dma_start3A_54 = tpu.memref_slice %arg5[%dma_start3A_52, %dma_start3A_53] : memref<80x128xi32, #tpu.memory_space<vmem>> -> memref<1x128xi32, #tpu.memory_space<vmem>>
    %dma_start3A_55 = tpu.memref_squeeze %dma_start3A_54 : memref<1x128xi32, #tpu.memory_space<vmem>> -> memref<128xi32, #tpu.memory_space<vmem>>
    %dma_start3A_56 = arith.constant 0 : i32
    %dma_start3A_57 = arith.constant 0 : i32
    %dma_start3A_58 = tpu.memref_slice %arg2[%dma_start3A_56, %dma_start3A_57] : memref<61440x128xf32, #tpu.memory_space<hbm>> -> memref<61440x128xf32, #tpu.memory_space<hbm>>
    tpu.enqueue_indirect_dma source(%dma_start3A_58 : memref<61440x128xf32, #tpu.memory_space<hbm>>) target(%arg6 : memref<128x128xf32, #tpu.memory_space<vmem>>) offsets(%dma_start3A_55 : memref<128xi32, #tpu.memory_space<vmem>>) semaphore(%arg8 : memref<!tpu.dma_semaphore, #tpu.memory_space<semaphore_mem>>)
    %barrier3A_59 = arith.constant 0 : index
    tpu.barrier barrier_id(%barrier3A_59)
    %scan3A_60 = arith.constant 0 : i32
    %scan3A_61 = arith.constant 20 : i32
    %scan3A_62 = arith.addi %scan3A_60, %scan3A_61 : i32
    %scan3A_63 = arith.constant 1 : i32
    scf.for %scan3A_122 = %scan3A_60 to %scan3A_62 step %scan3A_63  : i32 {
      %mul3A_123 = arith.constant 2 : i32
      %mul3A_124 = arith.muli %mul3A_123, %scan3A_122 : i32
      %add3A_125 = arith.constant 0 : i32
      %add3A_126 = arith.addi %mul3A_124, %add3A_125 : i32
      %lt3A = arith.constant 39 : i32
      %lt3A_127 = arith.cmpi slt, %add3A_126, %lt3A : i32
      %convert_element_type3A = arith.extui %lt3A_127 : i1 to i32
      %cond3A = arith.constant 0 : i32
      %cond3A_128 = arith.cmpi ne, %convert_element_type3A, %cond3A : i32
      scf.if %cond3A_128 {
        %add3A_157 = arith.constant 1 : i32
        %add3A_158 = arith.addi %add3A_126, %add3A_157 : i32
        %mul3A_159 = arith.constant 2 : i32
        %mul3A_160 = arith.muli %mul3A_159, %add3A_158 : i32
        %dma_start3A_161 = arith.constant 0 : i32
        %dma_start3A_162 = tpu.memref_slice %arg5[%mul3A_160, %dma_start3A_161] : memref<80x128xi32, #tpu.memory_space<vmem>> -> memref<1x128xi32, #tpu.memory_space<vmem>>
        %dma_start3A_163 = tpu.memref_squeeze %dma_start3A_162 : memref<1x128xi32, #tpu.memory_space<vmem>> -> memref<128xi32, #tpu.memory_space<vmem>>
        %dma_start3A_164 = arith.constant 0 : i32
        %dma_start3A_165 = arith.constant 0 : i32
        %dma_start3A_166 = tpu.memref_slice %arg2[%dma_start3A_164, %dma_start3A_165] : memref<61440x128xf32, #tpu.memory_space<hbm>> -> memref<61440x128xf32, #tpu.memory_space<hbm>>
        tpu.enqueue_indirect_dma source(%dma_start3A_166 : memref<61440x128xf32, #tpu.memory_space<hbm>>) target(%arg7 : memref<128x128xf32, #tpu.memory_space<vmem>>) offsets(%dma_start3A_163 : memref<128xi32, #tpu.memory_space<vmem>>) semaphore(%arg9 : memref<!tpu.dma_semaphore, #tpu.memory_space<semaphore_mem>>)
      } else {
      }
      %dma_wait3A = arith.constant 0 : i32
      %dma_wait3A_129 = arith.constant 0 : i32
      %dma_wait3A_130 = tpu.memref_slice %arg2[%dma_wait3A, %dma_wait3A_129] : memref<61440x128xf32, #tpu.memory_space<hbm>> -> memref<128x128xf32, #tpu.memory_space<hbm>>
      %dma_wait3A_131 = arith.constant 0 : i32
      %dma_wait3A_132 = arith.constant 0 : i32
      %dma_wait3A_133 = tpu.memref_slice %arg2[%dma_wait3A_131, %dma_wait3A_132] : memref<61440x128xf32, #tpu.memory_space<hbm>> -> memref<128x128xf32, #tpu.memory_space<hbm>>
      tpu.wait_dma2 semaphore(%arg8 : memref<!tpu.dma_semaphore, #tpu.memory_space<semaphore_mem>>) src(%dma_wait3A_133 : memref<128x128xf32, #tpu.memory_space<hbm>>) dst(%arg6 : memref<128x128xf32, #tpu.memory_space<vmem>>)
      %mul3A_134 = arith.constant 2 : i32
      %mul3A_135 = arith.muli %mul3A_134, %add3A_126 : i32
      %add3A_136 = arith.constant 1 : i32
      %add3A_137 = arith.addi %mul3A_135, %add3A_136 : i32
      "tpu.region"() ({
        %run_scoped3A_157 = tpu.sem_alloc : memref<!tpu.dma_semaphore, #tpu.memory_space<semaphore_mem>>
        %dma_start3A_158 = arith.constant 0 : i32
        %dma_start3A_159 = tpu.memref_slice %arg5[%add3A_137, %dma_start3A_158] : memref<80x128xi32, #tpu.memory_space<vmem>> -> memref<1x128xi32, #tpu.memory_space<vmem>>
        %dma_start3A_160 = tpu.memref_squeeze %dma_start3A_159 : memref<1x128xi32, #tpu.memory_space<vmem>> -> memref<128xi32, #tpu.memory_space<vmem>>
        %dma_start3A_161 = arith.constant 0 : i32
        %dma_start3A_162 = arith.constant 0 : i32
        %dma_start3A_163 = tpu.memref_slice %arg10[%dma_start3A_161, %dma_start3A_162] : memref<10240x128xf32, #tpu.memory_space<vmem_shared>> -> memref<10240x128xf32, #tpu.memory_space<vmem_shared>>
        tpu.enqueue_indirect_dma source(%arg6 : memref<128x128xf32, #tpu.memory_space<vmem>>) target(%dma_start3A_163 : memref<10240x128xf32, #tpu.memory_space<vmem_shared>>) offsets(%dma_start3A_160 : memref<128xi32, #tpu.memory_space<vmem>>) semaphore(%run_scoped3A_157 : memref<!tpu.dma_semaphore, #tpu.memory_space<semaphore_mem>>) {add = true}
        %dma_wait3A_164 = arith.constant 0 : i32
        %dma_wait3A_165 = tpu.memref_slice %arg5[%add3A_137, %dma_wait3A_164] : memref<80x128xi32, #tpu.memory_space<vmem>> -> memref<1x128xi32, #tpu.memory_space<vmem>>
        %dma_wait3A_166 = tpu.memref_squeeze %dma_wait3A_165 : memref<1x128xi32, #tpu.memory_space<vmem>> -> memref<128xi32, #tpu.memory_space<vmem>>
        %dma_wait3A_167 = arith.constant 0 : i32
        %dma_wait3A_168 = arith.constant 0 : i32
        %dma_wait3A_169 = tpu.memref_slice %arg10[%dma_wait3A_167, %dma_wait3A_168] : memref<10240x128xf32, #tpu.memory_space<vmem_shared>> -> memref<10240x128xf32, #tpu.memory_space<vmem_shared>>
        tpu.wait_indirect_dma semaphore(%run_scoped3A_157 : memref<!tpu.dma_semaphore, #tpu.memory_space<semaphore_mem>>) src(%arg6 : memref<128x128xf32, #tpu.memory_space<vmem>>) dst(%dma_wait3A_169 : memref<10240x128xf32, #tpu.memory_space<vmem_shared>>)
        tpu.yield
      }) : () -> ()
      %mul3A_138 = arith.constant 2 : i32
      %mul3A_139 = arith.muli %mul3A_138, %scan3A_122 : i32
      %add3A_140 = arith.constant 1 : i32
      %add3A_141 = arith.addi %mul3A_139, %add3A_140 : i32
      %lt3A_142 = arith.constant 39 : i32
      %lt3A_143 = arith.cmpi slt, %add3A_141, %lt3A_142 : i32
      %convert_element_type3A_144 = arith.extui %lt3A_143 : i1 to i32
      %cond3A_145 = arith.constant 0 : i32
      %cond3A_146 = arith.cmpi ne, %convert_element_type3A_144, %cond3A_145 : i32
      scf.if %cond3A_146 {
        %add3A_157 = arith.constant 1 : i32
        %add3A_158 = arith.addi %add3A_141, %add3A_157 : i32
        %mul3A_159 = arith.constant 2 : i32
        %mul3A_160 = arith.muli %mul3A_159, %add3A_158 : i32
        %dma_start3A_161 = arith.constant 0 : i32
        %dma_start3A_162 = tpu.memref_slice %arg5[%mul3A_160, %dma_start3A_161] : memref<80x128xi32, #tpu.memory_space<vmem>> -> memref<1x128xi32, #tpu.memory_space<vmem>>
        %dma_start3A_163 = tpu.memref_squeeze %dma_start3A_162 : memref<1x128xi32, #tpu.memory_space<vmem>> -> memref<128xi32, #tpu.memory_space<vmem>>
        %dma_start3A_164 = arith.constant 0 : i32
        %dma_start3A_165 = arith.constant 0 : i32
        %dma_start3A_166 = tpu.memref_slice %arg2[%dma_start3A_164, %dma_start3A_165] : memref<61440x128xf32, #tpu.memory_space<hbm>> -> memref<61440x128xf32, #tpu.memory_space<hbm>>
        tpu.enqueue_indirect_dma source(%dma_start3A_166 : memref<61440x128xf32, #tpu.memory_space<hbm>>) target(%arg6 : memref<128x128xf32, #tpu.memory_space<vmem>>) offsets(%dma_start3A_163 : memref<128xi32, #tpu.memory_space<vmem>>) semaphore(%arg8 : memref<!tpu.dma_semaphore, #tpu.memory_space<semaphore_mem>>)
      } else {
      }
      %dma_wait3A_147 = arith.constant 0 : i32
      %dma_wait3A_148 = arith.constant 0 : i32
      %dma_wait3A_149 = tpu.memref_slice %arg2[%dma_wait3A_147, %dma_wait3A_148] : memref<61440x128xf32, #tpu.memory_space<hbm>> -> memref<128x128xf32, #tpu.memory_space<hbm>>
      %dma_wait3A_150 = arith.constant 0 : i32
      %dma_wait3A_151 = arith.constant 0 : i32
      %dma_wait3A_152 = tpu.memref_slice %arg2[%dma_wait3A_150, %dma_wait3A_151] : memref<61440x128xf32, #tpu.memory_space<hbm>> -> memref<128x128xf32, #tpu.memory_space<hbm>>
      tpu.wait_dma2 semaphore(%arg9 : memref<!tpu.dma_semaphore, #tpu.memory_space<semaphore_mem>>) src(%dma_wait3A_152 : memref<128x128xf32, #tpu.memory_space<hbm>>) dst(%arg7 : memref<128x128xf32, #tpu.memory_space<vmem>>)
      %mul3A_153 = arith.constant 2 : i32
      %mul3A_154 = arith.muli %mul3A_153, %add3A_141 : i32
      %add3A_155 = arith.constant 1 : i32
      %add3A_156 = arith.addi %mul3A_154, %add3A_155 : i32
      "tpu.region"() ({
        %run_scoped3A_157 = tpu.sem_alloc : memref<!tpu.dma_semaphore, #tpu.memory_space<semaphore_mem>>
        %dma_start3A_158 = arith.constant 0 : i32
        %dma_start3A_159 = tpu.memref_slice %arg5[%add3A_156, %dma_start3A_158] : memref<80x128xi32, #tpu.memory_space<vmem>> -> memref<1x128xi32, #tpu.memory_space<vmem>>
        %dma_start3A_160 = tpu.memref_squeeze %dma_start3A_159 : memref<1x128xi32, #tpu.memory_space<vmem>> -> memref<128xi32, #tpu.memory_space<vmem>>
        %dma_start3A_161 = arith.constant 0 : i32
        %dma_start3A_162 = arith.constant 0 : i32
        %dma_start3A_163 = tpu.memref_slice %arg10[%dma_start3A_161, %dma_start3A_162] : memref<10240x128xf32, #tpu.memory_space<vmem_shared>> -> memref<10240x128xf32, #tpu.memory_space<vmem_shared>>
        tpu.enqueue_indirect_dma source(%arg7 : memref<128x128xf32, #tpu.memory_space<vmem>>) target(%dma_start3A_163 : memref<10240x128xf32, #tpu.memory_space<vmem_shared>>) offsets(%dma_start3A_160 : memref<128xi32, #tpu.memory_space<vmem>>) semaphore(%run_scoped3A_157 : memref<!tpu.dma_semaphore, #tpu.memory_space<semaphore_mem>>) {add = true}
        %dma_wait3A_164 = arith.constant 0 : i32
        %dma_wait3A_165 = tpu.memref_slice %arg5[%add3A_156, %dma_wait3A_164] : memref<80x128xi32, #tpu.memory_space<vmem>> -> memref<1x128xi32, #tpu.memory_space<vmem>>
        %dma_wait3A_166 = tpu.memref_squeeze %dma_wait3A_165 : memref<1x128xi32, #tpu.memory_space<vmem>> -> memref<128xi32, #tpu.memory_space<vmem>>
        %dma_wait3A_167 = arith.constant 0 : i32
        %dma_wait3A_168 = arith.constant 0 : i32
        %dma_wait3A_169 = tpu.memref_slice %arg10[%dma_wait3A_167, %dma_wait3A_168] : memref<10240x128xf32, #tpu.memory_space<vmem_shared>> -> memref<10240x128xf32, #tpu.memory_space<vmem_shared>>
        tpu.wait_indirect_dma semaphore(%run_scoped3A_157 : memref<!tpu.dma_semaphore, #tpu.memory_space<semaphore_mem>>) src(%arg7 : memref<128x128xf32, #tpu.memory_space<vmem>>) dst(%dma_wait3A_169 : memref<10240x128xf32, #tpu.memory_space<vmem_shared>>)
        tpu.yield
      }) : () -> ()
    }
    %scan3A_64 = arith.constant 20 : i32
    "tpu.region"() ({
      %run_scoped3A_122 = tpu.sem_alloc : memref<!tpu.dma_semaphore, #tpu.memory_space<semaphore_mem>>
      %dma_start3A_123 = arith.constant 80 : i32
      %dma_start3A_124 = arith.constant 0 : i32
      %dma_start3A_125 = tpu.memref_slice %arg3[%add3A_51, %dma_start3A_123, %dma_start3A_124] : memref<96x160x128xi32, #tpu.memory_space<hbm>> -> memref<1x80x128xi32, #tpu.memory_space<hbm>>
      %dma_start3A_126 = tpu.memref_squeeze %dma_start3A_125 : memref<1x80x128xi32, #tpu.memory_space<hbm>> -> memref<80x128xi32, #tpu.memory_space<hbm>>
      %dma_start3A_127 = arith.constant 80 : i32
      %dma_start3A_128 = arith.constant 0 : i32
      %dma_start3A_129 = tpu.memref_slice %arg3[%add3A_51, %dma_start3A_127, %dma_start3A_128] : memref<96x160x128xi32, #tpu.memory_space<hbm>> -> memref<1x80x128xi32, #tpu.memory_space<hbm>>
      %dma_start3A_130 = tpu.memref_squeeze %dma_start3A_129 : memref<1x80x128xi32, #tpu.memory_space<hbm>> -> memref<80x128xi32, #tpu.memory_space<hbm>>
      tpu.enqueue_dma source(%dma_start3A_130 : memref<80x128xi32, #tpu.memory_space<hbm>>) target(%arg5 : memref<80x128xi32, #tpu.memory_space<vmem>>) target_semaphore(%run_scoped3A_122 : memref<!tpu.dma_semaphore, #tpu.memory_space<semaphore_mem>>)
      %dma_wait3A = arith.constant 80 : i32
      %dma_wait3A_131 = arith.constant 0 : i32
      %dma_wait3A_132 = tpu.memref_slice %arg3[%add3A_51, %dma_wait3A, %dma_wait3A_131] : memref<96x160x128xi32, #tpu.memory_space<hbm>> -> memref<1x80x128xi32, #tpu.memory_space<hbm>>
      %dma_wait3A_133 = tpu.memref_squeeze %dma_wait3A_132 : memref<1x80x128xi32, #tpu.memory_space<hbm>> -> memref<80x128xi32, #tpu.memory_space<hbm>>
      %dma_wait3A_134 = arith.constant 80 : i32
      %dma_wait3A_135 = arith.constant 0 : i32
      %dma_wait3A_136 = tpu.memref_slice %arg3[%add3A_51, %dma_wait3A_134, %dma_wait3A_135] : memref<96x160x128xi32, #tpu.memory_space<hbm>> -> memref<1x80x128xi32, #tpu.memory_space<hbm>>
      %dma_wait3A_137 = tpu.memref_squeeze %dma_wait3A_136 : memref<1x80x128xi32, #tpu.memory_space<hbm>> -> memref<80x128xi32, #tpu.memory_space<hbm>>
      tpu.wait_dma2 semaphore(%run_scoped3A_122 : memref<!tpu.dma_semaphore, #tpu.memory_space<semaphore_mem>>) src(%dma_wait3A_137 : memref<80x128xi32, #tpu.memory_space<hbm>>) dst(%arg5 : memref<80x128xi32, #tpu.memory_space<vmem>>)
      tpu.yield
    }) : () -> ()
    %dma_start3A_65 = arith.constant 0 : i32
    %dma_start3A_66 = arith.constant 0 : i32
    %dma_start3A_67 = tpu.memref_slice %arg5[%dma_start3A_65, %dma_start3A_66] : memref<80x128xi32, #tpu.memory_space<vmem>> -> memref<1x128xi32, #tpu.memory_space<vmem>>
    %dma_start3A_68 = tpu.memref_squeeze %dma_start3A_67 : memref<1x128xi32, #tpu.memory_space<vmem>> -> memref<128xi32, #tpu.memory_space<vmem>>
    %dma_start3A_69 = arith.constant 0 : i32
    %dma_start3A_70 = arith.constant 0 : i32
    %dma_start3A_71 = tpu.memref_slice %arg2[%dma_start3A_69, %dma_start3A_70] : memref<61440x128xf32, #tpu.memory_space<hbm>> -> memref<61440x128xf32, #tpu.memory_space<hbm>>
    tpu.enqueue_indirect_dma source(%dma_start3A_71 : memref<61440x128xf32, #tpu.memory_space<hbm>>) target(%arg6 : memref<128x128xf32, #tpu.memory_space<vmem>>) offsets(%dma_start3A_68 : memref<128xi32, #tpu.memory_space<vmem>>) semaphore(%arg8 : memref<!tpu.dma_semaphore, #tpu.memory_space<semaphore_mem>>)
    %scan3A_72 = arith.constant 0 : i32
    %scan3A_73 = arith.constant 20 : i32
    %scan3A_74 = arith.addi %scan3A_72, %scan3A_73 : i32
    %scan3A_75 = arith.constant 1 : i32
    scf.for %scan3A_122 = %scan3A_72 to %scan3A_74 step %scan3A_75  : i32 {
      %mul3A_123 = arith.constant 2 : i32
      %mul3A_124 = arith.muli %mul3A_123, %scan3A_122 : i32
      %add3A_125 = arith.constant 0 : i32
      %add3A_126 = arith.addi %mul3A_124, %add3A_125 : i32
      %lt3A = arith.constant 39 : i32
      %lt3A_127 = arith.cmpi slt, %add3A_126, %lt3A : i32
      %convert_element_type3A = arith.extui %lt3A_127 : i1 to i32
      %cond3A = arith.constant 0 : i32
      %cond3A_128 = arith.cmpi ne, %convert_element_type3A, %cond3A : i32
      scf.if %cond3A_128 {
        %add3A_157 = arith.constant 1 : i32
        %add3A_158 = arith.addi %add3A_126, %add3A_157 : i32
        %mul3A_159 = arith.constant 2 : i32
        %mul3A_160 = arith.muli %mul3A_159, %add3A_158 : i32
        %dma_start3A_161 = arith.constant 0 : i32
        %dma_start3A_162 = tpu.memref_slice %arg5[%mul3A_160, %dma_start3A_161] : memref<80x128xi32, #tpu.memory_space<vmem>> -> memref<1x128xi32, #tpu.memory_space<vmem>>
        %dma_start3A_163 = tpu.memref_squeeze %dma_start3A_162 : memref<1x128xi32, #tpu.memory_space<vmem>> -> memref<128xi32, #tpu.memory_space<vmem>>
        %dma_start3A_164 = arith.constant 0 : i32
        %dma_start3A_165 = arith.constant 0 : i32
        %dma_start3A_166 = tpu.memref_slice %arg2[%dma_start3A_164, %dma_start3A_165] : memref<61440x128xf32, #tpu.memory_space<hbm>> -> memref<61440x128xf32, #tpu.memory_space<hbm>>
        tpu.enqueue_indirect_dma source(%dma_start3A_166 : memref<61440x128xf32, #tpu.memory_space<hbm>>) target(%arg7 : memref<128x128xf32, #tpu.memory_space<vmem>>) offsets(%dma_start3A_163 : memref<128xi32, #tpu.memory_space<vmem>>) semaphore(%arg9 : memref<!tpu.dma_semaphore, #tpu.memory_space<semaphore_mem>>)
      } else {
      }
      %dma_wait3A = arith.constant 0 : i32
      %dma_wait3A_129 = arith.constant 0 : i32
      %dma_wait3A_130 = tpu.memref_slice %arg2[%dma_wait3A, %dma_wait3A_129] : memref<61440x128xf32, #tpu.memory_space<hbm>> -> memref<128x128xf32, #tpu.memory_space<hbm>>
      %dma_wait3A_131 = arith.constant 0 : i32
      %dma_wait3A_132 = arith.constant 0 : i32
      %dma_wait3A_133 = tpu.memref_slice %arg2[%dma_wait3A_131, %dma_wait3A_132] : memref<61440x128xf32, #tpu.memory_space<hbm>> -> memref<128x128xf32, #tpu.memory_space<hbm>>
      tpu.wait_dma2 semaphore(%arg8 : memref<!tpu.dma_semaphore, #tpu.memory_space<semaphore_mem>>) src(%dma_wait3A_133 : memref<128x128xf32, #tpu.memory_space<hbm>>) dst(%arg6 : memref<128x128xf32, #tpu.memory_space<vmem>>)
      %mul3A_134 = arith.constant 2 : i32
      %mul3A_135 = arith.muli %mul3A_134, %add3A_126 : i32
      %add3A_136 = arith.constant 1 : i32
      %add3A_137 = arith.addi %mul3A_135, %add3A_136 : i32
      "tpu.region"() ({
        %run_scoped3A_157 = tpu.sem_alloc : memref<!tpu.dma_semaphore, #tpu.memory_space<semaphore_mem>>
        %dma_start3A_158 = arith.constant 0 : i32
        %dma_start3A_159 = tpu.memref_slice %arg5[%add3A_137, %dma_start3A_158] : memref<80x128xi32, #tpu.memory_space<vmem>> -> memref<1x128xi32, #tpu.memory_space<vmem>>
        %dma_start3A_160 = tpu.memref_squeeze %dma_start3A_159 : memref<1x128xi32, #tpu.memory_space<vmem>> -> memref<128xi32, #tpu.memory_space<vmem>>
        %dma_start3A_161 = arith.constant 0 : i32
        %dma_start3A_162 = arith.constant 0 : i32
        %dma_start3A_163 = tpu.memref_slice %arg10[%dma_start3A_161, %dma_start3A_162] : memref<10240x128xf32, #tpu.memory_space<vmem_shared>> -> memref<10240x128xf32, #tpu.memory_space<vmem_shared>>
        tpu.enqueue_indirect_dma source(%arg6 : memref<128x128xf32, #tpu.memory_space<vmem>>) target(%dma_start3A_163 : memref<10240x128xf32, #tpu.memory_space<vmem_shared>>) offsets(%dma_start3A_160 : memref<128xi32, #tpu.memory_space<vmem>>) semaphore(%run_scoped3A_157 : memref<!tpu.dma_semaphore, #tpu.memory_space<semaphore_mem>>) {add = true}
        %dma_wait3A_164 = arith.constant 0 : i32
        %dma_wait3A_165 = tpu.memref_slice %arg5[%add3A_137, %dma_wait3A_164] : memref<80x128xi32, #tpu.memory_space<vmem>> -> memref<1x128xi32, #tpu.memory_space<vmem>>
        %dma_wait3A_166 = tpu.memref_squeeze %dma_wait3A_165 : memref<1x128xi32, #tpu.memory_space<vmem>> -> memref<128xi32, #tpu.memory_space<vmem>>
        %dma_wait3A_167 = arith.constant 0 : i32
        %dma_wait3A_168 = arith.constant 0 : i32
        %dma_wait3A_169 = tpu.memref_slice %arg10[%dma_wait3A_167, %dma_wait3A_168] : memref<10240x128xf32, #tpu.memory_space<vmem_shared>> -> memref<10240x128xf32, #tpu.memory_space<vmem_shared>>
        tpu.wait_indirect_dma semaphore(%run_scoped3A_157 : memref<!tpu.dma_semaphore, #tpu.memory_space<semaphore_mem>>) src(%arg6 : memref<128x128xf32, #tpu.memory_space<vmem>>) dst(%dma_wait3A_169 : memref<10240x128xf32, #tpu.memory_space<vmem_shared>>)
        tpu.yield
      }) : () -> ()
      %mul3A_138 = arith.constant 2 : i32
      %mul3A_139 = arith.muli %mul3A_138, %scan3A_122 : i32
      %add3A_140 = arith.constant 1 : i32
      %add3A_141 = arith.addi %mul3A_139, %add3A_140 : i32
      %lt3A_142 = arith.constant 39 : i32
      %lt3A_143 = arith.cmpi slt, %add3A_141, %lt3A_142 : i32
      %convert_element_type3A_144 = arith.extui %lt3A_143 : i1 to i32
      %cond3A_145 = arith.constant 0 : i32
      %cond3A_146 = arith.cmpi ne, %convert_element_type3A_144, %cond3A_145 : i32
      scf.if %cond3A_146 {
        %add3A_157 = arith.constant 1 : i32
        %add3A_158 = arith.addi %add3A_141, %add3A_157 : i32
        %mul3A_159 = arith.constant 2 : i32
        %mul3A_160 = arith.muli %mul3A_159, %add3A_158 : i32
        %dma_start3A_161 = arith.constant 0 : i32
        %dma_start3A_162 = tpu.memref_slice %arg5[%mul3A_160, %dma_start3A_161] : memref<80x128xi32, #tpu.memory_space<vmem>> -> memref<1x128xi32, #tpu.memory_space<vmem>>
        %dma_start3A_163 = tpu.memref_squeeze %dma_start3A_162 : memref<1x128xi32, #tpu.memory_space<vmem>> -> memref<128xi32, #tpu.memory_space<vmem>>
        %dma_start3A_164 = arith.constant 0 : i32
        %dma_start3A_165 = arith.constant 0 : i32
        %dma_start3A_166 = tpu.memref_slice %arg2[%dma_start3A_164, %dma_start3A_165] : memref<61440x128xf32, #tpu.memory_space<hbm>> -> memref<61440x128xf32, #tpu.memory_space<hbm>>
        tpu.enqueue_indirect_dma source(%dma_start3A_166 : memref<61440x128xf32, #tpu.memory_space<hbm>>) target(%arg6 : memref<128x128xf32, #tpu.memory_space<vmem>>) offsets(%dma_start3A_163 : memref<128xi32, #tpu.memory_space<vmem>>) semaphore(%arg8 : memref<!tpu.dma_semaphore, #tpu.memory_space<semaphore_mem>>)
      } else {
      }
      %dma_wait3A_147 = arith.constant 0 : i32
      %dma_wait3A_148 = arith.constant 0 : i32
      %dma_wait3A_149 = tpu.memref_slice %arg2[%dma_wait3A_147, %dma_wait3A_148] : memref<61440x128xf32, #tpu.memory_space<hbm>> -> memref<128x128xf32, #tpu.memory_space<hbm>>
      %dma_wait3A_150 = arith.constant 0 : i32
      %dma_wait3A_151 = arith.constant 0 : i32
      %dma_wait3A_152 = tpu.memref_slice %arg2[%dma_wait3A_150, %dma_wait3A_151] : memref<61440x128xf32, #tpu.memory_space<hbm>> -> memref<128x128xf32, #tpu.memory_space<hbm>>
      tpu.wait_dma2 semaphore(%arg9 : memref<!tpu.dma_semaphore, #tpu.memory_space<semaphore_mem>>) src(%dma_wait3A_152 : memref<128x128xf32, #tpu.memory_space<hbm>>) dst(%arg7 : memref<128x128xf32, #tpu.memory_space<vmem>>)
      %mul3A_153 = arith.constant 2 : i32
      %mul3A_154 = arith.muli %mul3A_153, %add3A_141 : i32
      %add3A_155 = arith.constant 1 : i32
      %add3A_156 = arith.addi %mul3A_154, %add3A_155 : i32
      "tpu.region"() ({
        %run_scoped3A_157 = tpu.sem_alloc : memref<!tpu.dma_semaphore, #tpu.memory_space<semaphore_mem>>
        %dma_start3A_158 = arith.constant 0 : i32
        %dma_start3A_159 = tpu.memref_slice %arg5[%add3A_156, %dma_start3A_158] : memref<80x128xi32, #tpu.memory_space<vmem>> -> memref<1x128xi32, #tpu.memory_space<vmem>>
        %dma_start3A_160 = tpu.memref_squeeze %dma_start3A_159 : memref<1x128xi32, #tpu.memory_space<vmem>> -> memref<128xi32, #tpu.memory_space<vmem>>
        %dma_start3A_161 = arith.constant 0 : i32
        %dma_start3A_162 = arith.constant 0 : i32
        %dma_start3A_163 = tpu.memref_slice %arg10[%dma_start3A_161, %dma_start3A_162] : memref<10240x128xf32, #tpu.memory_space<vmem_shared>> -> memref<10240x128xf32, #tpu.memory_space<vmem_shared>>
        tpu.enqueue_indirect_dma source(%arg7 : memref<128x128xf32, #tpu.memory_space<vmem>>) target(%dma_start3A_163 : memref<10240x128xf32, #tpu.memory_space<vmem_shared>>) offsets(%dma_start3A_160 : memref<128xi32, #tpu.memory_space<vmem>>) semaphore(%run_scoped3A_157 : memref<!tpu.dma_semaphore, #tpu.memory_space<semaphore_mem>>) {add = true}
        %dma_wait3A_164 = arith.constant 0 : i32
        %dma_wait3A_165 = tpu.memref_slice %arg5[%add3A_156, %dma_wait3A_164] : memref<80x128xi32, #tpu.memory_space<vmem>> -> memref<1x128xi32, #tpu.memory_space<vmem>>
        %dma_wait3A_166 = tpu.memref_squeeze %dma_wait3A_165 : memref<1x128xi32, #tpu.memory_space<vmem>> -> memref<128xi32, #tpu.memory_space<vmem>>
        %dma_wait3A_167 = arith.constant 0 : i32
        %dma_wait3A_168 = arith.constant 0 : i32
        %dma_wait3A_169 = tpu.memref_slice %arg10[%dma_wait3A_167, %dma_wait3A_168] : memref<10240x128xf32, #tpu.memory_space<vmem_shared>> -> memref<10240x128xf32, #tpu.memory_space<vmem_shared>>
        tpu.wait_indirect_dma semaphore(%run_scoped3A_157 : memref<!tpu.dma_semaphore, #tpu.memory_space<semaphore_mem>>) src(%arg7 : memref<128x128xf32, #tpu.memory_space<vmem>>) dst(%dma_wait3A_169 : memref<10240x128xf32, #tpu.memory_space<vmem_shared>>)
        tpu.yield
      }) : () -> ()
    }
    %scan3A_76 = arith.constant 20 : i32
    %barrier3A_77 = arith.constant 0 : index
    tpu.barrier barrier_id(%barrier3A_77)
    %run_scoped3A_78 = arith.constant 1 : i32
    "tpu.region"() ({
      %run_scoped3A_122 = tpu.sem_alloc : memref<!tpu.dma_semaphore, #tpu.memory_space<semaphore_mem>>
      %dma_start3A_123 = arith.constant 0 : i32
      %dma_start3A_124 = tpu.memref_slice %arg4[%run_scoped3A_78, %arg0, %mul3A_0, %dma_start3A_123] : memref<3x2x10240x128xf32, #tpu.memory_space<hbm>> -> memref<1x1x640x128xf32, #tpu.memory_space<hbm>>
      %dma_start3A_125 = tpu.memref_squeeze %dma_start3A_124 : memref<1x1x640x128xf32, #tpu.memory_space<hbm>> -> memref<640x128xf32, #tpu.memory_space<hbm>>
      %dma_start3A_126 = arith.constant 0 : i32
      %dma_start3A_127 = tpu.memref_slice %arg10[%mul3A_0, %dma_start3A_126] : memref<10240x128xf32, #tpu.memory_space<vmem_shared>> -> memref<640x128xf32, #tpu.memory_space<vmem_shared>>
      tpu.enqueue_dma source(%dma_start3A_127 : memref<640x128xf32, #tpu.memory_space<vmem_shared>>) target(%dma_start3A_125 : memref<640x128xf32, #tpu.memory_space<hbm>>) target_semaphore(%run_scoped3A_122 : memref<!tpu.dma_semaphore, #tpu.memory_space<semaphore_mem>>)
      %dma_wait3A = arith.constant 0 : i32
      %dma_wait3A_128 = tpu.memref_slice %arg4[%run_scoped3A_78, %arg0, %mul3A_0, %dma_wait3A] : memref<3x2x10240x128xf32, #tpu.memory_space<hbm>> -> memref<1x1x640x128xf32, #tpu.memory_space<hbm>>
      %dma_wait3A_129 = tpu.memref_squeeze %dma_wait3A_128 : memref<1x1x640x128xf32, #tpu.memory_space<hbm>> -> memref<640x128xf32, #tpu.memory_space<hbm>>
      %dma_wait3A_130 = arith.constant 0 : i32
      %dma_wait3A_131 = tpu.memref_slice %arg10[%mul3A_0, %dma_wait3A_130] : memref<10240x128xf32, #tpu.memory_space<vmem_shared>> -> memref<640x128xf32, #tpu.memory_space<vmem_shared>>
      tpu.wait_dma2 semaphore(%run_scoped3A_122 : memref<!tpu.dma_semaphore, #tpu.memory_space<semaphore_mem>>) src(%dma_wait3A_131 : memref<640x128xf32, #tpu.memory_space<vmem_shared>>) dst(%dma_wait3A_129 : memref<640x128xf32, #tpu.memory_space<hbm>>)
      tpu.yield
    }) : () -> ()
    %barrier3A_79 = arith.constant 0 : index
    tpu.barrier barrier_id(%barrier3A_79)
    %add3A_80 = arith.constant 4 : i32
    %add3A_81 = arith.addi %add3A_80, %arg0 : i32
    %mul3A_82 = arith.constant 10240 : i32
    %mul3A_83 = arith.muli %add3A_81, %mul3A_82 : i32
    %mul3A_84 = arith.constant 640 : i32
    %mul3A_85 = arith.muli %arg1, %mul3A_84 : i32
    %add3A_86 = arith.addi %mul3A_83, %mul3A_85 : i32
    "tpu.region"() ({
      %run_scoped3A_122 = tpu.sem_alloc : memref<!tpu.dma_semaphore, #tpu.memory_space<semaphore_mem>>
      %dma_start3A_123 = arith.constant 0 : i32
      %dma_start3A_124 = tpu.memref_slice %arg10[%mul3A_0, %dma_start3A_123] : memref<10240x128xf32, #tpu.memory_space<vmem_shared>> -> memref<640x128xf32, #tpu.memory_space<vmem_shared>>
      %dma_start3A_125 = arith.constant 0 : i32
      %dma_start3A_126 = tpu.memref_slice %arg2[%add3A_86, %dma_start3A_125] : memref<61440x128xf32, #tpu.memory_space<hbm>> -> memref<640x128xf32, #tpu.memory_space<hbm>>
      tpu.enqueue_dma source(%dma_start3A_126 : memref<640x128xf32, #tpu.memory_space<hbm>>) target(%dma_start3A_124 : memref<640x128xf32, #tpu.memory_space<vmem_shared>>) target_semaphore(%run_scoped3A_122 : memref<!tpu.dma_semaphore, #tpu.memory_space<semaphore_mem>>)
      %dma_wait3A = arith.constant 0 : i32
      %dma_wait3A_127 = tpu.memref_slice %arg10[%mul3A_0, %dma_wait3A] : memref<10240x128xf32, #tpu.memory_space<vmem_shared>> -> memref<640x128xf32, #tpu.memory_space<vmem_shared>>
      %dma_wait3A_128 = arith.constant 0 : i32
      %dma_wait3A_129 = tpu.memref_slice %arg2[%add3A_86, %dma_wait3A_128] : memref<61440x128xf32, #tpu.memory_space<hbm>> -> memref<640x128xf32, #tpu.memory_space<hbm>>
      tpu.wait_dma2 semaphore(%run_scoped3A_122 : memref<!tpu.dma_semaphore, #tpu.memory_space<semaphore_mem>>) src(%dma_wait3A_129 : memref<640x128xf32, #tpu.memory_space<hbm>>) dst(%dma_wait3A_127 : memref<640x128xf32, #tpu.memory_space<vmem_shared>>)
      tpu.yield
    }) : () -> ()
    %mul3A_87 = arith.constant 3 : i32
    %mul3A_88 = arith.muli %arg0, %mul3A_87 : i32
    %add3A_89 = arith.constant 2 : i32
    %add3A_90 = arith.addi %mul3A_88, %add3A_89 : i32
    %mul3A_91 = arith.constant 16 : i32
    %mul3A_92 = arith.muli %add3A_90, %mul3A_91 : i32
    %add3A_93 = arith.addi %mul3A_92, %arg1 : i32
    "tpu.region"() ({
      %run_scoped3A_122 = tpu.sem_alloc : memref<!tpu.dma_semaphore, #tpu.memory_space<semaphore_mem>>
      %dma_start3A_123 = arith.constant 0 : i32
      %dma_start3A_124 = arith.constant 0 : i32
      %dma_start3A_125 = tpu.memref_slice %arg3[%add3A_93, %dma_start3A_123, %dma_start3A_124] : memref<96x160x128xi32, #tpu.memory_space<hbm>> -> memref<1x80x128xi32, #tpu.memory_space<hbm>>
      %dma_start3A_126 = tpu.memref_squeeze %dma_start3A_125 : memref<1x80x128xi32, #tpu.memory_space<hbm>> -> memref<80x128xi32, #tpu.memory_space<hbm>>
      %dma_start3A_127 = arith.constant 0 : i32
      %dma_start3A_128 = arith.constant 0 : i32
      %dma_start3A_129 = tpu.memref_slice %arg3[%add3A_93, %dma_start3A_127, %dma_start3A_128] : memref<96x160x128xi32, #tpu.memory_space<hbm>> -> memref<1x80x128xi32, #tpu.memory_space<hbm>>
      %dma_start3A_130 = tpu.memref_squeeze %dma_start3A_129 : memref<1x80x128xi32, #tpu.memory_space<hbm>> -> memref<80x128xi32, #tpu.memory_space<hbm>>
      tpu.enqueue_dma source(%dma_start3A_130 : memref<80x128xi32, #tpu.memory_space<hbm>>) target(%arg5 : memref<80x128xi32, #tpu.memory_space<vmem>>) target_semaphore(%run_scoped3A_122 : memref<!tpu.dma_semaphore, #tpu.memory_space<semaphore_mem>>)
      %dma_wait3A = arith.constant 0 : i32
      %dma_wait3A_131 = arith.constant 0 : i32
      %dma_wait3A_132 = tpu.memref_slice %arg3[%add3A_93, %dma_wait3A, %dma_wait3A_131] : memref<96x160x128xi32, #tpu.memory_space<hbm>> -> memref<1x80x128xi32, #tpu.memory_space<hbm>>
      %dma_wait3A_133 = tpu.memref_squeeze %dma_wait3A_132 : memref<1x80x128xi32, #tpu.memory_space<hbm>> -> memref<80x128xi32, #tpu.memory_space<hbm>>
      %dma_wait3A_134 = arith.constant 0 : i32
      %dma_wait3A_135 = arith.constant 0 : i32
      %dma_wait3A_136 = tpu.memref_slice %arg3[%add3A_93, %dma_wait3A_134, %dma_wait3A_135] : memref<96x160x128xi32, #tpu.memory_space<hbm>> -> memref<1x80x128xi32, #tpu.memory_space<hbm>>
      %dma_wait3A_137 = tpu.memref_squeeze %dma_wait3A_136 : memref<1x80x128xi32, #tpu.memory_space<hbm>> -> memref<80x128xi32, #tpu.memory_space<hbm>>
      tpu.wait_dma2 semaphore(%run_scoped3A_122 : memref<!tpu.dma_semaphore, #tpu.memory_space<semaphore_mem>>) src(%dma_wait3A_137 : memref<80x128xi32, #tpu.memory_space<hbm>>) dst(%arg5 : memref<80x128xi32, #tpu.memory_space<vmem>>)
      tpu.yield
    }) : () -> ()
    %dma_start3A_94 = arith.constant 0 : i32
    %dma_start3A_95 = arith.constant 0 : i32
    %dma_start3A_96 = tpu.memref_slice %arg5[%dma_start3A_94, %dma_start3A_95] : memref<80x128xi32, #tpu.memory_space<vmem>> -> memref<1x128xi32, #tpu.memory_space<vmem>>
    %dma_start3A_97 = tpu.memref_squeeze %dma_start3A_96 : memref<1x128xi32, #tpu.memory_space<vmem>> -> memref<128xi32, #tpu.memory_space<vmem>>
    %dma_start3A_98 = arith.constant 0 : i32
    %dma_start3A_99 = arith.constant 0 : i32
    %dma_start3A_100 = tpu.memref_slice %arg2[%dma_start3A_98, %dma_start3A_99] : memref<61440x128xf32, #tpu.memory_space<hbm>> -> memref<61440x128xf32, #tpu.memory_space<hbm>>
    tpu.enqueue_indirect_dma source(%dma_start3A_100 : memref<61440x128xf32, #tpu.memory_space<hbm>>) target(%arg6 : memref<128x128xf32, #tpu.memory_space<vmem>>) offsets(%dma_start3A_97 : memref<128xi32, #tpu.memory_space<vmem>>) semaphore(%arg8 : memref<!tpu.dma_semaphore, #tpu.memory_space<semaphore_mem>>)
    %barrier3A_101 = arith.constant 0 : index
    tpu.barrier barrier_id(%barrier3A_101)
    %scan3A_102 = arith.constant 0 : i32
    %scan3A_103 = arith.constant 20 : i32
    %scan3A_104 = arith.addi %scan3A_102, %scan3A_103 : i32
    %scan3A_105 = arith.constant 1 : i32
    scf.for %scan3A_122 = %scan3A_102 to %scan3A_104 step %scan3A_105  : i32 {
      %mul3A_123 = arith.constant 2 : i32
      %mul3A_124 = arith.muli %mul3A_123, %scan3A_122 : i32
      %add3A_125 = arith.constant 0 : i32
      %add3A_126 = arith.addi %mul3A_124, %add3A_125 : i32
      %lt3A = arith.constant 39 : i32
      %lt3A_127 = arith.cmpi slt, %add3A_126, %lt3A : i32
      %convert_element_type3A = arith.extui %lt3A_127 : i1 to i32
      %cond3A = arith.constant 0 : i32
      %cond3A_128 = arith.cmpi ne, %convert_element_type3A, %cond3A : i32
      scf.if %cond3A_128 {
        %add3A_157 = arith.constant 1 : i32
        %add3A_158 = arith.addi %add3A_126, %add3A_157 : i32
        %mul3A_159 = arith.constant 2 : i32
        %mul3A_160 = arith.muli %mul3A_159, %add3A_158 : i32
        %dma_start3A_161 = arith.constant 0 : i32
        %dma_start3A_162 = tpu.memref_slice %arg5[%mul3A_160, %dma_start3A_161] : memref<80x128xi32, #tpu.memory_space<vmem>> -> memref<1x128xi32, #tpu.memory_space<vmem>>
        %dma_start3A_163 = tpu.memref_squeeze %dma_start3A_162 : memref<1x128xi32, #tpu.memory_space<vmem>> -> memref<128xi32, #tpu.memory_space<vmem>>
        %dma_start3A_164 = arith.constant 0 : i32
        %dma_start3A_165 = arith.constant 0 : i32
        %dma_start3A_166 = tpu.memref_slice %arg2[%dma_start3A_164, %dma_start3A_165] : memref<61440x128xf32, #tpu.memory_space<hbm>> -> memref<61440x128xf32, #tpu.memory_space<hbm>>
        tpu.enqueue_indirect_dma source(%dma_start3A_166 : memref<61440x128xf32, #tpu.memory_space<hbm>>) target(%arg7 : memref<128x128xf32, #tpu.memory_space<vmem>>) offsets(%dma_start3A_163 : memref<128xi32, #tpu.memory_space<vmem>>) semaphore(%arg9 : memref<!tpu.dma_semaphore, #tpu.memory_space<semaphore_mem>>)
      } else {
      }
      %dma_wait3A = arith.constant 0 : i32
      %dma_wait3A_129 = arith.constant 0 : i32
      %dma_wait3A_130 = tpu.memref_slice %arg2[%dma_wait3A, %dma_wait3A_129] : memref<61440x128xf32, #tpu.memory_space<hbm>> -> memref<128x128xf32, #tpu.memory_space<hbm>>
      %dma_wait3A_131 = arith.constant 0 : i32
      %dma_wait3A_132 = arith.constant 0 : i32
      %dma_wait3A_133 = tpu.memref_slice %arg2[%dma_wait3A_131, %dma_wait3A_132] : memref<61440x128xf32, #tpu.memory_space<hbm>> -> memref<128x128xf32, #tpu.memory_space<hbm>>
      tpu.wait_dma2 semaphore(%arg8 : memref<!tpu.dma_semaphore, #tpu.memory_space<semaphore_mem>>) src(%dma_wait3A_133 : memref<128x128xf32, #tpu.memory_space<hbm>>) dst(%arg6 : memref<128x128xf32, #tpu.memory_space<vmem>>)
      %mul3A_134 = arith.constant 2 : i32
      %mul3A_135 = arith.muli %mul3A_134, %add3A_126 : i32
      %add3A_136 = arith.constant 1 : i32
      %add3A_137 = arith.addi %mul3A_135, %add3A_136 : i32
      "tpu.region"() ({
        %run_scoped3A_157 = tpu.sem_alloc : memref<!tpu.dma_semaphore, #tpu.memory_space<semaphore_mem>>
        %dma_start3A_158 = arith.constant 0 : i32
        %dma_start3A_159 = tpu.memref_slice %arg5[%add3A_137, %dma_start3A_158] : memref<80x128xi32, #tpu.memory_space<vmem>> -> memref<1x128xi32, #tpu.memory_space<vmem>>
        %dma_start3A_160 = tpu.memref_squeeze %dma_start3A_159 : memref<1x128xi32, #tpu.memory_space<vmem>> -> memref<128xi32, #tpu.memory_space<vmem>>
        %dma_start3A_161 = arith.constant 0 : i32
        %dma_start3A_162 = arith.constant 0 : i32
        %dma_start3A_163 = tpu.memref_slice %arg10[%dma_start3A_161, %dma_start3A_162] : memref<10240x128xf32, #tpu.memory_space<vmem_shared>> -> memref<10240x128xf32, #tpu.memory_space<vmem_shared>>
        tpu.enqueue_indirect_dma source(%arg6 : memref<128x128xf32, #tpu.memory_space<vmem>>) target(%dma_start3A_163 : memref<10240x128xf32, #tpu.memory_space<vmem_shared>>) offsets(%dma_start3A_160 : memref<128xi32, #tpu.memory_space<vmem>>) semaphore(%run_scoped3A_157 : memref<!tpu.dma_semaphore, #tpu.memory_space<semaphore_mem>>) {add = true}
        %dma_wait3A_164 = arith.constant 0 : i32
        %dma_wait3A_165 = tpu.memref_slice %arg5[%add3A_137, %dma_wait3A_164] : memref<80x128xi32, #tpu.memory_space<vmem>> -> memref<1x128xi32, #tpu.memory_space<vmem>>
        %dma_wait3A_166 = tpu.memref_squeeze %dma_wait3A_165 : memref<1x128xi32, #tpu.memory_space<vmem>> -> memref<128xi32, #tpu.memory_space<vmem>>
        %dma_wait3A_167 = arith.constant 0 : i32
        %dma_wait3A_168 = arith.constant 0 : i32
        %dma_wait3A_169 = tpu.memref_slice %arg10[%dma_wait3A_167, %dma_wait3A_168] : memref<10240x128xf32, #tpu.memory_space<vmem_shared>> -> memref<10240x128xf32, #tpu.memory_space<vmem_shared>>
        tpu.wait_indirect_dma semaphore(%run_scoped3A_157 : memref<!tpu.dma_semaphore, #tpu.memory_space<semaphore_mem>>) src(%arg6 : memref<128x128xf32, #tpu.memory_space<vmem>>) dst(%dma_wait3A_169 : memref<10240x128xf32, #tpu.memory_space<vmem_shared>>)
        tpu.yield
      }) : () -> ()
      %mul3A_138 = arith.constant 2 : i32
      %mul3A_139 = arith.muli %mul3A_138, %scan3A_122 : i32
      %add3A_140 = arith.constant 1 : i32
      %add3A_141 = arith.addi %mul3A_139, %add3A_140 : i32
      %lt3A_142 = arith.constant 39 : i32
      %lt3A_143 = arith.cmpi slt, %add3A_141, %lt3A_142 : i32
      %convert_element_type3A_144 = arith.extui %lt3A_143 : i1 to i32
      %cond3A_145 = arith.constant 0 : i32
      %cond3A_146 = arith.cmpi ne, %convert_element_type3A_144, %cond3A_145 : i32
      scf.if %cond3A_146 {
        %add3A_157 = arith.constant 1 : i32
        %add3A_158 = arith.addi %add3A_141, %add3A_157 : i32
        %mul3A_159 = arith.constant 2 : i32
        %mul3A_160 = arith.muli %mul3A_159, %add3A_158 : i32
        %dma_start3A_161 = arith.constant 0 : i32
        %dma_start3A_162 = tpu.memref_slice %arg5[%mul3A_160, %dma_start3A_161] : memref<80x128xi32, #tpu.memory_space<vmem>> -> memref<1x128xi32, #tpu.memory_space<vmem>>
        %dma_start3A_163 = tpu.memref_squeeze %dma_start3A_162 : memref<1x128xi32, #tpu.memory_space<vmem>> -> memref<128xi32, #tpu.memory_space<vmem>>
        %dma_start3A_164 = arith.constant 0 : i32
        %dma_start3A_165 = arith.constant 0 : i32
        %dma_start3A_166 = tpu.memref_slice %arg2[%dma_start3A_164, %dma_start3A_165] : memref<61440x128xf32, #tpu.memory_space<hbm>> -> memref<61440x128xf32, #tpu.memory_space<hbm>>
        tpu.enqueue_indirect_dma source(%dma_start3A_166 : memref<61440x128xf32, #tpu.memory_space<hbm>>) target(%arg6 : memref<128x128xf32, #tpu.memory_space<vmem>>) offsets(%dma_start3A_163 : memref<128xi32, #tpu.memory_space<vmem>>) semaphore(%arg8 : memref<!tpu.dma_semaphore, #tpu.memory_space<semaphore_mem>>)
      } else {
      }
      %dma_wait3A_147 = arith.constant 0 : i32
      %dma_wait3A_148 = arith.constant 0 : i32
      %dma_wait3A_149 = tpu.memref_slice %arg2[%dma_wait3A_147, %dma_wait3A_148] : memref<61440x128xf32, #tpu.memory_space<hbm>> -> memref<128x128xf32, #tpu.memory_space<hbm>>
      %dma_wait3A_150 = arith.constant 0 : i32
      %dma_wait3A_151 = arith.constant 0 : i32
      %dma_wait3A_152 = tpu.memref_slice %arg2[%dma_wait3A_150, %dma_wait3A_151] : memref<61440x128xf32, #tpu.memory_space<hbm>> -> memref<128x128xf32, #tpu.memory_space<hbm>>
      tpu.wait_dma2 semaphore(%arg9 : memref<!tpu.dma_semaphore, #tpu.memory_space<semaphore_mem>>) src(%dma_wait3A_152 : memref<128x128xf32, #tpu.memory_space<hbm>>) dst(%arg7 : memref<128x128xf32, #tpu.memory_space<vmem>>)
      %mul3A_153 = arith.constant 2 : i32
      %mul3A_154 = arith.muli %mul3A_153, %add3A_141 : i32
      %add3A_155 = arith.constant 1 : i32
      %add3A_156 = arith.addi %mul3A_154, %add3A_155 : i32
      "tpu.region"() ({
        %run_scoped3A_157 = tpu.sem_alloc : memref<!tpu.dma_semaphore, #tpu.memory_space<semaphore_mem>>
        %dma_start3A_158 = arith.constant 0 : i32
        %dma_start3A_159 = tpu.memref_slice %arg5[%add3A_156, %dma_start3A_158] : memref<80x128xi32, #tpu.memory_space<vmem>> -> memref<1x128xi32, #tpu.memory_space<vmem>>
        %dma_start3A_160 = tpu.memref_squeeze %dma_start3A_159 : memref<1x128xi32, #tpu.memory_space<vmem>> -> memref<128xi32, #tpu.memory_space<vmem>>
        %dma_start3A_161 = arith.constant 0 : i32
        %dma_start3A_162 = arith.constant 0 : i32
        %dma_start3A_163 = tpu.memref_slice %arg10[%dma_start3A_161, %dma_start3A_162] : memref<10240x128xf32, #tpu.memory_space<vmem_shared>> -> memref<10240x128xf32, #tpu.memory_space<vmem_shared>>
        tpu.enqueue_indirect_dma source(%arg7 : memref<128x128xf32, #tpu.memory_space<vmem>>) target(%dma_start3A_163 : memref<10240x128xf32, #tpu.memory_space<vmem_shared>>) offsets(%dma_start3A_160 : memref<128xi32, #tpu.memory_space<vmem>>) semaphore(%run_scoped3A_157 : memref<!tpu.dma_semaphore, #tpu.memory_space<semaphore_mem>>) {add = true}
        %dma_wait3A_164 = arith.constant 0 : i32
        %dma_wait3A_165 = tpu.memref_slice %arg5[%add3A_156, %dma_wait3A_164] : memref<80x128xi32, #tpu.memory_space<vmem>> -> memref<1x128xi32, #tpu.memory_space<vmem>>
        %dma_wait3A_166 = tpu.memref_squeeze %dma_wait3A_165 : memref<1x128xi32, #tpu.memory_space<vmem>> -> memref<128xi32, #tpu.memory_space<vmem>>
        %dma_wait3A_167 = arith.constant 0 : i32
        %dma_wait3A_168 = arith.constant 0 : i32
        %dma_wait3A_169 = tpu.memref_slice %arg10[%dma_wait3A_167, %dma_wait3A_168] : memref<10240x128xf32, #tpu.memory_space<vmem_shared>> -> memref<10240x128xf32, #tpu.memory_space<vmem_shared>>
        tpu.wait_indirect_dma semaphore(%run_scoped3A_157 : memref<!tpu.dma_semaphore, #tpu.memory_space<semaphore_mem>>) src(%arg7 : memref<128x128xf32, #tpu.memory_space<vmem>>) dst(%dma_wait3A_169 : memref<10240x128xf32, #tpu.memory_space<vmem_shared>>)
        tpu.yield
      }) : () -> ()
    }
    %scan3A_106 = arith.constant 20 : i32
    "tpu.region"() ({
      %run_scoped3A_122 = tpu.sem_alloc : memref<!tpu.dma_semaphore, #tpu.memory_space<semaphore_mem>>
      %dma_start3A_123 = arith.constant 80 : i32
      %dma_start3A_124 = arith.constant 0 : i32
      %dma_start3A_125 = tpu.memref_slice %arg3[%add3A_93, %dma_start3A_123, %dma_start3A_124] : memref<96x160x128xi32, #tpu.memory_space<hbm>> -> memref<1x80x128xi32, #tpu.memory_space<hbm>>
      %dma_start3A_126 = tpu.memref_squeeze %dma_start3A_125 : memref<1x80x128xi32, #tpu.memory_space<hbm>> -> memref<80x128xi32, #tpu.memory_space<hbm>>
      %dma_start3A_127 = arith.constant 80 : i32
      %dma_start3A_128 = arith.constant 0 : i32
      %dma_start3A_129 = tpu.memref_slice %arg3[%add3A_93, %dma_start3A_127, %dma_start3A_128] : memref<96x160x128xi32, #tpu.memory_space<hbm>> -> memref<1x80x128xi32, #tpu.memory_space<hbm>>
      %dma_start3A_130 = tpu.memref_squeeze %dma_start3A_129 : memref<1x80x128xi32, #tpu.memory_space<hbm>> -> memref<80x128xi32, #tpu.memory_space<hbm>>
      tpu.enqueue_dma source(%dma_start3A_130 : memref<80x128xi32, #tpu.memory_space<hbm>>) target(%arg5 : memref<80x128xi32, #tpu.memory_space<vmem>>) target_semaphore(%run_scoped3A_122 : memref<!tpu.dma_semaphore, #tpu.memory_space<semaphore_mem>>)
      %dma_wait3A = arith.constant 80 : i32
      %dma_wait3A_131 = arith.constant 0 : i32
      %dma_wait3A_132 = tpu.memref_slice %arg3[%add3A_93, %dma_wait3A, %dma_wait3A_131] : memref<96x160x128xi32, #tpu.memory_space<hbm>> -> memref<1x80x128xi32, #tpu.memory_space<hbm>>
      %dma_wait3A_133 = tpu.memref_squeeze %dma_wait3A_132 : memref<1x80x128xi32, #tpu.memory_space<hbm>> -> memref<80x128xi32, #tpu.memory_space<hbm>>
      %dma_wait3A_134 = arith.constant 80 : i32
      %dma_wait3A_135 = arith.constant 0 : i32
      %dma_wait3A_136 = tpu.memref_slice %arg3[%add3A_93, %dma_wait3A_134, %dma_wait3A_135] : memref<96x160x128xi32, #tpu.memory_space<hbm>> -> memref<1x80x128xi32, #tpu.memory_space<hbm>>
      %dma_wait3A_137 = tpu.memref_squeeze %dma_wait3A_136 : memref<1x80x128xi32, #tpu.memory_space<hbm>> -> memref<80x128xi32, #tpu.memory_space<hbm>>
      tpu.wait_dma2 semaphore(%run_scoped3A_122 : memref<!tpu.dma_semaphore, #tpu.memory_space<semaphore_mem>>) src(%dma_wait3A_137 : memref<80x128xi32, #tpu.memory_space<hbm>>) dst(%arg5 : memref<80x128xi32, #tpu.memory_space<vmem>>)
      tpu.yield
    }) : () -> ()
    %dma_start3A_107 = arith.constant 0 : i32
    %dma_start3A_108 = arith.constant 0 : i32
    %dma_start3A_109 = tpu.memref_slice %arg5[%dma_start3A_107, %dma_start3A_108] : memref<80x128xi32, #tpu.memory_space<vmem>> -> memref<1x128xi32, #tpu.memory_space<vmem>>
    %dma_start3A_110 = tpu.memref_squeeze %dma_start3A_109 : memref<1x128xi32, #tpu.memory_space<vmem>> -> memref<128xi32, #tpu.memory_space<vmem>>
    %dma_start3A_111 = arith.constant 0 : i32
    %dma_start3A_112 = arith.constant 0 : i32
    %dma_start3A_113 = tpu.memref_slice %arg2[%dma_start3A_111, %dma_start3A_112] : memref<61440x128xf32, #tpu.memory_space<hbm>> -> memref<61440x128xf32, #tpu.memory_space<hbm>>
    tpu.enqueue_indirect_dma source(%dma_start3A_113 : memref<61440x128xf32, #tpu.memory_space<hbm>>) target(%arg6 : memref<128x128xf32, #tpu.memory_space<vmem>>) offsets(%dma_start3A_110 : memref<128xi32, #tpu.memory_space<vmem>>) semaphore(%arg8 : memref<!tpu.dma_semaphore, #tpu.memory_space<semaphore_mem>>)
    %scan3A_114 = arith.constant 0 : i32
    %scan3A_115 = arith.constant 20 : i32
    %scan3A_116 = arith.addi %scan3A_114, %scan3A_115 : i32
    %scan3A_117 = arith.constant 1 : i32
    scf.for %scan3A_122 = %scan3A_114 to %scan3A_116 step %scan3A_117  : i32 {
      %mul3A_123 = arith.constant 2 : i32
      %mul3A_124 = arith.muli %mul3A_123, %scan3A_122 : i32
      %add3A_125 = arith.constant 0 : i32
      %add3A_126 = arith.addi %mul3A_124, %add3A_125 : i32
      %lt3A = arith.constant 39 : i32
      %lt3A_127 = arith.cmpi slt, %add3A_126, %lt3A : i32
      %convert_element_type3A = arith.extui %lt3A_127 : i1 to i32
      %cond3A = arith.constant 0 : i32
      %cond3A_128 = arith.cmpi ne, %convert_element_type3A, %cond3A : i32
      scf.if %cond3A_128 {
        %add3A_157 = arith.constant 1 : i32
        %add3A_158 = arith.addi %add3A_126, %add3A_157 : i32
        %mul3A_159 = arith.constant 2 : i32
        %mul3A_160 = arith.muli %mul3A_159, %add3A_158 : i32
        %dma_start3A_161 = arith.constant 0 : i32
        %dma_start3A_162 = tpu.memref_slice %arg5[%mul3A_160, %dma_start3A_161] : memref<80x128xi32, #tpu.memory_space<vmem>> -> memref<1x128xi32, #tpu.memory_space<vmem>>
        %dma_start3A_163 = tpu.memref_squeeze %dma_start3A_162 : memref<1x128xi32, #tpu.memory_space<vmem>> -> memref<128xi32, #tpu.memory_space<vmem>>
        %dma_start3A_164 = arith.constant 0 : i32
        %dma_start3A_165 = arith.constant 0 : i32
        %dma_start3A_166 = tpu.memref_slice %arg2[%dma_start3A_164, %dma_start3A_165] : memref<61440x128xf32, #tpu.memory_space<hbm>> -> memref<61440x128xf32, #tpu.memory_space<hbm>>
        tpu.enqueue_indirect_dma source(%dma_start3A_166 : memref<61440x128xf32, #tpu.memory_space<hbm>>) target(%arg7 : memref<128x128xf32, #tpu.memory_space<vmem>>) offsets(%dma_start3A_163 : memref<128xi32, #tpu.memory_space<vmem>>) semaphore(%arg9 : memref<!tpu.dma_semaphore, #tpu.memory_space<semaphore_mem>>)
      } else {
      }
      %dma_wait3A = arith.constant 0 : i32
      %dma_wait3A_129 = arith.constant 0 : i32
      %dma_wait3A_130 = tpu.memref_slice %arg2[%dma_wait3A, %dma_wait3A_129] : memref<61440x128xf32, #tpu.memory_space<hbm>> -> memref<128x128xf32, #tpu.memory_space<hbm>>
      %dma_wait3A_131 = arith.constant 0 : i32
      %dma_wait3A_132 = arith.constant 0 : i32
      %dma_wait3A_133 = tpu.memref_slice %arg2[%dma_wait3A_131, %dma_wait3A_132] : memref<61440x128xf32, #tpu.memory_space<hbm>> -> memref<128x128xf32, #tpu.memory_space<hbm>>
      tpu.wait_dma2 semaphore(%arg8 : memref<!tpu.dma_semaphore, #tpu.memory_space<semaphore_mem>>) src(%dma_wait3A_133 : memref<128x128xf32, #tpu.memory_space<hbm>>) dst(%arg6 : memref<128x128xf32, #tpu.memory_space<vmem>>)
      %mul3A_134 = arith.constant 2 : i32
      %mul3A_135 = arith.muli %mul3A_134, %add3A_126 : i32
      %add3A_136 = arith.constant 1 : i32
      %add3A_137 = arith.addi %mul3A_135, %add3A_136 : i32
      "tpu.region"() ({
        %run_scoped3A_157 = tpu.sem_alloc : memref<!tpu.dma_semaphore, #tpu.memory_space<semaphore_mem>>
        %dma_start3A_158 = arith.constant 0 : i32
        %dma_start3A_159 = tpu.memref_slice %arg5[%add3A_137, %dma_start3A_158] : memref<80x128xi32, #tpu.memory_space<vmem>> -> memref<1x128xi32, #tpu.memory_space<vmem>>
        %dma_start3A_160 = tpu.memref_squeeze %dma_start3A_159 : memref<1x128xi32, #tpu.memory_space<vmem>> -> memref<128xi32, #tpu.memory_space<vmem>>
        %dma_start3A_161 = arith.constant 0 : i32
        %dma_start3A_162 = arith.constant 0 : i32
        %dma_start3A_163 = tpu.memref_slice %arg10[%dma_start3A_161, %dma_start3A_162] : memref<10240x128xf32, #tpu.memory_space<vmem_shared>> -> memref<10240x128xf32, #tpu.memory_space<vmem_shared>>
        tpu.enqueue_indirect_dma source(%arg6 : memref<128x128xf32, #tpu.memory_space<vmem>>) target(%dma_start3A_163 : memref<10240x128xf32, #tpu.memory_space<vmem_shared>>) offsets(%dma_start3A_160 : memref<128xi32, #tpu.memory_space<vmem>>) semaphore(%run_scoped3A_157 : memref<!tpu.dma_semaphore, #tpu.memory_space<semaphore_mem>>) {add = true}
        %dma_wait3A_164 = arith.constant 0 : i32
        %dma_wait3A_165 = tpu.memref_slice %arg5[%add3A_137, %dma_wait3A_164] : memref<80x128xi32, #tpu.memory_space<vmem>> -> memref<1x128xi32, #tpu.memory_space<vmem>>
        %dma_wait3A_166 = tpu.memref_squeeze %dma_wait3A_165 : memref<1x128xi32, #tpu.memory_space<vmem>> -> memref<128xi32, #tpu.memory_space<vmem>>
        %dma_wait3A_167 = arith.constant 0 : i32
        %dma_wait3A_168 = arith.constant 0 : i32
        %dma_wait3A_169 = tpu.memref_slice %arg10[%dma_wait3A_167, %dma_wait3A_168] : memref<10240x128xf32, #tpu.memory_space<vmem_shared>> -> memref<10240x128xf32, #tpu.memory_space<vmem_shared>>
        tpu.wait_indirect_dma semaphore(%run_scoped3A_157 : memref<!tpu.dma_semaphore, #tpu.memory_space<semaphore_mem>>) src(%arg6 : memref<128x128xf32, #tpu.memory_space<vmem>>) dst(%dma_wait3A_169 : memref<10240x128xf32, #tpu.memory_space<vmem_shared>>)
        tpu.yield
      }) : () -> ()
      %mul3A_138 = arith.constant 2 : i32
      %mul3A_139 = arith.muli %mul3A_138, %scan3A_122 : i32
      %add3A_140 = arith.constant 1 : i32
      %add3A_141 = arith.addi %mul3A_139, %add3A_140 : i32
      %lt3A_142 = arith.constant 39 : i32
      %lt3A_143 = arith.cmpi slt, %add3A_141, %lt3A_142 : i32
      %convert_element_type3A_144 = arith.extui %lt3A_143 : i1 to i32
      %cond3A_145 = arith.constant 0 : i32
      %cond3A_146 = arith.cmpi ne, %convert_element_type3A_144, %cond3A_145 : i32
      scf.if %cond3A_146 {
        %add3A_157 = arith.constant 1 : i32
        %add3A_158 = arith.addi %add3A_141, %add3A_157 : i32
        %mul3A_159 = arith.constant 2 : i32
        %mul3A_160 = arith.muli %mul3A_159, %add3A_158 : i32
        %dma_start3A_161 = arith.constant 0 : i32
        %dma_start3A_162 = tpu.memref_slice %arg5[%mul3A_160, %dma_start3A_161] : memref<80x128xi32, #tpu.memory_space<vmem>> -> memref<1x128xi32, #tpu.memory_space<vmem>>
        %dma_start3A_163 = tpu.memref_squeeze %dma_start3A_162 : memref<1x128xi32, #tpu.memory_space<vmem>> -> memref<128xi32, #tpu.memory_space<vmem>>
        %dma_start3A_164 = arith.constant 0 : i32
        %dma_start3A_165 = arith.constant 0 : i32
        %dma_start3A_166 = tpu.memref_slice %arg2[%dma_start3A_164, %dma_start3A_165] : memref<61440x128xf32, #tpu.memory_space<hbm>> -> memref<61440x128xf32, #tpu.memory_space<hbm>>
        tpu.enqueue_indirect_dma source(%dma_start3A_166 : memref<61440x128xf32, #tpu.memory_space<hbm>>) target(%arg6 : memref<128x128xf32, #tpu.memory_space<vmem>>) offsets(%dma_start3A_163 : memref<128xi32, #tpu.memory_space<vmem>>) semaphore(%arg8 : memref<!tpu.dma_semaphore, #tpu.memory_space<semaphore_mem>>)
      } else {
      }
      %dma_wait3A_147 = arith.constant 0 : i32
      %dma_wait3A_148 = arith.constant 0 : i32
      %dma_wait3A_149 = tpu.memref_slice %arg2[%dma_wait3A_147, %dma_wait3A_148] : memref<61440x128xf32, #tpu.memory_space<hbm>> -> memref<128x128xf32, #tpu.memory_space<hbm>>
      %dma_wait3A_150 = arith.constant 0 : i32
      %dma_wait3A_151 = arith.constant 0 : i32
      %dma_wait3A_152 = tpu.memref_slice %arg2[%dma_wait3A_150, %dma_wait3A_151] : memref<61440x128xf32, #tpu.memory_space<hbm>> -> memref<128x128xf32, #tpu.memory_space<hbm>>
      tpu.wait_dma2 semaphore(%arg9 : memref<!tpu.dma_semaphore, #tpu.memory_space<semaphore_mem>>) src(%dma_wait3A_152 : memref<128x128xf32, #tpu.memory_space<hbm>>) dst(%arg7 : memref<128x128xf32, #tpu.memory_space<vmem>>)
      %mul3A_153 = arith.constant 2 : i32
      %mul3A_154 = arith.muli %mul3A_153, %add3A_141 : i32
      %add3A_155 = arith.constant 1 : i32
      %add3A_156 = arith.addi %mul3A_154, %add3A_155 : i32
      "tpu.region"() ({
        %run_scoped3A_157 = tpu.sem_alloc : memref<!tpu.dma_semaphore, #tpu.memory_space<semaphore_mem>>
        %dma_start3A_158 = arith.constant 0 : i32
        %dma_start3A_159 = tpu.memref_slice %arg5[%add3A_156, %dma_start3A_158] : memref<80x128xi32, #tpu.memory_space<vmem>> -> memref<1x128xi32, #tpu.memory_space<vmem>>
        %dma_start3A_160 = tpu.memref_squeeze %dma_start3A_159 : memref<1x128xi32, #tpu.memory_space<vmem>> -> memref<128xi32, #tpu.memory_space<vmem>>
        %dma_start3A_161 = arith.constant 0 : i32
        %dma_start3A_162 = arith.constant 0 : i32
        %dma_start3A_163 = tpu.memref_slice %arg10[%dma_start3A_161, %dma_start3A_162] : memref<10240x128xf32, #tpu.memory_space<vmem_shared>> -> memref<10240x128xf32, #tpu.memory_space<vmem_shared>>
        tpu.enqueue_indirect_dma source(%arg7 : memref<128x128xf32, #tpu.memory_space<vmem>>) target(%dma_start3A_163 : memref<10240x128xf32, #tpu.memory_space<vmem_shared>>) offsets(%dma_start3A_160 : memref<128xi32, #tpu.memory_space<vmem>>) semaphore(%run_scoped3A_157 : memref<!tpu.dma_semaphore, #tpu.memory_space<semaphore_mem>>) {add = true}
        %dma_wait3A_164 = arith.constant 0 : i32
        %dma_wait3A_165 = tpu.memref_slice %arg5[%add3A_156, %dma_wait3A_164] : memref<80x128xi32, #tpu.memory_space<vmem>> -> memref<1x128xi32, #tpu.memory_space<vmem>>
        %dma_wait3A_166 = tpu.memref_squeeze %dma_wait3A_165 : memref<1x128xi32, #tpu.memory_space<vmem>> -> memref<128xi32, #tpu.memory_space<vmem>>
        %dma_wait3A_167 = arith.constant 0 : i32
        %dma_wait3A_168 = arith.constant 0 : i32
        %dma_wait3A_169 = tpu.memref_slice %arg10[%dma_wait3A_167, %dma_wait3A_168] : memref<10240x128xf32, #tpu.memory_space<vmem_shared>> -> memref<10240x128xf32, #tpu.memory_space<vmem_shared>>
        tpu.wait_indirect_dma semaphore(%run_scoped3A_157 : memref<!tpu.dma_semaphore, #tpu.memory_space<semaphore_mem>>) src(%arg7 : memref<128x128xf32, #tpu.memory_space<vmem>>) dst(%dma_wait3A_169 : memref<10240x128xf32, #tpu.memory_space<vmem_shared>>)
        tpu.yield
      }) : () -> ()
    }
    %scan3A_118 = arith.constant 20 : i32
    %barrier3A_119 = arith.constant 0 : index
    tpu.barrier barrier_id(%barrier3A_119)
    %run_scoped3A_120 = arith.constant 2 : i32
    "tpu.region"() ({
      %run_scoped3A_122 = tpu.sem_alloc : memref<!tpu.dma_semaphore, #tpu.memory_space<semaphore_mem>>
      %dma_start3A_123 = arith.constant 0 : i32
      %dma_start3A_124 = tpu.memref_slice %arg4[%run_scoped3A_120, %arg0, %mul3A_0, %dma_start3A_123] : memref<3x2x10240x128xf32, #tpu.memory_space<hbm>> -> memref<1x1x640x128xf32, #tpu.memory_space<hbm>>
      %dma_start3A_125 = tpu.memref_squeeze %dma_start3A_124 : memref<1x1x640x128xf32, #tpu.memory_space<hbm>> -> memref<640x128xf32, #tpu.memory_space<hbm>>
      %dma_start3A_126 = arith.constant 0 : i32
      %dma_start3A_127 = tpu.memref_slice %arg10[%mul3A_0, %dma_start3A_126] : memref<10240x128xf32, #tpu.memory_space<vmem_shared>> -> memref<640x128xf32, #tpu.memory_space<vmem_shared>>
      tpu.enqueue_dma source(%dma_start3A_127 : memref<640x128xf32, #tpu.memory_space<vmem_shared>>) target(%dma_start3A_125 : memref<640x128xf32, #tpu.memory_space<hbm>>) target_semaphore(%run_scoped3A_122 : memref<!tpu.dma_semaphore, #tpu.memory_space<semaphore_mem>>)
      %dma_wait3A = arith.constant 0 : i32
      %dma_wait3A_128 = tpu.memref_slice %arg4[%run_scoped3A_120, %arg0, %mul3A_0, %dma_wait3A] : memref<3x2x10240x128xf32, #tpu.memory_space<hbm>> -> memref<1x1x640x128xf32, #tpu.memory_space<hbm>>
      %dma_wait3A_129 = tpu.memref_squeeze %dma_wait3A_128 : memref<1x1x640x128xf32, #tpu.memory_space<hbm>> -> memref<640x128xf32, #tpu.memory_space<hbm>>
      %dma_wait3A_130 = arith.constant 0 : i32
      %dma_wait3A_131 = tpu.memref_slice %arg10[%mul3A_0, %dma_wait3A_130] : memref<10240x128xf32, #tpu.memory_space<vmem_shared>> -> memref<640x128xf32, #tpu.memory_space<vmem_shared>>
      tpu.wait_dma2 semaphore(%run_scoped3A_122 : memref<!tpu.dma_semaphore, #tpu.memory_space<semaphore_mem>>) src(%dma_wait3A_131 : memref<640x128xf32, #tpu.memory_space<vmem_shared>>) dst(%dma_wait3A_129 : memref<640x128xf32, #tpu.memory_space<hbm>>)
      tpu.yield
    }) : () -> ()
    %barrier3A_121 = arith.constant 0 : index
    tpu.barrier barrier_id(%barrier3A_121)
    return
  }
}

module attributes {stable_mosaic.version = 14 : i64} {
  func.func @_pre_body(%arg0: i32, %arg1: memref<1280x256xf32, #tpu.memory_space<vmem>>, %arg2: memref<3x256x256xf32, #tpu.memory_space<vmem>>, %arg3: memref<2x3x1280x128xf32, #tpu.memory_space<vmem>>, %arg4: memref<3x2x1280x128xf32, #tpu.memory_space<vmem>>) attributes {dimension_semantics = [#tpu.dimension_semantics<arbitrary>], iteration_bounds = array<i64: 8>, scalar_prefetch = 0 : i64, scratch_operands = 0 : i64, tpu.core_type = #tpu.core_type<tc>, window_params = [{transform_indices = @transform_0, window_bounds = array<i64: 1280, 256>}, {pipeline_mode = #tpu.pipeline_mode<synchronous>, transform_indices = @transform_1, window_bounds = array<i64: 3, 256, 256>}, {transform_indices = @transform_2, window_bounds = array<i64: 2, 3, 1280, 128>}, {transform_indices = @transform_3, window_bounds = array<i64: 3, 2, 1280, 128>}]} {
    %get3A = arith.constant 0 : index
    %get3A_0 = arith.constant 0 : index
    %get3A_1 = arith.constant 0 : index
    %get3A_2 = arith.constant 0 : index
    %get3A_3 = vector.load %arg3[%get3A, %get3A_0, %get3A_1, %get3A_2] : memref<2x3x1280x128xf32, #tpu.memory_space<vmem>>, vector<2x3x1280x128xf32>
    %slice3A = vector.extract_strided_slice %get3A_3 {offsets = [0, 0, 0, 0], sizes = [1, 3, 1280, 1], strides = [1, 1, 1, 1]} : vector<2x3x1280x128xf32> to vector<1x3x1280x1xf32>
    %squeeze3A = vector.shape_cast %slice3A : vector<1x3x1280x1xf32> to vector<3x1280xf32>
    %add3A = arith.constant 1.000000e+00 : f32
    %add3A_4 = vector.broadcast %add3A : f32 to vector<3x1280xf32>
    %add3A_5 = arith.addf %add3A_4, %squeeze3A : vector<3x1280xf32>
    %slice3A_6 = vector.extract_strided_slice %get3A_3 {offsets = [1, 0, 0, 0], sizes = [1, 3, 1280, 1], strides = [1, 1, 1, 1]} : vector<2x3x1280x128xf32> to vector<1x3x1280x1xf32>
    %squeeze3A_7 = vector.shape_cast %slice3A_6 : vector<1x3x1280x1xf32> to vector<3x1280xf32>
    %add3A_8 = arith.addf %add3A_5, %squeeze3A_7 : vector<3x1280xf32>
    %rsqrt3A = math.rsqrt %add3A_8 : vector<3x1280xf32>
    %get3A_9 = arith.constant 0 : index
    %get3A_10 = arith.constant 0 : index
    %get3A_11 = vector.load %arg1[%get3A_9, %get3A_10] : memref<1280x256xf32, #tpu.memory_space<vmem>>, vector<1280x256xf32>
    %get3A_12 = arith.constant 0 : index
    %get3A_13 = arith.constant 0 : index
    %get3A_14 = arith.constant 0 : index
    %get3A_15 = vector.load %arg2[%get3A_12, %get3A_13, %get3A_14] : memref<3x256x256xf32, #tpu.memory_space<vmem>>, vector<1x256x256xf32>
    %get3A_16 = vector.shape_cast %get3A_15 : vector<1x256x256xf32> to vector<256x256xf32>
    %dot_general3A = arith.constant dense<0.000000e+00> : vector<1280x256xf32>
    %dot_general3A_17 = tpu.matmul %get3A_11, %get3A_16, %dot_general3A {dimension_numbers = #tpu.dot_dimension_numbers<[1], [0], [0], [1], [0, 0, 1, 1], [], []>, transpose_lhs_hint = false} : vector<1280x256xf32>, vector<256x256xf32>, vector<1280x256xf32> -> vector<1280x256xf32>
    %slice3A_18 = vector.extract_strided_slice %rsqrt3A {offsets = [0, 0], sizes = [1, 1280], strides = [1, 1]} : vector<3x1280xf32> to vector<1x1280xf32>
    %squeeze3A_19 = vector.shape_cast %slice3A_18 : vector<1x1280xf32> to vector<1280xf32>
    %broadcast_in_dim3A = vector.shape_cast %squeeze3A_19 : vector<1280xf32> to vector<1280x1xf32>
    %mul3A = vector.broadcast %broadcast_in_dim3A : vector<1280x1xf32> to vector<1280x256xf32>
    %mul3A_20 = arith.mulf %dot_general3A_17, %mul3A : vector<1280x256xf32>
    %slice3A_21 = vector.extract_strided_slice %mul3A_20 {offsets = [0, 0], sizes = [1280, 128], strides = [1, 1]} : vector<1280x256xf32> to vector<1280x128xf32>
    %swap3A = arith.constant 0 : index
    %swap3A_22 = arith.constant 0 : index
    %swap3A_23 = arith.constant 0 : index
    %swap3A_24 = arith.constant 0 : index
    %swap3A_25 = vector.load %arg4[%swap3A, %swap3A_22, %swap3A_23, %swap3A_24] : memref<3x2x1280x128xf32, #tpu.memory_space<vmem>>, vector<1x1x1280x128xf32>
    %swap3A_26 = vector.shape_cast %swap3A_25 : vector<1x1x1280x128xf32> to vector<1280x128xf32>
    %swap3A_27 = vector.shape_cast %slice3A_21 : vector<1280x128xf32> to vector<1x1x1280x128xf32>
    tpu.vector_store %arg4[%swap3A, %swap3A_22, %swap3A_23, %swap3A_24], %swap3A_27 {strides = array<i32>} : memref<3x2x1280x128xf32, #tpu.memory_space<vmem>>, vector<1x1x1280x128xf32>,
    %slice3A_28 = vector.extract_strided_slice %mul3A_20 {offsets = [0, 128], sizes = [1280, 128], strides = [1, 1]} : vector<1280x256xf32> to vector<1280x128xf32>
    %swap3A_29 = arith.constant 0 : index
    %swap3A_30 = arith.constant 1 : index
    %swap3A_31 = arith.constant 0 : index
    %swap3A_32 = arith.constant 0 : index
    %swap3A_33 = vector.load %arg4[%swap3A_29, %swap3A_30, %swap3A_31, %swap3A_32] : memref<3x2x1280x128xf32, #tpu.memory_space<vmem>>, vector<1x1x1280x128xf32>
    %swap3A_34 = vector.shape_cast %swap3A_33 : vector<1x1x1280x128xf32> to vector<1280x128xf32>
    %swap3A_35 = vector.shape_cast %slice3A_28 : vector<1280x128xf32> to vector<1x1x1280x128xf32>
    tpu.vector_store %arg4[%swap3A_29, %swap3A_30, %swap3A_31, %swap3A_32], %swap3A_35 {strides = array<i32>} : memref<3x2x1280x128xf32, #tpu.memory_space<vmem>>, vector<1x1x1280x128xf32>,
    %get3A_36 = arith.constant 1 : index
    %get3A_37 = arith.constant 0 : index
    %get3A_38 = arith.constant 0 : index
    %get3A_39 = vector.load %arg2[%get3A_36, %get3A_37, %get3A_38] : memref<3x256x256xf32, #tpu.memory_space<vmem>>, vector<1x256x256xf32>
    %get3A_40 = vector.shape_cast %get3A_39 : vector<1x256x256xf32> to vector<256x256xf32>
    %dot_general3A_41 = arith.constant dense<0.000000e+00> : vector<1280x256xf32>
    %dot_general3A_42 = tpu.matmul %get3A_11, %get3A_40, %dot_general3A_41 {dimension_numbers = #tpu.dot_dimension_numbers<[1], [0], [0], [1], [0, 0, 1, 1], [], []>, transpose_lhs_hint = false} : vector<1280x256xf32>, vector<256x256xf32>, vector<1280x256xf32> -> vector<1280x256xf32>
    %slice3A_43 = vector.extract_strided_slice %rsqrt3A {offsets = [1, 0], sizes = [1, 1280], strides = [1, 1]} : vector<3x1280xf32> to vector<1x1280xf32>
    %squeeze3A_44 = vector.shape_cast %slice3A_43 : vector<1x1280xf32> to vector<1280xf32>
    %broadcast_in_dim3A_45 = vector.shape_cast %squeeze3A_44 : vector<1280xf32> to vector<1280x1xf32>
    %mul3A_46 = vector.broadcast %broadcast_in_dim3A_45 : vector<1280x1xf32> to vector<1280x256xf32>
    %mul3A_47 = arith.mulf %dot_general3A_42, %mul3A_46 : vector<1280x256xf32>
    %slice3A_48 = vector.extract_strided_slice %mul3A_47 {offsets = [0, 0], sizes = [1280, 128], strides = [1, 1]} : vector<1280x256xf32> to vector<1280x128xf32>
    %swap3A_49 = arith.constant 1 : index
    %swap3A_50 = arith.constant 0 : index
    %swap3A_51 = arith.constant 0 : index
    %swap3A_52 = arith.constant 0 : index
    %swap3A_53 = vector.load %arg4[%swap3A_49, %swap3A_50, %swap3A_51, %swap3A_52] : memref<3x2x1280x128xf32, #tpu.memory_space<vmem>>, vector<1x1x1280x128xf32>
    %swap3A_54 = vector.shape_cast %swap3A_53 : vector<1x1x1280x128xf32> to vector<1280x128xf32>
    %swap3A_55 = vector.shape_cast %slice3A_48 : vector<1280x128xf32> to vector<1x1x1280x128xf32>
    tpu.vector_store %arg4[%swap3A_49, %swap3A_50, %swap3A_51, %swap3A_52], %swap3A_55 {strides = array<i32>} : memref<3x2x1280x128xf32, #tpu.memory_space<vmem>>, vector<1x1x1280x128xf32>,
    %slice3A_56 = vector.extract_strided_slice %mul3A_47 {offsets = [0, 128], sizes = [1280, 128], strides = [1, 1]} : vector<1280x256xf32> to vector<1280x128xf32>
    %swap3A_57 = arith.constant 1 : index
    %swap3A_58 = arith.constant 1 : index
    %swap3A_59 = arith.constant 0 : index
    %swap3A_60 = arith.constant 0 : index
    %swap3A_61 = vector.load %arg4[%swap3A_57, %swap3A_58, %swap3A_59, %swap3A_60] : memref<3x2x1280x128xf32, #tpu.memory_space<vmem>>, vector<1x1x1280x128xf32>
    %swap3A_62 = vector.shape_cast %swap3A_61 : vector<1x1x1280x128xf32> to vector<1280x128xf32>
    %swap3A_63 = vector.shape_cast %slice3A_56 : vector<1280x128xf32> to vector<1x1x1280x128xf32>
    tpu.vector_store %arg4[%swap3A_57, %swap3A_58, %swap3A_59, %swap3A_60], %swap3A_63 {strides = array<i32>} : memref<3x2x1280x128xf32, #tpu.memory_space<vmem>>, vector<1x1x1280x128xf32>,
    %get3A_64 = arith.constant 2 : index
    %get3A_65 = arith.constant 0 : index
    %get3A_66 = arith.constant 0 : index
    %get3A_67 = vector.load %arg2[%get3A_64, %get3A_65, %get3A_66] : memref<3x256x256xf32, #tpu.memory_space<vmem>>, vector<1x256x256xf32>
    %get3A_68 = vector.shape_cast %get3A_67 : vector<1x256x256xf32> to vector<256x256xf32>
    %dot_general3A_69 = arith.constant dense<0.000000e+00> : vector<1280x256xf32>
    %dot_general3A_70 = tpu.matmul %get3A_11, %get3A_68, %dot_general3A_69 {dimension_numbers = #tpu.dot_dimension_numbers<[1], [0], [0], [1], [0, 0, 1, 1], [], []>, transpose_lhs_hint = false} : vector<1280x256xf32>, vector<256x256xf32>, vector<1280x256xf32> -> vector<1280x256xf32>
    %slice3A_71 = vector.extract_strided_slice %rsqrt3A {offsets = [2, 0], sizes = [1, 1280], strides = [1, 1]} : vector<3x1280xf32> to vector<1x1280xf32>
    %squeeze3A_72 = vector.shape_cast %slice3A_71 : vector<1x1280xf32> to vector<1280xf32>
    %broadcast_in_dim3A_73 = vector.shape_cast %squeeze3A_72 : vector<1280xf32> to vector<1280x1xf32>
    %mul3A_74 = vector.broadcast %broadcast_in_dim3A_73 : vector<1280x1xf32> to vector<1280x256xf32>
    %mul3A_75 = arith.mulf %dot_general3A_70, %mul3A_74 : vector<1280x256xf32>
    %slice3A_76 = vector.extract_strided_slice %mul3A_75 {offsets = [0, 0], sizes = [1280, 128], strides = [1, 1]} : vector<1280x256xf32> to vector<1280x128xf32>
    %swap3A_77 = arith.constant 2 : index
    %swap3A_78 = arith.constant 0 : index
    %swap3A_79 = arith.constant 0 : index
    %swap3A_80 = arith.constant 0 : index
    %swap3A_81 = vector.load %arg4[%swap3A_77, %swap3A_78, %swap3A_79, %swap3A_80] : memref<3x2x1280x128xf32, #tpu.memory_space<vmem>>, vector<1x1x1280x128xf32>
    %swap3A_82 = vector.shape_cast %swap3A_81 : vector<1x1x1280x128xf32> to vector<1280x128xf32>
    %swap3A_83 = vector.shape_cast %slice3A_76 : vector<1280x128xf32> to vector<1x1x1280x128xf32>
    tpu.vector_store %arg4[%swap3A_77, %swap3A_78, %swap3A_79, %swap3A_80], %swap3A_83 {strides = array<i32>} : memref<3x2x1280x128xf32, #tpu.memory_space<vmem>>, vector<1x1x1280x128xf32>,
    %slice3A_84 = vector.extract_strided_slice %mul3A_75 {offsets = [0, 128], sizes = [1280, 128], strides = [1, 1]} : vector<1280x256xf32> to vector<1280x128xf32>
    %swap3A_85 = arith.constant 2 : index
    %swap3A_86 = arith.constant 1 : index
    %swap3A_87 = arith.constant 0 : index
    %swap3A_88 = arith.constant 0 : index
    %swap3A_89 = vector.load %arg4[%swap3A_85, %swap3A_86, %swap3A_87, %swap3A_88] : memref<3x2x1280x128xf32, #tpu.memory_space<vmem>>, vector<1x1x1280x128xf32>
    %swap3A_90 = vector.shape_cast %swap3A_89 : vector<1x1x1280x128xf32> to vector<1280x128xf32>
    %swap3A_91 = vector.shape_cast %slice3A_84 : vector<1280x128xf32> to vector<1x1x1280x128xf32>
    tpu.vector_store %arg4[%swap3A_85, %swap3A_86, %swap3A_87, %swap3A_88], %swap3A_91 {strides = array<i32>} : memref<3x2x1280x128xf32, #tpu.memory_space<vmem>>, vector<1x1x1280x128xf32>,
    return
  }
  func.func @transform_0(%arg0: i32) -> (i32, i32) {
    %c0_i32 = arith.constant 0 : i32
    %c0_i32_0 = arith.constant 0 : i32
    return %arg0, %c0_i32 : i32, i32
  }
  func.func @transform_1(%arg0: i32) -> (i32, i32, i32) {
    %c0_i32 = arith.constant 0 : i32
    %c0_i32_0 = arith.constant 0 : i32
    %c0_i32_1 = arith.constant 0 : i32
    %c0_i32_2 = arith.constant 0 : i32
    return %c0_i32, %c0_i32_0, %c0_i32_1 : i32, i32, i32
  }
  func.func @transform_2(%arg0: i32) -> (i32, i32, i32, i32) {
    %c0_i32 = arith.constant 0 : i32
    %c0_i32_0 = arith.constant 0 : i32
    %c0_i32_1 = arith.constant 0 : i32
    %c0_i32_2 = arith.constant 0 : i32
    return %c0_i32, %c0_i32_0, %arg0, %c0_i32_1 : i32, i32, i32, i32
  }
  func.func @transform_3(%arg0: i32) -> (i32, i32, i32, i32) {
    %c0_i32 = arith.constant 0 : i32
    %c0_i32_0 = arith.constant 0 : i32
    %c0_i32_1 = arith.constant 0 : i32
    %c0_i32_2 = arith.constant 0 : i32
    return %c0_i32, %c0_i32_0, %arg0, %c0_i32_1 : i32, i32, i32, i32
  }
}

module attributes {stable_mosaic.version = 14 : i64} {
  func.func @_mid_body(%arg0: i32, %arg1: memref<3x2x1280x128xf32, #tpu.memory_space<vmem>>, %arg2: memref<2x3x1280x128xf32, #tpu.memory_space<vmem>>, %arg3: memref<3x256xf32, #tpu.memory_space<vmem>>, %arg4: memref<3x256x64xf32, #tpu.memory_space<vmem>>, %arg5: memref<3x64xf32, #tpu.memory_space<vmem>>, %arg6: memref<3x256x256xf32, #tpu.memory_space<vmem>>, %arg7: memref<3x2x1280x128xf32, #tpu.memory_space<vmem>>) attributes {dimension_semantics = [#tpu.dimension_semantics<arbitrary>], iteration_bounds = array<i64: 8>, scalar_prefetch = 0 : i64, scratch_operands = 0 : i64, tpu.core_type = #tpu.core_type<tc>, window_params = [{transform_indices = @transform_0, window_bounds = array<i64: 3, 2, 1280, 128>}, {transform_indices = @transform_1, window_bounds = array<i64: 2, 3, 1280, 128>}, {pipeline_mode = #tpu.pipeline_mode<synchronous>, transform_indices = @transform_2, window_bounds = array<i64: 3, 256>}, {pipeline_mode = #tpu.pipeline_mode<synchronous>, transform_indices = @transform_3, window_bounds = array<i64: 3, 256, 64>}, {pipeline_mode = #tpu.pipeline_mode<synchronous>, transform_indices = @transform_4, window_bounds = array<i64: 3, 64>}, {pipeline_mode = #tpu.pipeline_mode<synchronous>, transform_indices = @transform_5, window_bounds = array<i64: 3, 256, 256>}, {transform_indices = @transform_6, window_bounds = array<i64: 3, 2, 1280, 128>}]} {
    %get3A = arith.constant 0 : index
    %get3A_0 = arith.constant 0 : index
    %get3A_1 = arith.constant 0 : index
    %get3A_2 = arith.constant 0 : index
    %get3A_3 = vector.load %arg2[%get3A, %get3A_0, %get3A_1, %get3A_2] : memref<2x3x1280x128xf32, #tpu.memory_space<vmem>>, vector<2x3x1280x128xf32>
    %slice3A = vector.extract_strided_slice %get3A_3 {offsets = [0, 0, 0, 0], sizes = [1, 3, 1280, 1], strides = [1, 1, 1, 1]} : vector<2x3x1280x128xf32> to vector<1x3x1280x1xf32>
    %squeeze3A = vector.shape_cast %slice3A : vector<1x3x1280x1xf32> to vector<3x1280xf32>
    %add3A = arith.constant 1.000000e+00 : f32
    %add3A_4 = vector.broadcast %add3A : f32 to vector<3x1280xf32>
    %add3A_5 = arith.addf %add3A_4, %squeeze3A : vector<3x1280xf32>
    %slice3A_6 = vector.extract_strided_slice %get3A_3 {offsets = [1, 0, 0, 0], sizes = [1, 3, 1280, 1], strides = [1, 1, 1, 1]} : vector<2x3x1280x128xf32> to vector<1x3x1280x1xf32>
    %squeeze3A_7 = vector.shape_cast %slice3A_6 : vector<1x3x1280x1xf32> to vector<3x1280xf32>
    %add3A_8 = arith.addf %add3A_5, %squeeze3A_7 : vector<3x1280xf32>
    %rsqrt3A = math.rsqrt %add3A_8 : vector<3x1280xf32>
    %get3A_9 = arith.constant 0 : index
    %get3A_10 = arith.constant 0 : index
    %get3A_11 = arith.constant 0 : index
    %get3A_12 = arith.constant 0 : index
    %get3A_13 = vector.load %arg1[%get3A_9, %get3A_10, %get3A_11, %get3A_12] : memref<3x2x1280x128xf32, #tpu.memory_space<vmem>>, vector<3x2x1280x128xf32>
    %get3A_14 = arith.constant 0 : index
    %get3A_15 = arith.constant 0 : index
    %get3A_16 = vector.load %arg3[%get3A_14, %get3A_15] : memref<3x256xf32, #tpu.memory_space<vmem>>, vector<3x256xf32>
    %get3A_17 = arith.constant 0 : index
    %get3A_18 = arith.constant 0 : index
    %get3A_19 = arith.constant 0 : index
    %get3A_20 = vector.load %arg4[%get3A_17, %get3A_18, %get3A_19] : memref<3x256x64xf32, #tpu.memory_space<vmem>>, vector<3x256x64xf32>
    %get3A_21 = arith.constant 0 : index
    %get3A_22 = arith.constant 0 : index
    %get3A_23 = vector.load %arg5[%get3A_21, %get3A_22] : memref<3x64xf32, #tpu.memory_space<vmem>>, vector<3x64xf32>
    %slice3A_24 = vector.extract_strided_slice %get3A_13 {offsets = [0, 0, 0, 0], sizes = [1, 1, 1280, 128], strides = [1, 1, 1, 1]} : vector<3x2x1280x128xf32> to vector<1x1x1280x128xf32>
    %squeeze3A_25 = vector.shape_cast %slice3A_24 : vector<1x1x1280x128xf32> to vector<1280x128xf32>
    %slice3A_26 = vector.extract_strided_slice %get3A_13 {offsets = [0, 1, 0, 0], sizes = [1, 1, 1280, 128], strides = [1, 1, 1, 1]} : vector<3x2x1280x128xf32> to vector<1x1x1280x128xf32>
    %squeeze3A_27 = vector.shape_cast %slice3A_26 : vector<1x1x1280x128xf32> to vector<1280x128xf32>
    %concatenate3A = tpu.concatenate %squeeze3A_25, %squeeze3A_27 in 1 : vector<1280x128xf32>, vector<1280x128xf32> -> vector<1280x256xf32>
    %slice3A_28 = vector.extract_strided_slice %rsqrt3A {offsets = [0, 0], sizes = [1, 1280], strides = [1, 1]} : vector<3x1280xf32> to vector<1x1280xf32>
    %squeeze3A_29 = vector.shape_cast %slice3A_28 : vector<1x1280xf32> to vector<1280xf32>
    %broadcast_in_dim3A = vector.shape_cast %squeeze3A_29 : vector<1280xf32> to vector<1280x1xf32>
    %mul3A = vector.broadcast %broadcast_in_dim3A : vector<1280x1xf32> to vector<1280x256xf32>
    %mul3A_30 = arith.mulf %concatenate3A, %mul3A : vector<1280x256xf32>
    %slice3A_31 = vector.extract_strided_slice %get3A_16 {offsets = [0, 0], sizes = [1, 256], strides = [1, 1]} : vector<3x256xf32> to vector<1x256xf32>
    %squeeze3A_32 = vector.shape_cast %slice3A_31 : vector<1x256xf32> to vector<256xf32>
    %broadcast_in_dim3A_33 = vector.shape_cast %squeeze3A_32 : vector<256xf32> to vector<1x256xf32>
    %add3A_34 = vector.broadcast %broadcast_in_dim3A_33 : vector<1x256xf32> to vector<1280x256xf32>
    %add3A_35 = arith.addf %mul3A_30, %add3A_34 : vector<1280x256xf32>
    %max3A = arith.constant 0.000000e+00 : f32
    %max3A_36 = vector.broadcast %max3A : f32 to vector<1280x256xf32>
    %max3A_37 = arith.maximumf %add3A_35, %max3A_36 : vector<1280x256xf32>
    %slice3A_38 = vector.extract_strided_slice %get3A_20 {offsets = [0, 0, 0], sizes = [1, 256, 64], strides = [1, 1, 1]} : vector<3x256x64xf32> to vector<1x256x64xf32>
    %squeeze3A_39 = vector.shape_cast %slice3A_38 : vector<1x256x64xf32> to vector<256x64xf32>
    %dot_general3A = arith.constant dense<0.000000e+00> : vector<1280x64xf32>
    %dot_general3A_40 = tpu.matmul %max3A_37, %squeeze3A_39, %dot_general3A {dimension_numbers = #tpu.dot_dimension_numbers<[1], [0], [0], [1], [0, 0, 1, 1], [], []>, transpose_lhs_hint = false} : vector<1280x256xf32>, vector<256x64xf32>, vector<1280x64xf32> -> vector<1280x64xf32>
    %tanh3A = math.tanh %dot_general3A_40 : vector<1280x64xf32>
    %slice3A_41 = vector.extract_strided_slice %get3A_23 {offsets = [0, 0], sizes = [1, 64], strides = [1, 1]} : vector<3x64xf32> to vector<1x64xf32>
    %squeeze3A_42 = vector.shape_cast %slice3A_41 : vector<1x64xf32> to vector<64xf32>
    %broadcast_in_dim3A_43 = vector.shape_cast %squeeze3A_42 : vector<64xf32> to vector<1x64xf32>
    %mul3A_44 = vector.broadcast %broadcast_in_dim3A_43 : vector<1x64xf32> to vector<1280x64xf32>
    %mul3A_45 = arith.mulf %tanh3A, %mul3A_44 : vector<1280x64xf32>
    %reduce_sum3A = arith.constant dense<0.000000e+00> : vector<1280xf32>
    %reduce_sum3A_46 = vector.multi_reduction <add>, %mul3A_45, %reduce_sum3A [1] : vector<1280x64xf32> to vector<1280xf32>
    %slice3A_47 = vector.extract_strided_slice %get3A_13 {offsets = [1, 0, 0, 0], sizes = [1, 1, 1280, 128], strides = [1, 1, 1, 1]} : vector<3x2x1280x128xf32> to vector<1x1x1280x128xf32>
    %squeeze3A_48 = vector.shape_cast %slice3A_47 : vector<1x1x1280x128xf32> to vector<1280x128xf32>
    %slice3A_49 = vector.extract_strided_slice %get3A_13 {offsets = [1, 1, 0, 0], sizes = [1, 1, 1280, 128], strides = [1, 1, 1, 1]} : vector<3x2x1280x128xf32> to vector<1x1x1280x128xf32>
    %squeeze3A_50 = vector.shape_cast %slice3A_49 : vector<1x1x1280x128xf32> to vector<1280x128xf32>
    %concatenate3A_51 = tpu.concatenate %squeeze3A_48, %squeeze3A_50 in 1 : vector<1280x128xf32>, vector<1280x128xf32> -> vector<1280x256xf32>
    %slice3A_52 = vector.extract_strided_slice %rsqrt3A {offsets = [1, 0], sizes = [1, 1280], strides = [1, 1]} : vector<3x1280xf32> to vector<1x1280xf32>
    %squeeze3A_53 = vector.shape_cast %slice3A_52 : vector<1x1280xf32> to vector<1280xf32>
    %broadcast_in_dim3A_54 = vector.shape_cast %squeeze3A_53 : vector<1280xf32> to vector<1280x1xf32>
    %mul3A_55 = vector.broadcast %broadcast_in_dim3A_54 : vector<1280x1xf32> to vector<1280x256xf32>
    %mul3A_56 = arith.mulf %concatenate3A_51, %mul3A_55 : vector<1280x256xf32>
    %slice3A_57 = vector.extract_strided_slice %get3A_16 {offsets = [1, 0], sizes = [1, 256], strides = [1, 1]} : vector<3x256xf32> to vector<1x256xf32>
    %squeeze3A_58 = vector.shape_cast %slice3A_57 : vector<1x256xf32> to vector<256xf32>
    %broadcast_in_dim3A_59 = vector.shape_cast %squeeze3A_58 : vector<256xf32> to vector<1x256xf32>
    %add3A_60 = vector.broadcast %broadcast_in_dim3A_59 : vector<1x256xf32> to vector<1280x256xf32>
    %add3A_61 = arith.addf %mul3A_56, %add3A_60 : vector<1280x256xf32>
    %max3A_62 = arith.constant 0.000000e+00 : f32
    %max3A_63 = vector.broadcast %max3A_62 : f32 to vector<1280x256xf32>
    %max3A_64 = arith.maximumf %add3A_61, %max3A_63 : vector<1280x256xf32>
    %slice3A_65 = vector.extract_strided_slice %get3A_20 {offsets = [1, 0, 0], sizes = [1, 256, 64], strides = [1, 1, 1]} : vector<3x256x64xf32> to vector<1x256x64xf32>
    %squeeze3A_66 = vector.shape_cast %slice3A_65 : vector<1x256x64xf32> to vector<256x64xf32>
    %dot_general3A_67 = arith.constant dense<0.000000e+00> : vector<1280x64xf32>
    %dot_general3A_68 = tpu.matmul %max3A_64, %squeeze3A_66, %dot_general3A_67 {dimension_numbers = #tpu.dot_dimension_numbers<[1], [0], [0], [1], [0, 0, 1, 1], [], []>, transpose_lhs_hint = false} : vector<1280x256xf32>, vector<256x64xf32>, vector<1280x64xf32> -> vector<1280x64xf32>
    %tanh3A_69 = math.tanh %dot_general3A_68 : vector<1280x64xf32>
    %slice3A_70 = vector.extract_strided_slice %get3A_23 {offsets = [1, 0], sizes = [1, 64], strides = [1, 1]} : vector<3x64xf32> to vector<1x64xf32>
    %squeeze3A_71 = vector.shape_cast %slice3A_70 : vector<1x64xf32> to vector<64xf32>
    %broadcast_in_dim3A_72 = vector.shape_cast %squeeze3A_71 : vector<64xf32> to vector<1x64xf32>
    %mul3A_73 = vector.broadcast %broadcast_in_dim3A_72 : vector<1x64xf32> to vector<1280x64xf32>
    %mul3A_74 = arith.mulf %tanh3A_69, %mul3A_73 : vector<1280x64xf32>
    %reduce_sum3A_75 = arith.constant dense<0.000000e+00> : vector<1280xf32>
    %reduce_sum3A_76 = vector.multi_reduction <add>, %mul3A_74, %reduce_sum3A_75 [1] : vector<1280x64xf32> to vector<1280xf32>
    %slice3A_77 = vector.extract_strided_slice %get3A_13 {offsets = [2, 0, 0, 0], sizes = [1, 1, 1280, 128], strides = [1, 1, 1, 1]} : vector<3x2x1280x128xf32> to vector<1x1x1280x128xf32>
    %squeeze3A_78 = vector.shape_cast %slice3A_77 : vector<1x1x1280x128xf32> to vector<1280x128xf32>
    %slice3A_79 = vector.extract_strided_slice %get3A_13 {offsets = [2, 1, 0, 0], sizes = [1, 1, 1280, 128], strides = [1, 1, 1, 1]} : vector<3x2x1280x128xf32> to vector<1x1x1280x128xf32>
    %squeeze3A_80 = vector.shape_cast %slice3A_79 : vector<1x1x1280x128xf32> to vector<1280x128xf32>
    %concatenate3A_81 = tpu.concatenate %squeeze3A_78, %squeeze3A_80 in 1 : vector<1280x128xf32>, vector<1280x128xf32> -> vector<1280x256xf32>
    %slice3A_82 = vector.extract_strided_slice %rsqrt3A {offsets = [2, 0], sizes = [1, 1280], strides = [1, 1]} : vector<3x1280xf32> to vector<1x1280xf32>
    %squeeze3A_83 = vector.shape_cast %slice3A_82 : vector<1x1280xf32> to vector<1280xf32>
    %broadcast_in_dim3A_84 = vector.shape_cast %squeeze3A_83 : vector<1280xf32> to vector<1280x1xf32>
    %mul3A_85 = vector.broadcast %broadcast_in_dim3A_84 : vector<1280x1xf32> to vector<1280x256xf32>
    %mul3A_86 = arith.mulf %concatenate3A_81, %mul3A_85 : vector<1280x256xf32>
    %slice3A_87 = vector.extract_strided_slice %get3A_16 {offsets = [2, 0], sizes = [1, 256], strides = [1, 1]} : vector<3x256xf32> to vector<1x256xf32>
    %squeeze3A_88 = vector.shape_cast %slice3A_87 : vector<1x256xf32> to vector<256xf32>
    %broadcast_in_dim3A_89 = vector.shape_cast %squeeze3A_88 : vector<256xf32> to vector<1x256xf32>
    %add3A_90 = vector.broadcast %broadcast_in_dim3A_89 : vector<1x256xf32> to vector<1280x256xf32>
    %add3A_91 = arith.addf %mul3A_86, %add3A_90 : vector<1280x256xf32>
    %max3A_92 = arith.constant 0.000000e+00 : f32
    %max3A_93 = vector.broadcast %max3A_92 : f32 to vector<1280x256xf32>
    %max3A_94 = arith.maximumf %add3A_91, %max3A_93 : vector<1280x256xf32>
    %slice3A_95 = vector.extract_strided_slice %get3A_20 {offsets = [2, 0, 0], sizes = [1, 256, 64], strides = [1, 1, 1]} : vector<3x256x64xf32> to vector<1x256x64xf32>
    %squeeze3A_96 = vector.shape_cast %slice3A_95 : vector<1x256x64xf32> to vector<256x64xf32>
    %dot_general3A_97 = arith.constant dense<0.000000e+00> : vector<1280x64xf32>
    %dot_general3A_98 = tpu.matmul %max3A_94, %squeeze3A_96, %dot_general3A_97 {dimension_numbers = #tpu.dot_dimension_numbers<[1], [0], [0], [1], [0, 0, 1, 1], [], []>, transpose_lhs_hint = false} : vector<1280x256xf32>, vector<256x64xf32>, vector<1280x64xf32> -> vector<1280x64xf32>
    %tanh3A_99 = math.tanh %dot_general3A_98 : vector<1280x64xf32>
    %slice3A_100 = vector.extract_strided_slice %get3A_23 {offsets = [2, 0], sizes = [1, 64], strides = [1, 1]} : vector<3x64xf32> to vector<1x64xf32>
    %squeeze3A_101 = vector.shape_cast %slice3A_100 : vector<1x64xf32> to vector<64xf32>
    %broadcast_in_dim3A_102 = vector.shape_cast %squeeze3A_101 : vector<64xf32> to vector<1x64xf32>
    %mul3A_103 = vector.broadcast %broadcast_in_dim3A_102 : vector<1x64xf32> to vector<1280x64xf32>
    %mul3A_104 = arith.mulf %tanh3A_99, %mul3A_103 : vector<1280x64xf32>
    %reduce_sum3A_105 = arith.constant dense<0.000000e+00> : vector<1280xf32>
    %reduce_sum3A_106 = vector.multi_reduction <add>, %mul3A_104, %reduce_sum3A_105 [1] : vector<1280x64xf32> to vector<1280xf32>
    %max3A_107 = arith.maximumf %reduce_sum3A_46, %reduce_sum3A_76 : vector<1280xf32>
    %max3A_108 = arith.maximumf %max3A_107, %reduce_sum3A_106 : vector<1280xf32>
    %sub3A = arith.subf %reduce_sum3A_46, %max3A_108 : vector<1280xf32>
    %exp3A = math.exp %sub3A : vector<1280xf32>
    %sub3A_109 = arith.subf %reduce_sum3A_76, %max3A_108 : vector<1280xf32>
    %exp3A_110 = math.exp %sub3A_109 : vector<1280xf32>
    %sub3A_111 = arith.subf %reduce_sum3A_106, %max3A_108 : vector<1280xf32>
    %exp3A_112 = math.exp %sub3A_111 : vector<1280xf32>
    %add3A_113 = arith.addf %exp3A, %exp3A_110 : vector<1280xf32>
    %add3A_114 = arith.addf %add3A_113, %exp3A_112 : vector<1280xf32>
    %div3A = arith.divf %exp3A, %add3A_114 : vector<1280xf32>
    %broadcast_in_dim3A_115 = vector.shape_cast %div3A : vector<1280xf32> to vector<1280x1xf32>
    %mul3A_116 = vector.broadcast %broadcast_in_dim3A_115 : vector<1280x1xf32> to vector<1280x256xf32>
    %mul3A_117 = arith.mulf %max3A_37, %mul3A_116 : vector<1280x256xf32>
    %div3A_118 = arith.divf %exp3A_110, %add3A_114 : vector<1280xf32>
    %broadcast_in_dim3A_119 = vector.shape_cast %div3A_118 : vector<1280xf32> to vector<1280x1xf32>
    %mul3A_120 = vector.broadcast %broadcast_in_dim3A_119 : vector<1280x1xf32> to vector<1280x256xf32>
    %mul3A_121 = arith.mulf %max3A_64, %mul3A_120 : vector<1280x256xf32>
    %add3A_122 = arith.addf %mul3A_117, %mul3A_121 : vector<1280x256xf32>
    %div3A_123 = arith.divf %exp3A_112, %add3A_114 : vector<1280xf32>
    %broadcast_in_dim3A_124 = vector.shape_cast %div3A_123 : vector<1280xf32> to vector<1280x1xf32>
    %mul3A_125 = vector.broadcast %broadcast_in_dim3A_124 : vector<1280x1xf32> to vector<1280x256xf32>
    %mul3A_126 = arith.mulf %max3A_94, %mul3A_125 : vector<1280x256xf32>
    %add3A_127 = arith.addf %add3A_122, %mul3A_126 : vector<1280x256xf32>
    %get3A_128 = arith.constant 0 : index
    %get3A_129 = arith.constant 0 : index
    %get3A_130 = arith.constant 0 : index
    %get3A_131 = vector.load %arg6[%get3A_128, %get3A_129, %get3A_130] : memref<3x256x256xf32, #tpu.memory_space<vmem>>, vector<1x256x256xf32>
    %get3A_132 = vector.shape_cast %get3A_131 : vector<1x256x256xf32> to vector<256x256xf32>
    %dot_general3A_133 = arith.constant dense<0.000000e+00> : vector<1280x256xf32>
    %dot_general3A_134 = tpu.matmul %add3A_127, %get3A_132, %dot_general3A_133 {dimension_numbers = #tpu.dot_dimension_numbers<[1], [0], [0], [1], [0, 0, 1, 1], [], []>, transpose_lhs_hint = false} : vector<1280x256xf32>, vector<256x256xf32>, vector<1280x256xf32> -> vector<1280x256xf32>
    %slice3A_135 = vector.extract_strided_slice %rsqrt3A {offsets = [0, 0], sizes = [1, 1280], strides = [1, 1]} : vector<3x1280xf32> to vector<1x1280xf32>
    %squeeze3A_136 = vector.shape_cast %slice3A_135 : vector<1x1280xf32> to vector<1280xf32>
    %broadcast_in_dim3A_137 = vector.shape_cast %squeeze3A_136 : vector<1280xf32> to vector<1280x1xf32>
    %mul3A_138 = vector.broadcast %broadcast_in_dim3A_137 : vector<1280x1xf32> to vector<1280x256xf32>
    %mul3A_139 = arith.mulf %dot_general3A_134, %mul3A_138 : vector<1280x256xf32>
    %slice3A_140 = vector.extract_strided_slice %mul3A_139 {offsets = [0, 0], sizes = [1280, 128], strides = [1, 1]} : vector<1280x256xf32> to vector<1280x128xf32>
    %swap3A = arith.constant 0 : index
    %swap3A_141 = arith.constant 0 : index
    %swap3A_142 = arith.constant 0 : index
    %swap3A_143 = arith.constant 0 : index
    %swap3A_144 = vector.load %arg7[%swap3A, %swap3A_141, %swap3A_142, %swap3A_143] : memref<3x2x1280x128xf32, #tpu.memory_space<vmem>>, vector<1x1x1280x128xf32>
    %swap3A_145 = vector.shape_cast %swap3A_144 : vector<1x1x1280x128xf32> to vector<1280x128xf32>
    %swap3A_146 = vector.shape_cast %slice3A_140 : vector<1280x128xf32> to vector<1x1x1280x128xf32>
    tpu.vector_store %arg7[%swap3A, %swap3A_141, %swap3A_142, %swap3A_143], %swap3A_146 {strides = array<i32>} : memref<3x2x1280x128xf32, #tpu.memory_space<vmem>>, vector<1x1x1280x128xf32>,
    %slice3A_147 = vector.extract_strided_slice %mul3A_139 {offsets = [0, 128], sizes = [1280, 128], strides = [1, 1]} : vector<1280x256xf32> to vector<1280x128xf32>
    %swap3A_148 = arith.constant 0 : index
    %swap3A_149 = arith.constant 1 : index
    %swap3A_150 = arith.constant 0 : index
    %swap3A_151 = arith.constant 0 : index
    %swap3A_152 = vector.load %arg7[%swap3A_148, %swap3A_149, %swap3A_150, %swap3A_151] : memref<3x2x1280x128xf32, #tpu.memory_space<vmem>>, vector<1x1x1280x128xf32>
    %swap3A_153 = vector.shape_cast %swap3A_152 : vector<1x1x1280x128xf32> to vector<1280x128xf32>
    %swap3A_154 = vector.shape_cast %slice3A_147 : vector<1280x128xf32> to vector<1x1x1280x128xf32>
    tpu.vector_store %arg7[%swap3A_148, %swap3A_149, %swap3A_150, %swap3A_151], %swap3A_154 {strides = array<i32>} : memref<3x2x1280x128xf32, #tpu.memory_space<vmem>>, vector<1x1x1280x128xf32>,
    %get3A_155 = arith.constant 1 : index
    %get3A_156 = arith.constant 0 : index
    %get3A_157 = arith.constant 0 : index
    %get3A_158 = vector.load %arg6[%get3A_155, %get3A_156, %get3A_157] : memref<3x256x256xf32, #tpu.memory_space<vmem>>, vector<1x256x256xf32>
    %get3A_159 = vector.shape_cast %get3A_158 : vector<1x256x256xf32> to vector<256x256xf32>
    %dot_general3A_160 = arith.constant dense<0.000000e+00> : vector<1280x256xf32>
    %dot_general3A_161 = tpu.matmul %add3A_127, %get3A_159, %dot_general3A_160 {dimension_numbers = #tpu.dot_dimension_numbers<[1], [0], [0], [1], [0, 0, 1, 1], [], []>, transpose_lhs_hint = false} : vector<1280x256xf32>, vector<256x256xf32>, vector<1280x256xf32> -> vector<1280x256xf32>
    %slice3A_162 = vector.extract_strided_slice %rsqrt3A {offsets = [1, 0], sizes = [1, 1280], strides = [1, 1]} : vector<3x1280xf32> to vector<1x1280xf32>
    %squeeze3A_163 = vector.shape_cast %slice3A_162 : vector<1x1280xf32> to vector<1280xf32>
    %broadcast_in_dim3A_164 = vector.shape_cast %squeeze3A_163 : vector<1280xf32> to vector<1280x1xf32>
    %mul3A_165 = vector.broadcast %broadcast_in_dim3A_164 : vector<1280x1xf32> to vector<1280x256xf32>
    %mul3A_166 = arith.mulf %dot_general3A_161, %mul3A_165 : vector<1280x256xf32>
    %slice3A_167 = vector.extract_strided_slice %mul3A_166 {offsets = [0, 0], sizes = [1280, 128], strides = [1, 1]} : vector<1280x256xf32> to vector<1280x128xf32>
    %swap3A_168 = arith.constant 1 : index
    %swap3A_169 = arith.constant 0 : index
    %swap3A_170 = arith.constant 0 : index
    %swap3A_171 = arith.constant 0 : index
    %swap3A_172 = vector.load %arg7[%swap3A_168, %swap3A_169, %swap3A_170, %swap3A_171] : memref<3x2x1280x128xf32, #tpu.memory_space<vmem>>, vector<1x1x1280x128xf32>
    %swap3A_173 = vector.shape_cast %swap3A_172 : vector<1x1x1280x128xf32> to vector<1280x128xf32>
    %swap3A_174 = vector.shape_cast %slice3A_167 : vector<1280x128xf32> to vector<1x1x1280x128xf32>
    tpu.vector_store %arg7[%swap3A_168, %swap3A_169, %swap3A_170, %swap3A_171], %swap3A_174 {strides = array<i32>} : memref<3x2x1280x128xf32, #tpu.memory_space<vmem>>, vector<1x1x1280x128xf32>,
    %slice3A_175 = vector.extract_strided_slice %mul3A_166 {offsets = [0, 128], sizes = [1280, 128], strides = [1, 1]} : vector<1280x256xf32> to vector<1280x128xf32>
    %swap3A_176 = arith.constant 1 : index
    %swap3A_177 = arith.constant 1 : index
    %swap3A_178 = arith.constant 0 : index
    %swap3A_179 = arith.constant 0 : index
    %swap3A_180 = vector.load %arg7[%swap3A_176, %swap3A_177, %swap3A_178, %swap3A_179] : memref<3x2x1280x128xf32, #tpu.memory_space<vmem>>, vector<1x1x1280x128xf32>
    %swap3A_181 = vector.shape_cast %swap3A_180 : vector<1x1x1280x128xf32> to vector<1280x128xf32>
    %swap3A_182 = vector.shape_cast %slice3A_175 : vector<1280x128xf32> to vector<1x1x1280x128xf32>
    tpu.vector_store %arg7[%swap3A_176, %swap3A_177, %swap3A_178, %swap3A_179], %swap3A_182 {strides = array<i32>} : memref<3x2x1280x128xf32, #tpu.memory_space<vmem>>, vector<1x1x1280x128xf32>,
    %get3A_183 = arith.constant 2 : index
    %get3A_184 = arith.constant 0 : index
    %get3A_185 = arith.constant 0 : index
    %get3A_186 = vector.load %arg6[%get3A_183, %get3A_184, %get3A_185] : memref<3x256x256xf32, #tpu.memory_space<vmem>>, vector<1x256x256xf32>
    %get3A_187 = vector.shape_cast %get3A_186 : vector<1x256x256xf32> to vector<256x256xf32>
    %dot_general3A_188 = arith.constant dense<0.000000e+00> : vector<1280x256xf32>
    %dot_general3A_189 = tpu.matmul %add3A_127, %get3A_187, %dot_general3A_188 {dimension_numbers = #tpu.dot_dimension_numbers<[1], [0], [0], [1], [0, 0, 1, 1], [], []>, transpose_lhs_hint = false} : vector<1280x256xf32>, vector<256x256xf32>, vector<1280x256xf32> -> vector<1280x256xf32>
    %slice3A_190 = vector.extract_strided_slice %rsqrt3A {offsets = [2, 0], sizes = [1, 1280], strides = [1, 1]} : vector<3x1280xf32> to vector<1x1280xf32>
    %squeeze3A_191 = vector.shape_cast %slice3A_190 : vector<1x1280xf32> to vector<1280xf32>
    %broadcast_in_dim3A_192 = vector.shape_cast %squeeze3A_191 : vector<1280xf32> to vector<1280x1xf32>
    %mul3A_193 = vector.broadcast %broadcast_in_dim3A_192 : vector<1280x1xf32> to vector<1280x256xf32>
    %mul3A_194 = arith.mulf %dot_general3A_189, %mul3A_193 : vector<1280x256xf32>
    %slice3A_195 = vector.extract_strided_slice %mul3A_194 {offsets = [0, 0], sizes = [1280, 128], strides = [1, 1]} : vector<1280x256xf32> to vector<1280x128xf32>
    %swap3A_196 = arith.constant 2 : index
    %swap3A_197 = arith.constant 0 : index
    %swap3A_198 = arith.constant 0 : index
    %swap3A_199 = arith.constant 0 : index
    %swap3A_200 = vector.load %arg7[%swap3A_196, %swap3A_197, %swap3A_198, %swap3A_199] : memref<3x2x1280x128xf32, #tpu.memory_space<vmem>>, vector<1x1x1280x128xf32>
    %swap3A_201 = vector.shape_cast %swap3A_200 : vector<1x1x1280x128xf32> to vector<1280x128xf32>
    %swap3A_202 = vector.shape_cast %slice3A_195 : vector<1280x128xf32> to vector<1x1x1280x128xf32>
    tpu.vector_store %arg7[%swap3A_196, %swap3A_197, %swap3A_198, %swap3A_199], %swap3A_202 {strides = array<i32>} : memref<3x2x1280x128xf32, #tpu.memory_space<vmem>>, vector<1x1x1280x128xf32>,
    %slice3A_203 = vector.extract_strided_slice %mul3A_194 {offsets = [0, 128], sizes = [1280, 128], strides = [1, 1]} : vector<1280x256xf32> to vector<1280x128xf32>
    %swap3A_204 = arith.constant 2 : index
    %swap3A_205 = arith.constant 1 : index
    %swap3A_206 = arith.constant 0 : index
    %swap3A_207 = arith.constant 0 : index
    %swap3A_208 = vector.load %arg7[%swap3A_204, %swap3A_205, %swap3A_206, %swap3A_207] : memref<3x2x1280x128xf32, #tpu.memory_space<vmem>>, vector<1x1x1280x128xf32>
    %swap3A_209 = vector.shape_cast %swap3A_208 : vector<1x1x1280x128xf32> to vector<1280x128xf32>
    %swap3A_210 = vector.shape_cast %slice3A_203 : vector<1280x128xf32> to vector<1x1x1280x128xf32>
    tpu.vector_store %arg7[%swap3A_204, %swap3A_205, %swap3A_206, %swap3A_207], %swap3A_210 {strides = array<i32>} : memref<3x2x1280x128xf32, #tpu.memory_space<vmem>>, vector<1x1x1280x128xf32>,
    return
  }
  func.func @transform_0(%arg0: i32) -> (i32, i32, i32, i32) {
    %c0_i32 = arith.constant 0 : i32
    %c0_i32_0 = arith.constant 0 : i32
    %c0_i32_1 = arith.constant 0 : i32
    %c0_i32_2 = arith.constant 0 : i32
    return %c0_i32, %c0_i32_0, %arg0, %c0_i32_1 : i32, i32, i32, i32
  }
  func.func @transform_1(%arg0: i32) -> (i32, i32, i32, i32) {
    %c0_i32 = arith.constant 0 : i32
    %c0_i32_0 = arith.constant 0 : i32
    %c0_i32_1 = arith.constant 0 : i32
    %c0_i32_2 = arith.constant 0 : i32
    return %c0_i32, %c0_i32_0, %arg0, %c0_i32_1 : i32, i32, i32, i32
  }
  func.func @transform_2(%arg0: i32) -> (i32, i32) {
    %c0_i32 = arith.constant 0 : i32
    %c0_i32_0 = arith.constant 0 : i32
    %c0_i32_1 = arith.constant 0 : i32
    return %c0_i32, %c0_i32_0 : i32, i32
  }
  func.func @transform_3(%arg0: i32) -> (i32, i32, i32) {
    %c0_i32 = arith.constant 0 : i32
    %c0_i32_0 = arith.constant 0 : i32
    %c0_i32_1 = arith.constant 0 : i32
    %c0_i32_2 = arith.constant 0 : i32
    return %c0_i32, %c0_i32_0, %c0_i32_1 : i32, i32, i32
  }
  func.func @transform_4(%arg0: i32) -> (i32, i32) {
    %c0_i32 = arith.constant 0 : i32
    %c0_i32_0 = arith.constant 0 : i32
    %c0_i32_1 = arith.constant 0 : i32
    return %c0_i32, %c0_i32_0 : i32, i32
  }
  func.func @transform_5(%arg0: i32) -> (i32, i32, i32) {
    %c0_i32 = arith.constant 0 : i32
    %c0_i32_0 = arith.constant 0 : i32
    %c0_i32_1 = arith.constant 0 : i32
    %c0_i32_2 = arith.constant 0 : i32
    return %c0_i32, %c0_i32_0, %c0_i32_1 : i32, i32, i32
  }
  func.func @transform_6(%arg0: i32) -> (i32, i32, i32, i32) {
    %c0_i32 = arith.constant 0 : i32
    %c0_i32_0 = arith.constant 0 : i32
    %c0_i32_1 = arith.constant 0 : i32
    %c0_i32_2 = arith.constant 0 : i32
    return %c0_i32, %c0_i32_0, %arg0, %c0_i32_1 : i32, i32, i32, i32
  }
}

module attributes {stable_mosaic.version = 14 : i64} {
  func.func @_post_body(%arg0: i32, %arg1: memref<3x2x1280x128xf32, #tpu.memory_space<vmem>>, %arg2: memref<2x3x1280x128xf32, #tpu.memory_space<vmem>>, %arg3: memref<3x256xf32, #tpu.memory_space<vmem>>, %arg4: memref<3x256x64xf32, #tpu.memory_space<vmem>>, %arg5: memref<3x64xf32, #tpu.memory_space<vmem>>, %arg6: memref<256xf32, #tpu.memory_space<vmem>>, %arg7: memref<1xf32, #tpu.memory_space<vmem>>, %arg8: memref<1280x1xf32, #tpu.memory_space<vmem>>) attributes {dimension_semantics = [#tpu.dimension_semantics<arbitrary>], iteration_bounds = array<i64: 8>, scalar_prefetch = 0 : i64, scratch_operands = 0 : i64, tpu.core_type = #tpu.core_type<tc>, window_params = [{transform_indices = @transform_0, window_bounds = array<i64: 3, 2, 1280, 128>}, {transform_indices = @transform_1, window_bounds = array<i64: 2, 3, 1280, 128>}, {pipeline_mode = #tpu.pipeline_mode<synchronous>, transform_indices = @transform_2, window_bounds = array<i64: 3, 256>}, {pipeline_mode = #tpu.pipeline_mode<synchronous>, transform_indices = @transform_3, window_bounds = array<i64: 3, 256, 64>}, {pipeline_mode = #tpu.pipeline_mode<synchronous>, transform_indices = @transform_4, window_bounds = array<i64: 3, 64>}, {pipeline_mode = #tpu.pipeline_mode<synchronous>, transform_indices = @transform_5, window_bounds = array<i64: 256>}, {pipeline_mode = #tpu.pipeline_mode<synchronous>, transform_indices = @transform_6, window_bounds = array<i64: 1>}, {transform_indices = @transform_7, window_bounds = array<i64: 1280, 1>}]} {
    %get3A = arith.constant 0 : index
    %get3A_0 = arith.constant 0 : index
    %get3A_1 = arith.constant 0 : index
    %get3A_2 = arith.constant 0 : index
    %get3A_3 = vector.load %arg2[%get3A, %get3A_0, %get3A_1, %get3A_2] : memref<2x3x1280x128xf32, #tpu.memory_space<vmem>>, vector<2x3x1280x128xf32>
    %slice3A = vector.extract_strided_slice %get3A_3 {offsets = [0, 0, 0, 0], sizes = [1, 3, 1280, 1], strides = [1, 1, 1, 1]} : vector<2x3x1280x128xf32> to vector<1x3x1280x1xf32>
    %squeeze3A = vector.shape_cast %slice3A : vector<1x3x1280x1xf32> to vector<3x1280xf32>
    %add3A = arith.constant 1.000000e+00 : f32
    %add3A_4 = vector.broadcast %add3A : f32 to vector<3x1280xf32>
    %add3A_5 = arith.addf %add3A_4, %squeeze3A : vector<3x1280xf32>
    %slice3A_6 = vector.extract_strided_slice %get3A_3 {offsets = [1, 0, 0, 0], sizes = [1, 3, 1280, 1], strides = [1, 1, 1, 1]} : vector<2x3x1280x128xf32> to vector<1x3x1280x1xf32>
    %squeeze3A_7 = vector.shape_cast %slice3A_6 : vector<1x3x1280x1xf32> to vector<3x1280xf32>
    %add3A_8 = arith.addf %add3A_5, %squeeze3A_7 : vector<3x1280xf32>
    %rsqrt3A = math.rsqrt %add3A_8 : vector<3x1280xf32>
    %get3A_9 = arith.constant 0 : index
    %get3A_10 = arith.constant 0 : index
    %get3A_11 = arith.constant 0 : index
    %get3A_12 = arith.constant 0 : index
    %get3A_13 = vector.load %arg1[%get3A_9, %get3A_10, %get3A_11, %get3A_12] : memref<3x2x1280x128xf32, #tpu.memory_space<vmem>>, vector<3x2x1280x128xf32>
    %get3A_14 = arith.constant 0 : index
    %get3A_15 = arith.constant 0 : index
    %get3A_16 = vector.load %arg3[%get3A_14, %get3A_15] : memref<3x256xf32, #tpu.memory_space<vmem>>, vector<3x256xf32>
    %get3A_17 = arith.constant 0 : index
    %get3A_18 = arith.constant 0 : index
    %get3A_19 = arith.constant 0 : index
    %get3A_20 = vector.load %arg4[%get3A_17, %get3A_18, %get3A_19] : memref<3x256x64xf32, #tpu.memory_space<vmem>>, vector<3x256x64xf32>
    %get3A_21 = arith.constant 0 : index
    %get3A_22 = arith.constant 0 : index
    %get3A_23 = vector.load %arg5[%get3A_21, %get3A_22] : memref<3x64xf32, #tpu.memory_space<vmem>>, vector<3x64xf32>
    %slice3A_24 = vector.extract_strided_slice %get3A_13 {offsets = [0, 0, 0, 0], sizes = [1, 1, 1280, 128], strides = [1, 1, 1, 1]} : vector<3x2x1280x128xf32> to vector<1x1x1280x128xf32>
    %squeeze3A_25 = vector.shape_cast %slice3A_24 : vector<1x1x1280x128xf32> to vector<1280x128xf32>
    %slice3A_26 = vector.extract_strided_slice %get3A_13 {offsets = [0, 1, 0, 0], sizes = [1, 1, 1280, 128], strides = [1, 1, 1, 1]} : vector<3x2x1280x128xf32> to vector<1x1x1280x128xf32>
    %squeeze3A_27 = vector.shape_cast %slice3A_26 : vector<1x1x1280x128xf32> to vector<1280x128xf32>
    %concatenate3A = tpu.concatenate %squeeze3A_25, %squeeze3A_27 in 1 : vector<1280x128xf32>, vector<1280x128xf32> -> vector<1280x256xf32>
    %slice3A_28 = vector.extract_strided_slice %rsqrt3A {offsets = [0, 0], sizes = [1, 1280], strides = [1, 1]} : vector<3x1280xf32> to vector<1x1280xf32>
    %squeeze3A_29 = vector.shape_cast %slice3A_28 : vector<1x1280xf32> to vector<1280xf32>
    %broadcast_in_dim3A = vector.shape_cast %squeeze3A_29 : vector<1280xf32> to vector<1280x1xf32>
    %mul3A = vector.broadcast %broadcast_in_dim3A : vector<1280x1xf32> to vector<1280x256xf32>
    %mul3A_30 = arith.mulf %concatenate3A, %mul3A : vector<1280x256xf32>
    %slice3A_31 = vector.extract_strided_slice %get3A_16 {offsets = [0, 0], sizes = [1, 256], strides = [1, 1]} : vector<3x256xf32> to vector<1x256xf32>
    %squeeze3A_32 = vector.shape_cast %slice3A_31 : vector<1x256xf32> to vector<256xf32>
    %broadcast_in_dim3A_33 = vector.shape_cast %squeeze3A_32 : vector<256xf32> to vector<1x256xf32>
    %add3A_34 = vector.broadcast %broadcast_in_dim3A_33 : vector<1x256xf32> to vector<1280x256xf32>
    %add3A_35 = arith.addf %mul3A_30, %add3A_34 : vector<1280x256xf32>
    %max3A = arith.constant 0.000000e+00 : f32
    %max3A_36 = vector.broadcast %max3A : f32 to vector<1280x256xf32>
    %max3A_37 = arith.maximumf %add3A_35, %max3A_36 : vector<1280x256xf32>
    %slice3A_38 = vector.extract_strided_slice %get3A_20 {offsets = [0, 0, 0], sizes = [1, 256, 64], strides = [1, 1, 1]} : vector<3x256x64xf32> to vector<1x256x64xf32>
    %squeeze3A_39 = vector.shape_cast %slice3A_38 : vector<1x256x64xf32> to vector<256x64xf32>
    %dot_general3A = arith.constant dense<0.000000e+00> : vector<1280x64xf32>
    %dot_general3A_40 = tpu.matmul %max3A_37, %squeeze3A_39, %dot_general3A {dimension_numbers = #tpu.dot_dimension_numbers<[1], [0], [0], [1], [0, 0, 1, 1], [], []>, transpose_lhs_hint = false} : vector<1280x256xf32>, vector<256x64xf32>, vector<1280x64xf32> -> vector<1280x64xf32>
    %tanh3A = math.tanh %dot_general3A_40 : vector<1280x64xf32>
    %slice3A_41 = vector.extract_strided_slice %get3A_23 {offsets = [0, 0], sizes = [1, 64], strides = [1, 1]} : vector<3x64xf32> to vector<1x64xf32>
    %squeeze3A_42 = vector.shape_cast %slice3A_41 : vector<1x64xf32> to vector<64xf32>
    %broadcast_in_dim3A_43 = vector.shape_cast %squeeze3A_42 : vector<64xf32> to vector<1x64xf32>
    %mul3A_44 = vector.broadcast %broadcast_in_dim3A_43 : vector<1x64xf32> to vector<1280x64xf32>
    %mul3A_45 = arith.mulf %tanh3A, %mul3A_44 : vector<1280x64xf32>
    %reduce_sum3A = arith.constant dense<0.000000e+00> : vector<1280xf32>
    %reduce_sum3A_46 = vector.multi_reduction <add>, %mul3A_45, %reduce_sum3A [1] : vector<1280x64xf32> to vector<1280xf32>
    %slice3A_47 = vector.extract_strided_slice %get3A_13 {offsets = [1, 0, 0, 0], sizes = [1, 1, 1280, 128], strides = [1, 1, 1, 1]} : vector<3x2x1280x128xf32> to vector<1x1x1280x128xf32>
    %squeeze3A_48 = vector.shape_cast %slice3A_47 : vector<1x1x1280x128xf32> to vector<1280x128xf32>
    %slice3A_49 = vector.extract_strided_slice %get3A_13 {offsets = [1, 1, 0, 0], sizes = [1, 1, 1280, 128], strides = [1, 1, 1, 1]} : vector<3x2x1280x128xf32> to vector<1x1x1280x128xf32>
    %squeeze3A_50 = vector.shape_cast %slice3A_49 : vector<1x1x1280x128xf32> to vector<1280x128xf32>
    %concatenate3A_51 = tpu.concatenate %squeeze3A_48, %squeeze3A_50 in 1 : vector<1280x128xf32>, vector<1280x128xf32> -> vector<1280x256xf32>
    %slice3A_52 = vector.extract_strided_slice %rsqrt3A {offsets = [1, 0], sizes = [1, 1280], strides = [1, 1]} : vector<3x1280xf32> to vector<1x1280xf32>
    %squeeze3A_53 = vector.shape_cast %slice3A_52 : vector<1x1280xf32> to vector<1280xf32>
    %broadcast_in_dim3A_54 = vector.shape_cast %squeeze3A_53 : vector<1280xf32> to vector<1280x1xf32>
    %mul3A_55 = vector.broadcast %broadcast_in_dim3A_54 : vector<1280x1xf32> to vector<1280x256xf32>
    %mul3A_56 = arith.mulf %concatenate3A_51, %mul3A_55 : vector<1280x256xf32>
    %slice3A_57 = vector.extract_strided_slice %get3A_16 {offsets = [1, 0], sizes = [1, 256], strides = [1, 1]} : vector<3x256xf32> to vector<1x256xf32>
    %squeeze3A_58 = vector.shape_cast %slice3A_57 : vector<1x256xf32> to vector<256xf32>
    %broadcast_in_dim3A_59 = vector.shape_cast %squeeze3A_58 : vector<256xf32> to vector<1x256xf32>
    %add3A_60 = vector.broadcast %broadcast_in_dim3A_59 : vector<1x256xf32> to vector<1280x256xf32>
    %add3A_61 = arith.addf %mul3A_56, %add3A_60 : vector<1280x256xf32>
    %max3A_62 = arith.constant 0.000000e+00 : f32
    %max3A_63 = vector.broadcast %max3A_62 : f32 to vector<1280x256xf32>
    %max3A_64 = arith.maximumf %add3A_61, %max3A_63 : vector<1280x256xf32>
    %slice3A_65 = vector.extract_strided_slice %get3A_20 {offsets = [1, 0, 0], sizes = [1, 256, 64], strides = [1, 1, 1]} : vector<3x256x64xf32> to vector<1x256x64xf32>
    %squeeze3A_66 = vector.shape_cast %slice3A_65 : vector<1x256x64xf32> to vector<256x64xf32>
    %dot_general3A_67 = arith.constant dense<0.000000e+00> : vector<1280x64xf32>
    %dot_general3A_68 = tpu.matmul %max3A_64, %squeeze3A_66, %dot_general3A_67 {dimension_numbers = #tpu.dot_dimension_numbers<[1], [0], [0], [1], [0, 0, 1, 1], [], []>, transpose_lhs_hint = false} : vector<1280x256xf32>, vector<256x64xf32>, vector<1280x64xf32> -> vector<1280x64xf32>
    %tanh3A_69 = math.tanh %dot_general3A_68 : vector<1280x64xf32>
    %slice3A_70 = vector.extract_strided_slice %get3A_23 {offsets = [1, 0], sizes = [1, 64], strides = [1, 1]} : vector<3x64xf32> to vector<1x64xf32>
    %squeeze3A_71 = vector.shape_cast %slice3A_70 : vector<1x64xf32> to vector<64xf32>
    %broadcast_in_dim3A_72 = vector.shape_cast %squeeze3A_71 : vector<64xf32> to vector<1x64xf32>
    %mul3A_73 = vector.broadcast %broadcast_in_dim3A_72 : vector<1x64xf32> to vector<1280x64xf32>
    %mul3A_74 = arith.mulf %tanh3A_69, %mul3A_73 : vector<1280x64xf32>
    %reduce_sum3A_75 = arith.constant dense<0.000000e+00> : vector<1280xf32>
    %reduce_sum3A_76 = vector.multi_reduction <add>, %mul3A_74, %reduce_sum3A_75 [1] : vector<1280x64xf32> to vector<1280xf32>
    %slice3A_77 = vector.extract_strided_slice %get3A_13 {offsets = [2, 0, 0, 0], sizes = [1, 1, 1280, 128], strides = [1, 1, 1, 1]} : vector<3x2x1280x128xf32> to vector<1x1x1280x128xf32>
    %squeeze3A_78 = vector.shape_cast %slice3A_77 : vector<1x1x1280x128xf32> to vector<1280x128xf32>
    %slice3A_79 = vector.extract_strided_slice %get3A_13 {offsets = [2, 1, 0, 0], sizes = [1, 1, 1280, 128], strides = [1, 1, 1, 1]} : vector<3x2x1280x128xf32> to vector<1x1x1280x128xf32>
    %squeeze3A_80 = vector.shape_cast %slice3A_79 : vector<1x1x1280x128xf32> to vector<1280x128xf32>
    %concatenate3A_81 = tpu.concatenate %squeeze3A_78, %squeeze3A_80 in 1 : vector<1280x128xf32>, vector<1280x128xf32> -> vector<1280x256xf32>
    %slice3A_82 = vector.extract_strided_slice %rsqrt3A {offsets = [2, 0], sizes = [1, 1280], strides = [1, 1]} : vector<3x1280xf32> to vector<1x1280xf32>
    %squeeze3A_83 = vector.shape_cast %slice3A_82 : vector<1x1280xf32> to vector<1280xf32>
    %broadcast_in_dim3A_84 = vector.shape_cast %squeeze3A_83 : vector<1280xf32> to vector<1280x1xf32>
    %mul3A_85 = vector.broadcast %broadcast_in_dim3A_84 : vector<1280x1xf32> to vector<1280x256xf32>
    %mul3A_86 = arith.mulf %concatenate3A_81, %mul3A_85 : vector<1280x256xf32>
    %slice3A_87 = vector.extract_strided_slice %get3A_16 {offsets = [2, 0], sizes = [1, 256], strides = [1, 1]} : vector<3x256xf32> to vector<1x256xf32>
    %squeeze3A_88 = vector.shape_cast %slice3A_87 : vector<1x256xf32> to vector<256xf32>
    %broadcast_in_dim3A_89 = vector.shape_cast %squeeze3A_88 : vector<256xf32> to vector<1x256xf32>
    %add3A_90 = vector.broadcast %broadcast_in_dim3A_89 : vector<1x256xf32> to vector<1280x256xf32>
    %add3A_91 = arith.addf %mul3A_86, %add3A_90 : vector<1280x256xf32>
    %max3A_92 = arith.constant 0.000000e+00 : f32
    %max3A_93 = vector.broadcast %max3A_92 : f32 to vector<1280x256xf32>
    %max3A_94 = arith.maximumf %add3A_91, %max3A_93 : vector<1280x256xf32>
    %slice3A_95 = vector.extract_strided_slice %get3A_20 {offsets = [2, 0, 0], sizes = [1, 256, 64], strides = [1, 1, 1]} : vector<3x256x64xf32> to vector<1x256x64xf32>
    %squeeze3A_96 = vector.shape_cast %slice3A_95 : vector<1x256x64xf32> to vector<256x64xf32>
    %dot_general3A_97 = arith.constant dense<0.000000e+00> : vector<1280x64xf32>
    %dot_general3A_98 = tpu.matmul %max3A_94, %squeeze3A_96, %dot_general3A_97 {dimension_numbers = #tpu.dot_dimension_numbers<[1], [0], [0], [1], [0, 0, 1, 1], [], []>, transpose_lhs_hint = false} : vector<1280x256xf32>, vector<256x64xf32>, vector<1280x64xf32> -> vector<1280x64xf32>
    %tanh3A_99 = math.tanh %dot_general3A_98 : vector<1280x64xf32>
    %slice3A_100 = vector.extract_strided_slice %get3A_23 {offsets = [2, 0], sizes = [1, 64], strides = [1, 1]} : vector<3x64xf32> to vector<1x64xf32>
    %squeeze3A_101 = vector.shape_cast %slice3A_100 : vector<1x64xf32> to vector<64xf32>
    %broadcast_in_dim3A_102 = vector.shape_cast %squeeze3A_101 : vector<64xf32> to vector<1x64xf32>
    %mul3A_103 = vector.broadcast %broadcast_in_dim3A_102 : vector<1x64xf32> to vector<1280x64xf32>
    %mul3A_104 = arith.mulf %tanh3A_99, %mul3A_103 : vector<1280x64xf32>
    %reduce_sum3A_105 = arith.constant dense<0.000000e+00> : vector<1280xf32>
    %reduce_sum3A_106 = vector.multi_reduction <add>, %mul3A_104, %reduce_sum3A_105 [1] : vector<1280x64xf32> to vector<1280xf32>
    %max3A_107 = arith.maximumf %reduce_sum3A_46, %reduce_sum3A_76 : vector<1280xf32>
    %max3A_108 = arith.maximumf %max3A_107, %reduce_sum3A_106 : vector<1280xf32>
    %sub3A = arith.subf %reduce_sum3A_46, %max3A_108 : vector<1280xf32>
    %exp3A = math.exp %sub3A : vector<1280xf32>
    %sub3A_109 = arith.subf %reduce_sum3A_76, %max3A_108 : vector<1280xf32>
    %exp3A_110 = math.exp %sub3A_109 : vector<1280xf32>
    %sub3A_111 = arith.subf %reduce_sum3A_106, %max3A_108 : vector<1280xf32>
    %exp3A_112 = math.exp %sub3A_111 : vector<1280xf32>
    %add3A_113 = arith.addf %exp3A, %exp3A_110 : vector<1280xf32>
    %add3A_114 = arith.addf %add3A_113, %exp3A_112 : vector<1280xf32>
    %div3A = arith.divf %exp3A, %add3A_114 : vector<1280xf32>
    %broadcast_in_dim3A_115 = vector.shape_cast %div3A : vector<1280xf32> to vector<1280x1xf32>
    %mul3A_116 = vector.broadcast %broadcast_in_dim3A_115 : vector<1280x1xf32> to vector<1280x256xf32>
    %mul3A_117 = arith.mulf %max3A_37, %mul3A_116 : vector<1280x256xf32>
    %div3A_118 = arith.divf %exp3A_110, %add3A_114 : vector<1280xf32>
    %broadcast_in_dim3A_119 = vector.shape_cast %div3A_118 : vector<1280xf32> to vector<1280x1xf32>
    %mul3A_120 = vector.broadcast %broadcast_in_dim3A_119 : vector<1280x1xf32> to vector<1280x256xf32>
    %mul3A_121 = arith.mulf %max3A_64, %mul3A_120 : vector<1280x256xf32>
    %add3A_122 = arith.addf %mul3A_117, %mul3A_121 : vector<1280x256xf32>
    %div3A_123 = arith.divf %exp3A_112, %add3A_114 : vector<1280xf32>
    %broadcast_in_dim3A_124 = vector.shape_cast %div3A_123 : vector<1280xf32> to vector<1280x1xf32>
    %mul3A_125 = vector.broadcast %broadcast_in_dim3A_124 : vector<1280x1xf32> to vector<1280x256xf32>
    %mul3A_126 = arith.mulf %max3A_94, %mul3A_125 : vector<1280x256xf32>
    %add3A_127 = arith.addf %add3A_122, %mul3A_126 : vector<1280x256xf32>
    %get3A_128 = arith.constant 0 : index
    %get3A_129 = vector.load %arg6[%get3A_128] : memref<256xf32, #tpu.memory_space<vmem>>, vector<256xf32>
    %broadcast_in_dim3A_130 = vector.shape_cast %get3A_129 : vector<256xf32> to vector<1x256xf32>
    %mul3A_131 = vector.broadcast %broadcast_in_dim3A_130 : vector<1x256xf32> to vector<1280x256xf32>
    %mul3A_132 = arith.mulf %add3A_127, %mul3A_131 : vector<1280x256xf32>
    %reduce_sum3A_133 = arith.constant dense<0.000000e+00> : vector<1280xf32>
    %reduce_sum3A_134 = vector.multi_reduction <add>, %mul3A_132, %reduce_sum3A_133 [1] : vector<1280x256xf32> to vector<1280xf32>
    %get3A_135 = arith.constant 0 : index
    %get3A_136 = vector.load %arg7[%get3A_135] : memref<1xf32, #tpu.memory_space<vmem>>, vector<1xf32>
    %get3A_137 = vector.extract %get3A_136[0] : f32 from vector<1xf32>
    %add3A_138 = vector.broadcast %get3A_137 : f32 to vector<1280xf32>
    %add3A_139 = arith.addf %reduce_sum3A_134, %add3A_138 : vector<1280xf32>
    %broadcast_in_dim3A_140 = vector.shape_cast %add3A_139 : vector<1280xf32> to vector<1280x1xf32>
    %swap3A = arith.constant 0 : index
    %swap3A_141 = arith.constant 0 : index
    %swap3A_142 = vector.load %arg8[%swap3A, %swap3A_141] : memref<1280x1xf32, #tpu.memory_space<vmem>>, vector<1280x1xf32>
    tpu.vector_store %arg8[%swap3A, %swap3A_141], %broadcast_in_dim3A_140 {strides = array<i32>} : memref<1280x1xf32, #tpu.memory_space<vmem>>, vector<1280x1xf32>,
    return
  }
  func.func @transform_0(%arg0: i32) -> (i32, i32, i32, i32) {
    %c0_i32 = arith.constant 0 : i32
    %c0_i32_0 = arith.constant 0 : i32
    %c0_i32_1 = arith.constant 0 : i32
    %c0_i32_2 = arith.constant 0 : i32
    return %c0_i32, %c0_i32_0, %arg0, %c0_i32_1 : i32, i32, i32, i32
  }
  func.func @transform_1(%arg0: i32) -> (i32, i32, i32, i32) {
    %c0_i32 = arith.constant 0 : i32
    %c0_i32_0 = arith.constant 0 : i32
    %c0_i32_1 = arith.constant 0 : i32
    %c0_i32_2 = arith.constant 0 : i32
    return %c0_i32, %c0_i32_0, %arg0, %c0_i32_1 : i32, i32, i32, i32
  }
  func.func @transform_2(%arg0: i32) -> (i32, i32) {
    %c0_i32 = arith.constant 0 : i32
    %c0_i32_0 = arith.constant 0 : i32
    %c0_i32_1 = arith.constant 0 : i32
    return %c0_i32, %c0_i32_0 : i32, i32
  }
  func.func @transform_3(%arg0: i32) -> (i32, i32, i32) {
    %c0_i32 = arith.constant 0 : i32
    %c0_i32_0 = arith.constant 0 : i32
    %c0_i32_1 = arith.constant 0 : i32
    %c0_i32_2 = arith.constant 0 : i32
    return %c0_i32, %c0_i32_0, %c0_i32_1 : i32, i32, i32
  }
  func.func @transform_4(%arg0: i32) -> (i32, i32) {
    %c0_i32 = arith.constant 0 : i32
    %c0_i32_0 = arith.constant 0 : i32
    %c0_i32_1 = arith.constant 0 : i32
    return %c0_i32, %c0_i32_0 : i32, i32
  }
  func.func @transform_5(%arg0: i32) -> i32 {
    %c0_i32 = arith.constant 0 : i32
    %c0_i32_0 = arith.constant 0 : i32
    return %c0_i32 : i32
  }
  func.func @transform_6(%arg0: i32) -> i32 {
    %c0_i32 = arith.constant 0 : i32
    %c0_i32_0 = arith.constant 0 : i32
    return %c0_i32 : i32
  }
  func.func @transform_7(%arg0: i32) -> (i32, i32) {
    %c0_i32 = arith.constant 0 : i32
    %c0_i32_0 = arith.constant 0 : i32
    return %arg0, %c0_i32 : i32, i32
  }
}

</mosaic_0001>

<sc_bundles>
// kernel: kernel.11.cloned.1.call-start
scs
__scs_entry_jumppad:
0x0: {  	(pc) =	sbr.rel $0x88, $3  }
0x1: {  	(tag) =	ssettag $0x0;
	lr =	simm.s32 $0x1  }
0x2: {  	[smem:$0x3F95] =	sst lr;
	_ =	strace $0xD0000000  }
0x3: {  	_ = 	snop  }
0x4: {  	_ = 	snop  }
0x5: {  	_ = 	snop  }
0x6: {  	_ = 	snop  }
0x7: {  	_ = 	snop  }
__scs_overlays_trampoline_lowered:
0x8: {  	[smem:$0x3FA4] =	sst s0  }
0x9: {  	[smem:$0x3FA5] =	sst s1  }
0xa: {  	[smem:$0x3FA6] =	sst s2  }
0xb: {  	[smem:$0x3FA7] =	sst s3  }
0xc: {  	[smem:$0x3FA8] =	sst s4  }
0xd: {  	[smem:$0x3FA9] =	sst s5  }
0xe: {  	[smem:$0x3FAA] =	sst s6  }
0xf: {  	[smem:$0x3FAB] =	sst s7  }
0x10: {  	[smem:$0x3FAC] =	sst s8  }
0x11: {  	[smem:$0x3FAD] =	sst s9;
	s0 =	simm.s32 @!p0 $0x0  }
0x12: {  	s1 =	sld [smem:$0x3F93];
	s0 =	simm.s32 @p0 $0x1  }
0x13: {  	[smem:$0x3FAE] =	sst s0;
	s0 =	simm.s32 @!p1 $0x0  }
0x14: {  	s2 =	sld [smem:$0x3F92];
	s0 =	simm.s32 @p1 $0x1  }
0x15: {  	[smem:$0x3FAF] =	sst s0;
	s0 =	simm.s32 @!p2 $0x0  }
0x16: {  	s3 =	sld [smem:$0x3FDB];
	s0 =	simm.s32 @p2 $0x1  }
0x17: {  	s4 =	simm.s32 $0x1BF5;
	[smem:$0x3FB1] =	sst s0  }
0x18: {  	s0 =	sld [smem:$0x3F94];
	_ =	swait.ge [sflag:s4], $0x0  }
0x19: {  	s7 =	sld [smem:$0x3F95]  }
0x1a: {  	s8 =	sadd.s32 $0xFFFFE003, lr  }
0x1b: {  	s9 =	sadd.s32 $0xFFFFFEF7, lr;
	s5 =	simm.s32 $0xFFFFFFFF;
	p2 =	slt.u32 s8, $0xFFFFF086  }
0x1c: {  	p1 =	slt.u32 s9, $0xF7A;
	s5 =	simm.s32 @!p2 $0x0  }
0x1d: {  	s5 =	simm.s32 @p1 $0x1;
	p0 =	seq.s32 s7, s2  }
0x1e: {  	s7 =	smul.u32 @!p0 $0xF7A, s2;
	p2 =	seq.s32 @!p0 s5, $0x0  }
0x1f: {  	s9 =	smul.u32 $0xF7A, s1;
	s8 =	simm.s32 @!p0 $0x1BF5;
	p2 =	por !p2, p0  }
0x20: {  	[sflag:s8] =	ssyncset.s32 @!p0 $0xFFFFF086;
	s6 =	sadd.s32 @!p0 s3, s7;
	s7 =	simm.s32 @!p0 $0x108  }
0x21: {  	s3 =	sadd.s32 s3, s9;
	s6 =	sadd.s32 @!p0 $0x88, s6;
	s7 =	simm.s32 @p2 $0x1082  }
0x22: {  	[simem:s7], [sflag:s8] =	dma.local @!p0 [hbm:s6], $0xF7A  }
0x23: {  	s9 =	sor.u32 $0xD0000000, s2;
	s6 =	simm.s32 $0x108;
	_ =	swait.ge @!p0 [sflag:s8], $0x0  }
0x24: {  	s3 =	sadd.s32 $0x88, s3;
	s6 =	simm.s32 @!p1 $0x1082;
	[sflag:s4] =	ssyncset.s32 $0xFFFFF086  }
0x25: {  	[simem:s6], [sflag:s4] =	dma.local [hbm:s3], $0xF7A  }
0x26: {  	[smem:$0x3F95] =	sst s1;
	(tag) =	ssettag s2;
	_ =	strace s9  }
0x27: {  	s1 =	sld [smem:$0x3FA5]  }
0x28: {  	s2 =	sld [smem:$0x3FA6]  }
0x29: {  	s4 =	sld [smem:$0x3FA8]  }
0x2a: {  	p0 =	seq.s32 s5, $0x0;
	s5 =	sld [smem:$0x3FA9]  }
0x2b: {  	s6 =	sld [smem:$0x3FAA]  }
0x2c: {  	s7 =	sld [smem:$0x3FAB]  }
0x2d: {  	s3 =	simm.s32 $0x108;
	s8 =	sld [smem:$0x3FAC]  }
0x2e: {  	s3 =	simm.s32 @!p0 $0x1082;
	s9 =	sld [smem:$0x3FAD]  }
0x2f: {  	lr =	sadd.s32 s0, s3;
	s0 =	sld [smem:$0x3FA4]  }
0x30: {  	s3 =	sld [smem:$0x3FA7]  }
0x31: {  	[smem:$0x3FB0] =	sst s10  }
0x32: {  	s10 =	sld [smem:$0x3FAE];
	_ =	sdelay $0x3  }
0x33: {  	p0 =	seq.s32 s10, $0x1;
	s10 =	sld [smem:$0x3FB0];
	_ =	sdelay $0x3  }
0x34: {  	[smem:$0x3FB0] =	sst s10  }
0x35: {  	s10 =	sld [smem:$0x3FAF];
	_ =	sdelay $0x3  }
0x36: {  	p1 =	seq.s32 s10, $0x1;
	s10 =	sld [smem:$0x3FB0];
	_ =	sdelay $0x3  }
0x37: {  	[smem:$0x3FB0] =	sst s10  }
0x38: {  	s10 =	sld [smem:$0x3FB1]  }
0x39: {  	_ = 	snop;
	(pc) =	sbr.ind lr, $3  }
0x3a: {  	_ = 	snop  }
0x3b: {  	_ = 	snop  }
0x3c: {  	p2 =	seq.s32 s10, $0x1;
	s10 =	sld [smem:$0x3FB0]  }
0x3d: {  	_ =	shalt  }
0x3e: {  	_ =	shalt  }
0x3f: {  	_ =	shalt  }
0x40: {  	_ =	shalt  }
0x41: {  	_ =	shalt  }
0x42: {  	_ =	shalt  }
0x43: {  	_ =	shalt  }
0x44: {  	_ =	shalt  }
0x45: {  	_ =	shalt  }
0x46: {  	_ =	shalt  }
0x47: {  	_ =	shalt  }
0x48: {  	_ =	shalt  }
0x49: {  	_ =	shalt  }
0x4a: {  	_ =	shalt  }
0x4b: {  	_ =	shalt  }
0x4c: {  	_ =	shalt  }
0x4d: {  	_ =	shalt  }
0x4e: {  	_ =	shalt  }
0x4f: {  	_ =	shalt  }
0x50: {  	_ =	shalt  }
0x51: {  	_ =	shalt  }
0x52: {  	_ =	shalt  }
0x53: {  	_ =	shalt  }
0x54: {  	_ =	shalt  }
0x55: {  	_ =	shalt  }
0x56: {  	_ =	shalt  }
0x57: {  	_ =	shalt  }
0x58: {  	_ =	shalt  }
0x59: {  	_ =	shalt  }
0x5a: {  	_ =	shalt  }
0x5b: {  	_ =	shalt  }
0x5c: {  	_ =	shalt  }
0x5d: {  	_ =	shalt  }
0x5e: {  	_ =	shalt  }
0x5f: {  	_ =	shalt  }
0x60: {  	_ =	shalt  }
0x61: {  	_ =	shalt  }
0x62: {  	_ =	shalt  }
0x63: {  	_ =	shalt  }
0x64: {  	_ =	shalt  }
0x65: {  	_ =	shalt  }
0x66: {  	_ =	shalt  }
0x67: {  	_ =	shalt  }
0x68: {  	_ =	shalt  }
0x69: {  	_ =	shalt  }
0x6a: {  	_ =	shalt  }
0x6b: {  	_ =	shalt  }
0x6c: {  	_ =	shalt  }
0x6d: {  	_ =	shalt  }
0x6e: {  	_ =	shalt  }
0x6f: {  	_ =	shalt  }
0x70: {  	_ =	shalt  }
0x71: {  	_ =	shalt  }
0x72: {  	_ =	shalt  }
0x73: {  	_ =	shalt  }
0x74: {  	_ =	shalt  }
0x75: {  	_ =	shalt  }
0x76: {  	_ =	shalt  }
0x77: {  	_ =	shalt  }
0x78: {  	_ =	shalt  }
0x79: {  	_ =	shalt  }
0x7a: {  	_ =	shalt  }
0x7b: {  	_ =	shalt  }
0x7c: {  	_ =	shalt  }
0x7d: {  	_ =	shalt  }
0x7e: {  	_ =	shalt  }
0x7f: {  	_ =	shalt  }
0x80: {  	_ =	shalt  }
0x81: {  	_ =	shalt  }
0x82: {  	_ =	shalt  }
0x83: {  	_ =	shalt  }
0x84: {  	_ =	shalt  }
0x85: {  	_ =	shalt  }
0x86: {  	_ =	shalt  }
0x87: {  	_ =	shalt  }
.Lfunc_end0:
.L_simem_size_0:
called_computation.1_lowered:
.L_overlay_start_0:
0x88: {  	s2 =	sld [smem:$0x3FD9]  }
0x89: {  	s3 =	sld [smem:$0x3FFE];
	_ =	sdelay $0x1  }
0x8a: {  	s1 =	srdreg.scid  }
0x8b: {  	s0 =	sand.u32 $0x1, s1  }
0x8c: {  	s16 =	sshll.u32 s0, $0xA;
	s2 =	sadd.s32 s3, s2  }
0x8d: {  	s2 =	sadd.s32 s2, s16  }
0x8e: {  	[smem:$0x3FBC] =	sst s2  }
0x8f: {  	_ = 	snop  }
0x90: {  	(tm) =	ssettm $0x1  }
0x91: {  	s17 =	sld [smem:$0x3FFB];
	_ =	sdelay $0x3  }
0x92: {  	_ =	strace s17  }
0x93: {  	s2 =	sld [smem:$0x3FFC];
	_ =	sdelay $0x3  }
0x94: {  	_ =	strace s2  }
0x95: {  	s2 =	sld [smem:$0x3FFD];
	_ =	sdelay $0x3  }
0x96: {  	_ =	strace s2  }
0x97: {  	_ =	strace $0x8FFFFFFF  }
0x98: {  	s18 =	sld [smem:$0x3FDB];
	_ =	sdelay $0x1  }
0x99: {  	s19 =	simm.s32 $_scs_section_size  }
0x9a: {  	s4 =	simm.s32 $_size__tile_overlayer_lowered;
	s5 =	simm.s32 $_tile_overlayer_lowered  }
0x9b: {  	s22 =	simm.s32 $0x1BFF;
	s21 =	sshll.u32 s5, $0x1;
	s2 =	sadd.s32 s19, s18  }
0x9c: {  	s6 =	simm.s32 $0x0;
	s20 =	sshll.u32 s4, $0x1;
	s4 =	sadd.s32 s21, s2  }
0x9d: {  	[timem:s6], [sflag:s22] =	dma.local [hbm:s4], s20  }
0x9e: {  	_ =	swait.ge [sflag:s22], s20  }
0x9f: {  	s3 =	ssub.s32 $0x0, s20;
	[sflag:s22] =	ssyncset.done $0x0  }
0xa0: {  	[sflag:s22] =	ssyncadd.s32 s3;
	_ =	sdelay $0x1  }
0xa1: {  	s23 =	simm.s32 $0x1B8B  }
0xa2: {  	_ =	swait.ge [sflag:s23], $0x1  }
0xa3: {  	[sflag:s23] =	ssyncset.done $0x0  }
0xa4: {  	s25 =	simm.s32 $0x1B8E;
	s24 =	sld [smem:$0x3FFE];
	[sflag:s23] =	ssyncadd.s32 $0xFFFFFFFF  }
0xa5: {  	s26 =	simm.s32 $execute0_lowered;
	[smem:$0x3FD2] =	sst s25  }
0xa6: {  	s4 =	sshll.u32 s26, $0x1;
	_ =	strace $0x80000049;
	[dreg:$0x1] =	wrdreg $0xFFFFFFFF  }
0xa7: {  	s28 =	simm.s32 $_size_execute0_lowered;
	s2 =	sadd.s32 s2, s4;
	[dreg:$0x0] =	wrdreg $0x0  }
0xa8: {  	s4 =	sshll.u32 s28, $0x1;
	[dreg:$0x2] =	wrdreg s2  }
0xa9: {  	[dreg:$0x3] =	wrdreg s4  }
0xaa: {  	[dreg:$0x4] =	wrdreg $0xC0  }
0xab: {  	_ =	task [dreg:s6], $0x5FFFF  }
0xac: {  	[dreg:$0x1] =	wrdreg $0xFFFFFFFF  }
0xad: {  	[dreg:$0x0] =	wrdreg $0x60  }
0xae: {  	[dreg:$0x2] =	wrdreg s24  }
0xaf: {  	[dreg:$0x3] =	wrdreg $0xA8000  }
0xb0: {  	[dreg:$0x4] =	wrdreg $0x9  }
0xb1: {  	_ =	task.clear_ibuf [dreg:s6], $0x5FFFF;
	_ =	strace $0x90000049  }
0xb2: {  	s29 =	simm.s32 $0x9;
	_ =	strace $0x8000004B  }
0xb3: {  	_ =	swait.ge [sflag:s29], $0x1  }
0xb4: {  	[sflag:s29] =	ssyncadd.s32 $0xFFFFFFFF  }
0xb5: {  	_ =	strace $0x9000004B  }
0xb6: {  	_ =	sfence  }
0xb7: {  	s30 =	sld [smem:$0x0];
	_ =	sdelay $0x2  }
0xb8: {  	s31 =	sshll.u32 s1, $0xD;
	s1 =	sshrl.u32 s1, $0x2  }
0xb9: {  	s3 =	sand.u32 $0x4000, s31;
	s1 =	sadd.s32 s1, s30  }
0xba: {  	s0 =	sor.u32 s3, s0;
	s1 =	sshll.u32 s1, $0x11  }
0xbb: {  	s0 =	sor.u32 s1, s0  }
0xbc: {  	s0 =	sadd.s32 $0x8F2B, s0  }
0xbd: {  	[sflag:s0] =	ssyncadd.remote.s32 $0x1  }
0xbe: {  	_ =	sfence.sel $0xFFFF  }
0xbf: {  	[dreg:$0x0] =	wrdreg $0xFFFFFFFF;
	(pc) =	sbr.abs _section_cstart, $3  }
0xc0: {  	[dreg:$0x1] =	wrdreg $0xFFFFFFFF  }
0xc1: {  	_ =	task.clear_ibuf [dreg:s6], $0x2FFFF;
	_ =	strace $0x9FFFFFFF  }
0xc2: {  	(tm) =	ssettm $0x7FFFFFFF  }
0xc3: {  	_ =	shalt  }
tec
execute0_lowered:
.L_overlay_start_1:
0x0: {  	(tag) =	ssettag $0x1  }
0x1: {  	s0 =	rddreg [dreg:$0x0]  }
0x2: {  	s1 =	rddreg [dreg:$0x1]  }
0x3: {  	s2 =	srdreg.scid;
	s17 =	stileid.u32  }
0x4: {  	s3 =	simm.s32 $0x0;
	s28 =	simm.s32 $0x2680;
	s7 =	smul.u32 $0x14000, s17  }
0x5: {  	s29 =	simm.s32 $0x2780;
	s30 =	simm.s32 $0x0;
	s8 =	smul.u32 $0x280, s17  }
0x6: {  	s5 =	sand.u32 $0x1, s2;
	s4 =	sadd.s32 $0x13DC00, s0;
	s9 =	smul.u32 $0x50000, s17  }
0x7: {  	[smem:$0x7FF] =	sst s3;
	s14 =	sadd.s32 $0x101C00, s0;
	s6 =	smul.u32 $0x140000, s5  }
0x8: {  	s24 =	sshll.u32 s17, $0x6;
	s20 =	smul.u32 $0x30, s5;
	s10 =	ssub.s32 $0x2, s5  }
0x9: {  	_ =	strace $0x8000004A;
	s5 =	smul.u32 $0x2800, s5;
	s21 =	sshrl.u32 s10, $0x1  }
0xa: {  	s22 =	sshrl.u32 s9, $0x2;
	s6 =	sadd.s32 s7, s6;
	s7 =	sor.u32 s17, s20  }
0xb: {  	s18 =	ssub.s32 s10, s21;
	s5 =	sadd.s32 s8, s5;
	s19 =	sadd.s32 s22, s1  }
0xc: {  	s20 =	simm.s32 $0x3;
	s21 =	simm.s32 $0x80;
	s22 =	simm.s32 $0x2800  }
0xd: {  	s6 =	sshrl.u32 s6, $0x3;
	s11 =	smul.u32 $0x5000, s7;
	s5 =	sshll.u32 s5, $0x4  }
0xe: {  	s7 =	sor.u32 $0x1C03, s24;
	s18 =	smax.u32 s18, $0x1;
	s19 =	sshrl.u32 s19, $0x3  }
0xf: {  	s24 =	simm.s32 $0x1;
	s0 =	sadd.s32 s6, s0;
	s5 =	sadd.s32 s4, s5  }
0x10: {  	s23 =	sshrl.u32 s11, $0x3;
	s26 =	sadd.s32 $0x50000, s11;
	s31 =	sadd.s32 $0x22DC00, s0  }
0x11: {  	s13 =	sadd.s32 $0xA0000, s11;
	s10 =	sadd.s32 $0x50000, s5;
	s17 =	sadd.s32 $0x2CDC00, s0  }
0x12: {  	s6 =	sadd.s32 s14, s23;
	[dreg:$0x4] =	wrdreg s31;
	s12 =	sshrl.u32 s26, $0x3  }
0x13: {  	s15 =	sshrl.u32 s13, $0x3;
	s13 =	sadd.s32 $0x27DC00, s0;
	s23 =	simm.s32 $0x6800  }
0x14: {  	s26 =	simm.s32 $0x2700;
	s25 =	sadd.s32 $0x500, s6;
	s11 =	sadd.s32 s14, s12  }
0x15: {  	s14 =	sadd.s32 s14, s15;
	s15 =	sadd.s32 $0xA0000, s5;
	[dreg:$0x3] =	wrdreg s25  }
0x16: {  	s12 =	sadd.s32 $0x500, s11;
	s16 =	sadd.s32 $0x500, s14;
	s25 =	simm.s32 $0x2  }
.LBB2_1:
0x17: {  	[spmem:s19], [sflag:s7] =	dma.local [hbm:s5], $0x2800  }
0x18: {  	_ =	swait.ge [sflag:s20], $0x2800  }
0x19: {  	[sflag:s20] =	ssyncset.done $0x0  }
0x1a: {  	[sflag:s20] =	ssyncadd.s32 $0xFFFFD800  }
0x1b: {  	[tilespmem:s3], [sflag:$0x3] =	stream.linear.gather [hbm4b:s6+s3], $0x2800, $0x38;
	[tilespmem:$0x1E800] =	vst v63  }
0x1c: {  	_ =	swait.ge [sflag:s20], $0x2800  }
0x1d: {  	[sflag:s20] =	ssyncset.done $0x0  }
0x1e: {  	[sflag:s20] =	ssyncadd.s32 $0xFFFFD800  }
0x1f: {  	[tilespmem:s22], [sflag:$0x1] =	stream.indirect.gather [hbm4b:s4+s21], $0x80, s3, s21, $0xb8;
	[tilespmem:$0x1E800] =	vst v63  }
0x20: {  	s0 =	simm.s32 $0x100;
	[bflag:$0x0] =	sbarrier.arrive $0xFFFF  }
0x21: {  	[tilespmem:s23], [sflag:$0x2] =	stream.indirect.gather [hbm4b:s4+s21], $0x80, s0, s21, $0xb8;
	[tilespmem:$0x1E800] =	vst v63  }
0x22: {  	_ =	swait.ge [sflag:s24], $0x4000  }
0x23: {  	[sflag:s24] =	ssyncset.done $0x0  }
0x24: {  	s2 =	simm.s32 $0x80;
	[sflag:s24] =	ssyncadd.s32 $0xFFFFC000  }
0x25: {  	[spmem:s1] =	stream.indirect.scatter.add.f32 [tilespmem:s22], [sflag:$0x3], $0x80, s2, s21, $0xb8;
	[tilespmem:$0x1E800] =	vst v63  }
0x26: {  	_ =	swait.ge [sflag:s20], $0x4000  }
0x27: {  	[sflag:s20] =	ssyncset.done $0x0  }
0x28: {  	s8 =	simm.s32 $0x200;
	[sflag:s20] =	ssyncadd.s32 $0xFFFFC000  }
0x29: {  	[tilespmem:s22], [sflag:$0x1] =	stream.indirect.gather [hbm4b:s4+s21], $0x80, s8, s21, $0xb8;
	[tilespmem:$0x1E800] =	vst v63  }
0x2a: {  	_ =	swait.ge [sflag:s25], $0x4000  }
0x2b: {  	[sflag:s25] =	ssyncset.done $0x0  }
0x2c: {  	s9 =	simm.s32 $0x180;
	[sflag:s25] =	ssyncadd.s32 $0xFFFFC000  }
0x2d: {  	[spmem:s1] =	stream.indirect.scatter.add.f32 [tilespmem:s23], [sflag:$0x3], $0x80, s9, s21, $0xb8;
	[tilespmem:$0x1E800] =	vst v63  }
0x2e: {  	_ =	swait.ge [sflag:s20], $0x4000  }
0x2f: {  	s31 =	simm.s32 $0xFFFFDC00;
	s0 =	simm.s32 $0xFFFF7800;
	[sflag:s20] =	ssyncset.done $0x0  }
.LBB2_2:
0x30: {  	s2 =	sadd.s32 $0x2700, s31  }
0x31: {  	[sflag:s20] =	ssyncadd.s32 $0xFFFFC000;
	s8 =	smov.u32 s0;
	s9 =	sadd.s32 $0x800, s0  }
0x32: {  	[tilespmem:s23], [sflag:$0x2] =	stream.indirect.gather [hbm4b:s4+s21], $0x80, s2, s21, $0xb8;
	[tilespmem:$0x1E800] =	vst v63  }
0x33: {  	p0 =	sne.s32 s0, $0xFFFFF800;
	_ =	swait.ge [sflag:s24], $0x4000  }
0x34: {  	[sflag:s24] =	ssyncset.done $0x0  }
0x35: {  	s0 =	sadd.s32 $0x2680, s31;
	[sflag:s24] =	ssyncadd.s32 $0xFFFFC000  }
0x36: {  	[spmem:s1] =	stream.indirect.scatter.add.f32 [tilespmem:s22], [sflag:$0x3], $0x80, s0, s21, $0xb8;
	[tilespmem:$0x1E800] =	vst v63  }
0x37: {  	_ =	swait.ge [sflag:s20], $0x4000  }
0x38: {  	[sflag:s20] =	ssyncset.done $0x0  }
0x39: {  	s0 =	sadd.s32 $0x2800, s31;
	[sflag:s20] =	ssyncadd.s32 $0xFFFFC000  }
0x3a: {  	[tilespmem:s22], [sflag:$0x1] =	stream.indirect.gather [hbm4b:s4+s21], $0x80, s0, s21, $0xb8;
	[tilespmem:$0x1E800] =	vst v63  }
0x3b: {  	_ =	swait.ge [sflag:s25], $0x4000  }
.Ltmp0:
0x3c: {  	[sflag:s25] =	ssyncset.done $0x0;
	(pc) =	sbr.rel @p0 .LBB2_2-.Ltmp0, $4  }
0x3d: {  	s0 =	sadd.s32 $0x2780, s31;
	[sflag:s25] =	ssyncadd.s32 $0xFFFFC000  }
0x3e: {  	[spmem:s1] =	stream.indirect.scatter.add.f32 [tilespmem:s23], [sflag:$0x3], $0x80, s0, s21, $0xb8;
	[tilespmem:$0x1E800] =	vst v63  }
0x3f: {  	_ =	swait.ge [sflag:s20], $0x4000  }
0x40: {  	s31 =	sshra.s32 s8, $0x2;
	s0 =	smov.u32 s9;
	[sflag:s20] =	ssyncset.done $0x0  }
0x41: {  	s0 =	sadd.s32 $0x2700, s31;
	[sflag:s20] =	ssyncadd.s32 $0xFFFFC000  }
0x42: {  	[tilespmem:s23], [sflag:$0x2] =	stream.indirect.gather [hbm4b:s4+s21], $0x80, s0, s21, $0xb8;
	[tilespmem:$0x1E800] =	vst v63  }
0x43: {  	_ =	swait.ge [sflag:s24], $0x4000  }
0x44: {  	[sflag:s24] =	ssyncset.done $0x0  }
0x45: {  	s8 =	sadd.s32 $0x2680, s31;
	[sflag:s24] =	ssyncadd.s32 $0xFFFFC000  }
0x46: {  	[spmem:s1] =	stream.indirect.scatter.add.f32 [tilespmem:s22], [sflag:$0x3], $0x80, s8, s21, $0xb8;
	[tilespmem:$0x1E800] =	vst v63  }
0x47: {  	_ =	swait.ge [sflag:s20], $0x4000  }
0x48: {  	[sflag:s20] =	ssyncset.done $0x0  }
0x49: {  	s9 =	sadd.s32 $0x2800, s31;
	[sflag:s20] =	ssyncadd.s32 $0xFFFFC000  }
0x4a: {  	[tilespmem:s22], [sflag:$0x1] =	stream.indirect.gather [hbm4b:s4+s21], $0x80, s9, s21, $0xb8;
	[tilespmem:$0x1E800] =	vst v63  }
0x4b: {  	_ =	swait.ge [sflag:s25], $0x4000  }
0x4c: {  	[sflag:s25] =	ssyncset.done $0x0  }
0x4d: {  	s2 =	sadd.s32 $0x2780, s31;
	[sflag:s25] =	ssyncadd.s32 $0xFFFFC000  }
0x4e: {  	[spmem:s1] =	stream.indirect.scatter.add.f32 [tilespmem:s23], [sflag:$0x3], $0x80, s2, s21, $0xb8;
	[tilespmem:$0x1E800] =	vst v63  }
0x4f: {  	_ =	swait.ge [sflag:s20], $0x4000  }
0x50: {  	[sflag:s20] =	ssyncset.done $0x0  }
0x51: {  	[sflag:s20] =	ssyncadd.s32 $0xFFFFC000  }
0x52: {  	[tilespmem:s23], [sflag:$0x2] =	stream.indirect.gather [hbm4b:s4+s21], $0x80, s26, s21, $0xb8;
	[tilespmem:$0x1E800] =	vst v63  }
0x53: {  	_ =	swait.ge [sflag:s24], $0x4000  }
0x54: {  	[sflag:s24] =	ssyncset.done $0x0  }
0x55: {  	[sflag:s24] =	ssyncadd.s32 $0xFFFFC000  }
0x56: {  	[spmem:s1] =	stream.indirect.scatter.add.f32 [tilespmem:s22], [sflag:$0x3], $0x80, s28, s21, $0xb8;
	[tilespmem:$0x1E800] =	vst v63  }
0x57: {  	_ =	swait.ge [sflag:s20], $0x4000  }
0x58: {  	[sflag:s20] =	ssyncset.done $0x0  }
0x59: {  	[sflag:s20] =	ssyncadd.s32 $0xFFFFC000  }
0x5a: {  	_ =	swait.ge [sflag:s25], $0x4000  }
0x5b: {  	[sflag:s25] =	ssyncset.done $0x0  }
0x5c: {  	[sflag:s25] =	ssyncadd.s32 $0xFFFFC000  }
0x5d: {  	[spmem:s1] =	stream.indirect.scatter.add.f32 [tilespmem:s23], [sflag:$0x3], $0x80, s29, s21, $0xb8;
	[tilespmem:$0x1E800] =	vst v63  }
0x5e: {  	_ =	swait.ge [sflag:s20], $0x4000  }
0x5f: {  	[sflag:s20] =	ssyncset.done $0x0  }
0x60: {  	s8 =	rddreg [dreg:$0x3];
	[sflag:s20] =	ssyncadd.s32 $0xFFFFC000  }
0x61: {  	[tilespmem:s3], [sflag:$0x3] =	stream.linear.gather [hbm4b:s8+s3], $0x2800, $0x38;
	[tilespmem:$0x1E800] =	vst v63  }
0x62: {  	_ =	swait.ge [sflag:s20], $0x2800  }
0x63: {  	[sflag:s20] =	ssyncset.done $0x0  }
0x64: {  	[sflag:s20] =	ssyncadd.s32 $0xFFFFD800  }
0x65: {  	[tilespmem:s22], [sflag:$0x1] =	stream.indirect.gather [hbm4b:s4+s21], $0x80, s3, s21, $0xb8;
	[tilespmem:$0x1E800] =	vst v63  }
0x66: {  	s9 =	simm.s32 $0x100  }
0x67: {  	[tilespmem:s23], [sflag:$0x2] =	stream.indirect.gather [hbm4b:s4+s21], $0x80, s9, s21, $0xb8;
	[tilespmem:$0x1E800] =	vst v63  }
0x68: {  	_ =	swait.ge [sflag:s24], $0x4000  }
0x69: {  	[sflag:s24] =	ssyncset.done $0x0  }
0x6a: {  	s2 =	simm.s32 $0x80;
	[sflag:s24] =	ssyncadd.s32 $0xFFFFC000  }
0x6b: {  	[spmem:s1] =	stream.indirect.scatter.add.f32 [tilespmem:s22], [sflag:$0x3], $0x80, s2, s21, $0xb8;
	[tilespmem:$0x1E800] =	vst v63  }
0x6c: {  	_ =	swait.ge [sflag:s20], $0x4000  }
0x6d: {  	[sflag:s20] =	ssyncset.done $0x0  }
0x6e: {  	s8 =	simm.s32 $0x200;
	[sflag:s20] =	ssyncadd.s32 $0xFFFFC000  }
0x6f: {  	[tilespmem:s22], [sflag:$0x1] =	stream.indirect.gather [hbm4b:s4+s21], $0x80, s8, s21, $0xb8;
	[tilespmem:$0x1E800] =	vst v63  }
0x70: {  	_ =	swait.ge [sflag:s25], $0x4000  }
0x71: {  	[sflag:s25] =	ssyncset.done $0x0  }
0x72: {  	s9 =	simm.s32 $0x180;
	[sflag:s25] =	ssyncadd.s32 $0xFFFFC000  }
0x73: {  	[spmem:s1] =	stream.indirect.scatter.add.f32 [tilespmem:s23], [sflag:$0x3], $0x80, s9, s21, $0xb8;
	[tilespmem:$0x1E800] =	vst v63  }
0x74: {  	_ =	swait.ge [sflag:s20], $0x4000  }
0x75: {  	s31 =	simm.s32 $0xFFFFDC00;
	s0 =	simm.s32 $0xFFFF7800;
	[sflag:s20] =	ssyncset.done $0x0  }
.LBB2_4:
0x76: {  	s2 =	sadd.s32 $0x2700, s31  }
0x77: {  	[sflag:s20] =	ssyncadd.s32 $0xFFFFC000;
	s8 =	smov.u32 s0;
	s9 =	sadd.s32 $0x800, s0  }
0x78: {  	[tilespmem:s23], [sflag:$0x2] =	stream.indirect.gather [hbm4b:s4+s21], $0x80, s2, s21, $0xb8;
	[tilespmem:$0x1E800] =	vst v63  }
0x79: {  	p0 =	sne.s32 s0, $0xFFFFF800;
	_ =	swait.ge [sflag:s24], $0x4000  }
0x7a: {  	[sflag:s24] =	ssyncset.done $0x0  }
0x7b: {  	s0 =	sadd.s32 $0x2680, s31;
	[sflag:s24] =	ssyncadd.s32 $0xFFFFC000  }
0x7c: {  	[spmem:s1] =	stream.indirect.scatter.add.f32 [tilespmem:s22], [sflag:$0x3], $0x80, s0, s21, $0xb8;
	[tilespmem:$0x1E800] =	vst v63  }
0x7d: {  	_ =	swait.ge [sflag:s20], $0x4000  }
0x7e: {  	[sflag:s20] =	ssyncset.done $0x0  }
0x7f: {  	s0 =	sadd.s32 $0x2800, s31;
	[sflag:s20] =	ssyncadd.s32 $0xFFFFC000  }
0x80: {  	[tilespmem:s22], [sflag:$0x1] =	stream.indirect.gather [hbm4b:s4+s21], $0x80, s0, s21, $0xb8;
	[tilespmem:$0x1E800] =	vst v63  }
0x81: {  	_ =	swait.ge [sflag:s25], $0x4000  }
.Ltmp1:
0x82: {  	[sflag:s25] =	ssyncset.done $0x0;
	(pc) =	sbr.rel @p0 .LBB2_4-.Ltmp1, $4  }
0x83: {  	s0 =	sadd.s32 $0x2780, s31;
	[sflag:s25] =	ssyncadd.s32 $0xFFFFC000  }
0x84: {  	[spmem:s1] =	stream.indirect.scatter.add.f32 [tilespmem:s23], [sflag:$0x3], $0x80, s0, s21, $0xb8;
	[tilespmem:$0x1E800] =	vst v63  }
0x85: {  	_ =	swait.ge [sflag:s20], $0x4000  }
0x86: {  	s31 =	sshra.s32 s8, $0x2;
	s0 =	smov.u32 s9;
	[sflag:s20] =	ssyncset.done $0x0  }
0x87: {  	s0 =	sadd.s32 $0x2700, s31;
	[sflag:s20] =	ssyncadd.s32 $0xFFFFC000  }
0x88: {  	[tilespmem:s23], [sflag:$0x2] =	stream.indirect.gather [hbm4b:s4+s21], $0x80, s0, s21, $0xb8;
	[tilespmem:$0x1E800] =	vst v63  }
0x89: {  	_ =	swait.ge [sflag:s24], $0x4000  }
0x8a: {  	[sflag:s24] =	ssyncset.done $0x0  }
0x8b: {  	s8 =	sadd.s32 $0x2680, s31;
	[sflag:s24] =	ssyncadd.s32 $0xFFFFC000  }
0x8c: {  	[spmem:s1] =	stream.indirect.scatter.add.f32 [tilespmem:s22], [sflag:$0x3], $0x80, s8, s21, $0xb8;
	[tilespmem:$0x1E800] =	vst v63  }
0x8d: {  	_ =	swait.ge [sflag:s20], $0x4000  }
0x8e: {  	[sflag:s20] =	ssyncset.done $0x0  }
0x8f: {  	s9 =	sadd.s32 $0x2800, s31;
	[sflag:s20] =	ssyncadd.s32 $0xFFFFC000  }
0x90: {  	[tilespmem:s22], [sflag:$0x1] =	stream.indirect.gather [hbm4b:s4+s21], $0x80, s9, s21, $0xb8;
	[tilespmem:$0x1E800] =	vst v63  }
0x91: {  	_ =	swait.ge [sflag:s25], $0x4000  }
0x92: {  	[sflag:s25] =	ssyncset.done $0x0  }
0x93: {  	s2 =	sadd.s32 $0x2780, s31;
	[sflag:s25] =	ssyncadd.s32 $0xFFFFC000  }
0x94: {  	[spmem:s1] =	stream.indirect.scatter.add.f32 [tilespmem:s23], [sflag:$0x3], $0x80, s2, s21, $0xb8;
	[tilespmem:$0x1E800] =	vst v63  }
0x95: {  	_ =	swait.ge [sflag:s20], $0x4000  }
0x96: {  	[sflag:s20] =	ssyncset.done $0x0  }
0x97: {  	[sflag:s20] =	ssyncadd.s32 $0xFFFFC000  }
0x98: {  	[tilespmem:s23], [sflag:$0x2] =	stream.indirect.gather [hbm4b:s4+s21], $0x80, s26, s21, $0xb8;
	[tilespmem:$0x1E800] =	vst v63  }
0x99: {  	_ =	swait.ge [sflag:s24], $0x4000  }
0x9a: {  	[sflag:s24] =	ssyncset.done $0x0  }
0x9b: {  	[sflag:s24] =	ssyncadd.s32 $0xFFFFC000  }
0x9c: {  	[spmem:s1] =	stream.indirect.scatter.add.f32 [tilespmem:s22], [sflag:$0x3], $0x80, s28, s21, $0xb8;
	[tilespmem:$0x1E800] =	vst v63  }
0x9d: {  	_ =	swait.ge [sflag:s20], $0x4000  }
0x9e: {  	[sflag:s20] =	ssyncset.done $0x0  }
0x9f: {  	[sflag:s20] =	ssyncadd.s32 $0xFFFFC000  }
0xa0: {  	_ =	swait.ge [sflag:s25], $0x4000  }
0xa1: {  	[sflag:s25] =	ssyncset.done $0x0  }
0xa2: {  	[sflag:s25] =	ssyncadd.s32 $0xFFFFC000  }
0xa3: {  	[spmem:s1] =	stream.indirect.scatter.add.f32 [tilespmem:s23], [sflag:$0x3], $0x80, s29, s21, $0xb8;
	[tilespmem:$0x1E800] =	vst v63  }
0xa4: {  	_ =	swait.ge [sflag:s20], $0x4000  }
0xa5: {  	[sflag:s20] =	ssyncset.done $0x0  }
0xa6: {  	[sflag:s20] =	ssyncadd.s32 $0xFFFFC000  }
0xa7: {  	[bflag:$0x0] =	sbarrier.arrive $0xFFFF  }
0xa8: {  	s8 =	rddreg [dreg:$0x4]  }
0xa9: {  	[hbm:s8], [sflag:s7] =	dma.local [spmem:s19], $0x2800  }
0xaa: {  	_ =	swait.ge [sflag:s20], $0x2800  }
0xab: {  	[sflag:s20] =	ssyncset.done $0x0  }
0xac: {  	[sflag:s20] =	ssyncadd.s32 $0xFFFFD800  }
0xad: {  	[bflag:$0x0] =	sbarrier.arrive $0xFFFF  }
0xae: {  	[spmem:s19], [sflag:s7] =	dma.local [hbm:s10], $0x2800  }
0xaf: {  	_ =	swait.ge [sflag:s20], $0x2800  }
0xb0: {  	[sflag:s20] =	ssyncset.done $0x0  }
0xb1: {  	[sflag:s20] =	ssyncadd.s32 $0xFFFFD800  }
0xb2: {  	[tilespmem:s3], [sflag:$0x3] =	stream.linear.gather [hbm4b:s11+s3], $0x2800, $0x38;
	[tilespmem:$0x1E800] =	vst v63  }
0xb3: {  	_ =	swait.ge [sflag:s20], $0x2800  }
0xb4: {  	[sflag:s20] =	ssyncset.done $0x0  }
0xb5: {  	[sflag:s20] =	ssyncadd.s32 $0xFFFFD800  }
0xb6: {  	[tilespmem:s22], [sflag:$0x1] =	stream.indirect.gather [hbm4b:s4+s21], $0x80, s3, s21, $0xb8;
	[tilespmem:$0x1E800] =	vst v63  }
0xb7: {  	s9 =	simm.s32 $0x100;
	[bflag:$0x0] =	sbarrier.arrive $0xFFFF  }
0xb8: {  	[tilespmem:s23], [sflag:$0x2] =	stream.indirect.gather [hbm4b:s4+s21], $0x80, s9, s21, $0xb8;
	[tilespmem:$0x1E800] =	vst v63  }
0xb9: {  	_ =	swait.ge [sflag:s24], $0x4000  }
0xba: {  	[sflag:s24] =	ssyncset.done $0x0  }
0xbb: {  	s2 =	simm.s32 $0x80;
	[sflag:s24] =	ssyncadd.s32 $0xFFFFC000  }
0xbc: {  	[spmem:s1] =	stream.indirect.scatter.add.f32 [tilespmem:s22], [sflag:$0x3], $0x80, s2, s21, $0xb8;
	[tilespmem:$0x1E800] =	vst v63  }
0xbd: {  	_ =	swait.ge [sflag:s20], $0x4000  }
0xbe: {  	[sflag:s20] =	ssyncset.done $0x0  }
0xbf: {  	s8 =	simm.s32 $0x200;
	[sflag:s20] =	ssyncadd.s32 $0xFFFFC000  }
0xc0: {  	[tilespmem:s22], [sflag:$0x1] =	stream.indirect.gather [hbm4b:s4+s21], $0x80, s8, s21, $0xb8;
	[tilespmem:$0x1E800] =	vst v63  }
0xc1: {  	_ =	swait.ge [sflag:s25], $0x4000  }
0xc2: {  	[sflag:s25] =	ssyncset.done $0x0  }
0xc3: {  	s9 =	simm.s32 $0x180;
	[sflag:s25] =	ssyncadd.s32 $0xFFFFC000  }
0xc4: {  	[spmem:s1] =	stream.indirect.scatter.add.f32 [tilespmem:s23], [sflag:$0x3], $0x80, s9, s21, $0xb8;
	[tilespmem:$0x1E800] =	vst v63  }
0xc5: {  	_ =	swait.ge [sflag:s20], $0x4000  }
0xc6: {  	s31 =	simm.s32 $0xFFFFDC00;
	s0 =	simm.s32 $0xFFFF7800;
	[sflag:s20] =	ssyncset.done $0x0  }
.LBB2_6:
0xc7: {  	s2 =	sadd.s32 $0x2700, s31  }
0xc8: {  	[sflag:s20] =	ssyncadd.s32 $0xFFFFC000;
	s8 =	smov.u32 s0;
	s9 =	sadd.s32 $0x800, s0  }
0xc9: {  	[tilespmem:s23], [sflag:$0x2] =	stream.indirect.gather [hbm4b:s4+s21], $0x80, s2, s21, $0xb8;
	[tilespmem:$0x1E800] =	vst v63  }
0xca: {  	p0 =	sne.s32 s0, $0xFFFFF800;
	_ =	swait.ge [sflag:s24], $0x4000  }
0xcb: {  	[sflag:s24] =	ssyncset.done $0x0  }
0xcc: {  	s0 =	sadd.s32 $0x2680, s31;
	[sflag:s24] =	ssyncadd.s32 $0xFFFFC000  }
0xcd: {  	[spmem:s1] =	stream.indirect.scatter.add.f32 [tilespmem:s22], [sflag:$0x3], $0x80, s0, s21, $0xb8;
	[tilespmem:$0x1E800] =	vst v63  }
0xce: {  	_ =	swait.ge [sflag:s20], $0x4000  }
0xcf: {  	[sflag:s20] =	ssyncset.done $0x0  }
0xd0: {  	s0 =	sadd.s32 $0x2800, s31;
	[sflag:s20] =	ssyncadd.s32 $0xFFFFC000  }
0xd1: {  	[tilespmem:s22], [sflag:$0x1] =	stream.indirect.gather [hbm4b:s4+s21], $0x80, s0, s21, $0xb8;
	[tilespmem:$0x1E800] =	vst v63  }
0xd2: {  	_ =	swait.ge [sflag:s25], $0x4000  }
.Ltmp2:
0xd3: {  	[sflag:s25] =	ssyncset.done $0x0;
	(pc) =	sbr.rel @p0 .LBB2_6-.Ltmp2, $4  }
0xd4: {  	s0 =	sadd.s32 $0x2780, s31;
	[sflag:s25] =	ssyncadd.s32 $0xFFFFC000  }
0xd5: {  	[spmem:s1] =	stream.indirect.scatter.add.f32 [tilespmem:s23], [sflag:$0x3], $0x80, s0, s21, $0xb8;
	[tilespmem:$0x1E800] =	vst v63  }
0xd6: {  	_ =	swait.ge [sflag:s20], $0x4000  }
0xd7: {  	s31 =	sshra.s32 s8, $0x2;
	s0 =	smov.u32 s9;
	[sflag:s20] =	ssyncset.done $0x0  }
0xd8: {  	s0 =	sadd.s32 $0x2700, s31;
	[sflag:s20] =	ssyncadd.s32 $0xFFFFC000  }
0xd9: {  	[tilespmem:s23], [sflag:$0x2] =	stream.indirect.gather [hbm4b:s4+s21], $0x80, s0, s21, $0xb8;
	[tilespmem:$0x1E800] =	vst v63  }
0xda: {  	_ =	swait.ge [sflag:s24], $0x4000  }
0xdb: {  	[sflag:s24] =	ssyncset.done $0x0  }
0xdc: {  	s9 =	sadd.s32 $0x2680, s31;
	[sflag:s24] =	ssyncadd.s32 $0xFFFFC000  }
0xdd: {  	[spmem:s1] =	stream.indirect.scatter.add.f32 [tilespmem:s22], [sflag:$0x3], $0x80, s9, s21, $0xb8;
	[tilespmem:$0x1E800] =	vst v63  }
0xde: {  	_ =	swait.ge [sflag:s20], $0x4000  }
0xdf: {  	[sflag:s20] =	ssyncset.done $0x0  }
0xe0: {  	s2 =	sadd.s32 $0x2800, s31;
	[sflag:s20] =	ssyncadd.s32 $0xFFFFC000  }
0xe1: {  	[tilespmem:s22], [sflag:$0x1] =	stream.indirect.gather [hbm4b:s4+s21], $0x80, s2, s21, $0xb8;
	[tilespmem:$0x1E800] =	vst v63  }
0xe2: {  	_ =	swait.ge [sflag:s25], $0x4000  }
0xe3: {  	[sflag:s25] =	ssyncset.done $0x0  }
0xe4: {  	s8 =	sadd.s32 $0x2780, s31;
	[sflag:s25] =	ssyncadd.s32 $0xFFFFC000  }
0xe5: {  	[spmem:s1] =	stream.indirect.scatter.add.f32 [tilespmem:s23], [sflag:$0x3], $0x80, s8, s21, $0xb8;
	[tilespmem:$0x1E800] =	vst v63  }
0xe6: {  	_ =	swait.ge [sflag:s20], $0x4000  }
0xe7: {  	[sflag:s20] =	ssyncset.done $0x0  }
0xe8: {  	[sflag:s20] =	ssyncadd.s32 $0xFFFFC000  }
0xe9: {  	[tilespmem:s23], [sflag:$0x2] =	stream.indirect.gather [hbm4b:s4+s21], $0x80, s26, s21, $0xb8;
	[tilespmem:$0x1E800] =	vst v63  }
0xea: {  	_ =	swait.ge [sflag:s24], $0x4000  }
0xeb: {  	[sflag:s24] =	ssyncset.done $0x0  }
0xec: {  	[sflag:s24] =	ssyncadd.s32 $0xFFFFC000  }
0xed: {  	[spmem:s1] =	stream.indirect.scatter.add.f32 [tilespmem:s22], [sflag:$0x3], $0x80, s28, s21, $0xb8;
	[tilespmem:$0x1E800] =	vst v63  }
0xee: {  	_ =	swait.ge [sflag:s20], $0x4000  }
0xef: {  	[sflag:s20] =	ssyncset.done $0x0  }
0xf0: {  	[sflag:s20] =	ssyncadd.s32 $0xFFFFC000  }
0xf1: {  	_ =	swait.ge [sflag:s25], $0x4000  }
0xf2: {  	[sflag:s25] =	ssyncset.done $0x0  }
0xf3: {  	[sflag:s25] =	ssyncadd.s32 $0xFFFFC000  }
0xf4: {  	[spmem:s1] =	stream.indirect.scatter.add.f32 [tilespmem:s23], [sflag:$0x3], $0x80, s29, s21, $0xb8;
	[tilespmem:$0x1E800] =	vst v63  }
0xf5: {  	_ =	swait.ge [sflag:s20], $0x4000  }
0xf6: {  	[sflag:s20] =	ssyncset.done $0x0  }
0xf7: {  	[sflag:s20] =	ssyncadd.s32 $0xFFFFC000  }
0xf8: {  	[tilespmem:s3], [sflag:$0x3] =	stream.linear.gather [hbm4b:s12+s3], $0x2800, $0x38;
	[tilespmem:$0x1E800] =	vst v63  }
0xf9: {  	_ =	swait.ge [sflag:s20], $0x2800  }
0xfa: {  	[sflag:s20] =	ssyncset.done $0x0  }
0xfb: {  	[sflag:s20] =	ssyncadd.s32 $0xFFFFD800  }
0xfc: {  	[tilespmem:s22], [sflag:$0x1] =	stream.indirect.gather [hbm4b:s4+s21], $0x80, s3, s21, $0xb8;
	[tilespmem:$0x1E800] =	vst v63  }
0xfd: {  	s9 =	simm.s32 $0x100  }
0xfe: {  	[tilespmem:s23], [sflag:$0x2] =	stream.indirect.gather [hbm4b:s4+s21], $0x80, s9, s21, $0xb8;
	[tilespmem:$0x1E800] =	vst v63  }
0xff: {  	_ =	swait.ge [sflag:s24], $0x4000  }
0x100: {  	[sflag:s24] =	ssyncset.done $0x0  }
0x101: {  	s2 =	simm.s32 $0x80;
	[sflag:s24] =	ssyncadd.s32 $0xFFFFC000  }
0x102: {  	[spmem:s1] =	stream.indirect.scatter.add.f32 [tilespmem:s22], [sflag:$0x3], $0x80, s2, s21, $0xb8;
	[tilespmem:$0x1E800] =	vst v63  }
0x103: {  	_ =	swait.ge [sflag:s20], $0x4000  }
0x104: {  	[sflag:s20] =	ssyncset.done $0x0  }
0x105: {  	s8 =	simm.s32 $0x200;
	[sflag:s20] =	ssyncadd.s32 $0xFFFFC000  }
0x106: {  	[tilespmem:s22], [sflag:$0x1] =	stream.indirect.gather [hbm4b:s4+s21], $0x80, s8, s21, $0xb8;
	[tilespmem:$0x1E800] =	vst v63  }
0x107: {  	_ =	swait.ge [sflag:s25], $0x4000  }
0x108: {  	[sflag:s25] =	ssyncset.done $0x0  }
0x109: {  	s9 =	simm.s32 $0x180;
	[sflag:s25] =	ssyncadd.s32 $0xFFFFC000  }
0x10a: {  	[spmem:s1] =	stream.indirect.scatter.add.f32 [tilespmem:s23], [sflag:$0x3], $0x80, s9, s21, $0xb8;
	[tilespmem:$0x1E800] =	vst v63  }
0x10b: {  	_ =	swait.ge [sflag:s20], $0x4000  }
0x10c: {  	s31 =	simm.s32 $0xFFFFDC00;
	s0 =	simm.s32 $0xFFFF7800;
	[sflag:s20] =	ssyncset.done $0x0  }
.LBB2_8:
0x10d: {  	s2 =	sadd.s32 $0x2700, s31  }
0x10e: {  	[sflag:s20] =	ssyncadd.s32 $0xFFFFC000;
	s8 =	smov.u32 s0;
	s9 =	sadd.s32 $0x800, s0  }
0x10f: {  	[tilespmem:s23], [sflag:$0x2] =	stream.indirect.gather [hbm4b:s4+s21], $0x80, s2, s21, $0xb8;
	[tilespmem:$0x1E800] =	vst v63  }
0x110: {  	p0 =	sne.s32 s0, $0xFFFFF800;
	_ =	swait.ge [sflag:s24], $0x4000  }
0x111: {  	[sflag:s24] =	ssyncset.done $0x0  }
0x112: {  	s0 =	sadd.s32 $0x2680, s31;
	[sflag:s24] =	ssyncadd.s32 $0xFFFFC000  }
0x113: {  	[spmem:s1] =	stream.indirect.scatter.add.f32 [tilespmem:s22], [sflag:$0x3], $0x80, s0, s21, $0xb8;
	[tilespmem:$0x1E800] =	vst v63  }
0x114: {  	_ =	swait.ge [sflag:s20], $0x4000  }
0x115: {  	[sflag:s20] =	ssyncset.done $0x0  }
0x116: {  	s0 =	sadd.s32 $0x2800, s31;
	[sflag:s20] =	ssyncadd.s32 $0xFFFFC000  }
0x117: {  	[tilespmem:s22], [sflag:$0x1] =	stream.indirect.gather [hbm4b:s4+s21], $0x80, s0, s21, $0xb8;
	[tilespmem:$0x1E800] =	vst v63  }
0x118: {  	_ =	swait.ge [sflag:s25], $0x4000  }
.Ltmp3:
0x119: {  	[sflag:s25] =	ssyncset.done $0x0;
	(pc) =	sbr.rel @p0 .LBB2_8-.Ltmp3, $4  }
0x11a: {  	s0 =	sadd.s32 $0x2780, s31;
	[sflag:s25] =	ssyncadd.s32 $0xFFFFC000  }
0x11b: {  	[spmem:s1] =	stream.indirect.scatter.add.f32 [tilespmem:s23], [sflag:$0x3], $0x80, s0, s21, $0xb8;
	[tilespmem:$0x1E800] =	vst v63  }
0x11c: {  	_ =	swait.ge [sflag:s20], $0x4000  }
0x11d: {  	s31 =	sshra.s32 s8, $0x2;
	s0 =	smov.u32 s9;
	[sflag:s20] =	ssyncset.done $0x0  }
0x11e: {  	s0 =	sadd.s32 $0x2700, s31;
	[sflag:s20] =	ssyncadd.s32 $0xFFFFC000  }
0x11f: {  	[tilespmem:s23], [sflag:$0x2] =	stream.indirect.gather [hbm4b:s4+s21], $0x80, s0, s21, $0xb8;
	[tilespmem:$0x1E800] =	vst v63  }
0x120: {  	_ =	swait.ge [sflag:s24], $0x4000  }
0x121: {  	[sflag:s24] =	ssyncset.done $0x0  }
0x122: {  	s9 =	sadd.s32 $0x2680, s31;
	[sflag:s24] =	ssyncadd.s32 $0xFFFFC000  }
0x123: {  	[spmem:s1] =	stream.indirect.scatter.add.f32 [tilespmem:s22], [sflag:$0x3], $0x80, s9, s21, $0xb8;
	[tilespmem:$0x1E800] =	vst v63  }
0x124: {  	_ =	swait.ge [sflag:s20], $0x4000  }
0x125: {  	[sflag:s20] =	ssyncset.done $0x0  }
0x126: {  	s2 =	sadd.s32 $0x2800, s31;
	[sflag:s20] =	ssyncadd.s32 $0xFFFFC000  }
0x127: {  	[tilespmem:s22], [sflag:$0x1] =	stream.indirect.gather [hbm4b:s4+s21], $0x80, s2, s21, $0xb8;
	[tilespmem:$0x1E800] =	vst v63  }
0x128: {  	_ =	swait.ge [sflag:s25], $0x4000  }
0x129: {  	[sflag:s25] =	ssyncset.done $0x0  }
0x12a: {  	s8 =	sadd.s32 $0x2780, s31;
	[sflag:s25] =	ssyncadd.s32 $0xFFFFC000  }
0x12b: {  	[spmem:s1] =	stream.indirect.scatter.add.f32 [tilespmem:s23], [sflag:$0x3], $0x80, s8, s21, $0xb8;
	[tilespmem:$0x1E800] =	vst v63  }
0x12c: {  	_ =	swait.ge [sflag:s20], $0x4000  }
0x12d: {  	[sflag:s20] =	ssyncset.done $0x0  }
0x12e: {  	[sflag:s20] =	ssyncadd.s32 $0xFFFFC000  }
0x12f: {  	[tilespmem:s23], [sflag:$0x2] =	stream.indirect.gather [hbm4b:s4+s21], $0x80, s26, s21, $0xb8;
	[tilespmem:$0x1E800] =	vst v63  }
0x130: {  	_ =	swait.ge [sflag:s24], $0x4000  }
0x131: {  	[sflag:s24] =	ssyncset.done $0x0  }
0x132: {  	[sflag:s24] =	ssyncadd.s32 $0xFFFFC000  }
0x133: {  	[spmem:s1] =	stream.indirect.scatter.add.f32 [tilespmem:s22], [sflag:$0x3], $0x80, s28, s21, $0xb8;
	[tilespmem:$0x1E800] =	vst v63  }
0x134: {  	_ =	swait.ge [sflag:s20], $0x4000  }
0x135: {  	[sflag:s20] =	ssyncset.done $0x0  }
0x136: {  	[sflag:s20] =	ssyncadd.s32 $0xFFFFC000  }
0x137: {  	_ =	swait.ge [sflag:s25], $0x4000  }
0x138: {  	[sflag:s25] =	ssyncset.done $0x0  }
0x139: {  	[sflag:s25] =	ssyncadd.s32 $0xFFFFC000  }
0x13a: {  	[spmem:s1] =	stream.indirect.scatter.add.f32 [tilespmem:s23], [sflag:$0x3], $0x80, s29, s21, $0xb8;
	[tilespmem:$0x1E800] =	vst v63  }
0x13b: {  	_ =	swait.ge [sflag:s20], $0x4000  }
0x13c: {  	[sflag:s20] =	ssyncset.done $0x0  }
0x13d: {  	[sflag:s20] =	ssyncadd.s32 $0xFFFFC000  }
0x13e: {  	[bflag:$0x0] =	sbarrier.arrive $0xFFFF  }
0x13f: {  	[hbm:s13], [sflag:s7] =	dma.local [spmem:s19], $0x2800  }
0x140: {  	_ =	swait.ge [sflag:s20], $0x2800  }
0x141: {  	[sflag:s20] =	ssyncset.done $0x0  }
0x142: {  	[sflag:s20] =	ssyncadd.s32 $0xFFFFD800  }
0x143: {  	[bflag:$0x0] =	sbarrier.arrive $0xFFFF  }
0x144: {  	[spmem:s19], [sflag:s7] =	dma.local [hbm:s15], $0x2800  }
0x145: {  	_ =	swait.ge [sflag:s20], $0x2800  }
0x146: {  	[sflag:s20] =	ssyncset.done $0x0  }
0x147: {  	[sflag:s20] =	ssyncadd.s32 $0xFFFFD800  }
0x148: {  	[tilespmem:s3], [sflag:$0x3] =	stream.linear.gather [hbm4b:s14+s3], $0x2800, $0x38;
	[tilespmem:$0x1E800] =	vst v63  }
0x149: {  	_ =	swait.ge [sflag:s20], $0x2800  }
0x14a: {  	[sflag:s20] =	ssyncset.done $0x0  }
0x14b: {  	[sflag:s20] =	ssyncadd.s32 $0xFFFFD800  }
0x14c: {  	[tilespmem:s22], [sflag:$0x1] =	stream.indirect.gather [hbm4b:s4+s21], $0x80, s3, s21, $0xb8;
	[tilespmem:$0x1E800] =	vst v63  }
0x14d: {  	s9 =	simm.s32 $0x100;
	[bflag:$0x0] =	sbarrier.arrive $0xFFFF  }
0x14e: {  	[tilespmem:s23], [sflag:$0x2] =	stream.indirect.gather [hbm4b:s4+s21], $0x80, s9, s21, $0xb8;
	[tilespmem:$0x1E800] =	vst v63  }
0x14f: {  	_ =	swait.ge [sflag:s24], $0x4000  }
0x150: {  	[sflag:s24] =	ssyncset.done $0x0  }
0x151: {  	s2 =	simm.s32 $0x80;
	[sflag:s24] =	ssyncadd.s32 $0xFFFFC000  }
0x152: {  	[spmem:s1] =	stream.indirect.scatter.add.f32 [tilespmem:s22], [sflag:$0x3], $0x80, s2, s21, $0xb8;
	[tilespmem:$0x1E800] =	vst v63  }
0x153: {  	_ =	swait.ge [sflag:s20], $0x4000  }
0x154: {  	[sflag:s20] =	ssyncset.done $0x0  }
0x155: {  	s8 =	simm.s32 $0x200;
	[sflag:s20] =	ssyncadd.s32 $0xFFFFC000  }
0x156: {  	[tilespmem:s22], [sflag:$0x1] =	stream.indirect.gather [hbm4b:s4+s21], $0x80, s8, s21, $0xb8;
	[tilespmem:$0x1E800] =	vst v63  }
0x157: {  	_ =	swait.ge [sflag:s25], $0x4000  }
0x158: {  	[sflag:s25] =	ssyncset.done $0x0  }
0x159: {  	s9 =	simm.s32 $0x180;
	[sflag:s25] =	ssyncadd.s32 $0xFFFFC000  }
0x15a: {  	[spmem:s1] =	stream.indirect.scatter.add.f32 [tilespmem:s23], [sflag:$0x3], $0x80, s9, s21, $0xb8;
	[tilespmem:$0x1E800] =	vst v63  }
0x15b: {  	_ =	swait.ge [sflag:s20], $0x4000  }
0x15c: {  	s31 =	simm.s32 $0xFFFFDC00;
	s0 =	simm.s32 $0xFFFF7800;
	[sflag:s20] =	ssyncset.done $0x0  }
.LBB2_10:
0x15d: {  	s2 =	sadd.s32 $0x2700, s31  }
0x15e: {  	[sflag:s20] =	ssyncadd.s32 $0xFFFFC000;
	s8 =	smov.u32 s0;
	s9 =	sadd.s32 $0x800, s0  }
0x15f: {  	[tilespmem:s23], [sflag:$0x2] =	stream.indirect.gather [hbm4b:s4+s21], $0x80, s2, s21, $0xb8;
	[tilespmem:$0x1E800] =	vst v63  }
0x160: {  	p0 =	sne.s32 s0, $0xFFFFF800;
	_ =	swait.ge [sflag:s24], $0x4000  }
0x161: {  	[sflag:s24] =	ssyncset.done $0x0  }
0x162: {  	s0 =	sadd.s32 $0x2680, s31;
	[sflag:s24] =	ssyncadd.s32 $0xFFFFC000  }
0x163: {  	[spmem:s1] =	stream.indirect.scatter.add.f32 [tilespmem:s22], [sflag:$0x3], $0x80, s0, s21, $0xb8;
	[tilespmem:$0x1E800] =	vst v63  }
0x164: {  	_ =	swait.ge [sflag:s20], $0x4000  }
0x165: {  	[sflag:s20] =	ssyncset.done $0x0  }
0x166: {  	s0 =	sadd.s32 $0x2800, s31;
	[sflag:s20] =	ssyncadd.s32 $0xFFFFC000  }
0x167: {  	[tilespmem:s22], [sflag:$0x1] =	stream.indirect.gather [hbm4b:s4+s21], $0x80, s0, s21, $0xb8;
	[tilespmem:$0x1E800] =	vst v63  }
0x168: {  	_ =	swait.ge [sflag:s25], $0x4000  }
.Ltmp4:
0x169: {  	[sflag:s25] =	ssyncset.done $0x0;
	(pc) =	sbr.rel @p0 .LBB2_10-.Ltmp4, $4  }
0x16a: {  	s0 =	sadd.s32 $0x2780, s31;
	[sflag:s25] =	ssyncadd.s32 $0xFFFFC000  }
0x16b: {  	[spmem:s1] =	stream.indirect.scatter.add.f32 [tilespmem:s23], [sflag:$0x3], $0x80, s0, s21, $0xb8;
	[tilespmem:$0x1E800] =	vst v63  }
0x16c: {  	_ =	swait.ge [sflag:s20], $0x4000  }
0x16d: {  	s31 =	sshra.s32 s8, $0x2;
	s0 =	smov.u32 s9;
	[sflag:s20] =	ssyncset.done $0x0  }
0x16e: {  	s0 =	sadd.s32 $0x2700, s31;
	[sflag:s20] =	ssyncadd.s32 $0xFFFFC000  }
0x16f: {  	[tilespmem:s23], [sflag:$0x2] =	stream.indirect.gather [hbm4b:s4+s21], $0x80, s0, s21, $0xb8;
	[tilespmem:$0x1E800] =	vst v63  }
0x170: {  	_ =	swait.ge [sflag:s24], $0x4000  }
0x171: {  	[sflag:s24] =	ssyncset.done $0x0  }
0x172: {  	s9 =	sadd.s32 $0x2680, s31;
	[sflag:s24] =	ssyncadd.s32 $0xFFFFC000  }
0x173: {  	[spmem:s1] =	stream.indirect.scatter.add.f32 [tilespmem:s22], [sflag:$0x3], $0x80, s9, s21, $0xb8;
	[tilespmem:$0x1E800] =	vst v63  }
0x174: {  	_ =	swait.ge [sflag:s20], $0x4000  }
0x175: {  	[sflag:s20] =	ssyncset.done $0x0  }
0x176: {  	s2 =	sadd.s32 $0x2800, s31;
	[sflag:s20] =	ssyncadd.s32 $0xFFFFC000  }
0x177: {  	[tilespmem:s22], [sflag:$0x1] =	stream.indirect.gather [hbm4b:s4+s21], $0x80, s2, s21, $0xb8;
	[tilespmem:$0x1E800] =	vst v63  }
0x178: {  	_ =	swait.ge [sflag:s25], $0x4000  }
0x179: {  	[sflag:s25] =	ssyncset.done $0x0  }
0x17a: {  	s8 =	sadd.s32 $0x2780, s31;
	[sflag:s25] =	ssyncadd.s32 $0xFFFFC000  }
0x17b: {  	[spmem:s1] =	stream.indirect.scatter.add.f32 [tilespmem:s23], [sflag:$0x3], $0x80, s8, s21, $0xb8;
	[tilespmem:$0x1E800] =	vst v63  }
0x17c: {  	_ =	swait.ge [sflag:s20], $0x4000  }
0x17d: {  	[sflag:s20] =	ssyncset.done $0x0  }
0x17e: {  	[sflag:s20] =	ssyncadd.s32 $0xFFFFC000  }
0x17f: {  	[tilespmem:s23], [sflag:$0x2] =	stream.indirect.gather [hbm4b:s4+s21], $0x80, s26, s21, $0xb8;
	[tilespmem:$0x1E800] =	vst v63  }
0x180: {  	_ =	swait.ge [sflag:s24], $0x4000  }
0x181: {  	[sflag:s24] =	ssyncset.done $0x0  }
0x182: {  	[sflag:s24] =	ssyncadd.s32 $0xFFFFC000  }
0x183: {  	[spmem:s1] =	stream.indirect.scatter.add.f32 [tilespmem:s22], [sflag:$0x3], $0x80, s28, s21, $0xb8;
	[tilespmem:$0x1E800] =	vst v63  }
0x184: {  	_ =	swait.ge [sflag:s20], $0x4000  }
0x185: {  	[sflag:s20] =	ssyncset.done $0x0  }
0x186: {  	[sflag:s20] =	ssyncadd.s32 $0xFFFFC000  }
0x187: {  	_ =	swait.ge [sflag:s25], $0x4000  }
0x188: {  	[sflag:s25] =	ssyncset.done $0x0  }
0x189: {  	[sflag:s25] =	ssyncadd.s32 $0xFFFFC000  }
0x18a: {  	[spmem:s1] =	stream.indirect.scatter.add.f32 [tilespmem:s23], [sflag:$0x3], $0x80, s29, s21, $0xb8;
	[tilespmem:$0x1E800] =	vst v63  }
0x18b: {  	_ =	swait.ge [sflag:s20], $0x4000  }
0x18c: {  	[sflag:s20] =	ssyncset.done $0x0  }
0x18d: {  	[sflag:s20] =	ssyncadd.s32 $0xFFFFC000  }
0x18e: {  	[tilespmem:s3], [sflag:$0x3] =	stream.linear.gather [hbm4b:s16+s3], $0x2800, $0x38;
	[tilespmem:$0x1E800] =	vst v63  }
0x18f: {  	_ =	swait.ge [sflag:s20], $0x2800  }
0x190: {  	[sflag:s20] =	ssyncset.done $0x0  }
0x191: {  	[sflag:s20] =	ssyncadd.s32 $0xFFFFD800  }
0x192: {  	[tilespmem:s22], [sflag:$0x1] =	stream.indirect.gather [hbm4b:s4+s21], $0x80, s3, s21, $0xb8;
	[tilespmem:$0x1E800] =	vst v63  }
0x193: {  	s9 =	simm.s32 $0x100  }
0x194: {  	[tilespmem:s23], [sflag:$0x2] =	stream.indirect.gather [hbm4b:s4+s21], $0x80, s9, s21, $0xb8;
	[tilespmem:$0x1E800] =	vst v63  }
0x195: {  	_ =	swait.ge [sflag:s24], $0x4000  }
0x196: {  	[sflag:s24] =	ssyncset.done $0x0  }
0x197: {  	s2 =	simm.s32 $0x80;
	[sflag:s24] =	ssyncadd.s32 $0xFFFFC000  }
0x198: {  	[spmem:s1] =	stream.indirect.scatter.add.f32 [tilespmem:s22], [sflag:$0x3], $0x80, s2, s21, $0xb8;
	[tilespmem:$0x1E800] =	vst v63  }
0x199: {  	_ =	swait.ge [sflag:s20], $0x4000  }
0x19a: {  	[sflag:s20] =	ssyncset.done $0x0  }
0x19b: {  	s8 =	simm.s32 $0x200;
	[sflag:s20] =	ssyncadd.s32 $0xFFFFC000  }
0x19c: {  	[tilespmem:s22], [sflag:$0x1] =	stream.indirect.gather [hbm4b:s4+s21], $0x80, s8, s21, $0xb8;
	[tilespmem:$0x1E800] =	vst v63  }
0x19d: {  	_ =	swait.ge [sflag:s25], $0x4000  }
0x19e: {  	[sflag:s25] =	ssyncset.done $0x0  }
0x19f: {  	s9 =	simm.s32 $0x180;
	[sflag:s25] =	ssyncadd.s32 $0xFFFFC000  }
0x1a0: {  	[spmem:s1] =	stream.indirect.scatter.add.f32 [tilespmem:s23], [sflag:$0x3], $0x80, s9, s21, $0xb8;
	[tilespmem:$0x1E800] =	vst v63  }
0x1a1: {  	_ =	swait.ge [sflag:s20], $0x4000  }
0x1a2: {  	s31 =	simm.s32 $0xFFFFDC00;
	s0 =	simm.s32 $0xFFFF7800;
	[sflag:s20] =	ssyncset.done $0x0  }
.LBB2_12:
0x1a3: {  	s2 =	sadd.s32 $0x2700, s31  }
0x1a4: {  	[sflag:s20] =	ssyncadd.s32 $0xFFFFC000;
	s8 =	smov.u32 s0;
	s9 =	sadd.s32 $0x800, s0  }
0x1a5: {  	[tilespmem:s23], [sflag:$0x2] =	stream.indirect.gather [hbm4b:s4+s21], $0x80, s2, s21, $0xb8;
	[tilespmem:$0x1E800] =	vst v63  }
0x1a6: {  	p0 =	sne.s32 s0, $0xFFFFF800;
	_ =	swait.ge [sflag:s24], $0x4000  }
0x1a7: {  	[sflag:s24] =	ssyncset.done $0x0  }
0x1a8: {  	s0 =	sadd.s32 $0x2680, s31;
	[sflag:s24] =	ssyncadd.s32 $0xFFFFC000  }
0x1a9: {  	[spmem:s1] =	stream.indirect.scatter.add.f32 [tilespmem:s22], [sflag:$0x3], $0x80, s0, s21, $0xb8;
	[tilespmem:$0x1E800] =	vst v63  }
0x1aa: {  	_ =	swait.ge [sflag:s20], $0x4000  }
0x1ab: {  	[sflag:s20] =	ssyncset.done $0x0  }
0x1ac: {  	s0 =	sadd.s32 $0x2800, s31;
	[sflag:s20] =	ssyncadd.s32 $0xFFFFC000  }
0x1ad: {  	[tilespmem:s22], [sflag:$0x1] =	stream.indirect.gather [hbm4b:s4+s21], $0x80, s0, s21, $0xb8;
	[tilespmem:$0x1E800] =	vst v63  }
0x1ae: {  	_ =	swait.ge [sflag:s25], $0x4000  }
.Ltmp5:
0x1af: {  	[sflag:s25] =	ssyncset.done $0x0;
	(pc) =	sbr.rel @p0 .LBB2_12-.Ltmp5, $4  }
0x1b0: {  	s0 =	sadd.s32 $0x2780, s31;
	[sflag:s25] =	ssyncadd.s32 $0xFFFFC000  }
0x1b1: {  	[spmem:s1] =	stream.indirect.scatter.add.f32 [tilespmem:s23], [sflag:$0x3], $0x80, s0, s21, $0xb8;
	[tilespmem:$0x1E800] =	vst v63  }
0x1b2: {  	_ =	swait.ge [sflag:s20], $0x4000  }
0x1b3: {  	s31 =	sshra.s32 s8, $0x2;
	s0 =	smov.u32 s9;
	[sflag:s20] =	ssyncset.done $0x0  }
0x1b4: {  	s0 =	sadd.s32 $0x2700, s31;
	[sflag:s20] =	ssyncadd.s32 $0xFFFFC000  }
0x1b5: {  	[tilespmem:s23], [sflag:$0x2] =	stream.indirect.gather [hbm4b:s4+s21], $0x80, s0, s21, $0xb8;
	[tilespmem:$0x1E800] =	vst v63  }
0x1b6: {  	_ =	swait.ge [sflag:s24], $0x4000  }
0x1b7: {  	[sflag:s24] =	ssyncset.done $0x0  }
0x1b8: {  	s8 =	sadd.s32 $0x2680, s31;
	[sflag:s24] =	ssyncadd.s32 $0xFFFFC000  }
0x1b9: {  	[spmem:s1] =	stream.indirect.scatter.add.f32 [tilespmem:s22], [sflag:$0x3], $0x80, s8, s21, $0xb8;
	[tilespmem:$0x1E800] =	vst v63  }
0x1ba: {  	_ =	swait.ge [sflag:s20], $0x4000  }
0x1bb: {  	[sflag:s20] =	ssyncset.done $0x0  }
0x1bc: {  	s9 =	sadd.s32 $0x2800, s31;
	[sflag:s20] =	ssyncadd.s32 $0xFFFFC000  }
0x1bd: {  	[tilespmem:s22], [sflag:$0x1] =	stream.indirect.gather [hbm4b:s4+s21], $0x80, s9, s21, $0xb8;
	[tilespmem:$0x1E800] =	vst v63  }
0x1be: {  	_ =	swait.ge [sflag:s25], $0x4000  }
0x1bf: {  	[sflag:s25] =	ssyncset.done $0x0  }
0x1c0: {  	s31 =	sadd.s32 $0x2780, s31;
	[sflag:s25] =	ssyncadd.s32 $0xFFFFC000  }
0x1c1: {  	[spmem:s1] =	stream.indirect.scatter.add.f32 [tilespmem:s23], [sflag:$0x3], $0x80, s31, s21, $0xb8;
	[tilespmem:$0x1E800] =	vst v63  }
0x1c2: {  	_ =	swait.ge [sflag:s20], $0x4000  }
0x1c3: {  	[sflag:s20] =	ssyncset.done $0x0  }
0x1c4: {  	[sflag:s20] =	ssyncadd.s32 $0xFFFFC000  }
0x1c5: {  	[tilespmem:s23], [sflag:$0x2] =	stream.indirect.gather [hbm4b:s4+s21], $0x80, s26, s21, $0xb8;
	[tilespmem:$0x1E800] =	vst v63  }
0x1c6: {  	_ =	swait.ge [sflag:s24], $0x4000  }
0x1c7: {  	[sflag:s24] =	ssyncset.done $0x0  }
0x1c8: {  	[sflag:s24] =	ssyncadd.s32 $0xFFFFC000  }
0x1c9: {  	[spmem:s1] =	stream.indirect.scatter.add.f32 [tilespmem:s22], [sflag:$0x3], $0x80, s28, s21, $0xb8;
	[tilespmem:$0x1E800] =	vst v63  }
0x1ca: {  	_ =	swait.ge [sflag:s20], $0x4000  }
0x1cb: {  	[sflag:s20] =	ssyncset.done $0x0  }
0x1cc: {  	[sflag:s20] =	ssyncadd.s32 $0xFFFFC000  }
0x1cd: {  	_ =	swait.ge [sflag:s25], $0x4000  }
0x1ce: {  	[sflag:s25] =	ssyncset.done $0x0  }
0x1cf: {  	[sflag:s25] =	ssyncadd.s32 $0xFFFFC000  }
0x1d0: {  	[spmem:s1] =	stream.indirect.scatter.add.f32 [tilespmem:s23], [sflag:$0x3], $0x80, s29, s21, $0xb8;
	[tilespmem:$0x1E800] =	vst v63  }
0x1d1: {  	_ =	swait.ge [sflag:s20], $0x4000  }
0x1d2: {  	[sflag:s20] =	ssyncset.done $0x0  }
0x1d3: {  	s30 =	sadd.s32 $0x1, s30;
	[sflag:s20] =	ssyncadd.s32 $0xFFFFC000  }
0x1d4: {  	p0 =	sne.s32 s30, s18;
	[bflag:$0x0] =	sbarrier.arrive $0xFFFF  }
0x1d5: {  	[hbm:s17], [sflag:s7] =	dma.local [spmem:s19], $0x2800  }
.Ltmp6:
0x1d6: {  	_ =	swait.ge [sflag:s20], $0x2800;
	(pc) =	sbr.rel @p0 .LBB2_1-.Ltmp6, $3  }
0x1d7: {  	[sflag:s20] =	ssyncset.done $0x0  }
0x1d8: {  	[sflag:s20] =	ssyncadd.s32 $0xFFFFD800  }
0x1d9: {  	[bflag:$0x0] =	sbarrier.arrive $0xFFFF;
	_ =	sdelay $0x1  }
0x1da: {  	_ =	sfence.sel $0x180000  }
0x1db: {  	[bflag:$0x0] =	sbarrier.arrive $0xFFFF  }
0x1dc: {  	_ =	strace $0x9000004A  }
0x1dd: {  	s0 =	stileid.u32;
	[bflag:$0x2] =	sbarrier.arrive $0xFFFF  }
0x1de: {  	p0 =	sne.s32 s0, $0x0;
	s0 =	rddreg [dreg:$0x2]  }
0x1df: {  	s0 =	sadd.s32 @!p0 $0x100000, s0  }
0x1e0: {  	[sflag:s0] =	ssyncadd.tile.s32 @!p0 $0x1;
	_ =	shalt  }
.Lfunc_end2:
_tile_overlayer_lowered:
.L_overlay_start_2:
0x1e1: {  	(tag) =	ssettag $0x2  }
0x1e2: {  	s0 =	rddreg [dreg:$0x0];
	s2 =	stileid.u32  }
0x1e3: {  	s1 =	rddreg [dreg:$0x1];
	p0 =	sne.s32 s2, $0x0  }
0x1e4: {  	s3 =	rddreg [dreg:$0x2];
	[bflag:$0x3] =	sbarrier.arrive $0xFFFF;
	s2 =	simm.s32 @!p0 $0x1C03  }
0x1e5: {  	[timem:s3], [sflag:s2] =	dma.local @!p0 [hbm:s0], s1  }
0x1e6: {  	s0 =	simm.s32 @!p0 $0x3  }
0x1e7: {  	_ =	swait.ge @!p0 [sflag:s0], s1  }
0x1e8: {  	s1 =	ssub.s32 @!p0 $0x0, s1;
	[sflag:s0] =	ssyncset.done @!p0 $0x0  }
0x1e9: {  	[sflag:s0] =	ssyncadd.s32 @!p0 s1  }
0x1ea: {  	[bflag:$0x3] =	sbarrier.arrive $0xFFFF  }
0x1eb: {  	_ =	shalt  }

// kernel: kernel.14.cloned.1.call-start
scs
__scs_entry_jumppad:
0x0: {  	(pc) =	sbr.rel $0x88, $3  }
0x1: {  	(tag) =	ssettag $0x0;
	lr =	simm.s32 $0x1  }
0x2: {  	[smem:$0x3F95] =	sst lr;
	_ =	strace $0xD0000000  }
0x3: {  	_ = 	snop  }
0x4: {  	_ = 	snop  }
0x5: {  	_ = 	snop  }
0x6: {  	_ = 	snop  }
0x7: {  	_ = 	snop  }
__scs_overlays_trampoline_lowered:
0x8: {  	[smem:$0x3FA4] =	sst s0  }
0x9: {  	[smem:$0x3FA5] =	sst s1  }
0xa: {  	[smem:$0x3FA6] =	sst s2  }
0xb: {  	[smem:$0x3FA7] =	sst s3  }
0xc: {  	[smem:$0x3FA8] =	sst s4  }
0xd: {  	[smem:$0x3FA9] =	sst s5  }
0xe: {  	[smem:$0x3FAA] =	sst s6  }
0xf: {  	[smem:$0x3FAB] =	sst s7  }
0x10: {  	[smem:$0x3FAC] =	sst s8  }
0x11: {  	[smem:$0x3FAD] =	sst s9;
	s0 =	simm.s32 @!p0 $0x0  }
0x12: {  	s1 =	sld [smem:$0x3F93];
	s0 =	simm.s32 @p0 $0x1  }
0x13: {  	[smem:$0x3FAE] =	sst s0;
	s0 =	simm.s32 @!p1 $0x0  }
0x14: {  	s2 =	sld [smem:$0x3F92];
	s0 =	simm.s32 @p1 $0x1  }
0x15: {  	[smem:$0x3FAF] =	sst s0;
	s0 =	simm.s32 @!p2 $0x0  }
0x16: {  	s3 =	sld [smem:$0x3FDB];
	s0 =	simm.s32 @p2 $0x1  }
0x17: {  	s4 =	simm.s32 $0x1BF5;
	[smem:$0x3FB1] =	sst s0  }
0x18: {  	s0 =	sld [smem:$0x3F94];
	_ =	swait.ge [sflag:s4], $0x0  }
0x19: {  	s7 =	sld [smem:$0x3F95]  }
0x1a: {  	s8 =	sadd.s32 $0xFFFFE003, lr  }
0x1b: {  	s9 =	sadd.s32 $0xFFFFFEF7, lr;
	s5 =	simm.s32 $0xFFFFFFFF;
	p2 =	slt.u32 s8, $0xFFFFF086  }
0x1c: {  	p1 =	slt.u32 s9, $0xF7A;
	s5 =	simm.s32 @!p2 $0x0  }
0x1d: {  	s5 =	simm.s32 @p1 $0x1;
	p0 =	seq.s32 s7, s2  }
0x1e: {  	s7 =	smul.u32 @!p0 $0xF7A, s2;
	p2 =	seq.s32 @!p0 s5, $0x0  }
0x1f: {  	s9 =	smul.u32 $0xF7A, s1;
	s8 =	simm.s32 @!p0 $0x1BF5;
	p2 =	por !p2, p0  }
0x20: {  	[sflag:s8] =	ssyncset.s32 @!p0 $0xFFFFF086;
	s6 =	sadd.s32 @!p0 s3, s7;
	s7 =	simm.s32 @!p0 $0x108  }
0x21: {  	s3 =	sadd.s32 s3, s9;
	s6 =	sadd.s32 @!p0 $0x88, s6;
	s7 =	simm.s32 @p2 $0x1082  }
0x22: {  	[simem:s7], [sflag:s8] =	dma.local @!p0 [hbm:s6], $0xF7A  }
0x23: {  	s9 =	sor.u32 $0xD0000000, s2;
	s6 =	simm.s32 $0x108;
	_ =	swait.ge @!p0 [sflag:s8], $0x0  }
0x24: {  	s3 =	sadd.s32 $0x88, s3;
	s6 =	simm.s32 @!p1 $0x1082;
	[sflag:s4] =	ssyncset.s32 $0xFFFFF086  }
0x25: {  	[simem:s6], [sflag:s4] =	dma.local [hbm:s3], $0xF7A  }
0x26: {  	[smem:$0x3F95] =	sst s1;
	(tag) =	ssettag s2;
	_ =	strace s9  }
0x27: {  	s1 =	sld [smem:$0x3FA5]  }
0x28: {  	s2 =	sld [smem:$0x3FA6]  }
0x29: {  	s4 =	sld [smem:$0x3FA8]  }
0x2a: {  	p0 =	seq.s32 s5, $0x0;
	s5 =	sld [smem:$0x3FA9]  }
0x2b: {  	s6 =	sld [smem:$0x3FAA]  }
0x2c: {  	s7 =	sld [smem:$0x3FAB]  }
0x2d: {  	s3 =	simm.s32 $0x108;
	s8 =	sld [smem:$0x3FAC]  }
0x2e: {  	s3 =	simm.s32 @!p0 $0x1082;
	s9 =	sld [smem:$0x3FAD]  }
0x2f: {  	lr =	sadd.s32 s0, s3;
	s0 =	sld [smem:$0x3FA4]  }
0x30: {  	s3 =	sld [smem:$0x3FA7]  }
0x31: {  	[smem:$0x3FB0] =	sst s10  }
0x32: {  	s10 =	sld [smem:$0x3FAE];
	_ =	sdelay $0x3  }
0x33: {  	p0 =	seq.s32 s10, $0x1;
	s10 =	sld [smem:$0x3FB0];
	_ =	sdelay $0x3  }
0x34: {  	[smem:$0x3FB0] =	sst s10  }
0x35: {  	s10 =	sld [smem:$0x3FAF];
	_ =	sdelay $0x3  }
0x36: {  	p1 =	seq.s32 s10, $0x1;
	s10 =	sld [smem:$0x3FB0];
	_ =	sdelay $0x3  }
0x37: {  	[smem:$0x3FB0] =	sst s10  }
0x38: {  	s10 =	sld [smem:$0x3FB1]  }
0x39: {  	_ = 	snop;
	(pc) =	sbr.ind lr, $3  }
0x3a: {  	_ = 	snop  }
0x3b: {  	_ = 	snop  }
0x3c: {  	p2 =	seq.s32 s10, $0x1;
	s10 =	sld [smem:$0x3FB0]  }
0x3d: {  	_ =	shalt  }
0x3e: {  	_ =	shalt  }
0x3f: {  	_ =	shalt  }
0x40: {  	_ =	shalt  }
0x41: {  	_ =	shalt  }
0x42: {  	_ =	shalt  }
0x43: {  	_ =	shalt  }
0x44: {  	_ =	shalt  }
0x45: {  	_ =	shalt  }
0x46: {  	_ =	shalt  }
0x47: {  	_ =	shalt  }
0x48: {  	_ =	shalt  }
0x49: {  	_ =	shalt  }
0x4a: {  	_ =	shalt  }
0x4b: {  	_ =	shalt  }
0x4c: {  	_ =	shalt  }
0x4d: {  	_ =	shalt  }
0x4e: {  	_ =	shalt  }
0x4f: {  	_ =	shalt  }
0x50: {  	_ =	shalt  }
0x51: {  	_ =	shalt  }
0x52: {  	_ =	shalt  }
0x53: {  	_ =	shalt  }
0x54: {  	_ =	shalt  }
0x55: {  	_ =	shalt  }
0x56: {  	_ =	shalt  }
0x57: {  	_ =	shalt  }
0x58: {  	_ =	shalt  }
0x59: {  	_ =	shalt  }
0x5a: {  	_ =	shalt  }
0x5b: {  	_ =	shalt  }
0x5c: {  	_ =	shalt  }
0x5d: {  	_ =	shalt  }
0x5e: {  	_ =	shalt  }
0x5f: {  	_ =	shalt  }
0x60: {  	_ =	shalt  }
0x61: {  	_ =	shalt  }
0x62: {  	_ =	shalt  }
0x63: {  	_ =	shalt  }
0x64: {  	_ =	shalt  }
0x65: {  	_ =	shalt  }
0x66: {  	_ =	shalt  }
0x67: {  	_ =	shalt  }
0x68: {  	_ =	shalt  }
0x69: {  	_ =	shalt  }
0x6a: {  	_ =	shalt  }
0x6b: {  	_ =	shalt  }
0x6c: {  	_ =	shalt  }
0x6d: {  	_ =	shalt  }
0x6e: {  	_ =	shalt  }
0x6f: {  	_ =	shalt  }
0x70: {  	_ =	shalt  }
0x71: {  	_ =	shalt  }
0x72: {  	_ =	shalt  }
0x73: {  	_ =	shalt  }
0x74: {  	_ =	shalt  }
0x75: {  	_ =	shalt  }
0x76: {  	_ =	shalt  }
0x77: {  	_ =	shalt  }
0x78: {  	_ =	shalt  }
0x79: {  	_ =	shalt  }
0x7a: {  	_ =	shalt  }
0x7b: {  	_ =	shalt  }
0x7c: {  	_ =	shalt  }
0x7d: {  	_ =	shalt  }
0x7e: {  	_ =	shalt  }
0x7f: {  	_ =	shalt  }
0x80: {  	_ =	shalt  }
0x81: {  	_ =	shalt  }
0x82: {  	_ =	shalt  }
0x83: {  	_ =	shalt  }
0x84: {  	_ =	shalt  }
0x85: {  	_ =	shalt  }
0x86: {  	_ =	shalt  }
0x87: {  	_ =	shalt  }
.Lfunc_end0:
.L_simem_size_0:
called_computation.2_lowered:
.L_overlay_start_0:
0x88: {  	s2 =	sld [smem:$0x3FD9]  }
0x89: {  	s3 =	sld [smem:$0x3FFE];
	_ =	sdelay $0x1  }
0x8a: {  	s1 =	srdreg.scid  }
0x8b: {  	s0 =	sand.u32 $0x1, s1  }
0x8c: {  	s16 =	sshll.u32 s0, $0xA;
	s2 =	sadd.s32 s3, s2  }
0x8d: {  	s2 =	sadd.s32 s2, s16  }
0x8e: {  	[smem:$0x3FBC] =	sst s2  }
0x8f: {  	_ = 	snop  }
0x90: {  	(tm) =	ssettm $0x1  }
0x91: {  	s17 =	sld [smem:$0x3FFB];
	_ =	sdelay $0x3  }
0x92: {  	_ =	strace s17  }
0x93: {  	s2 =	sld [smem:$0x3FFC];
	_ =	sdelay $0x3  }
0x94: {  	_ =	strace s2  }
0x95: {  	s2 =	sld [smem:$0x3FFD];
	_ =	sdelay $0x3  }
0x96: {  	_ =	strace s2  }
0x97: {  	_ =	strace $0x8FFFFFFF  }
0x98: {  	s18 =	sld [smem:$0x3FDB];
	_ =	sdelay $0x1  }
0x99: {  	s19 =	simm.s32 $_scs_section_size  }
0x9a: {  	s4 =	simm.s32 $_size__tile_overlayer_lowered;
	s5 =	simm.s32 $_tile_overlayer_lowered  }
0x9b: {  	s22 =	simm.s32 $0x1BFF;
	s21 =	sshll.u32 s5, $0x1;
	s2 =	sadd.s32 s19, s18  }
0x9c: {  	s6 =	simm.s32 $0x0;
	s20 =	sshll.u32 s4, $0x1;
	s4 =	sadd.s32 s21, s2  }
0x9d: {  	[timem:s6], [sflag:s22] =	dma.local [hbm:s4], s20  }
0x9e: {  	_ =	swait.ge [sflag:s22], s20  }
0x9f: {  	s3 =	ssub.s32 $0x0, s20;
	[sflag:s22] =	ssyncset.done $0x0  }
0xa0: {  	[sflag:s22] =	ssyncadd.s32 s3;
	_ =	sdelay $0x1  }
0xa1: {  	s23 =	simm.s32 $0x1B8B  }
0xa2: {  	_ =	swait.ge [sflag:s23], $0x1  }
0xa3: {  	[sflag:s23] =	ssyncset.done $0x0  }
0xa4: {  	s25 =	simm.s32 $0x1B8E;
	s24 =	sld [smem:$0x3FFE];
	[sflag:s23] =	ssyncadd.s32 $0xFFFFFFFF  }
0xa5: {  	s26 =	simm.s32 $execute0_lowered;
	[smem:$0x3FD2] =	sst s25  }
0xa6: {  	s4 =	sshll.u32 s26, $0x1;
	_ =	strace $0x8000004C;
	[dreg:$0x1] =	wrdreg $0xFFFFFFFF  }
0xa7: {  	s28 =	simm.s32 $_size_execute0_lowered;
	s2 =	sadd.s32 s2, s4;
	[dreg:$0x0] =	wrdreg $0x0  }
0xa8: {  	s4 =	sshll.u32 s28, $0x1;
	[dreg:$0x2] =	wrdreg s2  }
0xa9: {  	[dreg:$0x3] =	wrdreg s4  }
0xaa: {  	[dreg:$0x4] =	wrdreg $0xC0  }
0xab: {  	_ =	task [dreg:s6], $0x5FFFF  }
0xac: {  	[dreg:$0x1] =	wrdreg $0xFFFFFFFF  }
0xad: {  	[dreg:$0x0] =	wrdreg $0x60  }
0xae: {  	[dreg:$0x2] =	wrdreg s24  }
0xaf: {  	[dreg:$0x3] =	wrdreg $0xA8000  }
0xb0: {  	[dreg:$0x4] =	wrdreg $0x9  }
0xb1: {  	_ =	task.clear_ibuf [dreg:s6], $0x5FFFF;
	_ =	strace $0x9000004C  }
0xb2: {  	s29 =	simm.s32 $0x9;
	_ =	strace $0x8000004E  }
0xb3: {  	_ =	swait.ge [sflag:s29], $0x1  }
0xb4: {  	[sflag:s29] =	ssyncadd.s32 $0xFFFFFFFF  }
0xb5: {  	_ =	strace $0x9000004E  }
0xb6: {  	_ =	sfence  }
0xb7: {  	s30 =	sld [smem:$0x0];
	_ =	sdelay $0x2  }
0xb8: {  	s31 =	sshll.u32 s1, $0xD;
	s1 =	sshrl.u32 s1, $0x2  }
0xb9: {  	s3 =	sand.u32 $0x4000, s31;
	s1 =	sadd.s32 s1, s30  }
0xba: {  	s0 =	sor.u32 s3, s0;
	s1 =	sshll.u32 s1, $0x11  }
0xbb: {  	s0 =	sor.u32 s1, s0  }
0xbc: {  	s0 =	sadd.s32 $0x8F2B, s0  }
0xbd: {  	[sflag:s0] =	ssyncadd.remote.s32 $0x1  }
0xbe: {  	_ =	sfence.sel $0xFFFF  }
0xbf: {  	[dreg:$0x0] =	wrdreg $0xFFFFFFFF;
	(pc) =	sbr.abs _section_cstart, $3  }
0xc0: {  	[dreg:$0x1] =	wrdreg $0xFFFFFFFF  }
0xc1: {  	_ =	task.clear_ibuf [dreg:s6], $0x2FFFF;
	_ =	strace $0x9FFFFFFF  }
0xc2: {  	(tm) =	ssettm $0x7FFFFFFF  }
0xc3: {  	_ =	shalt  }
tec
execute0_lowered:
.L_overlay_start_1:
0x0: {  	(tag) =	ssettag $0x1  }
0x1: {  	s0 =	rddreg [dreg:$0x0]  }
0x2: {  	s1 =	rddreg [dreg:$0x1]  }
0x3: {  	s2 =	srdreg.scid;
	s17 =	stileid.u32  }
0x4: {  	s3 =	simm.s32 $0x0;
	s28 =	simm.s32 $0x2680;
	s7 =	smul.u32 $0x14000, s17  }
0x5: {  	s29 =	simm.s32 $0x2780;
	s30 =	simm.s32 $0x0;
	s8 =	smul.u32 $0x280, s17  }
0x6: {  	s5 =	sand.u32 $0x1, s2;
	s4 =	sadd.s32 $0x13DC00, s0;
	s9 =	smul.u32 $0x50000, s17  }
0x7: {  	[smem:$0x7FF] =	sst s3;
	s14 =	sadd.s32 $0x101C00, s0;
	s6 =	smul.u32 $0x140000, s5  }
0x8: {  	s24 =	sshll.u32 s17, $0x6;
	s20 =	smul.u32 $0x30, s5;
	s10 =	ssub.s32 $0x2, s5  }
0x9: {  	_ =	strace $0x8000004D;
	s5 =	smul.u32 $0x2800, s5;
	s21 =	sshrl.u32 s10, $0x1  }
0xa: {  	s22 =	sshrl.u32 s9, $0x2;
	s6 =	sadd.s32 s7, s6;
	s7 =	sor.u32 s17, s20  }
0xb: {  	s18 =	ssub.s32 s10, s21;
	s5 =	sadd.s32 s8, s5;
	s19 =	sadd.s32 s22, s1  }
0xc: {  	s20 =	simm.s32 $0x3;
	s21 =	simm.s32 $0x80;
	s22 =	simm.s32 $0x2800  }
0xd: {  	s6 =	sshrl.u32 s6, $0x3;
	s11 =	smul.u32 $0x5000, s7;
	s5 =	sshll.u32 s5, $0x4  }
0xe: {  	s7 =	sor.u32 $0x1C03, s24;
	s18 =	smax.u32 s18, $0x1;
	s19 =	sshrl.u32 s19, $0x3  }
0xf: {  	s24 =	simm.s32 $0x1;
	s0 =	sadd.s32 s6, s0;
	s5 =	sadd.s32 s4, s5  }
0x10: {  	s23 =	sshrl.u32 s11, $0x3;
	s26 =	sadd.s32 $0x50000, s11;
	s31 =	sadd.s32 $0x22DC00, s0  }
0x11: {  	s13 =	sadd.s32 $0xA0000, s11;
	s10 =	sadd.s32 $0x50000, s5;
	s17 =	sadd.s32 $0x2CDC00, s0  }
0x12: {  	s6 =	sadd.s32 s14, s23;
	[dreg:$0x4] =	wrdreg s31;
	s12 =	sshrl.u32 s26, $0x3  }
0x13: {  	s15 =	sshrl.u32 s13, $0x3;
	s13 =	sadd.s32 $0x27DC00, s0;
	s23 =	simm.s32 $0x6800  }
0x14: {  	s26 =	simm.s32 $0x2700;
	s25 =	sadd.s32 $0x500, s6;
	s11 =	sadd.s32 s14, s12  }
0x15: {  	s14 =	sadd.s32 s14, s15;
	s15 =	sadd.s32 $0xA0000, s5;
	[dreg:$0x3] =	wrdreg s25  }
0x16: {  	s12 =	sadd.s32 $0x500, s11;
	s16 =	sadd.s32 $0x500, s14;
	s25 =	simm.s32 $0x2  }
.LBB2_1:
0x17: {  	[spmem:s19], [sflag:s7] =	dma.local [hbm:s5], $0x2800  }
0x18: {  	_ =	swait.ge [sflag:s20], $0x2800  }
0x19: {  	[sflag:s20] =	ssyncset.done $0x0  }
0x1a: {  	[sflag:s20] =	ssyncadd.s32 $0xFFFFD800  }
0x1b: {  	[tilespmem:s3], [sflag:$0x3] =	stream.linear.gather [hbm4b:s6+s3], $0x2800, $0x38;
	[tilespmem:$0x1E800] =	vst v63  }
0x1c: {  	_ =	swait.ge [sflag:s20], $0x2800  }
0x1d: {  	[sflag:s20] =	ssyncset.done $0x0  }
0x1e: {  	[sflag:s20] =	ssyncadd.s32 $0xFFFFD800  }
0x1f: {  	[tilespmem:s22], [sflag:$0x1] =	stream.indirect.gather [hbm4b:s4+s21], $0x80, s3, s21, $0xb8;
	[tilespmem:$0x1E800] =	vst v63  }
0x20: {  	s0 =	simm.s32 $0x100;
	[bflag:$0x0] =	sbarrier.arrive $0xFFFF  }
0x21: {  	[tilespmem:s23], [sflag:$0x2] =	stream.indirect.gather [hbm4b:s4+s21], $0x80, s0, s21, $0xb8;
	[tilespmem:$0x1E800] =	vst v63  }
0x22: {  	_ =	swait.ge [sflag:s24], $0x4000  }
0x23: {  	[sflag:s24] =	ssyncset.done $0x0  }
0x24: {  	s2 =	simm.s32 $0x80;
	[sflag:s24] =	ssyncadd.s32 $0xFFFFC000  }
0x25: {  	[spmem:s1] =	stream.indirect.scatter.add.f32 [tilespmem:s22], [sflag:$0x3], $0x80, s2, s21, $0xb8;
	[tilespmem:$0x1E800] =	vst v63  }
0x26: {  	_ =	swait.ge [sflag:s20], $0x4000  }
0x27: {  	[sflag:s20] =	ssyncset.done $0x0  }
0x28: {  	s8 =	simm.s32 $0x200;
	[sflag:s20] =	ssyncadd.s32 $0xFFFFC000  }
0x29: {  	[tilespmem:s22], [sflag:$0x1] =	stream.indirect.gather [hbm4b:s4+s21], $0x80, s8, s21, $0xb8;
	[tilespmem:$0x1E800] =	vst v63  }
0x2a: {  	_ =	swait.ge [sflag:s25], $0x4000  }
0x2b: {  	[sflag:s25] =	ssyncset.done $0x0  }
0x2c: {  	s9 =	simm.s32 $0x180;
	[sflag:s25] =	ssyncadd.s32 $0xFFFFC000  }
0x2d: {  	[spmem:s1] =	stream.indirect.scatter.add.f32 [tilespmem:s23], [sflag:$0x3], $0x80, s9, s21, $0xb8;
	[tilespmem:$0x1E800] =	vst v63  }
0x2e: {  	_ =	swait.ge [sflag:s20], $0x4000  }
0x2f: {  	s31 =	simm.s32 $0xFFFFDC00;
	s0 =	simm.s32 $0xFFFF7800;
	[sflag:s20] =	ssyncset.done $0x0  }
.LBB2_2:
0x30: {  	s2 =	sadd.s32 $0x2700, s31  }
0x31: {  	[sflag:s20] =	ssyncadd.s32 $0xFFFFC000;
	s8 =	smov.u32 s0;
	s9 =	sadd.s32 $0x800, s0  }
0x32: {  	[tilespmem:s23], [sflag:$0x2] =	stream.indirect.gather [hbm4b:s4+s21], $0x80, s2, s21, $0xb8;
	[tilespmem:$0x1E800] =	vst v63  }
0x33: {  	p0 =	sne.s32 s0, $0xFFFFF800;
	_ =	swait.ge [sflag:s24], $0x4000  }
0x34: {  	[sflag:s24] =	ssyncset.done $0x0  }
0x35: {  	s0 =	sadd.s32 $0x2680, s31;
	[sflag:s24] =	ssyncadd.s32 $0xFFFFC000  }
0x36: {  	[spmem:s1] =	stream.indirect.scatter.add.f32 [tilespmem:s22], [sflag:$0x3], $0x80, s0, s21, $0xb8;
	[tilespmem:$0x1E800] =	vst v63  }
0x37: {  	_ =	swait.ge [sflag:s20], $0x4000  }
0x38: {  	[sflag:s20] =	ssyncset.done $0x0  }
0x39: {  	s0 =	sadd.s32 $0x2800, s31;
	[sflag:s20] =	ssyncadd.s32 $0xFFFFC000  }
0x3a: {  	[tilespmem:s22], [sflag:$0x1] =	stream.indirect.gather [hbm4b:s4+s21], $0x80, s0, s21, $0xb8;
	[tilespmem:$0x1E800] =	vst v63  }
0x3b: {  	_ =	swait.ge [sflag:s25], $0x4000  }
.Ltmp0:
0x3c: {  	[sflag:s25] =	ssyncset.done $0x0;
	(pc) =	sbr.rel @p0 .LBB2_2-.Ltmp0, $4  }
0x3d: {  	s0 =	sadd.s32 $0x2780, s31;
	[sflag:s25] =	ssyncadd.s32 $0xFFFFC000  }
0x3e: {  	[spmem:s1] =	stream.indirect.scatter.add.f32 [tilespmem:s23], [sflag:$0x3], $0x80, s0, s21, $0xb8;
	[tilespmem:$0x1E800] =	vst v63  }
0x3f: {  	_ =	swait.ge [sflag:s20], $0x4000  }
0x40: {  	s31 =	sshra.s32 s8, $0x2;
	s0 =	smov.u32 s9;
	[sflag:s20] =	ssyncset.done $0x0  }
0x41: {  	s0 =	sadd.s32 $0x2700, s31;
	[sflag:s20] =	ssyncadd.s32 $0xFFFFC000  }
0x42: {  	[tilespmem:s23], [sflag:$0x2] =	stream.indirect.gather [hbm4b:s4+s21], $0x80, s0, s21, $0xb8;
	[tilespmem:$0x1E800] =	vst v63  }
0x43: {  	_ =	swait.ge [sflag:s24], $0x4000  }
0x44: {  	[sflag:s24] =	ssyncset.done $0x0  }
0x45: {  	s8 =	sadd.s32 $0x2680, s31;
	[sflag:s24] =	ssyncadd.s32 $0xFFFFC000  }
0x46: {  	[spmem:s1] =	stream.indirect.scatter.add.f32 [tilespmem:s22], [sflag:$0x3], $0x80, s8, s21, $0xb8;
	[tilespmem:$0x1E800] =	vst v63  }
0x47: {  	_ =	swait.ge [sflag:s20], $0x4000  }
0x48: {  	[sflag:s20] =	ssyncset.done $0x0  }
0x49: {  	s9 =	sadd.s32 $0x2800, s31;
	[sflag:s20] =	ssyncadd.s32 $0xFFFFC000  }
0x4a: {  	[tilespmem:s22], [sflag:$0x1] =	stream.indirect.gather [hbm4b:s4+s21], $0x80, s9, s21, $0xb8;
	[tilespmem:$0x1E800] =	vst v63  }
0x4b: {  	_ =	swait.ge [sflag:s25], $0x4000  }
0x4c: {  	[sflag:s25] =	ssyncset.done $0x0  }
0x4d: {  	s2 =	sadd.s32 $0x2780, s31;
	[sflag:s25] =	ssyncadd.s32 $0xFFFFC000  }
0x4e: {  	[spmem:s1] =	stream.indirect.scatter.add.f32 [tilespmem:s23], [sflag:$0x3], $0x80, s2, s21, $0xb8;
	[tilespmem:$0x1E800] =	vst v63  }
0x4f: {  	_ =	swait.ge [sflag:s20], $0x4000  }
0x50: {  	[sflag:s20] =	ssyncset.done $0x0  }
0x51: {  	[sflag:s20] =	ssyncadd.s32 $0xFFFFC000  }
0x52: {  	[tilespmem:s23], [sflag:$0x2] =	stream.indirect.gather [hbm4b:s4+s21], $0x80, s26, s21, $0xb8;
	[tilespmem:$0x1E800] =	vst v63  }
0x53: {  	_ =	swait.ge [sflag:s24], $0x4000  }
0x54: {  	[sflag:s24] =	ssyncset.done $0x0  }
0x55: {  	[sflag:s24] =	ssyncadd.s32 $0xFFFFC000  }
0x56: {  	[spmem:s1] =	stream.indirect.scatter.add.f32 [tilespmem:s22], [sflag:$0x3], $0x80, s28, s21, $0xb8;
	[tilespmem:$0x1E800] =	vst v63  }
0x57: {  	_ =	swait.ge [sflag:s20], $0x4000  }
0x58: {  	[sflag:s20] =	ssyncset.done $0x0  }
0x59: {  	[sflag:s20] =	ssyncadd.s32 $0xFFFFC000  }
0x5a: {  	_ =	swait.ge [sflag:s25], $0x4000  }
0x5b: {  	[sflag:s25] =	ssyncset.done $0x0  }
0x5c: {  	[sflag:s25] =	ssyncadd.s32 $0xFFFFC000  }
0x5d: {  	[spmem:s1] =	stream.indirect.scatter.add.f32 [tilespmem:s23], [sflag:$0x3], $0x80, s29, s21, $0xb8;
	[tilespmem:$0x1E800] =	vst v63  }
0x5e: {  	_ =	swait.ge [sflag:s20], $0x4000  }
0x5f: {  	[sflag:s20] =	ssyncset.done $0x0  }
0x60: {  	s8 =	rddreg [dreg:$0x3];
	[sflag:s20] =	ssyncadd.s32 $0xFFFFC000  }
0x61: {  	[tilespmem:s3], [sflag:$0x3] =	stream.linear.gather [hbm4b:s8+s3], $0x2800, $0x38;
	[tilespmem:$0x1E800] =	vst v63  }
0x62: {  	_ =	swait.ge [sflag:s20], $0x2800  }
0x63: {  	[sflag:s20] =	ssyncset.done $0x0  }
0x64: {  	[sflag:s20] =	ssyncadd.s32 $0xFFFFD800  }
0x65: {  	[tilespmem:s22], [sflag:$0x1] =	stream.indirect.gather [hbm4b:s4+s21], $0x80, s3, s21, $0xb8;
	[tilespmem:$0x1E800] =	vst v63  }
0x66: {  	s9 =	simm.s32 $0x100  }
0x67: {  	[tilespmem:s23], [sflag:$0x2] =	stream.indirect.gather [hbm4b:s4+s21], $0x80, s9, s21, $0xb8;
	[tilespmem:$0x1E800] =	vst v63  }
0x68: {  	_ =	swait.ge [sflag:s24], $0x4000  }
0x69: {  	[sflag:s24] =	ssyncset.done $0x0  }
0x6a: {  	s2 =	simm.s32 $0x80;
	[sflag:s24] =	ssyncadd.s32 $0xFFFFC000  }
0x6b: {  	[spmem:s1] =	stream.indirect.scatter.add.f32 [tilespmem:s22], [sflag:$0x3], $0x80, s2, s21, $0xb8;
	[tilespmem:$0x1E800] =	vst v63  }
0x6c: {  	_ =	swait.ge [sflag:s20], $0x4000  }
0x6d: {  	[sflag:s20] =	ssyncset.done $0x0  }
0x6e: {  	s8 =	simm.s32 $0x200;
	[sflag:s20] =	ssyncadd.s32 $0xFFFFC000  }
0x6f: {  	[tilespmem:s22], [sflag:$0x1] =	stream.indirect.gather [hbm4b:s4+s21], $0x80, s8, s21, $0xb8;
	[tilespmem:$0x1E800] =	vst v63  }
0x70: {  	_ =	swait.ge [sflag:s25], $0x4000  }
0x71: {  	[sflag:s25] =	ssyncset.done $0x0  }
0x72: {  	s9 =	simm.s32 $0x180;
	[sflag:s25] =	ssyncadd.s32 $0xFFFFC000  }
0x73: {  	[spmem:s1] =	stream.indirect.scatter.add.f32 [tilespmem:s23], [sflag:$0x3], $0x80, s9, s21, $0xb8;
	[tilespmem:$0x1E800] =	vst v63  }
0x74: {  	_ =	swait.ge [sflag:s20], $0x4000  }
0x75: {  	s31 =	simm.s32 $0xFFFFDC00;
	s0 =	simm.s32 $0xFFFF7800;
	[sflag:s20] =	ssyncset.done $0x0  }
.LBB2_4:
0x76: {  	s2 =	sadd.s32 $0x2700, s31  }
0x77: {  	[sflag:s20] =	ssyncadd.s32 $0xFFFFC000;
	s8 =	smov.u32 s0;
	s9 =	sadd.s32 $0x800, s0  }
0x78: {  	[tilespmem:s23], [sflag:$0x2] =	stream.indirect.gather [hbm4b:s4+s21], $0x80, s2, s21, $0xb8;
	[tilespmem:$0x1E800] =	vst v63  }
0x79: {  	p0 =	sne.s32 s0, $0xFFFFF800;
	_ =	swait.ge [sflag:s24], $0x4000  }
0x7a: {  	[sflag:s24] =	ssyncset.done $0x0  }
0x7b: {  	s0 =	sadd.s32 $0x2680, s31;
	[sflag:s24] =	ssyncadd.s32 $0xFFFFC000  }
0x7c: {  	[spmem:s1] =	stream.indirect.scatter.add.f32 [tilespmem:s22], [sflag:$0x3], $0x80, s0, s21, $0xb8;
	[tilespmem:$0x1E800] =	vst v63  }
0x7d: {  	_ =	swait.ge [sflag:s20], $0x4000  }
0x7e: {  	[sflag:s20] =	ssyncset.done $0x0  }
0x7f: {  	s0 =	sadd.s32 $0x2800, s31;
	[sflag:s20] =	ssyncadd.s32 $0xFFFFC000  }
0x80: {  	[tilespmem:s22], [sflag:$0x1] =	stream.indirect.gather [hbm4b:s4+s21], $0x80, s0, s21, $0xb8;
	[tilespmem:$0x1E800] =	vst v63  }
0x81: {  	_ =	swait.ge [sflag:s25], $0x4000  }
.Ltmp1:
0x82: {  	[sflag:s25] =	ssyncset.done $0x0;
	(pc) =	sbr.rel @p0 .LBB2_4-.Ltmp1, $4  }
0x83: {  	s0 =	sadd.s32 $0x2780, s31;
	[sflag:s25] =	ssyncadd.s32 $0xFFFFC000  }
0x84: {  	[spmem:s1] =	stream.indirect.scatter.add.f32 [tilespmem:s23], [sflag:$0x3], $0x80, s0, s21, $0xb8;
	[tilespmem:$0x1E800] =	vst v63  }
0x85: {  	_ =	swait.ge [sflag:s20], $0x4000  }
0x86: {  	s31 =	sshra.s32 s8, $0x2;
	s0 =	smov.u32 s9;
	[sflag:s20] =	ssyncset.done $0x0  }
0x87: {  	s0 =	sadd.s32 $0x2700, s31;
	[sflag:s20] =	ssyncadd.s32 $0xFFFFC000  }
0x88: {  	[tilespmem:s23], [sflag:$0x2] =	stream.indirect.gather [hbm4b:s4+s21], $0x80, s0, s21, $0xb8;
	[tilespmem:$0x1E800] =	vst v63  }
0x89: {  	_ =	swait.ge [sflag:s24], $0x4000  }
0x8a: {  	[sflag:s24] =	ssyncset.done $0x0  }
0x8b: {  	s8 =	sadd.s32 $0x2680, s31;
	[sflag:s24] =	ssyncadd.s32 $0xFFFFC000  }
0x8c: {  	[spmem:s1] =	stream.indirect.scatter.add.f32 [tilespmem:s22], [sflag:$0x3], $0x80, s8, s21, $0xb8;
	[tilespmem:$0x1E800] =	vst v63  }
0x8d: {  	_ =	swait.ge [sflag:s20], $0x4000  }
0x8e: {  	[sflag:s20] =	ssyncset.done $0x0  }
0x8f: {  	s9 =	sadd.s32 $0x2800, s31;
	[sflag:s20] =	ssyncadd.s32 $0xFFFFC000  }
0x90: {  	[tilespmem:s22], [sflag:$0x1] =	stream.indirect.gather [hbm4b:s4+s21], $0x80, s9, s21, $0xb8;
	[tilespmem:$0x1E800] =	vst v63  }
0x91: {  	_ =	swait.ge [sflag:s25], $0x4000  }
0x92: {  	[sflag:s25] =	ssyncset.done $0x0  }
0x93: {  	s2 =	sadd.s32 $0x2780, s31;
	[sflag:s25] =	ssyncadd.s32 $0xFFFFC000  }
0x94: {  	[spmem:s1] =	stream.indirect.scatter.add.f32 [tilespmem:s23], [sflag:$0x3], $0x80, s2, s21, $0xb8;
	[tilespmem:$0x1E800] =	vst v63  }
0x95: {  	_ =	swait.ge [sflag:s20], $0x4000  }
0x96: {  	[sflag:s20] =	ssyncset.done $0x0  }
0x97: {  	[sflag:s20] =	ssyncadd.s32 $0xFFFFC000  }
0x98: {  	[tilespmem:s23], [sflag:$0x2] =	stream.indirect.gather [hbm4b:s4+s21], $0x80, s26, s21, $0xb8;
	[tilespmem:$0x1E800] =	vst v63  }
0x99: {  	_ =	swait.ge [sflag:s24], $0x4000  }
0x9a: {  	[sflag:s24] =	ssyncset.done $0x0  }
0x9b: {  	[sflag:s24] =	ssyncadd.s32 $0xFFFFC000  }
0x9c: {  	[spmem:s1] =	stream.indirect.scatter.add.f32 [tilespmem:s22], [sflag:$0x3], $0x80, s28, s21, $0xb8;
	[tilespmem:$0x1E800] =	vst v63  }
0x9d: {  	_ =	swait.ge [sflag:s20], $0x4000  }
0x9e: {  	[sflag:s20] =	ssyncset.done $0x0  }
0x9f: {  	[sflag:s20] =	ssyncadd.s32 $0xFFFFC000  }
0xa0: {  	_ =	swait.ge [sflag:s25], $0x4000  }
0xa1: {  	[sflag:s25] =	ssyncset.done $0x0  }
0xa2: {  	[sflag:s25] =	ssyncadd.s32 $0xFFFFC000  }
0xa3: {  	[spmem:s1] =	stream.indirect.scatter.add.f32 [tilespmem:s23], [sflag:$0x3], $0x80, s29, s21, $0xb8;
	[tilespmem:$0x1E800] =	vst v63  }
0xa4: {  	_ =	swait.ge [sflag:s20], $0x4000  }
0xa5: {  	[sflag:s20] =	ssyncset.done $0x0  }
0xa6: {  	[sflag:s20] =	ssyncadd.s32 $0xFFFFC000  }
0xa7: {  	[bflag:$0x0] =	sbarrier.arrive $0xFFFF  }
0xa8: {  	s8 =	rddreg [dreg:$0x4]  }
0xa9: {  	[hbm:s8], [sflag:s7] =	dma.local [spmem:s19], $0x2800  }
0xaa: {  	_ =	swait.ge [sflag:s20], $0x2800  }
0xab: {  	[sflag:s20] =	ssyncset.done $0x0  }
0xac: {  	[sflag:s20] =	ssyncadd.s32 $0xFFFFD800  }
0xad: {  	[bflag:$0x0] =	sbarrier.arrive $0xFFFF  }
0xae: {  	[spmem:s19], [sflag:s7] =	dma.local [hbm:s10], $0x2800  }
0xaf: {  	_ =	swait.ge [sflag:s20], $0x2800  }
0xb0: {  	[sflag:s20] =	ssyncset.done $0x0  }
0xb1: {  	[sflag:s20] =	ssyncadd.s32 $0xFFFFD800  }
0xb2: {  	[tilespmem:s3], [sflag:$0x3] =	stream.linear.gather [hbm4b:s11+s3], $0x2800, $0x38;
	[tilespmem:$0x1E800] =	vst v63  }
0xb3: {  	_ =	swait.ge [sflag:s20], $0x2800  }
0xb4: {  	[sflag:s20] =	ssyncset.done $0x0  }
0xb5: {  	[sflag:s20] =	ssyncadd.s32 $0xFFFFD800  }
0xb6: {  	[tilespmem:s22], [sflag:$0x1] =	stream.indirect.gather [hbm4b:s4+s21], $0x80, s3, s21, $0xb8;
	[tilespmem:$0x1E800] =	vst v63  }
0xb7: {  	s9 =	simm.s32 $0x100;
	[bflag:$0x0] =	sbarrier.arrive $0xFFFF  }
0xb8: {  	[tilespmem:s23], [sflag:$0x2] =	stream.indirect.gather [hbm4b:s4+s21], $0x80, s9, s21, $0xb8;
	[tilespmem:$0x1E800] =	vst v63  }
0xb9: {  	_ =	swait.ge [sflag:s24], $0x4000  }
0xba: {  	[sflag:s24] =	ssyncset.done $0x0  }
0xbb: {  	s2 =	simm.s32 $0x80;
	[sflag:s24] =	ssyncadd.s32 $0xFFFFC000  }
0xbc: {  	[spmem:s1] =	stream.indirect.scatter.add.f32 [tilespmem:s22], [sflag:$0x3], $0x80, s2, s21, $0xb8;
	[tilespmem:$0x1E800] =	vst v63  }
0xbd: {  	_ =	swait.ge [sflag:s20], $0x4000  }
0xbe: {  	[sflag:s20] =	ssyncset.done $0x0  }
0xbf: {  	s8 =	simm.s32 $0x200;
	[sflag:s20] =	ssyncadd.s32 $0xFFFFC000  }
0xc0: {  	[tilespmem:s22], [sflag:$0x1] =	stream.indirect.gather [hbm4b:s4+s21], $0x80, s8, s21, $0xb8;
	[tilespmem:$0x1E800] =	vst v63  }
0xc1: {  	_ =	swait.ge [sflag:s25], $0x4000  }
0xc2: {  	[sflag:s25] =	ssyncset.done $0x0  }
0xc3: {  	s9 =	simm.s32 $0x180;
	[sflag:s25] =	ssyncadd.s32 $0xFFFFC000  }
0xc4: {  	[spmem:s1] =	stream.indirect.scatter.add.f32 [tilespmem:s23], [sflag:$0x3], $0x80, s9, s21, $0xb8;
	[tilespmem:$0x1E800] =	vst v63  }
0xc5: {  	_ =	swait.ge [sflag:s20], $0x4000  }
0xc6: {  	s31 =	simm.s32 $0xFFFFDC00;
	s0 =	simm.s32 $0xFFFF7800;
	[sflag:s20] =	ssyncset.done $0x0  }
.LBB2_6:
0xc7: {  	s2 =	sadd.s32 $0x2700, s31  }
0xc8: {  	[sflag:s20] =	ssyncadd.s32 $0xFFFFC000;
	s8 =	smov.u32 s0;
	s9 =	sadd.s32 $0x800, s0  }
0xc9: {  	[tilespmem:s23], [sflag:$0x2] =	stream.indirect.gather [hbm4b:s4+s21], $0x80, s2, s21, $0xb8;
	[tilespmem:$0x1E800] =	vst v63  }
0xca: {  	p0 =	sne.s32 s0, $0xFFFFF800;
	_ =	swait.ge [sflag:s24], $0x4000  }
0xcb: {  	[sflag:s24] =	ssyncset.done $0x0  }
0xcc: {  	s0 =	sadd.s32 $0x2680, s31;
	[sflag:s24] =	ssyncadd.s32 $0xFFFFC000  }
0xcd: {  	[spmem:s1] =	stream.indirect.scatter.add.f32 [tilespmem:s22], [sflag:$0x3], $0x80, s0, s21, $0xb8;
	[tilespmem:$0x1E800] =	vst v63  }
0xce: {  	_ =	swait.ge [sflag:s20], $0x4000  }
0xcf: {  	[sflag:s20] =	ssyncset.done $0x0  }
0xd0: {  	s0 =	sadd.s32 $0x2800, s31;
	[sflag:s20] =	ssyncadd.s32 $0xFFFFC000  }
0xd1: {  	[tilespmem:s22], [sflag:$0x1] =	stream.indirect.gather [hbm4b:s4+s21], $0x80, s0, s21, $0xb8;
	[tilespmem:$0x1E800] =	vst v63  }
0xd2: {  	_ =	swait.ge [sflag:s25], $0x4000  }
.Ltmp2:
0xd3: {  	[sflag:s25] =	ssyncset.done $0x0;
	(pc) =	sbr.rel @p0 .LBB2_6-.Ltmp2, $4  }
0xd4: {  	s0 =	sadd.s32 $0x2780, s31;
	[sflag:s25] =	ssyncadd.s32 $0xFFFFC000  }
0xd5: {  	[spmem:s1] =	stream.indirect.scatter.add.f32 [tilespmem:s23], [sflag:$0x3], $0x80, s0, s21, $0xb8;
	[tilespmem:$0x1E800] =	vst v63  }
0xd6: {  	_ =	swait.ge [sflag:s20], $0x4000  }
0xd7: {  	s31 =	sshra.s32 s8, $0x2;
	s0 =	smov.u32 s9;
	[sflag:s20] =	ssyncset.done $0x0  }
0xd8: {  	s0 =	sadd.s32 $0x2700, s31;
	[sflag:s20] =	ssyncadd.s32 $0xFFFFC000  }
0xd9: {  	[tilespmem:s23], [sflag:$0x2] =	stream.indirect.gather [hbm4b:s4+s21], $0x80, s0, s21, $0xb8;
	[tilespmem:$0x1E800] =	vst v63  }
0xda: {  	_ =	swait.ge [sflag:s24], $0x4000  }
0xdb: {  	[sflag:s24] =	ssyncset.done $0x0  }
0xdc: {  	s9 =	sadd.s32 $0x2680, s31;
	[sflag:s24] =	ssyncadd.s32 $0xFFFFC000  }
0xdd: {  	[spmem:s1] =	stream.indirect.scatter.add.f32 [tilespmem:s22], [sflag:$0x3], $0x80, s9, s21, $0xb8;
	[tilespmem:$0x1E800] =	vst v63  }
0xde: {  	_ =	swait.ge [sflag:s20], $0x4000  }
0xdf: {  	[sflag:s20] =	ssyncset.done $0x0  }
0xe0: {  	s2 =	sadd.s32 $0x2800, s31;
	[sflag:s20] =	ssyncadd.s32 $0xFFFFC000  }
0xe1: {  	[tilespmem:s22], [sflag:$0x1] =	stream.indirect.gather [hbm4b:s4+s21], $0x80, s2, s21, $0xb8;
	[tilespmem:$0x1E800] =	vst v63  }
0xe2: {  	_ =	swait.ge [sflag:s25], $0x4000  }
0xe3: {  	[sflag:s25] =	ssyncset.done $0x0  }
0xe4: {  	s8 =	sadd.s32 $0x2780, s31;
	[sflag:s25] =	ssyncadd.s32 $0xFFFFC000  }
0xe5: {  	[spmem:s1] =	stream.indirect.scatter.add.f32 [tilespmem:s23], [sflag:$0x3], $0x80, s8, s21, $0xb8;
	[tilespmem:$0x1E800] =	vst v63  }
0xe6: {  	_ =	swait.ge [sflag:s20], $0x4000  }
0xe7: {  	[sflag:s20] =	ssyncset.done $0x0  }
0xe8: {  	[sflag:s20] =	ssyncadd.s32 $0xFFFFC000  }
0xe9: {  	[tilespmem:s23], [sflag:$0x2] =	stream.indirect.gather [hbm4b:s4+s21], $0x80, s26, s21, $0xb8;
	[tilespmem:$0x1E800] =	vst v63  }
0xea: {  	_ =	swait.ge [sflag:s24], $0x4000  }
0xeb: {  	[sflag:s24] =	ssyncset.done $0x0  }
0xec: {  	[sflag:s24] =	ssyncadd.s32 $0xFFFFC000  }
0xed: {  	[spmem:s1] =	stream.indirect.scatter.add.f32 [tilespmem:s22], [sflag:$0x3], $0x80, s28, s21, $0xb8;
	[tilespmem:$0x1E800] =	vst v63  }
0xee: {  	_ =	swait.ge [sflag:s20], $0x4000  }
0xef: {  	[sflag:s20] =	ssyncset.done $0x0  }
0xf0: {  	[sflag:s20] =	ssyncadd.s32 $0xFFFFC000  }
0xf1: {  	_ =	swait.ge [sflag:s25], $0x4000  }
0xf2: {  	[sflag:s25] =	ssyncset.done $0x0  }
0xf3: {  	[sflag:s25] =	ssyncadd.s32 $0xFFFFC000  }
0xf4: {  	[spmem:s1] =	stream.indirect.scatter.add.f32 [tilespmem:s23], [sflag:$0x3], $0x80, s29, s21, $0xb8;
	[tilespmem:$0x1E800] =	vst v63  }
0xf5: {  	_ =	swait.ge [sflag:s20], $0x4000  }
0xf6: {  	[sflag:s20] =	ssyncset.done $0x0  }
0xf7: {  	[sflag:s20] =	ssyncadd.s32 $0xFFFFC000  }
0xf8: {  	[tilespmem:s3], [sflag:$0x3] =	stream.linear.gather [hbm4b:s12+s3], $0x2800, $0x38;
	[tilespmem:$0x1E800] =	vst v63  }
0xf9: {  	_ =	swait.ge [sflag:s20], $0x2800  }
0xfa: {  	[sflag:s20] =	ssyncset.done $0x0  }
0xfb: {  	[sflag:s20] =	ssyncadd.s32 $0xFFFFD800  }
0xfc: {  	[tilespmem:s22], [sflag:$0x1] =	stream.indirect.gather [hbm4b:s4+s21], $0x80, s3, s21, $0xb8;
	[tilespmem:$0x1E800] =	vst v63  }
0xfd: {  	s9 =	simm.s32 $0x100  }
0xfe: {  	[tilespmem:s23], [sflag:$0x2] =	stream.indirect.gather [hbm4b:s4+s21], $0x80, s9, s21, $0xb8;
	[tilespmem:$0x1E800] =	vst v63  }
0xff: {  	_ =	swait.ge [sflag:s24], $0x4000  }
0x100: {  	[sflag:s24] =	ssyncset.done $0x0  }
0x101: {  	s2 =	simm.s32 $0x80;
	[sflag:s24] =	ssyncadd.s32 $0xFFFFC000  }
0x102: {  	[spmem:s1] =	stream.indirect.scatter.add.f32 [tilespmem:s22], [sflag:$0x3], $0x80, s2, s21, $0xb8;
	[tilespmem:$0x1E800] =	vst v63  }
0x103: {  	_ =	swait.ge [sflag:s20], $0x4000  }
0x104: {  	[sflag:s20] =	ssyncset.done $0x0  }
0x105: {  	s8 =	simm.s32 $0x200;
	[sflag:s20] =	ssyncadd.s32 $0xFFFFC000  }
0x106: {  	[tilespmem:s22], [sflag:$0x1] =	stream.indirect.gather [hbm4b:s4+s21], $0x80, s8, s21, $0xb8;
	[tilespmem:$0x1E800] =	vst v63  }
0x107: {  	_ =	swait.ge [sflag:s25], $0x4000  }
0x108: {  	[sflag:s25] =	ssyncset.done $0x0  }
0x109: {  	s9 =	simm.s32 $0x180;
	[sflag:s25] =	ssyncadd.s32 $0xFFFFC000  }
0x10a: {  	[spmem:s1] =	stream.indirect.scatter.add.f32 [tilespmem:s23], [sflag:$0x3], $0x80, s9, s21, $0xb8;
	[tilespmem:$0x1E800] =	vst v63  }
0x10b: {  	_ =	swait.ge [sflag:s20], $0x4000  }
0x10c: {  	s31 =	simm.s32 $0xFFFFDC00;
	s0 =	simm.s32 $0xFFFF7800;
	[sflag:s20] =	ssyncset.done $0x0  }
.LBB2_8:
0x10d: {  	s2 =	sadd.s32 $0x2700, s31  }
0x10e: {  	[sflag:s20] =	ssyncadd.s32 $0xFFFFC000;
	s8 =	smov.u32 s0;
	s9 =	sadd.s32 $0x800, s0  }
0x10f: {  	[tilespmem:s23], [sflag:$0x2] =	stream.indirect.gather [hbm4b:s4+s21], $0x80, s2, s21, $0xb8;
	[tilespmem:$0x1E800] =	vst v63  }
0x110: {  	p0 =	sne.s32 s0, $0xFFFFF800;
	_ =	swait.ge [sflag:s24], $0x4000  }
0x111: {  	[sflag:s24] =	ssyncset.done $0x0  }
0x112: {  	s0 =	sadd.s32 $0x2680, s31;
	[sflag:s24] =	ssyncadd.s32 $0xFFFFC000  }
0x113: {  	[spmem:s1] =	stream.indirect.scatter.add.f32 [tilespmem:s22], [sflag:$0x3], $0x80, s0, s21, $0xb8;
	[tilespmem:$0x1E800] =	vst v63  }
0x114: {  	_ =	swait.ge [sflag:s20], $0x4000  }
0x115: {  	[sflag:s20] =	ssyncset.done $0x0  }
0x116: {  	s0 =	sadd.s32 $0x2800, s31;
	[sflag:s20] =	ssyncadd.s32 $0xFFFFC000  }
0x117: {  	[tilespmem:s22], [sflag:$0x1] =	stream.indirect.gather [hbm4b:s4+s21], $0x80, s0, s21, $0xb8;
	[tilespmem:$0x1E800] =	vst v63  }
0x118: {  	_ =	swait.ge [sflag:s25], $0x4000  }
.Ltmp3:
0x119: {  	[sflag:s25] =	ssyncset.done $0x0;
	(pc) =	sbr.rel @p0 .LBB2_8-.Ltmp3, $4  }
0x11a: {  	s0 =	sadd.s32 $0x2780, s31;
	[sflag:s25] =	ssyncadd.s32 $0xFFFFC000  }
0x11b: {  	[spmem:s1] =	stream.indirect.scatter.add.f32 [tilespmem:s23], [sflag:$0x3], $0x80, s0, s21, $0xb8;
	[tilespmem:$0x1E800] =	vst v63  }
0x11c: {  	_ =	swait.ge [sflag:s20], $0x4000  }
0x11d: {  	s31 =	sshra.s32 s8, $0x2;
	s0 =	smov.u32 s9;
	[sflag:s20] =	ssyncset.done $0x0  }
0x11e: {  	s0 =	sadd.s32 $0x2700, s31;
	[sflag:s20] =	ssyncadd.s32 $0xFFFFC000  }
0x11f: {  	[tilespmem:s23], [sflag:$0x2] =	stream.indirect.gather [hbm4b:s4+s21], $0x80, s0, s21, $0xb8;
	[tilespmem:$0x1E800] =	vst v63  }
0x120: {  	_ =	swait.ge [sflag:s24], $0x4000  }
0x121: {  	[sflag:s24] =	ssyncset.done $0x0  }
0x122: {  	s9 =	sadd.s32 $0x2680, s31;
	[sflag:s24] =	ssyncadd.s32 $0xFFFFC000  }
0x123: {  	[spmem:s1] =	stream.indirect.scatter.add.f32 [tilespmem:s22], [sflag:$0x3], $0x80, s9, s21, $0xb8;
	[tilespmem:$0x1E800] =	vst v63  }
0x124: {  	_ =	swait.ge [sflag:s20], $0x4000  }
0x125: {  	[sflag:s20] =	ssyncset.done $0x0  }
0x126: {  	s2 =	sadd.s32 $0x2800, s31;
	[sflag:s20] =	ssyncadd.s32 $0xFFFFC000  }
0x127: {  	[tilespmem:s22], [sflag:$0x1] =	stream.indirect.gather [hbm4b:s4+s21], $0x80, s2, s21, $0xb8;
	[tilespmem:$0x1E800] =	vst v63  }
0x128: {  	_ =	swait.ge [sflag:s25], $0x4000  }
0x129: {  	[sflag:s25] =	ssyncset.done $0x0  }
0x12a: {  	s8 =	sadd.s32 $0x2780, s31;
	[sflag:s25] =	ssyncadd.s32 $0xFFFFC000  }
0x12b: {  	[spmem:s1] =	stream.indirect.scatter.add.f32 [tilespmem:s23], [sflag:$0x3], $0x80, s8, s21, $0xb8;
	[tilespmem:$0x1E800] =	vst v63  }
0x12c: {  	_ =	swait.ge [sflag:s20], $0x4000  }
0x12d: {  	[sflag:s20] =	ssyncset.done $0x0  }
0x12e: {  	[sflag:s20] =	ssyncadd.s32 $0xFFFFC000  }
0x12f: {  	[tilespmem:s23], [sflag:$0x2] =	stream.indirect.gather [hbm4b:s4+s21], $0x80, s26, s21, $0xb8;
	[tilespmem:$0x1E800] =	vst v63  }
0x130: {  	_ =	swait.ge [sflag:s24], $0x4000  }
0x131: {  	[sflag:s24] =	ssyncset.done $0x0  }
0x132: {  	[sflag:s24] =	ssyncadd.s32 $0xFFFFC000  }
0x133: {  	[spmem:s1] =	stream.indirect.scatter.add.f32 [tilespmem:s22], [sflag:$0x3], $0x80, s28, s21, $0xb8;
	[tilespmem:$0x1E800] =	vst v63  }
0x134: {  	_ =	swait.ge [sflag:s20], $0x4000  }
0x135: {  	[sflag:s20] =	ssyncset.done $0x0  }
0x136: {  	[sflag:s20] =	ssyncadd.s32 $0xFFFFC000  }
0x137: {  	_ =	swait.ge [sflag:s25], $0x4000  }
0x138: {  	[sflag:s25] =	ssyncset.done $0x0  }
0x139: {  	[sflag:s25] =	ssyncadd.s32 $0xFFFFC000  }
0x13a: {  	[spmem:s1] =	stream.indirect.scatter.add.f32 [tilespmem:s23], [sflag:$0x3], $0x80, s29, s21, $0xb8;
	[tilespmem:$0x1E800] =	vst v63  }
0x13b: {  	_ =	swait.ge [sflag:s20], $0x4000  }
0x13c: {  	[sflag:s20] =	ssyncset.done $0x0  }
0x13d: {  	[sflag:s20] =	ssyncadd.s32 $0xFFFFC000  }
0x13e: {  	[bflag:$0x0] =	sbarrier.arrive $0xFFFF  }
0x13f: {  	[hbm:s13], [sflag:s7] =	dma.local [spmem:s19], $0x2800  }
0x140: {  	_ =	swait.ge [sflag:s20], $0x2800  }
0x141: {  	[sflag:s20] =	ssyncset.done $0x0  }
0x142: {  	[sflag:s20] =	ssyncadd.s32 $0xFFFFD800  }
0x143: {  	[bflag:$0x0] =	sbarrier.arrive $0xFFFF  }
0x144: {  	[spmem:s19], [sflag:s7] =	dma.local [hbm:s15], $0x2800  }
0x145: {  	_ =	swait.ge [sflag:s20], $0x2800  }
0x146: {  	[sflag:s20] =	ssyncset.done $0x0  }
0x147: {  	[sflag:s20] =	ssyncadd.s32 $0xFFFFD800  }
0x148: {  	[tilespmem:s3], [sflag:$0x3] =	stream.linear.gather [hbm4b:s14+s3], $0x2800, $0x38;
	[tilespmem:$0x1E800] =	vst v63  }
0x149: {  	_ =	swait.ge [sflag:s20], $0x2800  }
0x14a: {  	[sflag:s20] =	ssyncset.done $0x0  }
0x14b: {  	[sflag:s20] =	ssyncadd.s32 $0xFFFFD800  }
0x14c: {  	[tilespmem:s22], [sflag:$0x1] =	stream.indirect.gather [hbm4b:s4+s21], $0x80, s3, s21, $0xb8;
	[tilespmem:$0x1E800] =	vst v63  }
0x14d: {  	s9 =	simm.s32 $0x100;
	[bflag:$0x0] =	sbarrier.arrive $0xFFFF  }
0x14e: {  	[tilespmem:s23], [sflag:$0x2] =	stream.indirect.gather [hbm4b:s4+s21], $0x80, s9, s21, $0xb8;
	[tilespmem:$0x1E800] =	vst v63  }
0x14f: {  	_ =	swait.ge [sflag:s24], $0x4000  }
0x150: {  	[sflag:s24] =	ssyncset.done $0x0  }
0x151: {  	s2 =	simm.s32 $0x80;
	[sflag:s24] =	ssyncadd.s32 $0xFFFFC000  }
0x152: {  	[spmem:s1] =	stream.indirect.scatter.add.f32 [tilespmem:s22], [sflag:$0x3], $0x80, s2, s21, $0xb8;
	[tilespmem:$0x1E800] =	vst v63  }
0x153: {  	_ =	swait.ge [sflag:s20], $0x4000  }
0x154: {  	[sflag:s20] =	ssyncset.done $0x0  }
0x155: {  	s8 =	simm.s32 $0x200;
	[sflag:s20] =	ssyncadd.s32 $0xFFFFC000  }
0x156: {  	[tilespmem:s22], [sflag:$0x1] =	stream.indirect.gather [hbm4b:s4+s21], $0x80, s8, s21, $0xb8;
	[tilespmem:$0x1E800] =	vst v63  }
0x157: {  	_ =	swait.ge [sflag:s25], $0x4000  }
0x158: {  	[sflag:s25] =	ssyncset.done $0x0  }
0x159: {  	s9 =	simm.s32 $0x180;
	[sflag:s25] =	ssyncadd.s32 $0xFFFFC000  }
0x15a: {  	[spmem:s1] =	stream.indirect.scatter.add.f32 [tilespmem:s23], [sflag:$0x3], $0x80, s9, s21, $0xb8;
	[tilespmem:$0x1E800] =	vst v63  }
0x15b: {  	_ =	swait.ge [sflag:s20], $0x4000  }
0x15c: {  	s31 =	simm.s32 $0xFFFFDC00;
	s0 =	simm.s32 $0xFFFF7800;
	[sflag:s20] =	ssyncset.done $0x0  }
.LBB2_10:
0x15d: {  	s2 =	sadd.s32 $0x2700, s31  }
0x15e: {  	[sflag:s20] =	ssyncadd.s32 $0xFFFFC000;
	s8 =	smov.u32 s0;
	s9 =	sadd.s32 $0x800, s0  }
0x15f: {  	[tilespmem:s23], [sflag:$0x2] =	stream.indirect.gather [hbm4b:s4+s21], $0x80, s2, s21, $0xb8;
	[tilespmem:$0x1E800] =	vst v63  }
0x160: {  	p0 =	sne.s32 s0, $0xFFFFF800;
	_ =	swait.ge [sflag:s24], $0x4000  }
0x161: {  	[sflag:s24] =	ssyncset.done $0x0  }
0x162: {  	s0 =	sadd.s32 $0x2680, s31;
	[sflag:s24] =	ssyncadd.s32 $0xFFFFC000  }
0x163: {  	[spmem:s1] =	stream.indirect.scatter.add.f32 [tilespmem:s22], [sflag:$0x3], $0x80, s0, s21, $0xb8;
	[tilespmem:$0x1E800] =	vst v63  }
0x164: {  	_ =	swait.ge [sflag:s20], $0x4000  }
0x165: {  	[sflag:s20] =	ssyncset.done $0x0  }
0x166: {  	s0 =	sadd.s32 $0x2800, s31;
	[sflag:s20] =	ssyncadd.s32 $0xFFFFC000  }
0x167: {  	[tilespmem:s22], [sflag:$0x1] =	stream.indirect.gather [hbm4b:s4+s21], $0x80, s0, s21, $0xb8;
	[tilespmem:$0x1E800] =	vst v63  }
0x168: {  	_ =	swait.ge [sflag:s25], $0x4000  }
.Ltmp4:
0x169: {  	[sflag:s25] =	ssyncset.done $0x0;
	(pc) =	sbr.rel @p0 .LBB2_10-.Ltmp4, $4  }
0x16a: {  	s0 =	sadd.s32 $0x2780, s31;
	[sflag:s25] =	ssyncadd.s32 $0xFFFFC000  }
0x16b: {  	[spmem:s1] =	stream.indirect.scatter.add.f32 [tilespmem:s23], [sflag:$0x3], $0x80, s0, s21, $0xb8;
	[tilespmem:$0x1E800] =	vst v63  }
0x16c: {  	_ =	swait.ge [sflag:s20], $0x4000  }
0x16d: {  	s31 =	sshra.s32 s8, $0x2;
	s0 =	smov.u32 s9;
	[sflag:s20] =	ssyncset.done $0x0  }
0x16e: {  	s0 =	sadd.s32 $0x2700, s31;
	[sflag:s20] =	ssyncadd.s32 $0xFFFFC000  }
0x16f: {  	[tilespmem:s23], [sflag:$0x2] =	stream.indirect.gather [hbm4b:s4+s21], $0x80, s0, s21, $0xb8;
	[tilespmem:$0x1E800] =	vst v63  }
0x170: {  	_ =	swait.ge [sflag:s24], $0x4000  }
0x171: {  	[sflag:s24] =	ssyncset.done $0x0  }
0x172: {  	s9 =	sadd.s32 $0x2680, s31;
	[sflag:s24] =	ssyncadd.s32 $0xFFFFC000  }
0x173: {  	[spmem:s1] =	stream.indirect.scatter.add.f32 [tilespmem:s22], [sflag:$0x3], $0x80, s9, s21, $0xb8;
	[tilespmem:$0x1E800] =	vst v63  }
0x174: {  	_ =	swait.ge [sflag:s20], $0x4000  }
0x175: {  	[sflag:s20] =	ssyncset.done $0x0  }
0x176: {  	s2 =	sadd.s32 $0x2800, s31;
	[sflag:s20] =	ssyncadd.s32 $0xFFFFC000  }
0x177: {  	[tilespmem:s22], [sflag:$0x1] =	stream.indirect.gather [hbm4b:s4+s21], $0x80, s2, s21, $0xb8;
	[tilespmem:$0x1E800] =	vst v63  }
0x178: {  	_ =	swait.ge [sflag:s25], $0x4000  }
0x179: {  	[sflag:s25] =	ssyncset.done $0x0  }
0x17a: {  	s8 =	sadd.s32 $0x2780, s31;
	[sflag:s25] =	ssyncadd.s32 $0xFFFFC000  }
0x17b: {  	[spmem:s1] =	stream.indirect.scatter.add.f32 [tilespmem:s23], [sflag:$0x3], $0x80, s8, s21, $0xb8;
	[tilespmem:$0x1E800] =	vst v63  }
0x17c: {  	_ =	swait.ge [sflag:s20], $0x4000  }
0x17d: {  	[sflag:s20] =	ssyncset.done $0x0  }
0x17e: {  	[sflag:s20] =	ssyncadd.s32 $0xFFFFC000  }
0x17f: {  	[tilespmem:s23], [sflag:$0x2] =	stream.indirect.gather [hbm4b:s4+s21], $0x80, s26, s21, $0xb8;
	[tilespmem:$0x1E800] =	vst v63  }
0x180: {  	_ =	swait.ge [sflag:s24], $0x4000  }
0x181: {  	[sflag:s24] =	ssyncset.done $0x0  }
0x182: {  	[sflag:s24] =	ssyncadd.s32 $0xFFFFC000  }
0x183: {  	[spmem:s1] =	stream.indirect.scatter.add.f32 [tilespmem:s22], [sflag:$0x3], $0x80, s28, s21, $0xb8;
	[tilespmem:$0x1E800] =	vst v63  }
0x184: {  	_ =	swait.ge [sflag:s20], $0x4000  }
0x185: {  	[sflag:s20] =	ssyncset.done $0x0  }
0x186: {  	[sflag:s20] =	ssyncadd.s32 $0xFFFFC000  }
0x187: {  	_ =	swait.ge [sflag:s25], $0x4000  }
0x188: {  	[sflag:s25] =	ssyncset.done $0x0  }
0x189: {  	[sflag:s25] =	ssyncadd.s32 $0xFFFFC000  }
0x18a: {  	[spmem:s1] =	stream.indirect.scatter.add.f32 [tilespmem:s23], [sflag:$0x3], $0x80, s29, s21, $0xb8;
	[tilespmem:$0x1E800] =	vst v63  }
0x18b: {  	_ =	swait.ge [sflag:s20], $0x4000  }
0x18c: {  	[sflag:s20] =	ssyncset.done $0x0  }
0x18d: {  	[sflag:s20] =	ssyncadd.s32 $0xFFFFC000  }
0x18e: {  	[tilespmem:s3], [sflag:$0x3] =	stream.linear.gather [hbm4b:s16+s3], $0x2800, $0x38;
	[tilespmem:$0x1E800] =	vst v63  }
0x18f: {  	_ =	swait.ge [sflag:s20], $0x2800  }
0x190: {  	[sflag:s20] =	ssyncset.done $0x0  }
0x191: {  	[sflag:s20] =	ssyncadd.s32 $0xFFFFD800  }
0x192: {  	[tilespmem:s22], [sflag:$0x1] =	stream.indirect.gather [hbm4b:s4+s21], $0x80, s3, s21, $0xb8;
	[tilespmem:$0x1E800] =	vst v63  }
0x193: {  	s9 =	simm.s32 $0x100  }
0x194: {  	[tilespmem:s23], [sflag:$0x2] =	stream.indirect.gather [hbm4b:s4+s21], $0x80, s9, s21, $0xb8;
	[tilespmem:$0x1E800] =	vst v63  }
0x195: {  	_ =	swait.ge [sflag:s24], $0x4000  }
0x196: {  	[sflag:s24] =	ssyncset.done $0x0  }
0x197: {  	s2 =	simm.s32 $0x80;
	[sflag:s24] =	ssyncadd.s32 $0xFFFFC000  }
0x198: {  	[spmem:s1] =	stream.indirect.scatter.add.f32 [tilespmem:s22], [sflag:$0x3], $0x80, s2, s21, $0xb8;
	[tilespmem:$0x1E800] =	vst v63  }
0x199: {  	_ =	swait.ge [sflag:s20], $0x4000  }
0x19a: {  	[sflag:s20] =	ssyncset.done $0x0  }
0x19b: {  	s8 =	simm.s32 $0x200;
	[sflag:s20] =	ssyncadd.s32 $0xFFFFC000  }
0x19c: {  	[tilespmem:s22], [sflag:$0x1] =	stream.indirect.gather [hbm4b:s4+s21], $0x80, s8, s21, $0xb8;
	[tilespmem:$0x1E800] =	vst v63  }
0x19d: {  	_ =	swait.ge [sflag:s25], $0x4000  }
0x19e: {  	[sflag:s25] =	ssyncset.done $0x0  }
0x19f: {  	s9 =	simm.s32 $0x180;
	[sflag:s25] =	ssyncadd.s32 $0xFFFFC000  }
0x1a0: {  	[spmem:s1] =	stream.indirect.scatter.add.f32 [tilespmem:s23], [sflag:$0x3], $0x80, s9, s21, $0xb8;
	[tilespmem:$0x1E800] =	vst v63  }
0x1a1: {  	_ =	swait.ge [sflag:s20], $0x4000  }
0x1a2: {  	s31 =	simm.s32 $0xFFFFDC00;
	s0 =	simm.s32 $0xFFFF7800;
	[sflag:s20] =	ssyncset.done $0x0  }
.LBB2_12:
0x1a3: {  	s2 =	sadd.s32 $0x2700, s31  }
0x1a4: {  	[sflag:s20] =	ssyncadd.s32 $0xFFFFC000;
	s8 =	smov.u32 s0;
	s9 =	sadd.s32 $0x800, s0  }
0x1a5: {  	[tilespmem:s23], [sflag:$0x2] =	stream.indirect.gather [hbm4b:s4+s21], $0x80, s2, s21, $0xb8;
	[tilespmem:$0x1E800] =	vst v63  }
0x1a6: {  	p0 =	sne.s32 s0, $0xFFFFF800;
	_ =	swait.ge [sflag:s24], $0x4000  }
0x1a7: {  	[sflag:s24] =	ssyncset.done $0x0  }
0x1a8: {  	s0 =	sadd.s32 $0x2680, s31;
	[sflag:s24] =	ssyncadd.s32 $0xFFFFC000  }
0x1a9: {  	[spmem:s1] =	stream.indirect.scatter.add.f32 [tilespmem:s22], [sflag:$0x3], $0x80, s0, s21, $0xb8;
	[tilespmem:$0x1E800] =	vst v63  }
0x1aa: {  	_ =	swait.ge [sflag:s20], $0x4000  }
0x1ab: {  	[sflag:s20] =	ssyncset.done $0x0  }
0x1ac: {  	s0 =	sadd.s32 $0x2800, s31;
	[sflag:s20] =	ssyncadd.s32 $0xFFFFC000  }
0x1ad: {  	[tilespmem:s22], [sflag:$0x1] =	stream.indirect.gather [hbm4b:s4+s21], $0x80, s0, s21, $0xb8;
	[tilespmem:$0x1E800] =	vst v63  }
0x1ae: {  	_ =	swait.ge [sflag:s25], $0x4000  }
.Ltmp5:
0x1af: {  	[sflag:s25] =	ssyncset.done $0x0;
	(pc) =	sbr.rel @p0 .LBB2_12-.Ltmp5, $4  }
0x1b0: {  	s0 =	sadd.s32 $0x2780, s31;
	[sflag:s25] =	ssyncadd.s32 $0xFFFFC000  }
0x1b1: {  	[spmem:s1] =	stream.indirect.scatter.add.f32 [tilespmem:s23], [sflag:$0x3], $0x80, s0, s21, $0xb8;
	[tilespmem:$0x1E800] =	vst v63  }
0x1b2: {  	_ =	swait.ge [sflag:s20], $0x4000  }
0x1b3: {  	s31 =	sshra.s32 s8, $0x2;
	s0 =	smov.u32 s9;
	[sflag:s20] =	ssyncset.done $0x0  }
0x1b4: {  	s0 =	sadd.s32 $0x2700, s31;
	[sflag:s20] =	ssyncadd.s32 $0xFFFFC000  }
0x1b5: {  	[tilespmem:s23], [sflag:$0x2] =	stream.indirect.gather [hbm4b:s4+s21], $0x80, s0, s21, $0xb8;
	[tilespmem:$0x1E800] =	vst v63  }
0x1b6: {  	_ =	swait.ge [sflag:s24], $0x4000  }
0x1b7: {  	[sflag:s24] =	ssyncset.done $0x0  }
0x1b8: {  	s8 =	sadd.s32 $0x2680, s31;
	[sflag:s24] =	ssyncadd.s32 $0xFFFFC000  }
0x1b9: {  	[spmem:s1] =	stream.indirect.scatter.add.f32 [tilespmem:s22], [sflag:$0x3], $0x80, s8, s21, $0xb8;
	[tilespmem:$0x1E800] =	vst v63  }
0x1ba: {  	_ =	swait.ge [sflag:s20], $0x4000  }
0x1bb: {  	[sflag:s20] =	ssyncset.done $0x0  }
0x1bc: {  	s9 =	sadd.s32 $0x2800, s31;
	[sflag:s20] =	ssyncadd.s32 $0xFFFFC000  }
0x1bd: {  	[tilespmem:s22], [sflag:$0x1] =	stream.indirect.gather [hbm4b:s4+s21], $0x80, s9, s21, $0xb8;
	[tilespmem:$0x1E800] =	vst v63  }
0x1be: {  	_ =	swait.ge [sflag:s25], $0x4000  }
0x1bf: {  	[sflag:s25] =	ssyncset.done $0x0  }
0x1c0: {  	s31 =	sadd.s32 $0x2780, s31;
	[sflag:s25] =	ssyncadd.s32 $0xFFFFC000  }
0x1c1: {  	[spmem:s1] =	stream.indirect.scatter.add.f32 [tilespmem:s23], [sflag:$0x3], $0x80, s31, s21, $0xb8;
	[tilespmem:$0x1E800] =	vst v63  }
0x1c2: {  	_ =	swait.ge [sflag:s20], $0x4000  }
0x1c3: {  	[sflag:s20] =	ssyncset.done $0x0  }
0x1c4: {  	[sflag:s20] =	ssyncadd.s32 $0xFFFFC000  }
0x1c5: {  	[tilespmem:s23], [sflag:$0x2] =	stream.indirect.gather [hbm4b:s4+s21], $0x80, s26, s21, $0xb8;
	[tilespmem:$0x1E800] =	vst v63  }
0x1c6: {  	_ =	swait.ge [sflag:s24], $0x4000  }
0x1c7: {  	[sflag:s24] =	ssyncset.done $0x0  }
0x1c8: {  	[sflag:s24] =	ssyncadd.s32 $0xFFFFC000  }
0x1c9: {  	[spmem:s1] =	stream.indirect.scatter.add.f32 [tilespmem:s22], [sflag:$0x3], $0x80, s28, s21, $0xb8;
	[tilespmem:$0x1E800] =	vst v63  }
0x1ca: {  	_ =	swait.ge [sflag:s20], $0x4000  }
0x1cb: {  	[sflag:s20] =	ssyncset.done $0x0  }
0x1cc: {  	[sflag:s20] =	ssyncadd.s32 $0xFFFFC000  }
0x1cd: {  	_ =	swait.ge [sflag:s25], $0x4000  }
0x1ce: {  	[sflag:s25] =	ssyncset.done $0x0  }
0x1cf: {  	[sflag:s25] =	ssyncadd.s32 $0xFFFFC000  }
0x1d0: {  	[spmem:s1] =	stream.indirect.scatter.add.f32 [tilespmem:s23], [sflag:$0x3], $0x80, s29, s21, $0xb8;
	[tilespmem:$0x1E800] =	vst v63  }
0x1d1: {  	_ =	swait.ge [sflag:s20], $0x4000  }
0x1d2: {  	[sflag:s20] =	ssyncset.done $0x0  }
0x1d3: {  	s30 =	sadd.s32 $0x1, s30;
	[sflag:s20] =	ssyncadd.s32 $0xFFFFC000  }
0x1d4: {  	p0 =	sne.s32 s30, s18;
	[bflag:$0x0] =	sbarrier.arrive $0xFFFF  }
0x1d5: {  	[hbm:s17], [sflag:s7] =	dma.local [spmem:s19], $0x2800  }
.Ltmp6:
0x1d6: {  	_ =	swait.ge [sflag:s20], $0x2800;
	(pc) =	sbr.rel @p0 .LBB2_1-.Ltmp6, $3  }
0x1d7: {  	[sflag:s20] =	ssyncset.done $0x0  }
0x1d8: {  	[sflag:s20] =	ssyncadd.s32 $0xFFFFD800  }
0x1d9: {  	[bflag:$0x0] =	sbarrier.arrive $0xFFFF;
	_ =	sdelay $0x1  }
0x1da: {  	_ =	sfence.sel $0x180000  }
0x1db: {  	[bflag:$0x0] =	sbarrier.arrive $0xFFFF  }
0x1dc: {  	_ =	strace $0x9000004D  }
0x1dd: {  	s0 =	stileid.u32;
	[bflag:$0x2] =	sbarrier.arrive $0xFFFF  }
0x1de: {  	p0 =	sne.s32 s0, $0x0;
	s0 =	rddreg [dreg:$0x2]  }
0x1df: {  	s0 =	sadd.s32 @!p0 $0x100000, s0  }
0x1e0: {  	[sflag:s0] =	ssyncadd.tile.s32 @!p0 $0x1;
	_ =	shalt  }
.Lfunc_end2:
_tile_overlayer_lowered:
.L_overlay_start_2:
0x1e1: {  	(tag) =	ssettag $0x2  }
0x1e2: {  	s0 =	rddreg [dreg:$0x0];
	s2 =	stileid.u32  }
0x1e3: {  	s1 =	rddreg [dreg:$0x1];
	p0 =	sne.s32 s2, $0x0  }
0x1e4: {  	s3 =	rddreg [dreg:$0x2];
	[bflag:$0x3] =	sbarrier.arrive $0xFFFF;
	s2 =	simm.s32 @!p0 $0x1C03  }
0x1e5: {  	[timem:s3], [sflag:s2] =	dma.local @!p0 [hbm:s0], s1  }
0x1e6: {  	s0 =	simm.s32 @!p0 $0x3  }
0x1e7: {  	_ =	swait.ge @!p0 [sflag:s0], s1  }
0x1e8: {  	s1 =	ssub.s32 @!p0 $0x0, s1;
	[sflag:s0] =	ssyncset.done @!p0 $0x0  }
0x1e9: {  	[sflag:s0] =	ssyncadd.s32 @!p0 s1  }
0x1ea: {  	[bflag:$0x3] =	sbarrier.arrive $0xFFFF  }
0x1eb: {  	_ =	shalt  }

// kernel: kernel.8.cloned.1.call-start
scs
__scs_entry_jumppad:
0x0: {  	(pc) =	sbr.rel $0x88, $3  }
0x1: {  	(tag) =	ssettag $0x0;
	lr =	simm.s32 $0x1  }
0x2: {  	[smem:$0x3F95] =	sst lr;
	_ =	strace $0xD0000000  }
0x3: {  	_ = 	snop  }
0x4: {  	_ = 	snop  }
0x5: {  	_ = 	snop  }
0x6: {  	_ = 	snop  }
0x7: {  	_ = 	snop  }
__scs_overlays_trampoline_lowered:
0x8: {  	[smem:$0x3FA4] =	sst s0  }
0x9: {  	[smem:$0x3FA5] =	sst s1  }
0xa: {  	[smem:$0x3FA6] =	sst s2  }
0xb: {  	[smem:$0x3FA7] =	sst s3  }
0xc: {  	[smem:$0x3FA8] =	sst s4  }
0xd: {  	[smem:$0x3FA9] =	sst s5  }
0xe: {  	[smem:$0x3FAA] =	sst s6  }
0xf: {  	[smem:$0x3FAB] =	sst s7  }
0x10: {  	[smem:$0x3FAC] =	sst s8  }
0x11: {  	[smem:$0x3FAD] =	sst s9;
	s0 =	simm.s32 @!p0 $0x0  }
0x12: {  	s1 =	sld [smem:$0x3F93];
	s0 =	simm.s32 @p0 $0x1  }
0x13: {  	[smem:$0x3FAE] =	sst s0;
	s0 =	simm.s32 @!p1 $0x0  }
0x14: {  	s2 =	sld [smem:$0x3F92];
	s0 =	simm.s32 @p1 $0x1  }
0x15: {  	[smem:$0x3FAF] =	sst s0;
	s0 =	simm.s32 @!p2 $0x0  }
0x16: {  	s3 =	sld [smem:$0x3FDB];
	s0 =	simm.s32 @p2 $0x1  }
0x17: {  	s4 =	simm.s32 $0x1BF5;
	[smem:$0x3FB1] =	sst s0  }
0x18: {  	s0 =	sld [smem:$0x3F94];
	_ =	swait.ge [sflag:s4], $0x0  }
0x19: {  	s7 =	sld [smem:$0x3F95]  }
0x1a: {  	s8 =	sadd.s32 $0xFFFFE003, lr  }
0x1b: {  	s9 =	sadd.s32 $0xFFFFFEF7, lr;
	s5 =	simm.s32 $0xFFFFFFFF;
	p2 =	slt.u32 s8, $0xFFFFF086  }
0x1c: {  	p1 =	slt.u32 s9, $0xF7A;
	s5 =	simm.s32 @!p2 $0x0  }
0x1d: {  	s5 =	simm.s32 @p1 $0x1;
	p0 =	seq.s32 s7, s2  }
0x1e: {  	s7 =	smul.u32 @!p0 $0xF7A, s2;
	p2 =	seq.s32 @!p0 s5, $0x0  }
0x1f: {  	s9 =	smul.u32 $0xF7A, s1;
	s8 =	simm.s32 @!p0 $0x1BF5;
	p2 =	por !p2, p0  }
0x20: {  	[sflag:s8] =	ssyncset.s32 @!p0 $0xFFFFF086;
	s6 =	sadd.s32 @!p0 s3, s7;
	s7 =	simm.s32 @!p0 $0x108  }
0x21: {  	s3 =	sadd.s32 s3, s9;
	s6 =	sadd.s32 @!p0 $0x88, s6;
	s7 =	simm.s32 @p2 $0x1082  }
0x22: {  	[simem:s7], [sflag:s8] =	dma.local @!p0 [hbm:s6], $0xF7A  }
0x23: {  	s9 =	sor.u32 $0xD0000000, s2;
	s6 =	simm.s32 $0x108;
	_ =	swait.ge @!p0 [sflag:s8], $0x0  }
0x24: {  	s3 =	sadd.s32 $0x88, s3;
	s6 =	simm.s32 @!p1 $0x1082;
	[sflag:s4] =	ssyncset.s32 $0xFFFFF086  }
0x25: {  	[simem:s6], [sflag:s4] =	dma.local [hbm:s3], $0xF7A  }
0x26: {  	[smem:$0x3F95] =	sst s1;
	(tag) =	ssettag s2;
	_ =	strace s9  }
0x27: {  	s1 =	sld [smem:$0x3FA5]  }
0x28: {  	s2 =	sld [smem:$0x3FA6]  }
0x29: {  	s4 =	sld [smem:$0x3FA8]  }
0x2a: {  	p0 =	seq.s32 s5, $0x0;
	s5 =	sld [smem:$0x3FA9]  }
0x2b: {  	s6 =	sld [smem:$0x3FAA]  }
0x2c: {  	s7 =	sld [smem:$0x3FAB]  }
0x2d: {  	s3 =	simm.s32 $0x108;
	s8 =	sld [smem:$0x3FAC]  }
0x2e: {  	s3 =	simm.s32 @!p0 $0x1082;
	s9 =	sld [smem:$0x3FAD]  }
0x2f: {  	lr =	sadd.s32 s0, s3;
	s0 =	sld [smem:$0x3FA4]  }
0x30: {  	s3 =	sld [smem:$0x3FA7]  }
0x31: {  	[smem:$0x3FB0] =	sst s10  }
0x32: {  	s10 =	sld [smem:$0x3FAE];
	_ =	sdelay $0x3  }
0x33: {  	p0 =	seq.s32 s10, $0x1;
	s10 =	sld [smem:$0x3FB0];
	_ =	sdelay $0x3  }
0x34: {  	[smem:$0x3FB0] =	sst s10  }
0x35: {  	s10 =	sld [smem:$0x3FAF];
	_ =	sdelay $0x3  }
0x36: {  	p1 =	seq.s32 s10, $0x1;
	s10 =	sld [smem:$0x3FB0];
	_ =	sdelay $0x3  }
0x37: {  	[smem:$0x3FB0] =	sst s10  }
0x38: {  	s10 =	sld [smem:$0x3FB1]  }
0x39: {  	_ = 	snop;
	(pc) =	sbr.ind lr, $3  }
0x3a: {  	_ = 	snop  }
0x3b: {  	_ = 	snop  }
0x3c: {  	p2 =	seq.s32 s10, $0x1;
	s10 =	sld [smem:$0x3FB0]  }
0x3d: {  	_ =	shalt  }
0x3e: {  	_ =	shalt  }
0x3f: {  	_ =	shalt  }
0x40: {  	_ =	shalt  }
0x41: {  	_ =	shalt  }
0x42: {  	_ =	shalt  }
0x43: {  	_ =	shalt  }
0x44: {  	_ =	shalt  }
0x45: {  	_ =	shalt  }
0x46: {  	_ =	shalt  }
0x47: {  	_ =	shalt  }
0x48: {  	_ =	shalt  }
0x49: {  	_ =	shalt  }
0x4a: {  	_ =	shalt  }
0x4b: {  	_ =	shalt  }
0x4c: {  	_ =	shalt  }
0x4d: {  	_ =	shalt  }
0x4e: {  	_ =	shalt  }
0x4f: {  	_ =	shalt  }
0x50: {  	_ =	shalt  }
0x51: {  	_ =	shalt  }
0x52: {  	_ =	shalt  }
0x53: {  	_ =	shalt  }
0x54: {  	_ =	shalt  }
0x55: {  	_ =	shalt  }
0x56: {  	_ =	shalt  }
0x57: {  	_ =	shalt  }
0x58: {  	_ =	shalt  }
0x59: {  	_ =	shalt  }
0x5a: {  	_ =	shalt  }
0x5b: {  	_ =	shalt  }
0x5c: {  	_ =	shalt  }
0x5d: {  	_ =	shalt  }
0x5e: {  	_ =	shalt  }
0x5f: {  	_ =	shalt  }
0x60: {  	_ =	shalt  }
0x61: {  	_ =	shalt  }
0x62: {  	_ =	shalt  }
0x63: {  	_ =	shalt  }
0x64: {  	_ =	shalt  }
0x65: {  	_ =	shalt  }
0x66: {  	_ =	shalt  }
0x67: {  	_ =	shalt  }
0x68: {  	_ =	shalt  }
0x69: {  	_ =	shalt  }
0x6a: {  	_ =	shalt  }
0x6b: {  	_ =	shalt  }
0x6c: {  	_ =	shalt  }
0x6d: {  	_ =	shalt  }
0x6e: {  	_ =	shalt  }
0x6f: {  	_ =	shalt  }
0x70: {  	_ =	shalt  }
0x71: {  	_ =	shalt  }
0x72: {  	_ =	shalt  }
0x73: {  	_ =	shalt  }
0x74: {  	_ =	shalt  }
0x75: {  	_ =	shalt  }
0x76: {  	_ =	shalt  }
0x77: {  	_ =	shalt  }
0x78: {  	_ =	shalt  }
0x79: {  	_ =	shalt  }
0x7a: {  	_ =	shalt  }
0x7b: {  	_ =	shalt  }
0x7c: {  	_ =	shalt  }
0x7d: {  	_ =	shalt  }
0x7e: {  	_ =	shalt  }
0x7f: {  	_ =	shalt  }
0x80: {  	_ =	shalt  }
0x81: {  	_ =	shalt  }
0x82: {  	_ =	shalt  }
0x83: {  	_ =	shalt  }
0x84: {  	_ =	shalt  }
0x85: {  	_ =	shalt  }
0x86: {  	_ =	shalt  }
0x87: {  	_ =	shalt  }
.Lfunc_end0:
.L_simem_size_0:
called_computation_lowered:
.L_overlay_start_0:
0x88: {  	s2 =	sld [smem:$0x3FD9]  }
0x89: {  	s3 =	sld [smem:$0x3FFE];
	_ =	sdelay $0x1  }
0x8a: {  	s1 =	srdreg.scid  }
0x8b: {  	s0 =	sand.u32 $0x1, s1  }
0x8c: {  	s16 =	sshll.u32 s0, $0xA;
	s2 =	sadd.s32 s3, s2  }
0x8d: {  	s2 =	sadd.s32 s2, s16  }
0x8e: {  	[smem:$0x3FBC] =	sst s2  }
0x8f: {  	_ = 	snop  }
0x90: {  	(tm) =	ssettm $0x1  }
0x91: {  	s17 =	sld [smem:$0x3FFB];
	_ =	sdelay $0x3  }
0x92: {  	_ =	strace s17  }
0x93: {  	s2 =	sld [smem:$0x3FFC];
	_ =	sdelay $0x3  }
0x94: {  	_ =	strace s2  }
0x95: {  	s2 =	sld [smem:$0x3FFD];
	_ =	sdelay $0x3  }
0x96: {  	_ =	strace s2  }
0x97: {  	_ =	strace $0x8FFFFFFF  }
0x98: {  	s18 =	sld [smem:$0x3FDB];
	_ =	sdelay $0x1  }
0x99: {  	s19 =	simm.s32 $_scs_section_size  }
0x9a: {  	s4 =	simm.s32 $_size__tile_overlayer_lowered;
	s5 =	simm.s32 $_tile_overlayer_lowered  }
0x9b: {  	s22 =	simm.s32 $0x1BFF;
	s21 =	sshll.u32 s5, $0x1;
	s2 =	sadd.s32 s19, s18  }
0x9c: {  	s6 =	simm.s32 $0x0;
	s20 =	sshll.u32 s4, $0x1;
	s4 =	sadd.s32 s21, s2  }
0x9d: {  	[timem:s6], [sflag:s22] =	dma.local [hbm:s4], s20  }
0x9e: {  	_ =	swait.ge [sflag:s22], s20  }
0x9f: {  	s3 =	ssub.s32 $0x0, s20;
	[sflag:s22] =	ssyncset.done $0x0  }
0xa0: {  	[sflag:s22] =	ssyncadd.s32 s3;
	_ =	sdelay $0x1  }
0xa1: {  	s23 =	simm.s32 $0x1B8B  }
0xa2: {  	_ =	swait.ge [sflag:s23], $0x1  }
0xa3: {  	[sflag:s23] =	ssyncset.done $0x0  }
0xa4: {  	s25 =	simm.s32 $0x1B8E;
	s24 =	sld [smem:$0x3FFE];
	[sflag:s23] =	ssyncadd.s32 $0xFFFFFFFF  }
0xa5: {  	s26 =	simm.s32 $execute0_lowered;
	[smem:$0x3FD2] =	sst s25  }
0xa6: {  	s4 =	sshll.u32 s26, $0x1;
	_ =	strace $0x80000046;
	[dreg:$0x1] =	wrdreg $0xFFFFFFFF  }
0xa7: {  	s28 =	simm.s32 $_size_execute0_lowered;
	s2 =	sadd.s32 s2, s4;
	[dreg:$0x0] =	wrdreg $0x0  }
0xa8: {  	s4 =	sshll.u32 s28, $0x1;
	[dreg:$0x2] =	wrdreg s2  }
0xa9: {  	[dreg:$0x3] =	wrdreg s4  }
0xaa: {  	[dreg:$0x4] =	wrdreg $0xC0  }
0xab: {  	_ =	task [dreg:s6], $0x5FFFF  }
0xac: {  	[dreg:$0x1] =	wrdreg $0xFFFFFFFF  }
0xad: {  	[dreg:$0x0] =	wrdreg $0x60  }
0xae: {  	[dreg:$0x2] =	wrdreg s24  }
0xaf: {  	[dreg:$0x3] =	wrdreg $0x80800  }
0xb0: {  	[dreg:$0x4] =	wrdreg $0x9  }
0xb1: {  	_ =	task.clear_ibuf [dreg:s6], $0x5FFFF;
	_ =	strace $0x90000046  }
0xb2: {  	s29 =	simm.s32 $0x9;
	_ =	strace $0x80000048  }
0xb3: {  	_ =	swait.ge [sflag:s29], $0x1  }
0xb4: {  	[sflag:s29] =	ssyncadd.s32 $0xFFFFFFFF  }
0xb5: {  	_ =	strace $0x90000048  }
0xb6: {  	_ =	sfence  }
0xb7: {  	s30 =	sld [smem:$0x0];
	_ =	sdelay $0x2  }
0xb8: {  	s31 =	sshll.u32 s1, $0xD;
	s1 =	sshrl.u32 s1, $0x2  }
0xb9: {  	s3 =	sand.u32 $0x4000, s31;
	s1 =	sadd.s32 s1, s30  }
0xba: {  	s0 =	sor.u32 s3, s0;
	s1 =	sshll.u32 s1, $0x11  }
0xbb: {  	s0 =	sor.u32 s1, s0  }
0xbc: {  	s0 =	sadd.s32 $0x8F2B, s0  }
0xbd: {  	[sflag:s0] =	ssyncadd.remote.s32 $0x1  }
0xbe: {  	_ =	sfence.sel $0xFFFF  }
0xbf: {  	[dreg:$0x0] =	wrdreg $0xFFFFFFFF;
	(pc) =	sbr.abs _section_cstart, $3  }
0xc0: {  	[dreg:$0x1] =	wrdreg $0xFFFFFFFF  }
0xc1: {  	_ =	task.clear_ibuf [dreg:s6], $0x2FFFF;
	_ =	strace $0x9FFFFFFF  }
0xc2: {  	(tm) =	ssettm $0x7FFFFFFF  }
0xc3: {  	_ =	shalt  }
tec
execute0_lowered:
.L_overlay_start_1:
0x0: {  	(tag) =	ssettag $0x1  }
0x1: {  	s4 =	rddreg [dreg:$0x0]  }
0x2: {  	s0 =	srdreg.scid;
	s2 =	rddreg [dreg:$0x1]  }
0x3: {  	s1 =	stileid.u32;
	s3 =	simm.s32 $0x0;
	s16 =	simm.s32 $0x4080  }
0x4: {  	s17 =	simm.s32 $0x1;
	s18 =	simm.s32 $0x80;
	s19 =	simm.s32 $0x0  }
0x5: {  	s9 =	sand.u32 $0x1, s0;
	s0 =	rddreg [dreg:$0x2];
	s6 =	smul.u32 $0x14000, s1  }
0x6: {  	[smem:$0x7FF] =	sst s3;
	s7 =	sshll.u32 s1, $0x5;
	s5 =	smul.u32 $0x3C0000, s9  }
0x7: {  	s8 =	smul.u32 $0x50000, s1;
	_ =	strace $0x80000047;
	s11 =	sadd.s32 s7, s4  }
0x8: {  	s29 =	ssub.s32 $0x2, s9;
	s14 =	sshll.u32 s9, $0x4;
	s5 =	sadd.s32 s6, s5  }
0x9: {  	s30 =	sshrl.u32 s8, $0x2;
	s31 =	sshrl.u32 s29, $0x1;
	s5 =	sshrl.u32 s5, $0x3  }
0xa: {  	s15 =	sadd.s32 s14, s11;
	s12 =	sadd.s32 s5, s4;
	s4 =	sadd.s32 s30, s2  }
0xb: {  	s13 =	ssub.s32 s29, s31;
	s14 =	sadd.s32 $0x7C00, s15;
	s5 =	sadd.s32 $0x4000, s4  }
0xc: {  	s6 =	sadd.s32 $0x8000, s4;
	s7 =	sadd.s32 $0xC000, s4;
	s8 =	sadd.s32 $0x10000, s4  }
0xd: {  	s9 =	sadd.s32 $0x11C00, s12;
	s10 =	sadd.s32 $0x39C00, s12;
	s11 =	sadd.s32 $0x61C00, s12  }
0xe: {  	v0 =	vimm.f32 $1.000000000e+00;
	v1 =	vimm.f32 $0.0e+00;
	s12 =	smax.u32 s13, $0x1;
	s13 =	sadd.s32 $0x2C00, s15;
	s15 =	sadd.s32 $0xCC00, s15  }
.LBB2_1:
0xf: {  	s20 =	simm.s32 $0x0;
	s21 =	simm.s32 $0x200  }
.LBB2_2:
0x10: {  	p0 =	sne.s32 s21, $0xFE00;
	[tilespmem:s20+$0xF0] =	vst v0  }
0x11: {  	[tilespmem:s20+$0x80] =	vst v0  }
0x12: {  	[tilespmem:s20+$0x90] =	vst v0  }
.Ltmp0:
0x13: {  	[tilespmem:s20+$0xA0] =	vst v0;
	(pc) =	sbr.rel @p0 .LBB2_2-.Ltmp0, $4  }
0x14: {  	[tilespmem:s20+$0xB0] =	vst v0  }
0x15: {  	[tilespmem:s20+$0xC0] =	vst v0  }
0x16: {  	[tilespmem:s20+$0xD0] =	vst v0  }
0x17: {  	[tilespmem:s20+$0xE0] =	vst v0;
	s20 =	sshra.s32 s21, $0x2;
	s21 =	sadd.s32 $0x200, s21  }
0x18: {  	[tilespmem:s20+$0xF0] =	vst v0  }
0x19: {  	[tilespmem:s20+$0x80] =	vst v0  }
0x1a: {  	[tilespmem:s20+$0x90] =	vst v0  }
0x1b: {  	[tilespmem:s20+$0xA0] =	vst v0  }
0x1c: {  	[tilespmem:s20+$0xB0] =	vst v0  }
0x1d: {  	[tilespmem:s20+$0xC0] =	vst v0  }
0x1e: {  	[tilespmem:s20+$0xD0] =	vst v0  }
0x1f: {  	[tilespmem:s20+$0xE0] =	vst v0;
	s20 =	simm.s32 $0x0;
	s21 =	simm.s32 $0x200  }
.LBB2_4:
0x20: {  	p0 =	sne.s32 s21, $0xFE00;
	[tilespmem:s20+$0x40F0] =	vst v1  }
0x21: {  	[tilespmem:s20+$0x4080] =	vst v1  }
0x22: {  	[tilespmem:s20+$0x4090] =	vst v1  }
.Ltmp1:
0x23: {  	[tilespmem:s20+$0x40A0] =	vst v1;
	(pc) =	sbr.rel @p0 .LBB2_4-.Ltmp1, $4  }
0x24: {  	[tilespmem:s20+$0x40B0] =	vst v1  }
0x25: {  	[tilespmem:s20+$0x40C0] =	vst v1  }
0x26: {  	[tilespmem:s20+$0x40D0] =	vst v1  }
0x27: {  	[tilespmem:s20+$0x40E0] =	vst v1;
	s20 =	sshra.s32 s21, $0x2;
	s21 =	sadd.s32 $0x200, s21  }
0x28: {  	[tilespmem:s20+$0x40F0] =	vst v1  }
0x29: {  	[tilespmem:s20+$0x4080] =	vst v1  }
0x2a: {  	[tilespmem:s20+$0x4090] =	vst v1  }
0x2b: {  	[tilespmem:s20+$0x40A0] =	vst v1  }
0x2c: {  	[tilespmem:s20+$0x40B0] =	vst v1  }
0x2d: {  	[tilespmem:s20+$0x40C0] =	vst v1  }
0x2e: {  	[tilespmem:s20+$0x40D0] =	vst v1  }
0x2f: {  	[tilespmem:s20+$0x40E0] =	vst v1  }
0x30: {  	[spmem:s4] =	stream.linear.scatter [tilespmem:s16], [sflag:$0x1], $0x4000, $0x38;
	[tilespmem:$0x1C080] =	vst v63  }
0x31: {  	_ =	swait.ge [sflag:s17], $0x4000  }
0x32: {  	[sflag:s17] =	ssyncset.done $0x0  }
0x33: {  	[sflag:s17] =	ssyncadd.s32 $0xFFFFC000  }
0x34: {  	[spmem:s5] =	stream.linear.scatter [tilespmem:s16], [sflag:$0x1], $0x4000, $0x38;
	[tilespmem:$0x1C080] =	vst v63  }
0x35: {  	_ =	swait.ge [sflag:s17], $0x4000  }
0x36: {  	[sflag:s17] =	ssyncset.done $0x0  }
0x37: {  	[sflag:s17] =	ssyncadd.s32 $0xFFFFC000  }
0x38: {  	[spmem:s6] =	stream.linear.scatter [tilespmem:s16], [sflag:$0x1], $0x4000, $0x38;
	[tilespmem:$0x1C080] =	vst v63  }
0x39: {  	_ =	swait.ge [sflag:s17], $0x4000  }
0x3a: {  	[sflag:s17] =	ssyncset.done $0x0  }
0x3b: {  	[sflag:s17] =	ssyncadd.s32 $0xFFFFC000  }
0x3c: {  	[spmem:s7] =	stream.linear.scatter [tilespmem:s16], [sflag:$0x1], $0x4000, $0x38;
	[tilespmem:$0x1C080] =	vst v63  }
0x3d: {  	_ =	swait.ge [sflag:s17], $0x4000  }
0x3e: {  	[sflag:s17] =	ssyncset.done $0x0  }
0x3f: {  	[sflag:s17] =	ssyncadd.s32 $0xFFFFC000  }
0x40: {  	[spmem:s8] =	stream.linear.scatter [tilespmem:s16], [sflag:$0x1], $0x4000, $0x38;
	[tilespmem:$0x1C080] =	vst v63  }
0x41: {  	_ =	swait.ge [sflag:s17], $0x4000  }
0x42: {  	[sflag:s17] =	ssyncset.done $0x0  }
0x43: {  	[sflag:s17] =	ssyncadd.s32 $0xFFFFC000  }
0x44: {  	s31 =	sadd.s32 $0x0, s13;
	[bflag:$0x0] =	sbarrier.arrive $0xFFFF  }
0x45: {  	[tilespmem:s3], [sflag:$0x1] =	stream.linear.gather [hbm4b:s31+s3], $0x80, $0x38;
	[tilespmem:$0x1C080] =	vst v63  }
0x46: {  	_ =	swait.ge [sflag:s17], $0x80  }
0x47: {  	[sflag:s17] =	ssyncset.done $0x0  }
0x48: {  	[sflag:s17] =	ssyncadd.s32 $0xFFFFFF80  }
0x49: {  	[spmem:s2] =	stream.indirect.scatter.add.f32 [tilespmem:s18], [sflag:$0x1], $0x80, s3, s18, $0xb8;
	[tilespmem:$0x1C080] =	vst v63  }
0x4a: {  	_ =	swait.ge [sflag:s17], $0x4000  }
0x4b: {  	s20 =	simm.s32 $0x200;
	s21 =	simm.s32 $0x400;
	[sflag:s17] =	ssyncset.done $0x0  }
.LBB2_6:
0x4c: {  	s22 =	sadd.s32 s20, s13  }
0x4d: {  	[sflag:s17] =	ssyncadd.s32 $0xFFFFC000;
	s20 =	smov.u32 s21;
	s23 =	sadd.s32 $0x200, s21  }
0x4e: {  	[tilespmem:s3], [sflag:$0x1] =	stream.linear.gather [hbm4b:s22+s3], $0x80, $0x38;
	[tilespmem:$0x1C080] =	vst v63  }
0x4f: {  	p0 =	sne.s32 s21, $0x4E00;
	_ =	swait.ge [sflag:s17], $0x80  }
.Ltmp2:
0x50: {  	[sflag:s17] =	ssyncset.done $0x0;
	(pc) =	sbr.rel @p0 .LBB2_6-.Ltmp2, $4  }
0x51: {  	[sflag:s17] =	ssyncadd.s32 $0xFFFFFF80  }
0x52: {  	[spmem:s2] =	stream.indirect.scatter.add.f32 [tilespmem:s18], [sflag:$0x1], $0x80, s3, s18, $0xb8;
	[tilespmem:$0x1C080] =	vst v63  }
0x53: {  	_ =	swait.ge [sflag:s17], $0x4000  }
0x54: {  	s21 =	smov.u32 s23;
	[sflag:s17] =	ssyncset.done $0x0  }
0x55: {  	s20 =	sadd.s32 s20, s13;
	[sflag:s17] =	ssyncadd.s32 $0xFFFFC000  }
0x56: {  	[tilespmem:s3], [sflag:$0x1] =	stream.linear.gather [hbm4b:s20+s3], $0x80, $0x38;
	[tilespmem:$0x1C080] =	vst v63  }
0x57: {  	_ =	swait.ge [sflag:s17], $0x80  }
0x58: {  	[sflag:s17] =	ssyncset.done $0x0  }
0x59: {  	[sflag:s17] =	ssyncadd.s32 $0xFFFFFF80  }
0x5a: {  	[spmem:s2] =	stream.indirect.scatter.add.f32 [tilespmem:s18], [sflag:$0x1], $0x80, s3, s18, $0xb8;
	[tilespmem:$0x1C080] =	vst v63  }
0x5b: {  	_ =	swait.ge [sflag:s17], $0x4000  }
0x5c: {  	[sflag:s17] =	ssyncset.done $0x0  }
0x5d: {  	s31 =	sshll.u32 s1, $0x6;
	[sflag:s17] =	ssyncadd.s32 $0xFFFFC000  }
0x5e: {  	s21 =	sshrl.u32 s4, $0x3;
	s20 =	sor.u32 $0x1C01, s31;
	[bflag:$0x0] =	sbarrier.arrive $0xFFFF  }
0x5f: {  	[hbm:s9], [sflag:s20] =	dma.local [spmem:s21], $0x2800  }
0x60: {  	_ =	swait.ge [sflag:s17], $0x2800  }
0x61: {  	[sflag:s17] =	ssyncset.done $0x0  }
0x62: {  	[sflag:s17] =	ssyncadd.s32 $0xFFFFD800  }
0x63: {  	[bflag:$0x0] =	sbarrier.arrive $0xFFFF  }
0x64: {  	[spmem:s4] =	stream.linear.scatter [tilespmem:s16], [sflag:$0x1], $0x4000, $0x38;
	[tilespmem:$0x1C080] =	vst v63  }
0x65: {  	_ =	swait.ge [sflag:s17], $0x4000  }
0x66: {  	[sflag:s17] =	ssyncset.done $0x0  }
0x67: {  	[sflag:s17] =	ssyncadd.s32 $0xFFFFC000  }
0x68: {  	[spmem:s5] =	stream.linear.scatter [tilespmem:s16], [sflag:$0x1], $0x4000, $0x38;
	[tilespmem:$0x1C080] =	vst v63  }
0x69: {  	_ =	swait.ge [sflag:s17], $0x4000  }
0x6a: {  	[sflag:s17] =	ssyncset.done $0x0  }
0x6b: {  	[sflag:s17] =	ssyncadd.s32 $0xFFFFC000  }
0x6c: {  	[spmem:s6] =	stream.linear.scatter [tilespmem:s16], [sflag:$0x1], $0x4000, $0x38;
	[tilespmem:$0x1C080] =	vst v63  }
0x6d: {  	_ =	swait.ge [sflag:s17], $0x4000  }
0x6e: {  	[sflag:s17] =	ssyncset.done $0x0  }
0x6f: {  	[sflag:s17] =	ssyncadd.s32 $0xFFFFC000  }
0x70: {  	[spmem:s7] =	stream.linear.scatter [tilespmem:s16], [sflag:$0x1], $0x4000, $0x38;
	[tilespmem:$0x1C080] =	vst v63  }
0x71: {  	_ =	swait.ge [sflag:s17], $0x4000  }
0x72: {  	[sflag:s17] =	ssyncset.done $0x0  }
0x73: {  	[sflag:s17] =	ssyncadd.s32 $0xFFFFC000  }
0x74: {  	[spmem:s8] =	stream.linear.scatter [tilespmem:s16], [sflag:$0x1], $0x4000, $0x38;
	[tilespmem:$0x1C080] =	vst v63  }
0x75: {  	_ =	swait.ge [sflag:s17], $0x4000  }
0x76: {  	[sflag:s17] =	ssyncset.done $0x0  }
0x77: {  	[sflag:s17] =	ssyncadd.s32 $0xFFFFC000  }
0x78: {  	s22 =	sadd.s32 $0x0, s14;
	[bflag:$0x0] =	sbarrier.arrive $0xFFFF  }
0x79: {  	[tilespmem:s3], [sflag:$0x1] =	stream.linear.gather [hbm4b:s22+s3], $0x80, $0x38;
	[tilespmem:$0x1C080] =	vst v63  }
0x7a: {  	_ =	swait.ge [sflag:s17], $0x80  }
0x7b: {  	[sflag:s17] =	ssyncset.done $0x0  }
0x7c: {  	[sflag:s17] =	ssyncadd.s32 $0xFFFFFF80  }
0x7d: {  	[spmem:s2] =	stream.indirect.scatter.add.f32 [tilespmem:s18], [sflag:$0x1], $0x80, s3, s18, $0xb8;
	[tilespmem:$0x1C080] =	vst v63  }
0x7e: {  	_ =	swait.ge [sflag:s17], $0x4000  }
0x7f: {  	s23 =	simm.s32 $0x400;
	s22 =	simm.s32 $0x200;
	[sflag:s17] =	ssyncset.done $0x0  }
.LBB2_8:
0x80: {  	s24 =	sadd.s32 s22, s14  }
0x81: {  	[sflag:s17] =	ssyncadd.s32 $0xFFFFC000;
	s22 =	smov.u32 s23;
	s25 =	sadd.s32 $0x200, s23  }
0x82: {  	[tilespmem:s3], [sflag:$0x1] =	stream.linear.gather [hbm4b:s24+s3], $0x80, $0x38;
	[tilespmem:$0x1C080] =	vst v63  }
0x83: {  	p0 =	sne.s32 s23, $0x4E00;
	_ =	swait.ge [sflag:s17], $0x80  }
.Ltmp3:
0x84: {  	[sflag:s17] =	ssyncset.done $0x0;
	(pc) =	sbr.rel @p0 .LBB2_8-.Ltmp3, $4  }
0x85: {  	[sflag:s17] =	ssyncadd.s32 $0xFFFFFF80  }
0x86: {  	[spmem:s2] =	stream.indirect.scatter.add.f32 [tilespmem:s18], [sflag:$0x1], $0x80, s3, s18, $0xb8;
	[tilespmem:$0x1C080] =	vst v63  }
0x87: {  	_ =	swait.ge [sflag:s17], $0x4000  }
0x88: {  	s23 =	smov.u32 s25;
	[sflag:s17] =	ssyncset.done $0x0  }
0x89: {  	s22 =	sadd.s32 s22, s14;
	[sflag:s17] =	ssyncadd.s32 $0xFFFFC000  }
0x8a: {  	[tilespmem:s3], [sflag:$0x1] =	stream.linear.gather [hbm4b:s22+s3], $0x80, $0x38;
	[tilespmem:$0x1C080] =	vst v63  }
0x8b: {  	_ =	swait.ge [sflag:s17], $0x80  }
0x8c: {  	[sflag:s17] =	ssyncset.done $0x0  }
0x8d: {  	[sflag:s17] =	ssyncadd.s32 $0xFFFFFF80  }
0x8e: {  	[spmem:s2] =	stream.indirect.scatter.add.f32 [tilespmem:s18], [sflag:$0x1], $0x80, s3, s18, $0xb8;
	[tilespmem:$0x1C080] =	vst v63  }
0x8f: {  	_ =	swait.ge [sflag:s17], $0x4000  }
0x90: {  	[sflag:s17] =	ssyncset.done $0x0  }
0x91: {  	[sflag:s17] =	ssyncadd.s32 $0xFFFFC000  }
0x92: {  	[bflag:$0x0] =	sbarrier.arrive $0xFFFF  }
0x93: {  	[hbm:s10], [sflag:s20] =	dma.local [spmem:s21], $0x2800  }
0x94: {  	_ =	swait.ge [sflag:s17], $0x2800  }
0x95: {  	[sflag:s17] =	ssyncset.done $0x0  }
0x96: {  	[sflag:s17] =	ssyncadd.s32 $0xFFFFD800  }
0x97: {  	[bflag:$0x0] =	sbarrier.arrive $0xFFFF  }
0x98: {  	[spmem:s4] =	stream.linear.scatter [tilespmem:s16], [sflag:$0x1], $0x4000, $0x38;
	[tilespmem:$0x1C080] =	vst v63  }
0x99: {  	_ =	swait.ge [sflag:s17], $0x4000  }
0x9a: {  	[sflag:s17] =	ssyncset.done $0x0  }
0x9b: {  	[sflag:s17] =	ssyncadd.s32 $0xFFFFC000  }
0x9c: {  	[spmem:s5] =	stream.linear.scatter [tilespmem:s16], [sflag:$0x1], $0x4000, $0x38;
	[tilespmem:$0x1C080] =	vst v63  }
0x9d: {  	_ =	swait.ge [sflag:s17], $0x4000  }
0x9e: {  	[sflag:s17] =	ssyncset.done $0x0  }
0x9f: {  	[sflag:s17] =	ssyncadd.s32 $0xFFFFC000  }
0xa0: {  	[spmem:s6] =	stream.linear.scatter [tilespmem:s16], [sflag:$0x1], $0x4000, $0x38;
	[tilespmem:$0x1C080] =	vst v63  }
0xa1: {  	_ =	swait.ge [sflag:s17], $0x4000  }
0xa2: {  	[sflag:s17] =	ssyncset.done $0x0  }
0xa3: {  	[sflag:s17] =	ssyncadd.s32 $0xFFFFC000  }
0xa4: {  	[spmem:s7] =	stream.linear.scatter [tilespmem:s16], [sflag:$0x1], $0x4000, $0x38;
	[tilespmem:$0x1C080] =	vst v63  }
0xa5: {  	_ =	swait.ge [sflag:s17], $0x4000  }
0xa6: {  	[sflag:s17] =	ssyncset.done $0x0  }
0xa7: {  	[sflag:s17] =	ssyncadd.s32 $0xFFFFC000  }
0xa8: {  	[spmem:s8] =	stream.linear.scatter [tilespmem:s16], [sflag:$0x1], $0x4000, $0x38;
	[tilespmem:$0x1C080] =	vst v63  }
0xa9: {  	_ =	swait.ge [sflag:s17], $0x4000  }
0xaa: {  	[sflag:s17] =	ssyncset.done $0x0  }
0xab: {  	[sflag:s17] =	ssyncadd.s32 $0xFFFFC000  }
0xac: {  	s31 =	sadd.s32 $0x0, s15;
	[bflag:$0x0] =	sbarrier.arrive $0xFFFF  }
0xad: {  	[tilespmem:s3], [sflag:$0x1] =	stream.linear.gather [hbm4b:s31+s3], $0x80, $0x38;
	[tilespmem:$0x1C080] =	vst v63  }
0xae: {  	_ =	swait.ge [sflag:s17], $0x80  }
0xaf: {  	[sflag:s17] =	ssyncset.done $0x0  }
0xb0: {  	[sflag:s17] =	ssyncadd.s32 $0xFFFFFF80  }
0xb1: {  	[spmem:s2] =	stream.indirect.scatter.add.f32 [tilespmem:s18], [sflag:$0x1], $0x80, s3, s18, $0xb8;
	[tilespmem:$0x1C080] =	vst v63  }
0xb2: {  	_ =	swait.ge [sflag:s17], $0x4000  }
0xb3: {  	s23 =	simm.s32 $0x400;
	s22 =	simm.s32 $0x200;
	[sflag:s17] =	ssyncset.done $0x0  }
.LBB2_10:
0xb4: {  	s24 =	sadd.s32 s22, s15  }
0xb5: {  	[sflag:s17] =	ssyncadd.s32 $0xFFFFC000;
	s22 =	smov.u32 s23;
	s25 =	sadd.s32 $0x200, s23  }
0xb6: {  	[tilespmem:s3], [sflag:$0x1] =	stream.linear.gather [hbm4b:s24+s3], $0x80, $0x38;
	[tilespmem:$0x1C080] =	vst v63  }
0xb7: {  	p0 =	sne.s32 s23, $0x4E00;
	_ =	swait.ge [sflag:s17], $0x80  }
.Ltmp4:
0xb8: {  	[sflag:s17] =	ssyncset.done $0x0;
	(pc) =	sbr.rel @p0 .LBB2_10-.Ltmp4, $4  }
0xb9: {  	[sflag:s17] =	ssyncadd.s32 $0xFFFFFF80  }
0xba: {  	[spmem:s2] =	stream.indirect.scatter.add.f32 [tilespmem:s18], [sflag:$0x1], $0x80, s3, s18, $0xb8;
	[tilespmem:$0x1C080] =	vst v63  }
0xbb: {  	_ =	swait.ge [sflag:s17], $0x4000  }
0xbc: {  	s23 =	smov.u32 s25;
	[sflag:s17] =	ssyncset.done $0x0  }
0xbd: {  	s22 =	sadd.s32 s22, s15;
	[sflag:s17] =	ssyncadd.s32 $0xFFFFC000  }
0xbe: {  	[tilespmem:s3], [sflag:$0x1] =	stream.linear.gather [hbm4b:s22+s3], $0x80, $0x38;
	[tilespmem:$0x1C080] =	vst v63  }
0xbf: {  	_ =	swait.ge [sflag:s17], $0x80  }
0xc0: {  	[sflag:s17] =	ssyncset.done $0x0  }
0xc1: {  	[sflag:s17] =	ssyncadd.s32 $0xFFFFFF80  }
0xc2: {  	[spmem:s2] =	stream.indirect.scatter.add.f32 [tilespmem:s18], [sflag:$0x1], $0x80, s3, s18, $0xb8;
	[tilespmem:$0x1C080] =	vst v63  }
0xc3: {  	_ =	swait.ge [sflag:s17], $0x4000  }
0xc4: {  	[sflag:s17] =	ssyncset.done $0x0  }
0xc5: {  	s19 =	sadd.s32 $0x1, s19;
	[sflag:s17] =	ssyncadd.s32 $0xFFFFC000  }
0xc6: {  	p0 =	sne.s32 s19, s12;
	[bflag:$0x0] =	sbarrier.arrive $0xFFFF  }
0xc7: {  	[hbm:s11], [sflag:s20] =	dma.local [spmem:s21], $0x2800  }
.Ltmp5:
0xc8: {  	_ =	swait.ge [sflag:s17], $0x2800;
	(pc) =	sbr.rel @p0 .LBB2_1-.Ltmp5, $3  }
0xc9: {  	[sflag:s17] =	ssyncset.done $0x0  }
0xca: {  	[sflag:s17] =	ssyncadd.s32 $0xFFFFD800  }
0xcb: {  	[bflag:$0x0] =	sbarrier.arrive $0xFFFF;
	_ =	sdelay $0x1  }
0xcc: {  	_ =	sfence.sel $0x180000  }
0xcd: {  	[bflag:$0x0] =	sbarrier.arrive $0xFFFF  }
0xce: {  	p0 =	sne.s32 s1, $0x0;
	_ =	strace $0x90000047  }
0xcf: {  	s0 =	sadd.s32 @!p0 $0x100000, s0;
	[bflag:$0x2] =	sbarrier.arrive $0xFFFF  }
0xd0: {  	[sflag:s0] =	ssyncadd.tile.s32 @!p0 $0x1;
	_ =	shalt  }
.Lfunc_end2:
_tile_overlayer_lowered:
.L_overlay_start_2:
0xd1: {  	(tag) =	ssettag $0x2  }
0xd2: {  	s0 =	rddreg [dreg:$0x0];
	s2 =	stileid.u32  }
0xd3: {  	s1 =	rddreg [dreg:$0x1];
	p0 =	sne.s32 s2, $0x0  }
0xd4: {  	s3 =	rddreg [dreg:$0x2];
	[bflag:$0x3] =	sbarrier.arrive $0xFFFF;
	s2 =	simm.s32 @!p0 $0x1C01  }
0xd5: {  	[timem:s3], [sflag:s2] =	dma.local @!p0 [hbm:s0], s1  }
0xd6: {  	s0 =	simm.s32 @!p0 $0x1  }
0xd7: {  	_ =	swait.ge @!p0 [sflag:s0], s1  }
0xd8: {  	s1 =	ssub.s32 @!p0 $0x0, s1;
	[sflag:s0] =	ssyncset.done @!p0 $0x0  }
0xd9: {  	[sflag:s0] =	ssyncadd.s32 @!p0 s1  }
0xda: {  	[bflag:$0x3] =	sbarrier.arrive $0xFFFF  }
0xdb: {  	_ =	shalt  }

</sc_bundles>
